<compile_context>
chip_gen: v7x
topology: tpu7x:2x2x1
jax: 0.10.2.dev20260603
libtpu: 0.0.44.dev20260713+nightly
codegen_flags: <defaults>
</compile_context>

<pallas_src>
import functools

import jax
import jax.numpy as jnp
from jax import lax
from jax.experimental import pallas as pl
from jax.experimental.pallas import tpu as pltpu
from jax.experimental.pallas import tpu_sc as plsc

VOCAB = 100000
D = 64
BATCH = 1024
STATES = 20
ATOMS = 20
PER_ROW = ATOMS * 3
ROWS = BATCH * (1 + STATES)
NC = 2
NS = 16
NW = NC * NS
ROWS_PER_W = ROWS // NW
R_BLK = 2
IDX_BLK = R_BLK * PER_ROW
N_BLK = ROWS_PER_W // R_BLK
NBUF = 4
LANES = 16
NCH = D // LANES
J_GRP = 15
SCALE = 1.0 / ATOMS


@functools.partial(
    pl.kernel,
    mesh=plsc.VectorSubcoreMesh(core_axis_name="c", subcore_axis_name="s"),
    out_type=(jax.ShapeDtypeStruct((BATCH, D), jnp.float32),
              jax.ShapeDtypeStruct((BATCH * STATES, D), jnp.float32)),
    compiler_params=pltpu.CompilerParams(use_tc_tiling_on_sc=False),
    scratch_types=[
        pltpu.VMEM((ROWS_PER_W * PER_ROW,), jnp.int32),
        [pltpu.VMEM((IDX_BLK, D), jnp.float32) for _ in range(NBUF)],
        [pltpu.VMEM((R_BLK, D), jnp.float32) for _ in range(NBUF)],
        [pltpu.SemaphoreType.DMA for _ in range(NBUF)],
        [pltpu.SemaphoreType.DMA for _ in range(NBUF)],
    ],
)
def _pooled_lookup(idx_hbm, table_hbm, obs_out_hbm, act_out_hbm, idx_all,
                   rows_bufs, out_bufs, semg, semo):
    wid = lax.axis_index("s") * NC + lax.axis_index("c")
    row_base = wid * ROWS_PER_W

    pltpu.sync_copy(
        idx_hbm.at[pl.ds(row_base * PER_ROW, ROWS_PER_W * PER_ROW)], idx_all)

    def gather(i, rows_b, sem_b):
        return pltpu.make_async_copy(
            table_hbm.at[idx_all.at[pl.ds(i * IDX_BLK, IDX_BLK)]],
            rows_b, sem_b)

    def start_out_store(i, out_b, sem_b):
        row0 = row_base + i * R_BLK

        @pl.when(row0 < BATCH)
        def _():
            pltpu.make_async_copy(
                out_b, obs_out_hbm.at[pl.ds(row0, R_BLK)], sem_b).start()

        @pl.when(row0 >= BATCH)
        def _():
            pltpu.make_async_copy(
                out_b, act_out_hbm.at[pl.ds(row0 - BATCH, R_BLK)],
                sem_b).start()

    def wait_out_store(out_b, sem_b):
        pltpu.make_async_copy(
            out_b, obs_out_hbm.at[pl.ds(0, R_BLK)], sem_b).wait()

    for b in range(NBUF):
        gather(b, rows_bufs[b], semg[b]).start()

    zeros = jnp.zeros((LANES,), jnp.float32)

    def body(p, carry):
        for b in range(NBUF):
            rows_b, out_b, semg_b, semo_b = (
                rows_bufs[b], out_bufs[b], semg[b], semo[b])
            i = NBUF * p + b
            gather(i, rows_b, semg_b).wait()

            def jbody(jj, accs):
                accs = list(accs)
                for u in range(J_GRP):
                    for r in range(R_BLK):
                        row = r * PER_ROW + jj * J_GRP + u
                        for c in range(NCH):
                            accs[r * NCH + c] = accs[r * NCH + c] + (
                                rows_b[row, pl.ds(c * LANES, LANES)])
                return tuple(accs)

            accs = lax.fori_loop(0, PER_ROW // J_GRP, jbody,
                                 (zeros,) * (R_BLK * NCH))

            @pl.when(i + NBUF < N_BLK)
            def _():
                gather(i + NBUF, rows_b, semg_b).start()

            @pl.when(i >= NBUF)
            def _():
                wait_out_store(out_b, semo_b)

            for r in range(R_BLK):
                for c in range(NCH):
                    out_b[r, pl.ds(c * LANES, LANES)] = (
                        accs[r * NCH + c] * SCALE)
            start_out_store(i, out_b, semo_b)
        return carry

    lax.fori_loop(0, N_BLK // NBUF, body, 0)
    for b in range(NBUF):
        wait_out_store(out_bufs[b], semo[b])


def kernel(sub_index, derived_sub_indices, action_mask, table):
    obs_idx = sub_index.reshape(BATCH, PER_ROW)
    act_idx = derived_sub_indices.reshape(BATCH * STATES, PER_ROW)
    flat_idx = jnp.concatenate([obs_idx, act_idx], axis=0).reshape(-1)
    obs, act = _pooled_lookup(flat_idx, table)
    return (obs, act.reshape(BATCH, STATES, D), action_mask)

# --- scband reference (transcript-rebuilt; emitter-appended) ---
"""Pipeline reference for scband-embedding-extractor-21938692948444 (READ-ONLY COPY).

The authoritative reference and input builder live on the scoring server;
editing this copy changes nothing except your own understanding.
"""

import jax, jax.numpy as jnp
import numpy as np

VOCAB = 100000
EMBED_DIM = 64
BATCH = 1024
PADDING_STATES = 20
PADDING_ATOMS = 20


def setup_inputs(seed: int = 0) -> dict:
    key = jax.random.key(seed)
    k1, k2, k3, k4 = jax.random.split(key, 4)
    sub_index = jax.random.randint(k1, (BATCH, 1, PADDING_ATOMS, 3), 0, VOCAB, dtype=jnp.int32)
    derived_sub_indices = jax.random.randint(k2, (BATCH, PADDING_STATES, PADDING_ATOMS, 3), 0, VOCAB, dtype=jnp.int32)
    action_mask = jax.random.randint(k3, (BATCH, PADDING_STATES), 0, 2).astype(jnp.bool_)
    table = jax.random.normal(k4, (VOCAB, EMBED_DIM), dtype=jnp.float32) * 0.02
    return {
        "sub_index": sub_index,
        "derived_sub_indices": derived_sub_indices,
        "action_mask": action_mask,
        "table": table,
    }


def _get_embeddings_batch(table, idx):
    # idx: (..., padding_atoms, 3); embed each of the 3 atom components,
    # sum components into an atom embedding, mean-pool over atoms.
    e = jnp.take(table, idx, axis=0)          # (..., A, 3, D)
    atom = jnp.sum(e, axis=-2)                # (..., A, D)
    return jnp.mean(atom, axis=-2)            # (..., D)


def reference(sub_index, derived_sub_indices, action_mask, table):
    obs_sub_indices = sub_index.astype(jnp.int32)
    action_sub_indices = derived_sub_indices.astype(jnp.int32)
    obs_embeddings = _get_embeddings_batch(table, obs_sub_indices)          # (B, 1, D)
    action_embeddings = _get_embeddings_batch(table, action_sub_indices)    # (B, S, D)
    obs_embeddings = jnp.squeeze(obs_embeddings, axis=1)                    # (B, D)
    return (obs_embeddings, action_embeddings, action_mask)

if __name__ == "__main__":
    import jax
    _d = setup_inputs()
    print(jax.jit(kernel)(*tuple(_d.values())))

</pallas_src>

<mosaic_0001>
#map = affine_map<(d0, d1) -> (0)>
#map1 = affine_map<(d0, d1) -> (0, 0)>
module attributes {stable_mosaic.version = 14 : i64} {
  func.func @_pooled_lookup(%arg0: i32, %arg1: i32, %arg2: memref<1290240xi32, #tpu.memory_space<hbm>>, %arg3: memref<100000x64xf32, #tpu.memory_space<hbm>>, %arg4: memref<1024x64xf32, #tpu.memory_space<hbm>>, %arg5: memref<20480x64xf32, #tpu.memory_space<hbm>>, %arg6: memref<40320xi32, #tpu.memory_space<vmem>>, %arg7: memref<120x64xf32, #tpu.memory_space<vmem>>, %arg8: memref<120x64xf32, #tpu.memory_space<vmem>>, %arg9: memref<120x64xf32, #tpu.memory_space<vmem>>, %arg10: memref<120x64xf32, #tpu.memory_space<vmem>>, %arg11: memref<2x64xf32, #tpu.memory_space<vmem>>, %arg12: memref<2x64xf32, #tpu.memory_space<vmem>>, %arg13: memref<2x64xf32, #tpu.memory_space<vmem>>, %arg14: memref<2x64xf32, #tpu.memory_space<vmem>>, %arg15: memref<!tpu.dma_semaphore, #tpu.memory_space<semaphore_mem>>, %arg16: memref<!tpu.dma_semaphore, #tpu.memory_space<semaphore_mem>>, %arg17: memref<!tpu.dma_semaphore, #tpu.memory_space<semaphore_mem>>, %arg18: memref<!tpu.dma_semaphore, #tpu.memory_space<semaphore_mem>>, %arg19: memref<!tpu.dma_semaphore, #tpu.memory_space<semaphore_mem>>, %arg20: memref<!tpu.dma_semaphore, #tpu.memory_space<semaphore_mem>>, %arg21: memref<!tpu.dma_semaphore, #tpu.memory_space<semaphore_mem>>, %arg22: memref<!tpu.dma_semaphore, #tpu.memory_space<semaphore_mem>>) attributes {dimension_semantics = [#tpu.dimension_semantics<core_parallel>, #tpu.dimension_semantics<subcore_parallel>], iteration_bounds = array<i64: 2, 16>, scalar_prefetch = 0 : i64, scratch_operands = 17 : i64, tpu.core_type = #tpu.core_type<sc_vector_subcore>, window_params = [{transform_indices = #map}, {transform_indices = #map1}, {transform_indices = #map1}, {transform_indices = #map1}]} {
    %mul3A = arith.constant 2 : i32
    %mul3A_0 = arith.muli %arg1, %mul3A : i32
    %add3A = arith.addi %mul3A_0, %arg0 : i32
    %mul3A_1 = arith.constant 672 : i32
    %mul3A_2 = arith.muli %add3A, %mul3A_1 : i32
    %mul3A_3 = arith.constant 60 : i32
    %mul3A_4 = arith.muli %mul3A_2, %mul3A_3 : i32
    "tpu.region"() ({
      %run_scoped3A = tpu.sem_alloc : memref<!tpu.dma_semaphore, #tpu.memory_space<semaphore_mem>>
      %dma_start3A_53 = tpu.memref_slice %arg2[%mul3A_4] : memref<1290240xi32, #tpu.memory_space<hbm>> -> memref<40320xi32, #tpu.memory_space<hbm>>
      %dma_start3A_54 = tpu.memref_slice %arg2[%mul3A_4] : memref<1290240xi32, #tpu.memory_space<hbm>> -> memref<40320xi32, #tpu.memory_space<hbm>>
      tpu.enqueue_dma source(%dma_start3A_54 : memref<40320xi32, #tpu.memory_space<hbm>>) target(%arg6 : memref<40320xi32, #tpu.memory_space<vmem>>) target_semaphore(%run_scoped3A : memref<!tpu.dma_semaphore, #tpu.memory_space<semaphore_mem>>)
      %dma_wait3A_55 = tpu.memref_slice %arg2[%mul3A_4] : memref<1290240xi32, #tpu.memory_space<hbm>> -> memref<40320xi32, #tpu.memory_space<hbm>>
      %dma_wait3A_56 = tpu.memref_slice %arg2[%mul3A_4] : memref<1290240xi32, #tpu.memory_space<hbm>> -> memref<40320xi32, #tpu.memory_space<hbm>>
      tpu.wait_dma2 semaphore(%run_scoped3A : memref<!tpu.dma_semaphore, #tpu.memory_space<semaphore_mem>>) src(%dma_wait3A_56 : memref<40320xi32, #tpu.memory_space<hbm>>) dst(%arg6 : memref<40320xi32, #tpu.memory_space<vmem>>)
      tpu.yield
    }) : () -> ()
    %dma_start3A = arith.constant 0 : i32
    %dma_start3A_5 = tpu.memref_slice %arg6[%dma_start3A] : memref<40320xi32, #tpu.memory_space<vmem>> -> memref<120xi32, #tpu.memory_space<vmem>>
    %dma_start3A_6 = arith.constant 0 : i32
    %dma_start3A_7 = arith.constant 0 : i32
    %dma_start3A_8 = tpu.memref_slice %arg3[%dma_start3A_6, %dma_start3A_7] : memref<100000x64xf32, #tpu.memory_space<hbm>> -> memref<100000x64xf32, #tpu.memory_space<hbm>>
    tpu.enqueue_indirect_dma source(%dma_start3A_8 : memref<100000x64xf32, #tpu.memory_space<hbm>>) target(%arg7 : memref<120x64xf32, #tpu.memory_space<vmem>>) offsets(%dma_start3A_5 : memref<120xi32, #tpu.memory_space<vmem>>) semaphore(%arg15 : memref<!tpu.dma_semaphore, #tpu.memory_space<semaphore_mem>>)
    %dma_start3A_9 = arith.constant 120 : i32
    %dma_start3A_10 = tpu.memref_slice %arg6[%dma_start3A_9] : memref<40320xi32, #tpu.memory_space<vmem>> -> memref<120xi32, #tpu.memory_space<vmem>>
    %dma_start3A_11 = arith.constant 0 : i32
    %dma_start3A_12 = arith.constant 0 : i32
    %dma_start3A_13 = tpu.memref_slice %arg3[%dma_start3A_11, %dma_start3A_12] : memref<100000x64xf32, #tpu.memory_space<hbm>> -> memref<100000x64xf32, #tpu.memory_space<hbm>>
    tpu.enqueue_indirect_dma source(%dma_start3A_13 : memref<100000x64xf32, #tpu.memory_space<hbm>>) target(%arg8 : memref<120x64xf32, #tpu.memory_space<vmem>>) offsets(%dma_start3A_10 : memref<120xi32, #tpu.memory_space<vmem>>) semaphore(%arg16 : memref<!tpu.dma_semaphore, #tpu.memory_space<semaphore_mem>>)
    %dma_start3A_14 = arith.constant 240 : i32
    %dma_start3A_15 = tpu.memref_slice %arg6[%dma_start3A_14] : memref<40320xi32, #tpu.memory_space<vmem>> -> memref<120xi32, #tpu.memory_space<vmem>>
    %dma_start3A_16 = arith.constant 0 : i32
    %dma_start3A_17 = arith.constant 0 : i32
    %dma_start3A_18 = tpu.memref_slice %arg3[%dma_start3A_16, %dma_start3A_17] : memref<100000x64xf32, #tpu.memory_space<hbm>> -> memref<100000x64xf32, #tpu.memory_space<hbm>>
    tpu.enqueue_indirect_dma source(%dma_start3A_18 : memref<100000x64xf32, #tpu.memory_space<hbm>>) target(%arg9 : memref<120x64xf32, #tpu.memory_space<vmem>>) offsets(%dma_start3A_15 : memref<120xi32, #tpu.memory_space<vmem>>) semaphore(%arg17 : memref<!tpu.dma_semaphore, #tpu.memory_space<semaphore_mem>>)
    %dma_start3A_19 = arith.constant 360 : i32
    %dma_start3A_20 = tpu.memref_slice %arg6[%dma_start3A_19] : memref<40320xi32, #tpu.memory_space<vmem>> -> memref<120xi32, #tpu.memory_space<vmem>>
    %dma_start3A_21 = arith.constant 0 : i32
    %dma_start3A_22 = arith.constant 0 : i32
    %dma_start3A_23 = tpu.memref_slice %arg3[%dma_start3A_21, %dma_start3A_22] : memref<100000x64xf32, #tpu.memory_space<hbm>> -> memref<100000x64xf32, #tpu.memory_space<hbm>>
    tpu.enqueue_indirect_dma source(%dma_start3A_23 : memref<100000x64xf32, #tpu.memory_space<hbm>>) target(%arg10 : memref<120x64xf32, #tpu.memory_space<vmem>>) offsets(%dma_start3A_20 : memref<120xi32, #tpu.memory_space<vmem>>) semaphore(%arg18 : memref<!tpu.dma_semaphore, #tpu.memory_space<semaphore_mem>>)
    %broadcast_in_dim3A = arith.constant 0.000000e+00 : f32
    %broadcast_in_dim3A_24 = vector.broadcast %broadcast_in_dim3A : f32 to vector<16xf32>
    %scan3A = arith.constant 0 : i32
    %scan3A_25 = arith.constant 0 : i32
    %scan3A_26 = arith.constant 84 : i32
    %scan3A_27 = arith.addi %scan3A_25, %scan3A_26 : i32
    %scan3A_28 = arith.constant 1 : i32
    scf.for %scan3A_53 = %scan3A_25 to %scan3A_27 step %scan3A_28  : i32 {
      %mul3A_54 = arith.constant 4 : i32
      %mul3A_55 = arith.muli %mul3A_54, %scan3A_53 : i32
      %add3A_56 = arith.constant 0 : i32
      %add3A_57 = arith.addi %mul3A_55, %add3A_56 : i32
      %mul3A_58 = arith.constant 120 : i32
      %mul3A_59 = arith.muli %add3A_57, %mul3A_58 : i32
      %dma_wait3A_60 = tpu.memref_slice %arg6[%mul3A_59] : memref<40320xi32, #tpu.memory_space<vmem>> -> memref<120xi32, #tpu.memory_space<vmem>>
      %dma_wait3A_61 = arith.constant 0 : i32
      %dma_wait3A_62 = arith.constant 0 : i32
      %dma_wait3A_63 = tpu.memref_slice %arg3[%dma_wait3A_61, %dma_wait3A_62] : memref<100000x64xf32, #tpu.memory_space<hbm>> -> memref<100000x64xf32, #tpu.memory_space<hbm>>
      tpu.wait_indirect_dma semaphore(%arg15 : memref<!tpu.dma_semaphore, #tpu.memory_space<semaphore_mem>>) src(%dma_wait3A_63 : memref<100000x64xf32, #tpu.memory_space<hbm>>) dst(%arg7 : memref<120x64xf32, #tpu.memory_space<vmem>>)
      %scan3A_64 = arith.constant 0 : i32
      %scan3A_65 = arith.constant 4 : i32
      %scan3A_66 = arith.addi %scan3A_64, %scan3A_65 : i32
      %scan3A_67 = arith.constant 1 : i32
      %scan3A_68:8 = scf.for %scan3A_501 = %scan3A_64 to %scan3A_66 step %scan3A_67 iter_args(%scan3A_502 = %broadcast_in_dim3A_24, %scan3A_503 = %broadcast_in_dim3A_24, %scan3A_504 = %broadcast_in_dim3A_24, %scan3A_505 = %broadcast_in_dim3A_24, %scan3A_506 = %broadcast_in_dim3A_24, %scan3A_507 = %broadcast_in_dim3A_24, %scan3A_508 = %broadcast_in_dim3A_24, %scan3A_509 = %broadcast_in_dim3A_24) -> (vector<16xf32>, vector<16xf32>, vector<16xf32>, vector<16xf32>, vector<16xf32>, vector<16xf32>, vector<16xf32>, vector<16xf32>)  : i32 {
        %mul3A_510 = arith.constant 15 : i32
        %mul3A_511 = arith.muli %scan3A_501, %mul3A_510 : i32
        %add3A_512 = arith.constant 0 : i32
        %add3A_513 = arith.addi %add3A_512, %mul3A_511 : i32
        %add3A_514 = arith.constant 0 : i32
        %add3A_515 = arith.addi %add3A_513, %add3A_514 : i32
        %get3A = arith.index_cast %add3A_515 : i32 to index
        %get3A_516 = arith.constant 0 : index
        %get3A_517 = tpu.vector_load %arg7[%get3A, %get3A_516] {strides = array<i32>} : memref<120x64xf32, #tpu.memory_space<vmem>>, vector<1x16xf32>,
        %get3A_518 = vector.shape_cast %get3A_517 : vector<1x16xf32> to vector<16xf32>
        %add3A_519 = arith.addf %scan3A_502, %get3A_518 : vector<16xf32>
        %get3A_520 = arith.index_cast %add3A_515 : i32 to index
        %get3A_521 = arith.constant 16 : index
        %get3A_522 = tpu.vector_load %arg7[%get3A_520, %get3A_521] {strides = array<i32>} : memref<120x64xf32, #tpu.memory_space<vmem>>, vector<1x16xf32>,
        %get3A_523 = vector.shape_cast %get3A_522 : vector<1x16xf32> to vector<16xf32>
        %add3A_524 = arith.addf %scan3A_503, %get3A_523 : vector<16xf32>
        %get3A_525 = arith.index_cast %add3A_515 : i32 to index
        %get3A_526 = arith.constant 32 : index
        %get3A_527 = tpu.vector_load %arg7[%get3A_525, %get3A_526] {strides = array<i32>} : memref<120x64xf32, #tpu.memory_space<vmem>>, vector<1x16xf32>,
        %get3A_528 = vector.shape_cast %get3A_527 : vector<1x16xf32> to vector<16xf32>
        %add3A_529 = arith.addf %scan3A_504, %get3A_528 : vector<16xf32>
        %get3A_530 = arith.index_cast %add3A_515 : i32 to index
        %get3A_531 = arith.constant 48 : index
        %get3A_532 = tpu.vector_load %arg7[%get3A_530, %get3A_531] {strides = array<i32>} : memref<120x64xf32, #tpu.memory_space<vmem>>, vector<1x16xf32>,
        %get3A_533 = vector.shape_cast %get3A_532 : vector<1x16xf32> to vector<16xf32>
        %add3A_534 = arith.addf %scan3A_505, %get3A_533 : vector<16xf32>
        %mul3A_535 = arith.constant 15 : i32
        %mul3A_536 = arith.muli %scan3A_501, %mul3A_535 : i32
        %add3A_537 = arith.constant 60 : i32
        %add3A_538 = arith.addi %add3A_537, %mul3A_536 : i32
        %add3A_539 = arith.constant 0 : i32
        %add3A_540 = arith.addi %add3A_538, %add3A_539 : i32
        %get3A_541 = arith.index_cast %add3A_540 : i32 to index
        %get3A_542 = arith.constant 0 : index
        %get3A_543 = tpu.vector_load %arg7[%get3A_541, %get3A_542] {strides = array<i32>} : memref<120x64xf32, #tpu.memory_space<vmem>>, vector<1x16xf32>,
        %get3A_544 = vector.shape_cast %get3A_543 : vector<1x16xf32> to vector<16xf32>
        %add3A_545 = arith.addf %scan3A_506, %get3A_544 : vector<16xf32>
        %get3A_546 = arith.index_cast %add3A_540 : i32 to index
        %get3A_547 = arith.constant 16 : index
        %get3A_548 = tpu.vector_load %arg7[%get3A_546, %get3A_547] {strides = array<i32>} : memref<120x64xf32, #tpu.memory_space<vmem>>, vector<1x16xf32>,
        %get3A_549 = vector.shape_cast %get3A_548 : vector<1x16xf32> to vector<16xf32>
        %add3A_550 = arith.addf %scan3A_507, %get3A_549 : vector<16xf32>
        %get3A_551 = arith.index_cast %add3A_540 : i32 to index
        %get3A_552 = arith.constant 32 : index
        %get3A_553 = tpu.vector_load %arg7[%get3A_551, %get3A_552] {strides = array<i32>} : memref<120x64xf32, #tpu.memory_space<vmem>>, vector<1x16xf32>,
        %get3A_554 = vector.shape_cast %get3A_553 : vector<1x16xf32> to vector<16xf32>
        %add3A_555 = arith.addf %scan3A_508, %get3A_554 : vector<16xf32>
        %get3A_556 = arith.index_cast %add3A_540 : i32 to index
        %get3A_557 = arith.constant 48 : index
        %get3A_558 = tpu.vector_load %arg7[%get3A_556, %get3A_557] {strides = array<i32>} : memref<120x64xf32, #tpu.memory_space<vmem>>, vector<1x16xf32>,
        %get3A_559 = vector.shape_cast %get3A_558 : vector<1x16xf32> to vector<16xf32>
        %add3A_560 = arith.addf %scan3A_509, %get3A_559 : vector<16xf32>
        %mul3A_561 = arith.constant 15 : i32
        %mul3A_562 = arith.muli %scan3A_501, %mul3A_561 : i32
        %add3A_563 = arith.constant 0 : i32
        %add3A_564 = arith.addi %add3A_563, %mul3A_562 : i32
        %add3A_565 = arith.constant 1 : i32
        %add3A_566 = arith.addi %add3A_564, %add3A_565 : i32
        %get3A_567 = arith.index_cast %add3A_566 : i32 to index
        %get3A_568 = arith.constant 0 : index
        %get3A_569 = tpu.vector_load %arg7[%get3A_567, %get3A_568] {strides = array<i32>} : memref<120x64xf32, #tpu.memory_space<vmem>>, vector<1x16xf32>,
        %get3A_570 = vector.shape_cast %get3A_569 : vector<1x16xf32> to vector<16xf32>
        %add3A_571 = arith.addf %add3A_519, %get3A_570 : vector<16xf32>
        %get3A_572 = arith.index_cast %add3A_566 : i32 to index
        %get3A_573 = arith.constant 16 : index
        %get3A_574 = tpu.vector_load %arg7[%get3A_572, %get3A_573] {strides = array<i32>} : memref<120x64xf32, #tpu.memory_space<vmem>>, vector<1x16xf32>,
        %get3A_575 = vector.shape_cast %get3A_574 : vector<1x16xf32> to vector<16xf32>
        %add3A_576 = arith.addf %add3A_524, %get3A_575 : vector<16xf32>
        %get3A_577 = arith.index_cast %add3A_566 : i32 to index
        %get3A_578 = arith.constant 32 : index
        %get3A_579 = tpu.vector_load %arg7[%get3A_577, %get3A_578] {strides = array<i32>} : memref<120x64xf32, #tpu.memory_space<vmem>>, vector<1x16xf32>,
        %get3A_580 = vector.shape_cast %get3A_579 : vector<1x16xf32> to vector<16xf32>
        %add3A_581 = arith.addf %add3A_529, %get3A_580 : vector<16xf32>
        %get3A_582 = arith.index_cast %add3A_566 : i32 to index
        %get3A_583 = arith.constant 48 : index
        %get3A_584 = tpu.vector_load %arg7[%get3A_582, %get3A_583] {strides = array<i32>} : memref<120x64xf32, #tpu.memory_space<vmem>>, vector<1x16xf32>,
        %get3A_585 = vector.shape_cast %get3A_584 : vector<1x16xf32> to vector<16xf32>
        %add3A_586 = arith.addf %add3A_534, %get3A_585 : vector<16xf32>
        %mul3A_587 = arith.constant 15 : i32
        %mul3A_588 = arith.muli %scan3A_501, %mul3A_587 : i32
        %add3A_589 = arith.constant 60 : i32
        %add3A_590 = arith.addi %add3A_589, %mul3A_588 : i32
        %add3A_591 = arith.constant 1 : i32
        %add3A_592 = arith.addi %add3A_590, %add3A_591 : i32
        %get3A_593 = arith.index_cast %add3A_592 : i32 to index
        %get3A_594 = arith.constant 0 : index
        %get3A_595 = tpu.vector_load %arg7[%get3A_593, %get3A_594] {strides = array<i32>} : memref<120x64xf32, #tpu.memory_space<vmem>>, vector<1x16xf32>,
        %get3A_596 = vector.shape_cast %get3A_595 : vector<1x16xf32> to vector<16xf32>
        %add3A_597 = arith.addf %add3A_545, %get3A_596 : vector<16xf32>
        %get3A_598 = arith.index_cast %add3A_592 : i32 to index
        %get3A_599 = arith.constant 16 : index
        %get3A_600 = tpu.vector_load %arg7[%get3A_598, %get3A_599] {strides = array<i32>} : memref<120x64xf32, #tpu.memory_space<vmem>>, vector<1x16xf32>,
        %get3A_601 = vector.shape_cast %get3A_600 : vector<1x16xf32> to vector<16xf32>
        %add3A_602 = arith.addf %add3A_550, %get3A_601 : vector<16xf32>
        %get3A_603 = arith.index_cast %add3A_592 : i32 to index
        %get3A_604 = arith.constant 32 : index
        %get3A_605 = tpu.vector_load %arg7[%get3A_603, %get3A_604] {strides = array<i32>} : memref<120x64xf32, #tpu.memory_space<vmem>>, vector<1x16xf32>,
        %get3A_606 = vector.shape_cast %get3A_605 : vector<1x16xf32> to vector<16xf32>
        %add3A_607 = arith.addf %add3A_555, %get3A_606 : vector<16xf32>
        %get3A_608 = arith.index_cast %add3A_592 : i32 to index
        %get3A_609 = arith.constant 48 : index
        %get3A_610 = tpu.vector_load %arg7[%get3A_608, %get3A_609] {strides = array<i32>} : memref<120x64xf32, #tpu.memory_space<vmem>>, vector<1x16xf32>,
        %get3A_611 = vector.shape_cast %get3A_610 : vector<1x16xf32> to vector<16xf32>
        %add3A_612 = arith.addf %add3A_560, %get3A_611 : vector<16xf32>
        %mul3A_613 = arith.constant 15 : i32
        %mul3A_614 = arith.muli %scan3A_501, %mul3A_613 : i32
        %add3A_615 = arith.constant 0 : i32
        %add3A_616 = arith.addi %add3A_615, %mul3A_614 : i32
        %add3A_617 = arith.constant 2 : i32
        %add3A_618 = arith.addi %add3A_616, %add3A_617 : i32
        %get3A_619 = arith.index_cast %add3A_618 : i32 to index
        %get3A_620 = arith.constant 0 : index
        %get3A_621 = tpu.vector_load %arg7[%get3A_619, %get3A_620] {strides = array<i32>} : memref<120x64xf32, #tpu.memory_space<vmem>>, vector<1x16xf32>,
        %get3A_622 = vector.shape_cast %get3A_621 : vector<1x16xf32> to vector<16xf32>
        %add3A_623 = arith.addf %add3A_571, %get3A_622 : vector<16xf32>
        %get3A_624 = arith.index_cast %add3A_618 : i32 to index
        %get3A_625 = arith.constant 16 : index
        %get3A_626 = tpu.vector_load %arg7[%get3A_624, %get3A_625] {strides = array<i32>} : memref<120x64xf32, #tpu.memory_space<vmem>>, vector<1x16xf32>,
        %get3A_627 = vector.shape_cast %get3A_626 : vector<1x16xf32> to vector<16xf32>
        %add3A_628 = arith.addf %add3A_576, %get3A_627 : vector<16xf32>
        %get3A_629 = arith.index_cast %add3A_618 : i32 to index
        %get3A_630 = arith.constant 32 : index
        %get3A_631 = tpu.vector_load %arg7[%get3A_629, %get3A_630] {strides = array<i32>} : memref<120x64xf32, #tpu.memory_space<vmem>>, vector<1x16xf32>,
        %get3A_632 = vector.shape_cast %get3A_631 : vector<1x16xf32> to vector<16xf32>
        %add3A_633 = arith.addf %add3A_581, %get3A_632 : vector<16xf32>
        %get3A_634 = arith.index_cast %add3A_618 : i32 to index
        %get3A_635 = arith.constant 48 : index
        %get3A_636 = tpu.vector_load %arg7[%get3A_634, %get3A_635] {strides = array<i32>} : memref<120x64xf32, #tpu.memory_space<vmem>>, vector<1x16xf32>,
        %get3A_637 = vector.shape_cast %get3A_636 : vector<1x16xf32> to vector<16xf32>
        %add3A_638 = arith.addf %add3A_586, %get3A_637 : vector<16xf32>
        %mul3A_639 = arith.constant 15 : i32
        %mul3A_640 = arith.muli %scan3A_501, %mul3A_639 : i32
        %add3A_641 = arith.constant 60 : i32
        %add3A_642 = arith.addi %add3A_641, %mul3A_640 : i32
        %add3A_643 = arith.constant 2 : i32
        %add3A_644 = arith.addi %add3A_642, %add3A_643 : i32
        %get3A_645 = arith.index_cast %add3A_644 : i32 to index
        %get3A_646 = arith.constant 0 : index
        %get3A_647 = tpu.vector_load %arg7[%get3A_645, %get3A_646] {strides = array<i32>} : memref<120x64xf32, #tpu.memory_space<vmem>>, vector<1x16xf32>,
        %get3A_648 = vector.shape_cast %get3A_647 : vector<1x16xf32> to vector<16xf32>
        %add3A_649 = arith.addf %add3A_597, %get3A_648 : vector<16xf32>
        %get3A_650 = arith.index_cast %add3A_644 : i32 to index
        %get3A_651 = arith.constant 16 : index
        %get3A_652 = tpu.vector_load %arg7[%get3A_650, %get3A_651] {strides = array<i32>} : memref<120x64xf32, #tpu.memory_space<vmem>>, vector<1x16xf32>,
        %get3A_653 = vector.shape_cast %get3A_652 : vector<1x16xf32> to vector<16xf32>
        %add3A_654 = arith.addf %add3A_602, %get3A_653 : vector<16xf32>
        %get3A_655 = arith.index_cast %add3A_644 : i32 to index
        %get3A_656 = arith.constant 32 : index
        %get3A_657 = tpu.vector_load %arg7[%get3A_655, %get3A_656] {strides = array<i32>} : memref<120x64xf32, #tpu.memory_space<vmem>>, vector<1x16xf32>,
        %get3A_658 = vector.shape_cast %get3A_657 : vector<1x16xf32> to vector<16xf32>
        %add3A_659 = arith.addf %add3A_607, %get3A_658 : vector<16xf32>
        %get3A_660 = arith.index_cast %add3A_644 : i32 to index
        %get3A_661 = arith.constant 48 : index
        %get3A_662 = tpu.vector_load %arg7[%get3A_660, %get3A_661] {strides = array<i32>} : memref<120x64xf32, #tpu.memory_space<vmem>>, vector<1x16xf32>,
        %get3A_663 = vector.shape_cast %get3A_662 : vector<1x16xf32> to vector<16xf32>
        %add3A_664 = arith.addf %add3A_612, %get3A_663 : vector<16xf32>
        %mul3A_665 = arith.constant 15 : i32
        %mul3A_666 = arith.muli %scan3A_501, %mul3A_665 : i32
        %add3A_667 = arith.constant 0 : i32
        %add3A_668 = arith.addi %add3A_667, %mul3A_666 : i32
        %add3A_669 = arith.constant 3 : i32
        %add3A_670 = arith.addi %add3A_668, %add3A_669 : i32
        %get3A_671 = arith.index_cast %add3A_670 : i32 to index
        %get3A_672 = arith.constant 0 : index
        %get3A_673 = tpu.vector_load %arg7[%get3A_671, %get3A_672] {strides = array<i32>} : memref<120x64xf32, #tpu.memory_space<vmem>>, vector<1x16xf32>,
        %get3A_674 = vector.shape_cast %get3A_673 : vector<1x16xf32> to vector<16xf32>
        %add3A_675 = arith.addf %add3A_623, %get3A_674 : vector<16xf32>
        %get3A_676 = arith.index_cast %add3A_670 : i32 to index
        %get3A_677 = arith.constant 16 : index
        %get3A_678 = tpu.vector_load %arg7[%get3A_676, %get3A_677] {strides = array<i32>} : memref<120x64xf32, #tpu.memory_space<vmem>>, vector<1x16xf32>,
        %get3A_679 = vector.shape_cast %get3A_678 : vector<1x16xf32> to vector<16xf32>
        %add3A_680 = arith.addf %add3A_628, %get3A_679 : vector<16xf32>
        %get3A_681 = arith.index_cast %add3A_670 : i32 to index
        %get3A_682 = arith.constant 32 : index
        %get3A_683 = tpu.vector_load %arg7[%get3A_681, %get3A_682] {strides = array<i32>} : memref<120x64xf32, #tpu.memory_space<vmem>>, vector<1x16xf32>,
        %get3A_684 = vector.shape_cast %get3A_683 : vector<1x16xf32> to vector<16xf32>
        %add3A_685 = arith.addf %add3A_633, %get3A_684 : vector<16xf32>
        %get3A_686 = arith.index_cast %add3A_670 : i32 to index
        %get3A_687 = arith.constant 48 : index
        %get3A_688 = tpu.vector_load %arg7[%get3A_686, %get3A_687] {strides = array<i32>} : memref<120x64xf32, #tpu.memory_space<vmem>>, vector<1x16xf32>,
        %get3A_689 = vector.shape_cast %get3A_688 : vector<1x16xf32> to vector<16xf32>
        %add3A_690 = arith.addf %add3A_638, %get3A_689 : vector<16xf32>
        %mul3A_691 = arith.constant 15 : i32
        %mul3A_692 = arith.muli %scan3A_501, %mul3A_691 : i32
        %add3A_693 = arith.constant 60 : i32
        %add3A_694 = arith.addi %add3A_693, %mul3A_692 : i32
        %add3A_695 = arith.constant 3 : i32
        %add3A_696 = arith.addi %add3A_694, %add3A_695 : i32
        %get3A_697 = arith.index_cast %add3A_696 : i32 to index
        %get3A_698 = arith.constant 0 : index
        %get3A_699 = tpu.vector_load %arg7[%get3A_697, %get3A_698] {strides = array<i32>} : memref<120x64xf32, #tpu.memory_space<vmem>>, vector<1x16xf32>,
        %get3A_700 = vector.shape_cast %get3A_699 : vector<1x16xf32> to vector<16xf32>
        %add3A_701 = arith.addf %add3A_649, %get3A_700 : vector<16xf32>
        %get3A_702 = arith.index_cast %add3A_696 : i32 to index
        %get3A_703 = arith.constant 16 : index
        %get3A_704 = tpu.vector_load %arg7[%get3A_702, %get3A_703] {strides = array<i32>} : memref<120x64xf32, #tpu.memory_space<vmem>>, vector<1x16xf32>,
        %get3A_705 = vector.shape_cast %get3A_704 : vector<1x16xf32> to vector<16xf32>
        %add3A_706 = arith.addf %add3A_654, %get3A_705 : vector<16xf32>
        %get3A_707 = arith.index_cast %add3A_696 : i32 to index
        %get3A_708 = arith.constant 32 : index
        %get3A_709 = tpu.vector_load %arg7[%get3A_707, %get3A_708] {strides = array<i32>} : memref<120x64xf32, #tpu.memory_space<vmem>>, vector<1x16xf32>,
        %get3A_710 = vector.shape_cast %get3A_709 : vector<1x16xf32> to vector<16xf32>
        %add3A_711 = arith.addf %add3A_659, %get3A_710 : vector<16xf32>
        %get3A_712 = arith.index_cast %add3A_696 : i32 to index
        %get3A_713 = arith.constant 48 : index
        %get3A_714 = tpu.vector_load %arg7[%get3A_712, %get3A_713] {strides = array<i32>} : memref<120x64xf32, #tpu.memory_space<vmem>>, vector<1x16xf32>,
        %get3A_715 = vector.shape_cast %get3A_714 : vector<1x16xf32> to vector<16xf32>
        %add3A_716 = arith.addf %add3A_664, %get3A_715 : vector<16xf32>
        %mul3A_717 = arith.constant 15 : i32
        %mul3A_718 = arith.muli %scan3A_501, %mul3A_717 : i32
        %add3A_719 = arith.constant 0 : i32
        %add3A_720 = arith.addi %add3A_719, %mul3A_718 : i32
        %add3A_721 = arith.constant 4 : i32
        %add3A_722 = arith.addi %add3A_720, %add3A_721 : i32
        %get3A_723 = arith.index_cast %add3A_722 : i32 to index
        %get3A_724 = arith.constant 0 : index
        %get3A_725 = tpu.vector_load %arg7[%get3A_723, %get3A_724] {strides = array<i32>} : memref<120x64xf32, #tpu.memory_space<vmem>>, vector<1x16xf32>,
        %get3A_726 = vector.shape_cast %get3A_725 : vector<1x16xf32> to vector<16xf32>
        %add3A_727 = arith.addf %add3A_675, %get3A_726 : vector<16xf32>
        %get3A_728 = arith.index_cast %add3A_722 : i32 to index
        %get3A_729 = arith.constant 16 : index
        %get3A_730 = tpu.vector_load %arg7[%get3A_728, %get3A_729] {strides = array<i32>} : memref<120x64xf32, #tpu.memory_space<vmem>>, vector<1x16xf32>,
        %get3A_731 = vector.shape_cast %get3A_730 : vector<1x16xf32> to vector<16xf32>
        %add3A_732 = arith.addf %add3A_680, %get3A_731 : vector<16xf32>
        %get3A_733 = arith.index_cast %add3A_722 : i32 to index
        %get3A_734 = arith.constant 32 : index
        %get3A_735 = tpu.vector_load %arg7[%get3A_733, %get3A_734] {strides = array<i32>} : memref<120x64xf32, #tpu.memory_space<vmem>>, vector<1x16xf32>,
        %get3A_736 = vector.shape_cast %get3A_735 : vector<1x16xf32> to vector<16xf32>
        %add3A_737 = arith.addf %add3A_685, %get3A_736 : vector<16xf32>
        %get3A_738 = arith.index_cast %add3A_722 : i32 to index
        %get3A_739 = arith.constant 48 : index
        %get3A_740 = tpu.vector_load %arg7[%get3A_738, %get3A_739] {strides = array<i32>} : memref<120x64xf32, #tpu.memory_space<vmem>>, vector<1x16xf32>,
        %get3A_741 = vector.shape_cast %get3A_740 : vector<1x16xf32> to vector<16xf32>
        %add3A_742 = arith.addf %add3A_690, %get3A_741 : vector<16xf32>
        %mul3A_743 = arith.constant 15 : i32
        %mul3A_744 = arith.muli %scan3A_501, %mul3A_743 : i32
        %add3A_745 = arith.constant 60 : i32
        %add3A_746 = arith.addi %add3A_745, %mul3A_744 : i32
        %add3A_747 = arith.constant 4 : i32
        %add3A_748 = arith.addi %add3A_746, %add3A_747 : i32
        %get3A_749 = arith.index_cast %add3A_748 : i32 to index
        %get3A_750 = arith.constant 0 : index
        %get3A_751 = tpu.vector_load %arg7[%get3A_749, %get3A_750] {strides = array<i32>} : memref<120x64xf32, #tpu.memory_space<vmem>>, vector<1x16xf32>,
        %get3A_752 = vector.shape_cast %get3A_751 : vector<1x16xf32> to vector<16xf32>
        %add3A_753 = arith.addf %add3A_701, %get3A_752 : vector<16xf32>
        %get3A_754 = arith.index_cast %add3A_748 : i32 to index
        %get3A_755 = arith.constant 16 : index
        %get3A_756 = tpu.vector_load %arg7[%get3A_754, %get3A_755] {strides = array<i32>} : memref<120x64xf32, #tpu.memory_space<vmem>>, vector<1x16xf32>,
        %get3A_757 = vector.shape_cast %get3A_756 : vector<1x16xf32> to vector<16xf32>
        %add3A_758 = arith.addf %add3A_706, %get3A_757 : vector<16xf32>
        %get3A_759 = arith.index_cast %add3A_748 : i32 to index
        %get3A_760 = arith.constant 32 : index
        %get3A_761 = tpu.vector_load %arg7[%get3A_759, %get3A_760] {strides = array<i32>} : memref<120x64xf32, #tpu.memory_space<vmem>>, vector<1x16xf32>,
        %get3A_762 = vector.shape_cast %get3A_761 : vector<1x16xf32> to vector<16xf32>
        %add3A_763 = arith.addf %add3A_711, %get3A_762 : vector<16xf32>
        %get3A_764 = arith.index_cast %add3A_748 : i32 to index
        %get3A_765 = arith.constant 48 : index
        %get3A_766 = tpu.vector_load %arg7[%get3A_764, %get3A_765] {strides = array<i32>} : memref<120x64xf32, #tpu.memory_space<vmem>>, vector<1x16xf32>,
        %get3A_767 = vector.shape_cast %get3A_766 : vector<1x16xf32> to vector<16xf32>
        %add3A_768 = arith.addf %add3A_716, %get3A_767 : vector<16xf32>
        %mul3A_769 = arith.constant 15 : i32
        %mul3A_770 = arith.muli %scan3A_501, %mul3A_769 : i32
        %add3A_771 = arith.constant 0 : i32
        %add3A_772 = arith.addi %add3A_771, %mul3A_770 : i32
        %add3A_773 = arith.constant 5 : i32
        %add3A_774 = arith.addi %add3A_772, %add3A_773 : i32
        %get3A_775 = arith.index_cast %add3A_774 : i32 to index
        %get3A_776 = arith.constant 0 : index
        %get3A_777 = tpu.vector_load %arg7[%get3A_775, %get3A_776] {strides = array<i32>} : memref<120x64xf32, #tpu.memory_space<vmem>>, vector<1x16xf32>,
        %get3A_778 = vector.shape_cast %get3A_777 : vector<1x16xf32> to vector<16xf32>
        %add3A_779 = arith.addf %add3A_727, %get3A_778 : vector<16xf32>
        %get3A_780 = arith.index_cast %add3A_774 : i32 to index
        %get3A_781 = arith.constant 16 : index
        %get3A_782 = tpu.vector_load %arg7[%get3A_780, %get3A_781] {strides = array<i32>} : memref<120x64xf32, #tpu.memory_space<vmem>>, vector<1x16xf32>,
        %get3A_783 = vector.shape_cast %get3A_782 : vector<1x16xf32> to vector<16xf32>
        %add3A_784 = arith.addf %add3A_732, %get3A_783 : vector<16xf32>
        %get3A_785 = arith.index_cast %add3A_774 : i32 to index
        %get3A_786 = arith.constant 32 : index
        %get3A_787 = tpu.vector_load %arg7[%get3A_785, %get3A_786] {strides = array<i32>} : memref<120x64xf32, #tpu.memory_space<vmem>>, vector<1x16xf32>,
        %get3A_788 = vector.shape_cast %get3A_787 : vector<1x16xf32> to vector<16xf32>
        %add3A_789 = arith.addf %add3A_737, %get3A_788 : vector<16xf32>
        %get3A_790 = arith.index_cast %add3A_774 : i32 to index
        %get3A_791 = arith.constant 48 : index
        %get3A_792 = tpu.vector_load %arg7[%get3A_790, %get3A_791] {strides = array<i32>} : memref<120x64xf32, #tpu.memory_space<vmem>>, vector<1x16xf32>,
        %get3A_793 = vector.shape_cast %get3A_792 : vector<1x16xf32> to vector<16xf32>
        %add3A_794 = arith.addf %add3A_742, %get3A_793 : vector<16xf32>
        %mul3A_795 = arith.constant 15 : i32
        %mul3A_796 = arith.muli %scan3A_501, %mul3A_795 : i32
        %add3A_797 = arith.constant 60 : i32
        %add3A_798 = arith.addi %add3A_797, %mul3A_796 : i32
        %add3A_799 = arith.constant 5 : i32
        %add3A_800 = arith.addi %add3A_798, %add3A_799 : i32
        %get3A_801 = arith.index_cast %add3A_800 : i32 to index
        %get3A_802 = arith.constant 0 : index
        %get3A_803 = tpu.vector_load %arg7[%get3A_801, %get3A_802] {strides = array<i32>} : memref<120x64xf32, #tpu.memory_space<vmem>>, vector<1x16xf32>,
        %get3A_804 = vector.shape_cast %get3A_803 : vector<1x16xf32> to vector<16xf32>
        %add3A_805 = arith.addf %add3A_753, %get3A_804 : vector<16xf32>
        %get3A_806 = arith.index_cast %add3A_800 : i32 to index
        %get3A_807 = arith.constant 16 : index
        %get3A_808 = tpu.vector_load %arg7[%get3A_806, %get3A_807] {strides = array<i32>} : memref<120x64xf32, #tpu.memory_space<vmem>>, vector<1x16xf32>,
        %get3A_809 = vector.shape_cast %get3A_808 : vector<1x16xf32> to vector<16xf32>
        %add3A_810 = arith.addf %add3A_758, %get3A_809 : vector<16xf32>
        %get3A_811 = arith.index_cast %add3A_800 : i32 to index
        %get3A_812 = arith.constant 32 : index
        %get3A_813 = tpu.vector_load %arg7[%get3A_811, %get3A_812] {strides = array<i32>} : memref<120x64xf32, #tpu.memory_space<vmem>>, vector<1x16xf32>,
        %get3A_814 = vector.shape_cast %get3A_813 : vector<1x16xf32> to vector<16xf32>
        %add3A_815 = arith.addf %add3A_763, %get3A_814 : vector<16xf32>
        %get3A_816 = arith.index_cast %add3A_800 : i32 to index
        %get3A_817 = arith.constant 48 : index
        %get3A_818 = tpu.vector_load %arg7[%get3A_816, %get3A_817] {strides = array<i32>} : memref<120x64xf32, #tpu.memory_space<vmem>>, vector<1x16xf32>,
        %get3A_819 = vector.shape_cast %get3A_818 : vector<1x16xf32> to vector<16xf32>
        %add3A_820 = arith.addf %add3A_768, %get3A_819 : vector<16xf32>
        %mul3A_821 = arith.constant 15 : i32
        %mul3A_822 = arith.muli %scan3A_501, %mul3A_821 : i32
        %add3A_823 = arith.constant 0 : i32
        %add3A_824 = arith.addi %add3A_823, %mul3A_822 : i32
        %add3A_825 = arith.constant 6 : i32
        %add3A_826 = arith.addi %add3A_824, %add3A_825 : i32
        %get3A_827 = arith.index_cast %add3A_826 : i32 to index
        %get3A_828 = arith.constant 0 : index
        %get3A_829 = tpu.vector_load %arg7[%get3A_827, %get3A_828] {strides = array<i32>} : memref<120x64xf32, #tpu.memory_space<vmem>>, vector<1x16xf32>,
        %get3A_830 = vector.shape_cast %get3A_829 : vector<1x16xf32> to vector<16xf32>
        %add3A_831 = arith.addf %add3A_779, %get3A_830 : vector<16xf32>
        %get3A_832 = arith.index_cast %add3A_826 : i32 to index
        %get3A_833 = arith.constant 16 : index
        %get3A_834 = tpu.vector_load %arg7[%get3A_832, %get3A_833] {strides = array<i32>} : memref<120x64xf32, #tpu.memory_space<vmem>>, vector<1x16xf32>,
        %get3A_835 = vector.shape_cast %get3A_834 : vector<1x16xf32> to vector<16xf32>
        %add3A_836 = arith.addf %add3A_784, %get3A_835 : vector<16xf32>
        %get3A_837 = arith.index_cast %add3A_826 : i32 to index
        %get3A_838 = arith.constant 32 : index
        %get3A_839 = tpu.vector_load %arg7[%get3A_837, %get3A_838] {strides = array<i32>} : memref<120x64xf32, #tpu.memory_space<vmem>>, vector<1x16xf32>,
        %get3A_840 = vector.shape_cast %get3A_839 : vector<1x16xf32> to vector<16xf32>
        %add3A_841 = arith.addf %add3A_789, %get3A_840 : vector<16xf32>
        %get3A_842 = arith.index_cast %add3A_826 : i32 to index
        %get3A_843 = arith.constant 48 : index
        %get3A_844 = tpu.vector_load %arg7[%get3A_842, %get3A_843] {strides = array<i32>} : memref<120x64xf32, #tpu.memory_space<vmem>>, vector<1x16xf32>,
        %get3A_845 = vector.shape_cast %get3A_844 : vector<1x16xf32> to vector<16xf32>
        %add3A_846 = arith.addf %add3A_794, %get3A_845 : vector<16xf32>
        %mul3A_847 = arith.constant 15 : i32
        %mul3A_848 = arith.muli %scan3A_501, %mul3A_847 : i32
        %add3A_849 = arith.constant 60 : i32
        %add3A_850 = arith.addi %add3A_849, %mul3A_848 : i32
        %add3A_851 = arith.constant 6 : i32
        %add3A_852 = arith.addi %add3A_850, %add3A_851 : i32
        %get3A_853 = arith.index_cast %add3A_852 : i32 to index
        %get3A_854 = arith.constant 0 : index
        %get3A_855 = tpu.vector_load %arg7[%get3A_853, %get3A_854] {strides = array<i32>} : memref<120x64xf32, #tpu.memory_space<vmem>>, vector<1x16xf32>,
        %get3A_856 = vector.shape_cast %get3A_855 : vector<1x16xf32> to vector<16xf32>
        %add3A_857 = arith.addf %add3A_805, %get3A_856 : vector<16xf32>
        %get3A_858 = arith.index_cast %add3A_852 : i32 to index
        %get3A_859 = arith.constant 16 : index
        %get3A_860 = tpu.vector_load %arg7[%get3A_858, %get3A_859] {strides = array<i32>} : memref<120x64xf32, #tpu.memory_space<vmem>>, vector<1x16xf32>,
        %get3A_861 = vector.shape_cast %get3A_860 : vector<1x16xf32> to vector<16xf32>
        %add3A_862 = arith.addf %add3A_810, %get3A_861 : vector<16xf32>
        %get3A_863 = arith.index_cast %add3A_852 : i32 to index
        %get3A_864 = arith.constant 32 : index
        %get3A_865 = tpu.vector_load %arg7[%get3A_863, %get3A_864] {strides = array<i32>} : memref<120x64xf32, #tpu.memory_space<vmem>>, vector<1x16xf32>,
        %get3A_866 = vector.shape_cast %get3A_865 : vector<1x16xf32> to vector<16xf32>
        %add3A_867 = arith.addf %add3A_815, %get3A_866 : vector<16xf32>
        %get3A_868 = arith.index_cast %add3A_852 : i32 to index
        %get3A_869 = arith.constant 48 : index
        %get3A_870 = tpu.vector_load %arg7[%get3A_868, %get3A_869] {strides = array<i32>} : memref<120x64xf32, #tpu.memory_space<vmem>>, vector<1x16xf32>,
        %get3A_871 = vector.shape_cast %get3A_870 : vector<1x16xf32> to vector<16xf32>
        %add3A_872 = arith.addf %add3A_820, %get3A_871 : vector<16xf32>
        %mul3A_873 = arith.constant 15 : i32
        %mul3A_874 = arith.muli %scan3A_501, %mul3A_873 : i32
        %add3A_875 = arith.constant 0 : i32
        %add3A_876 = arith.addi %add3A_875, %mul3A_874 : i32
        %add3A_877 = arith.constant 7 : i32
        %add3A_878 = arith.addi %add3A_876, %add3A_877 : i32
        %get3A_879 = arith.index_cast %add3A_878 : i32 to index
        %get3A_880 = arith.constant 0 : index
        %get3A_881 = tpu.vector_load %arg7[%get3A_879, %get3A_880] {strides = array<i32>} : memref<120x64xf32, #tpu.memory_space<vmem>>, vector<1x16xf32>,
        %get3A_882 = vector.shape_cast %get3A_881 : vector<1x16xf32> to vector<16xf32>
        %add3A_883 = arith.addf %add3A_831, %get3A_882 : vector<16xf32>
        %get3A_884 = arith.index_cast %add3A_878 : i32 to index
        %get3A_885 = arith.constant 16 : index
        %get3A_886 = tpu.vector_load %arg7[%get3A_884, %get3A_885] {strides = array<i32>} : memref<120x64xf32, #tpu.memory_space<vmem>>, vector<1x16xf32>,
        %get3A_887 = vector.shape_cast %get3A_886 : vector<1x16xf32> to vector<16xf32>
        %add3A_888 = arith.addf %add3A_836, %get3A_887 : vector<16xf32>
        %get3A_889 = arith.index_cast %add3A_878 : i32 to index
        %get3A_890 = arith.constant 32 : index
        %get3A_891 = tpu.vector_load %arg7[%get3A_889, %get3A_890] {strides = array<i32>} : memref<120x64xf32, #tpu.memory_space<vmem>>, vector<1x16xf32>,
        %get3A_892 = vector.shape_cast %get3A_891 : vector<1x16xf32> to vector<16xf32>
        %add3A_893 = arith.addf %add3A_841, %get3A_892 : vector<16xf32>
        %get3A_894 = arith.index_cast %add3A_878 : i32 to index
        %get3A_895 = arith.constant 48 : index
        %get3A_896 = tpu.vector_load %arg7[%get3A_894, %get3A_895] {strides = array<i32>} : memref<120x64xf32, #tpu.memory_space<vmem>>, vector<1x16xf32>,
        %get3A_897 = vector.shape_cast %get3A_896 : vector<1x16xf32> to vector<16xf32>
        %add3A_898 = arith.addf %add3A_846, %get3A_897 : vector<16xf32>
        %mul3A_899 = arith.constant 15 : i32
        %mul3A_900 = arith.muli %scan3A_501, %mul3A_899 : i32
        %add3A_901 = arith.constant 60 : i32
        %add3A_902 = arith.addi %add3A_901, %mul3A_900 : i32
        %add3A_903 = arith.constant 7 : i32
        %add3A_904 = arith.addi %add3A_902, %add3A_903 : i32
        %get3A_905 = arith.index_cast %add3A_904 : i32 to index
        %get3A_906 = arith.constant 0 : index
        %get3A_907 = tpu.vector_load %arg7[%get3A_905, %get3A_906] {strides = array<i32>} : memref<120x64xf32, #tpu.memory_space<vmem>>, vector<1x16xf32>,
        %get3A_908 = vector.shape_cast %get3A_907 : vector<1x16xf32> to vector<16xf32>
        %add3A_909 = arith.addf %add3A_857, %get3A_908 : vector<16xf32>
        %get3A_910 = arith.index_cast %add3A_904 : i32 to index
        %get3A_911 = arith.constant 16 : index
        %get3A_912 = tpu.vector_load %arg7[%get3A_910, %get3A_911] {strides = array<i32>} : memref<120x64xf32, #tpu.memory_space<vmem>>, vector<1x16xf32>,
        %get3A_913 = vector.shape_cast %get3A_912 : vector<1x16xf32> to vector<16xf32>
        %add3A_914 = arith.addf %add3A_862, %get3A_913 : vector<16xf32>
        %get3A_915 = arith.index_cast %add3A_904 : i32 to index
        %get3A_916 = arith.constant 32 : index
        %get3A_917 = tpu.vector_load %arg7[%get3A_915, %get3A_916] {strides = array<i32>} : memref<120x64xf32, #tpu.memory_space<vmem>>, vector<1x16xf32>,
        %get3A_918 = vector.shape_cast %get3A_917 : vector<1x16xf32> to vector<16xf32>
        %add3A_919 = arith.addf %add3A_867, %get3A_918 : vector<16xf32>
        %get3A_920 = arith.index_cast %add3A_904 : i32 to index
        %get3A_921 = arith.constant 48 : index
        %get3A_922 = tpu.vector_load %arg7[%get3A_920, %get3A_921] {strides = array<i32>} : memref<120x64xf32, #tpu.memory_space<vmem>>, vector<1x16xf32>,
        %get3A_923 = vector.shape_cast %get3A_922 : vector<1x16xf32> to vector<16xf32>
        %add3A_924 = arith.addf %add3A_872, %get3A_923 : vector<16xf32>
        %mul3A_925 = arith.constant 15 : i32
        %mul3A_926 = arith.muli %scan3A_501, %mul3A_925 : i32
        %add3A_927 = arith.constant 0 : i32
        %add3A_928 = arith.addi %add3A_927, %mul3A_926 : i32
        %add3A_929 = arith.constant 8 : i32
        %add3A_930 = arith.addi %add3A_928, %add3A_929 : i32
        %get3A_931 = arith.index_cast %add3A_930 : i32 to index
        %get3A_932 = arith.constant 0 : index
        %get3A_933 = tpu.vector_load %arg7[%get3A_931, %get3A_932] {strides = array<i32>} : memref<120x64xf32, #tpu.memory_space<vmem>>, vector<1x16xf32>,
        %get3A_934 = vector.shape_cast %get3A_933 : vector<1x16xf32> to vector<16xf32>
        %add3A_935 = arith.addf %add3A_883, %get3A_934 : vector<16xf32>
        %get3A_936 = arith.index_cast %add3A_930 : i32 to index
        %get3A_937 = arith.constant 16 : index
        %get3A_938 = tpu.vector_load %arg7[%get3A_936, %get3A_937] {strides = array<i32>} : memref<120x64xf32, #tpu.memory_space<vmem>>, vector<1x16xf32>,
        %get3A_939 = vector.shape_cast %get3A_938 : vector<1x16xf32> to vector<16xf32>
        %add3A_940 = arith.addf %add3A_888, %get3A_939 : vector<16xf32>
        %get3A_941 = arith.index_cast %add3A_930 : i32 to index
        %get3A_942 = arith.constant 32 : index
        %get3A_943 = tpu.vector_load %arg7[%get3A_941, %get3A_942] {strides = array<i32>} : memref<120x64xf32, #tpu.memory_space<vmem>>, vector<1x16xf32>,
        %get3A_944 = vector.shape_cast %get3A_943 : vector<1x16xf32> to vector<16xf32>
        %add3A_945 = arith.addf %add3A_893, %get3A_944 : vector<16xf32>
        %get3A_946 = arith.index_cast %add3A_930 : i32 to index
        %get3A_947 = arith.constant 48 : index
        %get3A_948 = tpu.vector_load %arg7[%get3A_946, %get3A_947] {strides = array<i32>} : memref<120x64xf32, #tpu.memory_space<vmem>>, vector<1x16xf32>,
        %get3A_949 = vector.shape_cast %get3A_948 : vector<1x16xf32> to vector<16xf32>
        %add3A_950 = arith.addf %add3A_898, %get3A_949 : vector<16xf32>
        %mul3A_951 = arith.constant 15 : i32
        %mul3A_952 = arith.muli %scan3A_501, %mul3A_951 : i32
        %add3A_953 = arith.constant 60 : i32
        %add3A_954 = arith.addi %add3A_953, %mul3A_952 : i32
        %add3A_955 = arith.constant 8 : i32
        %add3A_956 = arith.addi %add3A_954, %add3A_955 : i32
        %get3A_957 = arith.index_cast %add3A_956 : i32 to index
        %get3A_958 = arith.constant 0 : index
        %get3A_959 = tpu.vector_load %arg7[%get3A_957, %get3A_958] {strides = array<i32>} : memref<120x64xf32, #tpu.memory_space<vmem>>, vector<1x16xf32>,
        %get3A_960 = vector.shape_cast %get3A_959 : vector<1x16xf32> to vector<16xf32>
        %add3A_961 = arith.addf %add3A_909, %get3A_960 : vector<16xf32>
        %get3A_962 = arith.index_cast %add3A_956 : i32 to index
        %get3A_963 = arith.constant 16 : index
        %get3A_964 = tpu.vector_load %arg7[%get3A_962, %get3A_963] {strides = array<i32>} : memref<120x64xf32, #tpu.memory_space<vmem>>, vector<1x16xf32>,
        %get3A_965 = vector.shape_cast %get3A_964 : vector<1x16xf32> to vector<16xf32>
        %add3A_966 = arith.addf %add3A_914, %get3A_965 : vector<16xf32>
        %get3A_967 = arith.index_cast %add3A_956 : i32 to index
        %get3A_968 = arith.constant 32 : index
        %get3A_969 = tpu.vector_load %arg7[%get3A_967, %get3A_968] {strides = array<i32>} : memref<120x64xf32, #tpu.memory_space<vmem>>, vector<1x16xf32>,
        %get3A_970 = vector.shape_cast %get3A_969 : vector<1x16xf32> to vector<16xf32>
        %add3A_971 = arith.addf %add3A_919, %get3A_970 : vector<16xf32>
        %get3A_972 = arith.index_cast %add3A_956 : i32 to index
        %get3A_973 = arith.constant 48 : index
        %get3A_974 = tpu.vector_load %arg7[%get3A_972, %get3A_973] {strides = array<i32>} : memref<120x64xf32, #tpu.memory_space<vmem>>, vector<1x16xf32>,
        %get3A_975 = vector.shape_cast %get3A_974 : vector<1x16xf32> to vector<16xf32>
        %add3A_976 = arith.addf %add3A_924, %get3A_975 : vector<16xf32>
        %mul3A_977 = arith.constant 15 : i32
        %mul3A_978 = arith.muli %scan3A_501, %mul3A_977 : i32
        %add3A_979 = arith.constant 0 : i32
        %add3A_980 = arith.addi %add3A_979, %mul3A_978 : i32
        %add3A_981 = arith.constant 9 : i32
        %add3A_982 = arith.addi %add3A_980, %add3A_981 : i32
        %get3A_983 = arith.index_cast %add3A_982 : i32 to index
        %get3A_984 = arith.constant 0 : index
        %get3A_985 = tpu.vector_load %arg7[%get3A_983, %get3A_984] {strides = array<i32>} : memref<120x64xf32, #tpu.memory_space<vmem>>, vector<1x16xf32>,
        %get3A_986 = vector.shape_cast %get3A_985 : vector<1x16xf32> to vector<16xf32>
        %add3A_987 = arith.addf %add3A_935, %get3A_986 : vector<16xf32>
        %get3A_988 = arith.index_cast %add3A_982 : i32 to index
        %get3A_989 = arith.constant 16 : index
        %get3A_990 = tpu.vector_load %arg7[%get3A_988, %get3A_989] {strides = array<i32>} : memref<120x64xf32, #tpu.memory_space<vmem>>, vector<1x16xf32>,
        %get3A_991 = vector.shape_cast %get3A_990 : vector<1x16xf32> to vector<16xf32>
        %add3A_992 = arith.addf %add3A_940, %get3A_991 : vector<16xf32>
        %get3A_993 = arith.index_cast %add3A_982 : i32 to index
        %get3A_994 = arith.constant 32 : index
        %get3A_995 = tpu.vector_load %arg7[%get3A_993, %get3A_994] {strides = array<i32>} : memref<120x64xf32, #tpu.memory_space<vmem>>, vector<1x16xf32>,
        %get3A_996 = vector.shape_cast %get3A_995 : vector<1x16xf32> to vector<16xf32>
        %add3A_997 = arith.addf %add3A_945, %get3A_996 : vector<16xf32>
        %get3A_998 = arith.index_cast %add3A_982 : i32 to index
        %get3A_999 = arith.constant 48 : index
        %get3A_1000 = tpu.vector_load %arg7[%get3A_998, %get3A_999] {strides = array<i32>} : memref<120x64xf32, #tpu.memory_space<vmem>>, vector<1x16xf32>,
        %get3A_1001 = vector.shape_cast %get3A_1000 : vector<1x16xf32> to vector<16xf32>
        %add3A_1002 = arith.addf %add3A_950, %get3A_1001 : vector<16xf32>
        %mul3A_1003 = arith.constant 15 : i32
        %mul3A_1004 = arith.muli %scan3A_501, %mul3A_1003 : i32
        %add3A_1005 = arith.constant 60 : i32
        %add3A_1006 = arith.addi %add3A_1005, %mul3A_1004 : i32
        %add3A_1007 = arith.constant 9 : i32
        %add3A_1008 = arith.addi %add3A_1006, %add3A_1007 : i32
        %get3A_1009 = arith.index_cast %add3A_1008 : i32 to index
        %get3A_1010 = arith.constant 0 : index
        %get3A_1011 = tpu.vector_load %arg7[%get3A_1009, %get3A_1010] {strides = array<i32>} : memref<120x64xf32, #tpu.memory_space<vmem>>, vector<1x16xf32>,
        %get3A_1012 = vector.shape_cast %get3A_1011 : vector<1x16xf32> to vector<16xf32>
        %add3A_1013 = arith.addf %add3A_961, %get3A_1012 : vector<16xf32>
        %get3A_1014 = arith.index_cast %add3A_1008 : i32 to index
        %get3A_1015 = arith.constant 16 : index
        %get3A_1016 = tpu.vector_load %arg7[%get3A_1014, %get3A_1015] {strides = array<i32>} : memref<120x64xf32, #tpu.memory_space<vmem>>, vector<1x16xf32>,
        %get3A_1017 = vector.shape_cast %get3A_1016 : vector<1x16xf32> to vector<16xf32>
        %add3A_1018 = arith.addf %add3A_966, %get3A_1017 : vector<16xf32>
        %get3A_1019 = arith.index_cast %add3A_1008 : i32 to index
        %get3A_1020 = arith.constant 32 : index
        %get3A_1021 = tpu.vector_load %arg7[%get3A_1019, %get3A_1020] {strides = array<i32>} : memref<120x64xf32, #tpu.memory_space<vmem>>, vector<1x16xf32>,
        %get3A_1022 = vector.shape_cast %get3A_1021 : vector<1x16xf32> to vector<16xf32>
        %add3A_1023 = arith.addf %add3A_971, %get3A_1022 : vector<16xf32>
        %get3A_1024 = arith.index_cast %add3A_1008 : i32 to index
        %get3A_1025 = arith.constant 48 : index
        %get3A_1026 = tpu.vector_load %arg7[%get3A_1024, %get3A_1025] {strides = array<i32>} : memref<120x64xf32, #tpu.memory_space<vmem>>, vector<1x16xf32>,
        %get3A_1027 = vector.shape_cast %get3A_1026 : vector<1x16xf32> to vector<16xf32>
        %add3A_1028 = arith.addf %add3A_976, %get3A_1027 : vector<16xf32>
        %mul3A_1029 = arith.constant 15 : i32
        %mul3A_1030 = arith.muli %scan3A_501, %mul3A_1029 : i32
        %add3A_1031 = arith.constant 0 : i32
        %add3A_1032 = arith.addi %add3A_1031, %mul3A_1030 : i32
        %add3A_1033 = arith.constant 10 : i32
        %add3A_1034 = arith.addi %add3A_1032, %add3A_1033 : i32
        %get3A_1035 = arith.index_cast %add3A_1034 : i32 to index
        %get3A_1036 = arith.constant 0 : index
        %get3A_1037 = tpu.vector_load %arg7[%get3A_1035, %get3A_1036] {strides = array<i32>} : memref<120x64xf32, #tpu.memory_space<vmem>>, vector<1x16xf32>,
        %get3A_1038 = vector.shape_cast %get3A_1037 : vector<1x16xf32> to vector<16xf32>
        %add3A_1039 = arith.addf %add3A_987, %get3A_1038 : vector<16xf32>
        %get3A_1040 = arith.index_cast %add3A_1034 : i32 to index
        %get3A_1041 = arith.constant 16 : index
        %get3A_1042 = tpu.vector_load %arg7[%get3A_1040, %get3A_1041] {strides = array<i32>} : memref<120x64xf32, #tpu.memory_space<vmem>>, vector<1x16xf32>,
        %get3A_1043 = vector.shape_cast %get3A_1042 : vector<1x16xf32> to vector<16xf32>
        %add3A_1044 = arith.addf %add3A_992, %get3A_1043 : vector<16xf32>
        %get3A_1045 = arith.index_cast %add3A_1034 : i32 to index
        %get3A_1046 = arith.constant 32 : index
        %get3A_1047 = tpu.vector_load %arg7[%get3A_1045, %get3A_1046] {strides = array<i32>} : memref<120x64xf32, #tpu.memory_space<vmem>>, vector<1x16xf32>,
        %get3A_1048 = vector.shape_cast %get3A_1047 : vector<1x16xf32> to vector<16xf32>
        %add3A_1049 = arith.addf %add3A_997, %get3A_1048 : vector<16xf32>
        %get3A_1050 = arith.index_cast %add3A_1034 : i32 to index
        %get3A_1051 = arith.constant 48 : index
        %get3A_1052 = tpu.vector_load %arg7[%get3A_1050, %get3A_1051] {strides = array<i32>} : memref<120x64xf32, #tpu.memory_space<vmem>>, vector<1x16xf32>,
        %get3A_1053 = vector.shape_cast %get3A_1052 : vector<1x16xf32> to vector<16xf32>
        %add3A_1054 = arith.addf %add3A_1002, %get3A_1053 : vector<16xf32>
        %mul3A_1055 = arith.constant 15 : i32
        %mul3A_1056 = arith.muli %scan3A_501, %mul3A_1055 : i32
        %add3A_1057 = arith.constant 60 : i32
        %add3A_1058 = arith.addi %add3A_1057, %mul3A_1056 : i32
        %add3A_1059 = arith.constant 10 : i32
        %add3A_1060 = arith.addi %add3A_1058, %add3A_1059 : i32
        %get3A_1061 = arith.index_cast %add3A_1060 : i32 to index
        %get3A_1062 = arith.constant 0 : index
        %get3A_1063 = tpu.vector_load %arg7[%get3A_1061, %get3A_1062] {strides = array<i32>} : memref<120x64xf32, #tpu.memory_space<vmem>>, vector<1x16xf32>,
        %get3A_1064 = vector.shape_cast %get3A_1063 : vector<1x16xf32> to vector<16xf32>
        %add3A_1065 = arith.addf %add3A_1013, %get3A_1064 : vector<16xf32>
        %get3A_1066 = arith.index_cast %add3A_1060 : i32 to index
        %get3A_1067 = arith.constant 16 : index
        %get3A_1068 = tpu.vector_load %arg7[%get3A_1066, %get3A_1067] {strides = array<i32>} : memref<120x64xf32, #tpu.memory_space<vmem>>, vector<1x16xf32>,
        %get3A_1069 = vector.shape_cast %get3A_1068 : vector<1x16xf32> to vector<16xf32>
        %add3A_1070 = arith.addf %add3A_1018, %get3A_1069 : vector<16xf32>
        %get3A_1071 = arith.index_cast %add3A_1060 : i32 to index
        %get3A_1072 = arith.constant 32 : index
        %get3A_1073 = tpu.vector_load %arg7[%get3A_1071, %get3A_1072] {strides = array<i32>} : memref<120x64xf32, #tpu.memory_space<vmem>>, vector<1x16xf32>,
        %get3A_1074 = vector.shape_cast %get3A_1073 : vector<1x16xf32> to vector<16xf32>
        %add3A_1075 = arith.addf %add3A_1023, %get3A_1074 : vector<16xf32>
        %get3A_1076 = arith.index_cast %add3A_1060 : i32 to index
        %get3A_1077 = arith.constant 48 : index
        %get3A_1078 = tpu.vector_load %arg7[%get3A_1076, %get3A_1077] {strides = array<i32>} : memref<120x64xf32, #tpu.memory_space<vmem>>, vector<1x16xf32>,
        %get3A_1079 = vector.shape_cast %get3A_1078 : vector<1x16xf32> to vector<16xf32>
        %add3A_1080 = arith.addf %add3A_1028, %get3A_1079 : vector<16xf32>
        %mul3A_1081 = arith.constant 15 : i32
        %mul3A_1082 = arith.muli %scan3A_501, %mul3A_1081 : i32
        %add3A_1083 = arith.constant 0 : i32
        %add3A_1084 = arith.addi %add3A_1083, %mul3A_1082 : i32
        %add3A_1085 = arith.constant 11 : i32
        %add3A_1086 = arith.addi %add3A_1084, %add3A_1085 : i32
        %get3A_1087 = arith.index_cast %add3A_1086 : i32 to index
        %get3A_1088 = arith.constant 0 : index
        %get3A_1089 = tpu.vector_load %arg7[%get3A_1087, %get3A_1088] {strides = array<i32>} : memref<120x64xf32, #tpu.memory_space<vmem>>, vector<1x16xf32>,
        %get3A_1090 = vector.shape_cast %get3A_1089 : vector<1x16xf32> to vector<16xf32>
        %add3A_1091 = arith.addf %add3A_1039, %get3A_1090 : vector<16xf32>
        %get3A_1092 = arith.index_cast %add3A_1086 : i32 to index
        %get3A_1093 = arith.constant 16 : index
        %get3A_1094 = tpu.vector_load %arg7[%get3A_1092, %get3A_1093] {strides = array<i32>} : memref<120x64xf32, #tpu.memory_space<vmem>>, vector<1x16xf32>,
        %get3A_1095 = vector.shape_cast %get3A_1094 : vector<1x16xf32> to vector<16xf32>
        %add3A_1096 = arith.addf %add3A_1044, %get3A_1095 : vector<16xf32>
        %get3A_1097 = arith.index_cast %add3A_1086 : i32 to index
        %get3A_1098 = arith.constant 32 : index
        %get3A_1099 = tpu.vector_load %arg7[%get3A_1097, %get3A_1098] {strides = array<i32>} : memref<120x64xf32, #tpu.memory_space<vmem>>, vector<1x16xf32>,
        %get3A_1100 = vector.shape_cast %get3A_1099 : vector<1x16xf32> to vector<16xf32>
        %add3A_1101 = arith.addf %add3A_1049, %get3A_1100 : vector<16xf32>
        %get3A_1102 = arith.index_cast %add3A_1086 : i32 to index
        %get3A_1103 = arith.constant 48 : index
        %get3A_1104 = tpu.vector_load %arg7[%get3A_1102, %get3A_1103] {strides = array<i32>} : memref<120x64xf32, #tpu.memory_space<vmem>>, vector<1x16xf32>,
        %get3A_1105 = vector.shape_cast %get3A_1104 : vector<1x16xf32> to vector<16xf32>
        %add3A_1106 = arith.addf %add3A_1054, %get3A_1105 : vector<16xf32>
        %mul3A_1107 = arith.constant 15 : i32
        %mul3A_1108 = arith.muli %scan3A_501, %mul3A_1107 : i32
        %add3A_1109 = arith.constant 60 : i32
        %add3A_1110 = arith.addi %add3A_1109, %mul3A_1108 : i32
        %add3A_1111 = arith.constant 11 : i32
        %add3A_1112 = arith.addi %add3A_1110, %add3A_1111 : i32
        %get3A_1113 = arith.index_cast %add3A_1112 : i32 to index
        %get3A_1114 = arith.constant 0 : index
        %get3A_1115 = tpu.vector_load %arg7[%get3A_1113, %get3A_1114] {strides = array<i32>} : memref<120x64xf32, #tpu.memory_space<vmem>>, vector<1x16xf32>,
        %get3A_1116 = vector.shape_cast %get3A_1115 : vector<1x16xf32> to vector<16xf32>
        %add3A_1117 = arith.addf %add3A_1065, %get3A_1116 : vector<16xf32>
        %get3A_1118 = arith.index_cast %add3A_1112 : i32 to index
        %get3A_1119 = arith.constant 16 : index
        %get3A_1120 = tpu.vector_load %arg7[%get3A_1118, %get3A_1119] {strides = array<i32>} : memref<120x64xf32, #tpu.memory_space<vmem>>, vector<1x16xf32>,
        %get3A_1121 = vector.shape_cast %get3A_1120 : vector<1x16xf32> to vector<16xf32>
        %add3A_1122 = arith.addf %add3A_1070, %get3A_1121 : vector<16xf32>
        %get3A_1123 = arith.index_cast %add3A_1112 : i32 to index
        %get3A_1124 = arith.constant 32 : index
        %get3A_1125 = tpu.vector_load %arg7[%get3A_1123, %get3A_1124] {strides = array<i32>} : memref<120x64xf32, #tpu.memory_space<vmem>>, vector<1x16xf32>,
        %get3A_1126 = vector.shape_cast %get3A_1125 : vector<1x16xf32> to vector<16xf32>
        %add3A_1127 = arith.addf %add3A_1075, %get3A_1126 : vector<16xf32>
        %get3A_1128 = arith.index_cast %add3A_1112 : i32 to index
        %get3A_1129 = arith.constant 48 : index
        %get3A_1130 = tpu.vector_load %arg7[%get3A_1128, %get3A_1129] {strides = array<i32>} : memref<120x64xf32, #tpu.memory_space<vmem>>, vector<1x16xf32>,
        %get3A_1131 = vector.shape_cast %get3A_1130 : vector<1x16xf32> to vector<16xf32>
        %add3A_1132 = arith.addf %add3A_1080, %get3A_1131 : vector<16xf32>
        %mul3A_1133 = arith.constant 15 : i32
        %mul3A_1134 = arith.muli %scan3A_501, %mul3A_1133 : i32
        %add3A_1135 = arith.constant 0 : i32
        %add3A_1136 = arith.addi %add3A_1135, %mul3A_1134 : i32
        %add3A_1137 = arith.constant 12 : i32
        %add3A_1138 = arith.addi %add3A_1136, %add3A_1137 : i32
        %get3A_1139 = arith.index_cast %add3A_1138 : i32 to index
        %get3A_1140 = arith.constant 0 : index
        %get3A_1141 = tpu.vector_load %arg7[%get3A_1139, %get3A_1140] {strides = array<i32>} : memref<120x64xf32, #tpu.memory_space<vmem>>, vector<1x16xf32>,
        %get3A_1142 = vector.shape_cast %get3A_1141 : vector<1x16xf32> to vector<16xf32>
        %add3A_1143 = arith.addf %add3A_1091, %get3A_1142 : vector<16xf32>
        %get3A_1144 = arith.index_cast %add3A_1138 : i32 to index
        %get3A_1145 = arith.constant 16 : index
        %get3A_1146 = tpu.vector_load %arg7[%get3A_1144, %get3A_1145] {strides = array<i32>} : memref<120x64xf32, #tpu.memory_space<vmem>>, vector<1x16xf32>,
        %get3A_1147 = vector.shape_cast %get3A_1146 : vector<1x16xf32> to vector<16xf32>
        %add3A_1148 = arith.addf %add3A_1096, %get3A_1147 : vector<16xf32>
        %get3A_1149 = arith.index_cast %add3A_1138 : i32 to index
        %get3A_1150 = arith.constant 32 : index
        %get3A_1151 = tpu.vector_load %arg7[%get3A_1149, %get3A_1150] {strides = array<i32>} : memref<120x64xf32, #tpu.memory_space<vmem>>, vector<1x16xf32>,
        %get3A_1152 = vector.shape_cast %get3A_1151 : vector<1x16xf32> to vector<16xf32>
        %add3A_1153 = arith.addf %add3A_1101, %get3A_1152 : vector<16xf32>
        %get3A_1154 = arith.index_cast %add3A_1138 : i32 to index
        %get3A_1155 = arith.constant 48 : index
        %get3A_1156 = tpu.vector_load %arg7[%get3A_1154, %get3A_1155] {strides = array<i32>} : memref<120x64xf32, #tpu.memory_space<vmem>>, vector<1x16xf32>,
        %get3A_1157 = vector.shape_cast %get3A_1156 : vector<1x16xf32> to vector<16xf32>
        %add3A_1158 = arith.addf %add3A_1106, %get3A_1157 : vector<16xf32>
        %mul3A_1159 = arith.constant 15 : i32
        %mul3A_1160 = arith.muli %scan3A_501, %mul3A_1159 : i32
        %add3A_1161 = arith.constant 60 : i32
        %add3A_1162 = arith.addi %add3A_1161, %mul3A_1160 : i32
        %add3A_1163 = arith.constant 12 : i32
        %add3A_1164 = arith.addi %add3A_1162, %add3A_1163 : i32
        %get3A_1165 = arith.index_cast %add3A_1164 : i32 to index
        %get3A_1166 = arith.constant 0 : index
        %get3A_1167 = tpu.vector_load %arg7[%get3A_1165, %get3A_1166] {strides = array<i32>} : memref<120x64xf32, #tpu.memory_space<vmem>>, vector<1x16xf32>,
        %get3A_1168 = vector.shape_cast %get3A_1167 : vector<1x16xf32> to vector<16xf32>
        %add3A_1169 = arith.addf %add3A_1117, %get3A_1168 : vector<16xf32>
        %get3A_1170 = arith.index_cast %add3A_1164 : i32 to index
        %get3A_1171 = arith.constant 16 : index
        %get3A_1172 = tpu.vector_load %arg7[%get3A_1170, %get3A_1171] {strides = array<i32>} : memref<120x64xf32, #tpu.memory_space<vmem>>, vector<1x16xf32>,
        %get3A_1173 = vector.shape_cast %get3A_1172 : vector<1x16xf32> to vector<16xf32>
        %add3A_1174 = arith.addf %add3A_1122, %get3A_1173 : vector<16xf32>
        %get3A_1175 = arith.index_cast %add3A_1164 : i32 to index
        %get3A_1176 = arith.constant 32 : index
        %get3A_1177 = tpu.vector_load %arg7[%get3A_1175, %get3A_1176] {strides = array<i32>} : memref<120x64xf32, #tpu.memory_space<vmem>>, vector<1x16xf32>,
        %get3A_1178 = vector.shape_cast %get3A_1177 : vector<1x16xf32> to vector<16xf32>
        %add3A_1179 = arith.addf %add3A_1127, %get3A_1178 : vector<16xf32>
        %get3A_1180 = arith.index_cast %add3A_1164 : i32 to index
        %get3A_1181 = arith.constant 48 : index
        %get3A_1182 = tpu.vector_load %arg7[%get3A_1180, %get3A_1181] {strides = array<i32>} : memref<120x64xf32, #tpu.memory_space<vmem>>, vector<1x16xf32>,
        %get3A_1183 = vector.shape_cast %get3A_1182 : vector<1x16xf32> to vector<16xf32>
        %add3A_1184 = arith.addf %add3A_1132, %get3A_1183 : vector<16xf32>
        %mul3A_1185 = arith.constant 15 : i32
        %mul3A_1186 = arith.muli %scan3A_501, %mul3A_1185 : i32
        %add3A_1187 = arith.constant 0 : i32
        %add3A_1188 = arith.addi %add3A_1187, %mul3A_1186 : i32
        %add3A_1189 = arith.constant 13 : i32
        %add3A_1190 = arith.addi %add3A_1188, %add3A_1189 : i32
        %get3A_1191 = arith.index_cast %add3A_1190 : i32 to index
        %get3A_1192 = arith.constant 0 : index
        %get3A_1193 = tpu.vector_load %arg7[%get3A_1191, %get3A_1192] {strides = array<i32>} : memref<120x64xf32, #tpu.memory_space<vmem>>, vector<1x16xf32>,
        %get3A_1194 = vector.shape_cast %get3A_1193 : vector<1x16xf32> to vector<16xf32>
        %add3A_1195 = arith.addf %add3A_1143, %get3A_1194 : vector<16xf32>
        %get3A_1196 = arith.index_cast %add3A_1190 : i32 to index
        %get3A_1197 = arith.constant 16 : index
        %get3A_1198 = tpu.vector_load %arg7[%get3A_1196, %get3A_1197] {strides = array<i32>} : memref<120x64xf32, #tpu.memory_space<vmem>>, vector<1x16xf32>,
        %get3A_1199 = vector.shape_cast %get3A_1198 : vector<1x16xf32> to vector<16xf32>
        %add3A_1200 = arith.addf %add3A_1148, %get3A_1199 : vector<16xf32>
        %get3A_1201 = arith.index_cast %add3A_1190 : i32 to index
        %get3A_1202 = arith.constant 32 : index
        %get3A_1203 = tpu.vector_load %arg7[%get3A_1201, %get3A_1202] {strides = array<i32>} : memref<120x64xf32, #tpu.memory_space<vmem>>, vector<1x16xf32>,
        %get3A_1204 = vector.shape_cast %get3A_1203 : vector<1x16xf32> to vector<16xf32>
        %add3A_1205 = arith.addf %add3A_1153, %get3A_1204 : vector<16xf32>
        %get3A_1206 = arith.index_cast %add3A_1190 : i32 to index
        %get3A_1207 = arith.constant 48 : index
        %get3A_1208 = tpu.vector_load %arg7[%get3A_1206, %get3A_1207] {strides = array<i32>} : memref<120x64xf32, #tpu.memory_space<vmem>>, vector<1x16xf32>,
        %get3A_1209 = vector.shape_cast %get3A_1208 : vector<1x16xf32> to vector<16xf32>
        %add3A_1210 = arith.addf %add3A_1158, %get3A_1209 : vector<16xf32>
        %mul3A_1211 = arith.constant 15 : i32
        %mul3A_1212 = arith.muli %scan3A_501, %mul3A_1211 : i32
        %add3A_1213 = arith.constant 60 : i32
        %add3A_1214 = arith.addi %add3A_1213, %mul3A_1212 : i32
        %add3A_1215 = arith.constant 13 : i32
        %add3A_1216 = arith.addi %add3A_1214, %add3A_1215 : i32
        %get3A_1217 = arith.index_cast %add3A_1216 : i32 to index
        %get3A_1218 = arith.constant 0 : index
        %get3A_1219 = tpu.vector_load %arg7[%get3A_1217, %get3A_1218] {strides = array<i32>} : memref<120x64xf32, #tpu.memory_space<vmem>>, vector<1x16xf32>,
        %get3A_1220 = vector.shape_cast %get3A_1219 : vector<1x16xf32> to vector<16xf32>
        %add3A_1221 = arith.addf %add3A_1169, %get3A_1220 : vector<16xf32>
        %get3A_1222 = arith.index_cast %add3A_1216 : i32 to index
        %get3A_1223 = arith.constant 16 : index
        %get3A_1224 = tpu.vector_load %arg7[%get3A_1222, %get3A_1223] {strides = array<i32>} : memref<120x64xf32, #tpu.memory_space<vmem>>, vector<1x16xf32>,
        %get3A_1225 = vector.shape_cast %get3A_1224 : vector<1x16xf32> to vector<16xf32>
        %add3A_1226 = arith.addf %add3A_1174, %get3A_1225 : vector<16xf32>
        %get3A_1227 = arith.index_cast %add3A_1216 : i32 to index
        %get3A_1228 = arith.constant 32 : index
        %get3A_1229 = tpu.vector_load %arg7[%get3A_1227, %get3A_1228] {strides = array<i32>} : memref<120x64xf32, #tpu.memory_space<vmem>>, vector<1x16xf32>,
        %get3A_1230 = vector.shape_cast %get3A_1229 : vector<1x16xf32> to vector<16xf32>
        %add3A_1231 = arith.addf %add3A_1179, %get3A_1230 : vector<16xf32>
        %get3A_1232 = arith.index_cast %add3A_1216 : i32 to index
        %get3A_1233 = arith.constant 48 : index
        %get3A_1234 = tpu.vector_load %arg7[%get3A_1232, %get3A_1233] {strides = array<i32>} : memref<120x64xf32, #tpu.memory_space<vmem>>, vector<1x16xf32>,
        %get3A_1235 = vector.shape_cast %get3A_1234 : vector<1x16xf32> to vector<16xf32>
        %add3A_1236 = arith.addf %add3A_1184, %get3A_1235 : vector<16xf32>
        %mul3A_1237 = arith.constant 15 : i32
        %mul3A_1238 = arith.muli %scan3A_501, %mul3A_1237 : i32
        %add3A_1239 = arith.constant 0 : i32
        %add3A_1240 = arith.addi %add3A_1239, %mul3A_1238 : i32
        %add3A_1241 = arith.constant 14 : i32
        %add3A_1242 = arith.addi %add3A_1240, %add3A_1241 : i32
        %get3A_1243 = arith.index_cast %add3A_1242 : i32 to index
        %get3A_1244 = arith.constant 0 : index
        %get3A_1245 = tpu.vector_load %arg7[%get3A_1243, %get3A_1244] {strides = array<i32>} : memref<120x64xf32, #tpu.memory_space<vmem>>, vector<1x16xf32>,
        %get3A_1246 = vector.shape_cast %get3A_1245 : vector<1x16xf32> to vector<16xf32>
        %add3A_1247 = arith.addf %add3A_1195, %get3A_1246 : vector<16xf32>
        %get3A_1248 = arith.index_cast %add3A_1242 : i32 to index
        %get3A_1249 = arith.constant 16 : index
        %get3A_1250 = tpu.vector_load %arg7[%get3A_1248, %get3A_1249] {strides = array<i32>} : memref<120x64xf32, #tpu.memory_space<vmem>>, vector<1x16xf32>,
        %get3A_1251 = vector.shape_cast %get3A_1250 : vector<1x16xf32> to vector<16xf32>
        %add3A_1252 = arith.addf %add3A_1200, %get3A_1251 : vector<16xf32>
        %get3A_1253 = arith.index_cast %add3A_1242 : i32 to index
        %get3A_1254 = arith.constant 32 : index
        %get3A_1255 = tpu.vector_load %arg7[%get3A_1253, %get3A_1254] {strides = array<i32>} : memref<120x64xf32, #tpu.memory_space<vmem>>, vector<1x16xf32>,
        %get3A_1256 = vector.shape_cast %get3A_1255 : vector<1x16xf32> to vector<16xf32>
        %add3A_1257 = arith.addf %add3A_1205, %get3A_1256 : vector<16xf32>
        %get3A_1258 = arith.index_cast %add3A_1242 : i32 to index
        %get3A_1259 = arith.constant 48 : index
        %get3A_1260 = tpu.vector_load %arg7[%get3A_1258, %get3A_1259] {strides = array<i32>} : memref<120x64xf32, #tpu.memory_space<vmem>>, vector<1x16xf32>,
        %get3A_1261 = vector.shape_cast %get3A_1260 : vector<1x16xf32> to vector<16xf32>
        %add3A_1262 = arith.addf %add3A_1210, %get3A_1261 : vector<16xf32>
        %mul3A_1263 = arith.constant 15 : i32
        %mul3A_1264 = arith.muli %scan3A_501, %mul3A_1263 : i32
        %add3A_1265 = arith.constant 60 : i32
        %add3A_1266 = arith.addi %add3A_1265, %mul3A_1264 : i32
        %add3A_1267 = arith.constant 14 : i32
        %add3A_1268 = arith.addi %add3A_1266, %add3A_1267 : i32
        %get3A_1269 = arith.index_cast %add3A_1268 : i32 to index
        %get3A_1270 = arith.constant 0 : index
        %get3A_1271 = tpu.vector_load %arg7[%get3A_1269, %get3A_1270] {strides = array<i32>} : memref<120x64xf32, #tpu.memory_space<vmem>>, vector<1x16xf32>,
        %get3A_1272 = vector.shape_cast %get3A_1271 : vector<1x16xf32> to vector<16xf32>
        %add3A_1273 = arith.addf %add3A_1221, %get3A_1272 : vector<16xf32>
        %get3A_1274 = arith.index_cast %add3A_1268 : i32 to index
        %get3A_1275 = arith.constant 16 : index
        %get3A_1276 = tpu.vector_load %arg7[%get3A_1274, %get3A_1275] {strides = array<i32>} : memref<120x64xf32, #tpu.memory_space<vmem>>, vector<1x16xf32>,
        %get3A_1277 = vector.shape_cast %get3A_1276 : vector<1x16xf32> to vector<16xf32>
        %add3A_1278 = arith.addf %add3A_1226, %get3A_1277 : vector<16xf32>
        %get3A_1279 = arith.index_cast %add3A_1268 : i32 to index
        %get3A_1280 = arith.constant 32 : index
        %get3A_1281 = tpu.vector_load %arg7[%get3A_1279, %get3A_1280] {strides = array<i32>} : memref<120x64xf32, #tpu.memory_space<vmem>>, vector<1x16xf32>,
        %get3A_1282 = vector.shape_cast %get3A_1281 : vector<1x16xf32> to vector<16xf32>
        %add3A_1283 = arith.addf %add3A_1231, %get3A_1282 : vector<16xf32>
        %get3A_1284 = arith.index_cast %add3A_1268 : i32 to index
        %get3A_1285 = arith.constant 48 : index
        %get3A_1286 = tpu.vector_load %arg7[%get3A_1284, %get3A_1285] {strides = array<i32>} : memref<120x64xf32, #tpu.memory_space<vmem>>, vector<1x16xf32>,
        %get3A_1287 = vector.shape_cast %get3A_1286 : vector<1x16xf32> to vector<16xf32>
        %add3A_1288 = arith.addf %add3A_1236, %get3A_1287 : vector<16xf32>
        scf.yield %add3A_1247, %add3A_1252, %add3A_1257, %add3A_1262, %add3A_1273, %add3A_1278, %add3A_1283, %add3A_1288 : vector<16xf32>, vector<16xf32>, vector<16xf32>, vector<16xf32>, vector<16xf32>, vector<16xf32>, vector<16xf32>, vector<16xf32>
      }
      %scan3A_69 = arith.constant 4 : i32
      %add3A_70 = arith.constant 4 : i32
      %add3A_71 = arith.addi %add3A_57, %add3A_70 : i32
      %lt3A = arith.constant 336 : i32
      %lt3A_72 = arith.cmpi slt, %add3A_71, %lt3A : i32
      %convert_element_type3A = arith.extui %lt3A_72 : i1 to i32
      %cond3A = arith.constant 0 : i32
      %cond3A_73 = arith.cmpi ne, %convert_element_type3A, %cond3A : i32
      scf.if %cond3A_73 {
        %add3A_501 = arith.constant 4 : i32
        %add3A_502 = arith.addi %add3A_57, %add3A_501 : i32
        %mul3A_503 = arith.constant 120 : i32
        %mul3A_504 = arith.muli %add3A_502, %mul3A_503 : i32
        %dma_start3A_505 = tpu.memref_slice %arg6[%mul3A_504] : memref<40320xi32, #tpu.memory_space<vmem>> -> memref<120xi32, #tpu.memory_space<vmem>>
        %dma_start3A_506 = arith.constant 0 : i32
        %dma_start3A_507 = arith.constant 0 : i32
        %dma_start3A_508 = tpu.memref_slice %arg3[%dma_start3A_506, %dma_start3A_507] : memref<100000x64xf32, #tpu.memory_space<hbm>> -> memref<100000x64xf32, #tpu.memory_space<hbm>>
        tpu.enqueue_indirect_dma source(%dma_start3A_508 : memref<100000x64xf32, #tpu.memory_space<hbm>>) target(%arg7 : memref<120x64xf32, #tpu.memory_space<vmem>>) offsets(%dma_start3A_505 : memref<120xi32, #tpu.memory_space<vmem>>) semaphore(%arg15 : memref<!tpu.dma_semaphore, #tpu.memory_space<semaphore_mem>>)
      } else {
      }
      %ge3A = arith.constant 4 : i32
      %ge3A_74 = arith.cmpi sge, %add3A_57, %ge3A : i32
      %convert_element_type3A_75 = arith.extui %ge3A_74 : i1 to i32
      %cond3A_76 = arith.constant 0 : i32
      %cond3A_77 = arith.cmpi ne, %convert_element_type3A_75, %cond3A_76 : i32
      scf.if %cond3A_77 {
        %dma_wait3A_501 = arith.constant 0 : i32
        %dma_wait3A_502 = arith.constant 0 : i32
        %dma_wait3A_503 = tpu.memref_slice %arg4[%dma_wait3A_501, %dma_wait3A_502] : memref<1024x64xf32, #tpu.memory_space<hbm>> -> memref<2x64xf32, #tpu.memory_space<hbm>>
        %dma_wait3A_504 = arith.constant 0 : i32
        %dma_wait3A_505 = arith.constant 0 : i32
        %dma_wait3A_506 = tpu.memref_slice %arg4[%dma_wait3A_504, %dma_wait3A_505] : memref<1024x64xf32, #tpu.memory_space<hbm>> -> memref<2x64xf32, #tpu.memory_space<hbm>>
        tpu.wait_dma2 semaphore(%arg19 : memref<!tpu.dma_semaphore, #tpu.memory_space<semaphore_mem>>) src(%arg11 : memref<2x64xf32, #tpu.memory_space<vmem>>) dst(%dma_wait3A_506 : memref<2x64xf32, #tpu.memory_space<hbm>>)
      } else {
      }
      %mul3A_78 = arith.constant 5.000000e-02 : f32
      %mul3A_79 = vector.broadcast %mul3A_78 : f32 to vector<16xf32>
      %mul3A_80 = arith.mulf %scan3A_68#0, %mul3A_79 : vector<16xf32>
      %swap3A = arith.constant 0 : i32
      %swap3A_81 = arith.index_cast %swap3A : i32 to index
      %swap3A_82 = arith.constant 0 : index
      %swap3A_83 = tpu.vector_load %arg11[%swap3A_81, %swap3A_82] {strides = array<i32>} : memref<2x64xf32, #tpu.memory_space<vmem>>, vector<1x16xf32>,
      %swap3A_84 = vector.shape_cast %swap3A_83 : vector<1x16xf32> to vector<16xf32>
      %swap3A_85 = vector.shape_cast %mul3A_80 : vector<16xf32> to vector<1x16xf32>
      tpu.vector_store %arg11[%swap3A_81, %swap3A_82], %swap3A_85 {strides = array<i32>} : memref<2x64xf32, #tpu.memory_space<vmem>>, vector<1x16xf32>,
      %mul3A_86 = arith.constant 5.000000e-02 : f32
      %mul3A_87 = vector.broadcast %mul3A_86 : f32 to vector<16xf32>
      %mul3A_88 = arith.mulf %scan3A_68#1, %mul3A_87 : vector<16xf32>
      %swap3A_89 = arith.constant 0 : i32
      %swap3A_90 = arith.index_cast %swap3A_89 : i32 to index
      %swap3A_91 = arith.constant 16 : index
      %swap3A_92 = tpu.vector_load %arg11[%swap3A_90, %swap3A_91] {strides = array<i32>} : memref<2x64xf32, #tpu.memory_space<vmem>>, vector<1x16xf32>,
      %swap3A_93 = vector.shape_cast %swap3A_92 : vector<1x16xf32> to vector<16xf32>
      %swap3A_94 = vector.shape_cast %mul3A_88 : vector<16xf32> to vector<1x16xf32>
      tpu.vector_store %arg11[%swap3A_90, %swap3A_91], %swap3A_94 {strides = array<i32>} : memref<2x64xf32, #tpu.memory_space<vmem>>, vector<1x16xf32>,
      %mul3A_95 = arith.constant 5.000000e-02 : f32
      %mul3A_96 = vector.broadcast %mul3A_95 : f32 to vector<16xf32>
      %mul3A_97 = arith.mulf %scan3A_68#2, %mul3A_96 : vector<16xf32>
      %swap3A_98 = arith.constant 0 : i32
      %swap3A_99 = arith.index_cast %swap3A_98 : i32 to index
      %swap3A_100 = arith.constant 32 : index
      %swap3A_101 = tpu.vector_load %arg11[%swap3A_99, %swap3A_100] {strides = array<i32>} : memref<2x64xf32, #tpu.memory_space<vmem>>, vector<1x16xf32>,
      %swap3A_102 = vector.shape_cast %swap3A_101 : vector<1x16xf32> to vector<16xf32>
      %swap3A_103 = vector.shape_cast %mul3A_97 : vector<16xf32> to vector<1x16xf32>
      tpu.vector_store %arg11[%swap3A_99, %swap3A_100], %swap3A_103 {strides = array<i32>} : memref<2x64xf32, #tpu.memory_space<vmem>>, vector<1x16xf32>,
      %mul3A_104 = arith.constant 5.000000e-02 : f32
      %mul3A_105 = vector.broadcast %mul3A_104 : f32 to vector<16xf32>
      %mul3A_106 = arith.mulf %scan3A_68#3, %mul3A_105 : vector<16xf32>
      %swap3A_107 = arith.constant 0 : i32
      %swap3A_108 = arith.index_cast %swap3A_107 : i32 to index
      %swap3A_109 = arith.constant 48 : index
      %swap3A_110 = tpu.vector_load %arg11[%swap3A_108, %swap3A_109] {strides = array<i32>} : memref<2x64xf32, #tpu.memory_space<vmem>>, vector<1x16xf32>,
      %swap3A_111 = vector.shape_cast %swap3A_110 : vector<1x16xf32> to vector<16xf32>
      %swap3A_112 = vector.shape_cast %mul3A_106 : vector<16xf32> to vector<1x16xf32>
      tpu.vector_store %arg11[%swap3A_108, %swap3A_109], %swap3A_112 {strides = array<i32>} : memref<2x64xf32, #tpu.memory_space<vmem>>, vector<1x16xf32>,
      %mul3A_113 = arith.constant 5.000000e-02 : f32
      %mul3A_114 = vector.broadcast %mul3A_113 : f32 to vector<16xf32>
      %mul3A_115 = arith.mulf %scan3A_68#4, %mul3A_114 : vector<16xf32>
      %swap3A_116 = arith.constant 1 : i32
      %swap3A_117 = arith.index_cast %swap3A_116 : i32 to index
      %swap3A_118 = arith.constant 0 : index
      %swap3A_119 = tpu.vector_load %arg11[%swap3A_117, %swap3A_118] {strides = array<i32>} : memref<2x64xf32, #tpu.memory_space<vmem>>, vector<1x16xf32>,
      %swap3A_120 = vector.shape_cast %swap3A_119 : vector<1x16xf32> to vector<16xf32>
      %swap3A_121 = vector.shape_cast %mul3A_115 : vector<16xf32> to vector<1x16xf32>
      tpu.vector_store %arg11[%swap3A_117, %swap3A_118], %swap3A_121 {strides = array<i32>} : memref<2x64xf32, #tpu.memory_space<vmem>>, vector<1x16xf32>,
      %mul3A_122 = arith.constant 5.000000e-02 : f32
      %mul3A_123 = vector.broadcast %mul3A_122 : f32 to vector<16xf32>
      %mul3A_124 = arith.mulf %scan3A_68#5, %mul3A_123 : vector<16xf32>
      %swap3A_125 = arith.constant 1 : i32
      %swap3A_126 = arith.index_cast %swap3A_125 : i32 to index
      %swap3A_127 = arith.constant 16 : index
      %swap3A_128 = tpu.vector_load %arg11[%swap3A_126, %swap3A_127] {strides = array<i32>} : memref<2x64xf32, #tpu.memory_space<vmem>>, vector<1x16xf32>,
      %swap3A_129 = vector.shape_cast %swap3A_128 : vector<1x16xf32> to vector<16xf32>
      %swap3A_130 = vector.shape_cast %mul3A_124 : vector<16xf32> to vector<1x16xf32>
      tpu.vector_store %arg11[%swap3A_126, %swap3A_127], %swap3A_130 {strides = array<i32>} : memref<2x64xf32, #tpu.memory_space<vmem>>, vector<1x16xf32>,
      %mul3A_131 = arith.constant 5.000000e-02 : f32
      %mul3A_132 = vector.broadcast %mul3A_131 : f32 to vector<16xf32>
      %mul3A_133 = arith.mulf %scan3A_68#6, %mul3A_132 : vector<16xf32>
      %swap3A_134 = arith.constant 1 : i32
      %swap3A_135 = arith.index_cast %swap3A_134 : i32 to index
      %swap3A_136 = arith.constant 32 : index
      %swap3A_137 = tpu.vector_load %arg11[%swap3A_135, %swap3A_136] {strides = array<i32>} : memref<2x64xf32, #tpu.memory_space<vmem>>, vector<1x16xf32>,
      %swap3A_138 = vector.shape_cast %swap3A_137 : vector<1x16xf32> to vector<16xf32>
      %swap3A_139 = vector.shape_cast %mul3A_133 : vector<16xf32> to vector<1x16xf32>
      tpu.vector_store %arg11[%swap3A_135, %swap3A_136], %swap3A_139 {strides = array<i32>} : memref<2x64xf32, #tpu.memory_space<vmem>>, vector<1x16xf32>,
      %mul3A_140 = arith.constant 5.000000e-02 : f32
      %mul3A_141 = vector.broadcast %mul3A_140 : f32 to vector<16xf32>
      %mul3A_142 = arith.mulf %scan3A_68#7, %mul3A_141 : vector<16xf32>
      %swap3A_143 = arith.constant 1 : i32
      %swap3A_144 = arith.index_cast %swap3A_143 : i32 to index
      %swap3A_145 = arith.constant 48 : index
      %swap3A_146 = tpu.vector_load %arg11[%swap3A_144, %swap3A_145] {strides = array<i32>} : memref<2x64xf32, #tpu.memory_space<vmem>>, vector<1x16xf32>,
      %swap3A_147 = vector.shape_cast %swap3A_146 : vector<1x16xf32> to vector<16xf32>
      %swap3A_148 = vector.shape_cast %mul3A_142 : vector<16xf32> to vector<1x16xf32>
      tpu.vector_store %arg11[%swap3A_144, %swap3A_145], %swap3A_148 {strides = array<i32>} : memref<2x64xf32, #tpu.memory_space<vmem>>, vector<1x16xf32>,
      %mul3A_149 = arith.constant 2 : i32
      %mul3A_150 = arith.muli %add3A_57, %mul3A_149 : i32
      %add3A_151 = arith.addi %mul3A_2, %mul3A_150 : i32
      %lt3A_152 = arith.constant 1024 : i32
      %lt3A_153 = arith.cmpi slt, %add3A_151, %lt3A_152 : i32
      %convert_element_type3A_154 = arith.extui %lt3A_153 : i1 to i32
      %cond3A_155 = arith.constant 0 : i32
      %cond3A_156 = arith.cmpi ne, %convert_element_type3A_154, %cond3A_155 : i32
      scf.if %cond3A_156 {
        %dma_start3A_501 = arith.constant 0 : i32
        %dma_start3A_502 = tpu.memref_slice %arg4[%add3A_151, %dma_start3A_501] : memref<1024x64xf32, #tpu.memory_space<hbm>> -> memref<2x64xf32, #tpu.memory_space<hbm>>
        %dma_start3A_503 = arith.constant 0 : i32
        %dma_start3A_504 = tpu.memref_slice %arg4[%add3A_151, %dma_start3A_503] : memref<1024x64xf32, #tpu.memory_space<hbm>> -> memref<2x64xf32, #tpu.memory_space<hbm>>
        tpu.enqueue_dma source(%arg11 : memref<2x64xf32, #tpu.memory_space<vmem>>) target(%dma_start3A_504 : memref<2x64xf32, #tpu.memory_space<hbm>>) target_semaphore(%arg19 : memref<!tpu.dma_semaphore, #tpu.memory_space<semaphore_mem>>)
      } else {
      }
      %ge3A_157 = arith.constant 1024 : i32
      %ge3A_158 = arith.cmpi sge, %add3A_151, %ge3A_157 : i32
      %convert_element_type3A_159 = arith.extui %ge3A_158 : i1 to i32
      %cond3A_160 = arith.constant 0 : i32
      %cond3A_161 = arith.cmpi ne, %convert_element_type3A_159, %cond3A_160 : i32
      scf.if %cond3A_161 {
        %sub3A = arith.constant 1024 : i32
        %sub3A_501 = arith.subi %add3A_151, %sub3A : i32
        %dma_start3A_502 = arith.constant 0 : i32
        %dma_start3A_503 = tpu.memref_slice %arg5[%sub3A_501, %dma_start3A_502] : memref<20480x64xf32, #tpu.memory_space<hbm>> -> memref<2x64xf32, #tpu.memory_space<hbm>>
        %dma_start3A_504 = arith.constant 0 : i32
        %dma_start3A_505 = tpu.memref_slice %arg5[%sub3A_501, %dma_start3A_504] : memref<20480x64xf32, #tpu.memory_space<hbm>> -> memref<2x64xf32, #tpu.memory_space<hbm>>
        tpu.enqueue_dma source(%arg11 : memref<2x64xf32, #tpu.memory_space<vmem>>) target(%dma_start3A_505 : memref<2x64xf32, #tpu.memory_space<hbm>>) target_semaphore(%arg19 : memref<!tpu.dma_semaphore, #tpu.memory_space<semaphore_mem>>)
      } else {
      }
      %mul3A_162 = arith.constant 4 : i32
      %mul3A_163 = arith.muli %mul3A_162, %scan3A_53 : i32
      %add3A_164 = arith.constant 1 : i32
      %add3A_165 = arith.addi %mul3A_163, %add3A_164 : i32
      %mul3A_166 = arith.constant 120 : i32
      %mul3A_167 = arith.muli %add3A_165, %mul3A_166 : i32
      %dma_wait3A_168 = tpu.memref_slice %arg6[%mul3A_167] : memref<40320xi32, #tpu.memory_space<vmem>> -> memref<120xi32, #tpu.memory_space<vmem>>
      %dma_wait3A_169 = arith.constant 0 : i32
      %dma_wait3A_170 = arith.constant 0 : i32
      %dma_wait3A_171 = tpu.memref_slice %arg3[%dma_wait3A_169, %dma_wait3A_170] : memref<100000x64xf32, #tpu.memory_space<hbm>> -> memref<100000x64xf32, #tpu.memory_space<hbm>>
      tpu.wait_indirect_dma semaphore(%arg16 : memref<!tpu.dma_semaphore, #tpu.memory_space<semaphore_mem>>) src(%dma_wait3A_171 : memref<100000x64xf32, #tpu.memory_space<hbm>>) dst(%arg8 : memref<120x64xf32, #tpu.memory_space<vmem>>)
      %scan3A_172 = arith.constant 0 : i32
      %scan3A_173 = arith.constant 4 : i32
      %scan3A_174 = arith.addi %scan3A_172, %scan3A_173 : i32
      %scan3A_175 = arith.constant 1 : i32
      %scan3A_176:8 = scf.for %scan3A_501 = %scan3A_172 to %scan3A_174 step %scan3A_175 iter_args(%scan3A_502 = %broadcast_in_dim3A_24, %scan3A_503 = %broadcast_in_dim3A_24, %scan3A_504 = %broadcast_in_dim3A_24, %scan3A_505 = %broadcast_in_dim3A_24, %scan3A_506 = %broadcast_in_dim3A_24, %scan3A_507 = %broadcast_in_dim3A_24, %scan3A_508 = %broadcast_in_dim3A_24, %scan3A_509 = %broadcast_in_dim3A_24) -> (vector<16xf32>, vector<16xf32>, vector<16xf32>, vector<16xf32>, vector<16xf32>, vector<16xf32>, vector<16xf32>, vector<16xf32>)  : i32 {
        %mul3A_510 = arith.constant 15 : i32
        %mul3A_511 = arith.muli %scan3A_501, %mul3A_510 : i32
        %add3A_512 = arith.constant 0 : i32
        %add3A_513 = arith.addi %add3A_512, %mul3A_511 : i32
        %add3A_514 = arith.constant 0 : i32
        %add3A_515 = arith.addi %add3A_513, %add3A_514 : i32
        %get3A = arith.index_cast %add3A_515 : i32 to index
        %get3A_516 = arith.constant 0 : index
        %get3A_517 = tpu.vector_load %arg8[%get3A, %get3A_516] {strides = array<i32>} : memref<120x64xf32, #tpu.memory_space<vmem>>, vector<1x16xf32>,
        %get3A_518 = vector.shape_cast %get3A_517 : vector<1x16xf32> to vector<16xf32>
        %add3A_519 = arith.addf %scan3A_502, %get3A_518 : vector<16xf32>
        %get3A_520 = arith.index_cast %add3A_515 : i32 to index
        %get3A_521 = arith.constant 16 : index
        %get3A_522 = tpu.vector_load %arg8[%get3A_520, %get3A_521] {strides = array<i32>} : memref<120x64xf32, #tpu.memory_space<vmem>>, vector<1x16xf32>,
        %get3A_523 = vector.shape_cast %get3A_522 : vector<1x16xf32> to vector<16xf32>
        %add3A_524 = arith.addf %scan3A_503, %get3A_523 : vector<16xf32>
        %get3A_525 = arith.index_cast %add3A_515 : i32 to index
        %get3A_526 = arith.constant 32 : index
        %get3A_527 = tpu.vector_load %arg8[%get3A_525, %get3A_526] {strides = array<i32>} : memref<120x64xf32, #tpu.memory_space<vmem>>, vector<1x16xf32>,
        %get3A_528 = vector.shape_cast %get3A_527 : vector<1x16xf32> to vector<16xf32>
        %add3A_529 = arith.addf %scan3A_504, %get3A_528 : vector<16xf32>
        %get3A_530 = arith.index_cast %add3A_515 : i32 to index
        %get3A_531 = arith.constant 48 : index
        %get3A_532 = tpu.vector_load %arg8[%get3A_530, %get3A_531] {strides = array<i32>} : memref<120x64xf32, #tpu.memory_space<vmem>>, vector<1x16xf32>,
        %get3A_533 = vector.shape_cast %get3A_532 : vector<1x16xf32> to vector<16xf32>
        %add3A_534 = arith.addf %scan3A_505, %get3A_533 : vector<16xf32>
        %mul3A_535 = arith.constant 15 : i32
        %mul3A_536 = arith.muli %scan3A_501, %mul3A_535 : i32
        %add3A_537 = arith.constant 60 : i32
        %add3A_538 = arith.addi %add3A_537, %mul3A_536 : i32
        %add3A_539 = arith.constant 0 : i32
        %add3A_540 = arith.addi %add3A_538, %add3A_539 : i32
        %get3A_541 = arith.index_cast %add3A_540 : i32 to index
        %get3A_542 = arith.constant 0 : index
        %get3A_543 = tpu.vector_load %arg8[%get3A_541, %get3A_542] {strides = array<i32>} : memref<120x64xf32, #tpu.memory_space<vmem>>, vector<1x16xf32>,
        %get3A_544 = vector.shape_cast %get3A_543 : vector<1x16xf32> to vector<16xf32>
        %add3A_545 = arith.addf %scan3A_506, %get3A_544 : vector<16xf32>
        %get3A_546 = arith.index_cast %add3A_540 : i32 to index
        %get3A_547 = arith.constant 16 : index
        %get3A_548 = tpu.vector_load %arg8[%get3A_546, %get3A_547] {strides = array<i32>} : memref<120x64xf32, #tpu.memory_space<vmem>>, vector<1x16xf32>,
        %get3A_549 = vector.shape_cast %get3A_548 : vector<1x16xf32> to vector<16xf32>
        %add3A_550 = arith.addf %scan3A_507, %get3A_549 : vector<16xf32>
        %get3A_551 = arith.index_cast %add3A_540 : i32 to index
        %get3A_552 = arith.constant 32 : index
        %get3A_553 = tpu.vector_load %arg8[%get3A_551, %get3A_552] {strides = array<i32>} : memref<120x64xf32, #tpu.memory_space<vmem>>, vector<1x16xf32>,
        %get3A_554 = vector.shape_cast %get3A_553 : vector<1x16xf32> to vector<16xf32>
        %add3A_555 = arith.addf %scan3A_508, %get3A_554 : vector<16xf32>
        %get3A_556 = arith.index_cast %add3A_540 : i32 to index
        %get3A_557 = arith.constant 48 : index
        %get3A_558 = tpu.vector_load %arg8[%get3A_556, %get3A_557] {strides = array<i32>} : memref<120x64xf32, #tpu.memory_space<vmem>>, vector<1x16xf32>,
        %get3A_559 = vector.shape_cast %get3A_558 : vector<1x16xf32> to vector<16xf32>
        %add3A_560 = arith.addf %scan3A_509, %get3A_559 : vector<16xf32>
        %mul3A_561 = arith.constant 15 : i32
        %mul3A_562 = arith.muli %scan3A_501, %mul3A_561 : i32
        %add3A_563 = arith.constant 0 : i32
        %add3A_564 = arith.addi %add3A_563, %mul3A_562 : i32
        %add3A_565 = arith.constant 1 : i32
        %add3A_566 = arith.addi %add3A_564, %add3A_565 : i32
        %get3A_567 = arith.index_cast %add3A_566 : i32 to index
        %get3A_568 = arith.constant 0 : index
        %get3A_569 = tpu.vector_load %arg8[%get3A_567, %get3A_568] {strides = array<i32>} : memref<120x64xf32, #tpu.memory_space<vmem>>, vector<1x16xf32>,
        %get3A_570 = vector.shape_cast %get3A_569 : vector<1x16xf32> to vector<16xf32>
        %add3A_571 = arith.addf %add3A_519, %get3A_570 : vector<16xf32>
        %get3A_572 = arith.index_cast %add3A_566 : i32 to index
        %get3A_573 = arith.constant 16 : index
        %get3A_574 = tpu.vector_load %arg8[%get3A_572, %get3A_573] {strides = array<i32>} : memref<120x64xf32, #tpu.memory_space<vmem>>, vector<1x16xf32>,
        %get3A_575 = vector.shape_cast %get3A_574 : vector<1x16xf32> to vector<16xf32>
        %add3A_576 = arith.addf %add3A_524, %get3A_575 : vector<16xf32>
        %get3A_577 = arith.index_cast %add3A_566 : i32 to index
        %get3A_578 = arith.constant 32 : index
        %get3A_579 = tpu.vector_load %arg8[%get3A_577, %get3A_578] {strides = array<i32>} : memref<120x64xf32, #tpu.memory_space<vmem>>, vector<1x16xf32>,
        %get3A_580 = vector.shape_cast %get3A_579 : vector<1x16xf32> to vector<16xf32>
        %add3A_581 = arith.addf %add3A_529, %get3A_580 : vector<16xf32>
        %get3A_582 = arith.index_cast %add3A_566 : i32 to index
        %get3A_583 = arith.constant 48 : index
        %get3A_584 = tpu.vector_load %arg8[%get3A_582, %get3A_583] {strides = array<i32>} : memref<120x64xf32, #tpu.memory_space<vmem>>, vector<1x16xf32>,
        %get3A_585 = vector.shape_cast %get3A_584 : vector<1x16xf32> to vector<16xf32>
        %add3A_586 = arith.addf %add3A_534, %get3A_585 : vector<16xf32>
        %mul3A_587 = arith.constant 15 : i32
        %mul3A_588 = arith.muli %scan3A_501, %mul3A_587 : i32
        %add3A_589 = arith.constant 60 : i32
        %add3A_590 = arith.addi %add3A_589, %mul3A_588 : i32
        %add3A_591 = arith.constant 1 : i32
        %add3A_592 = arith.addi %add3A_590, %add3A_591 : i32
        %get3A_593 = arith.index_cast %add3A_592 : i32 to index
        %get3A_594 = arith.constant 0 : index
        %get3A_595 = tpu.vector_load %arg8[%get3A_593, %get3A_594] {strides = array<i32>} : memref<120x64xf32, #tpu.memory_space<vmem>>, vector<1x16xf32>,
        %get3A_596 = vector.shape_cast %get3A_595 : vector<1x16xf32> to vector<16xf32>
        %add3A_597 = arith.addf %add3A_545, %get3A_596 : vector<16xf32>
        %get3A_598 = arith.index_cast %add3A_592 : i32 to index
        %get3A_599 = arith.constant 16 : index
        %get3A_600 = tpu.vector_load %arg8[%get3A_598, %get3A_599] {strides = array<i32>} : memref<120x64xf32, #tpu.memory_space<vmem>>, vector<1x16xf32>,
        %get3A_601 = vector.shape_cast %get3A_600 : vector<1x16xf32> to vector<16xf32>
        %add3A_602 = arith.addf %add3A_550, %get3A_601 : vector<16xf32>
        %get3A_603 = arith.index_cast %add3A_592 : i32 to index
        %get3A_604 = arith.constant 32 : index
        %get3A_605 = tpu.vector_load %arg8[%get3A_603, %get3A_604] {strides = array<i32>} : memref<120x64xf32, #tpu.memory_space<vmem>>, vector<1x16xf32>,
        %get3A_606 = vector.shape_cast %get3A_605 : vector<1x16xf32> to vector<16xf32>
        %add3A_607 = arith.addf %add3A_555, %get3A_606 : vector<16xf32>
        %get3A_608 = arith.index_cast %add3A_592 : i32 to index
        %get3A_609 = arith.constant 48 : index
        %get3A_610 = tpu.vector_load %arg8[%get3A_608, %get3A_609] {strides = array<i32>} : memref<120x64xf32, #tpu.memory_space<vmem>>, vector<1x16xf32>,
        %get3A_611 = vector.shape_cast %get3A_610 : vector<1x16xf32> to vector<16xf32>
        %add3A_612 = arith.addf %add3A_560, %get3A_611 : vector<16xf32>
        %mul3A_613 = arith.constant 15 : i32
        %mul3A_614 = arith.muli %scan3A_501, %mul3A_613 : i32
        %add3A_615 = arith.constant 0 : i32
        %add3A_616 = arith.addi %add3A_615, %mul3A_614 : i32
        %add3A_617 = arith.constant 2 : i32
        %add3A_618 = arith.addi %add3A_616, %add3A_617 : i32
        %get3A_619 = arith.index_cast %add3A_618 : i32 to index
        %get3A_620 = arith.constant 0 : index
        %get3A_621 = tpu.vector_load %arg8[%get3A_619, %get3A_620] {strides = array<i32>} : memref<120x64xf32, #tpu.memory_space<vmem>>, vector<1x16xf32>,
        %get3A_622 = vector.shape_cast %get3A_621 : vector<1x16xf32> to vector<16xf32>
        %add3A_623 = arith.addf %add3A_571, %get3A_622 : vector<16xf32>
        %get3A_624 = arith.index_cast %add3A_618 : i32 to index
        %get3A_625 = arith.constant 16 : index
        %get3A_626 = tpu.vector_load %arg8[%get3A_624, %get3A_625] {strides = array<i32>} : memref<120x64xf32, #tpu.memory_space<vmem>>, vector<1x16xf32>,
        %get3A_627 = vector.shape_cast %get3A_626 : vector<1x16xf32> to vector<16xf32>
        %add3A_628 = arith.addf %add3A_576, %get3A_627 : vector<16xf32>
        %get3A_629 = arith.index_cast %add3A_618 : i32 to index
        %get3A_630 = arith.constant 32 : index
        %get3A_631 = tpu.vector_load %arg8[%get3A_629, %get3A_630] {strides = array<i32>} : memref<120x64xf32, #tpu.memory_space<vmem>>, vector<1x16xf32>,
        %get3A_632 = vector.shape_cast %get3A_631 : vector<1x16xf32> to vector<16xf32>
        %add3A_633 = arith.addf %add3A_581, %get3A_632 : vector<16xf32>
        %get3A_634 = arith.index_cast %add3A_618 : i32 to index
        %get3A_635 = arith.constant 48 : index
        %get3A_636 = tpu.vector_load %arg8[%get3A_634, %get3A_635] {strides = array<i32>} : memref<120x64xf32, #tpu.memory_space<vmem>>, vector<1x16xf32>,
        %get3A_637 = vector.shape_cast %get3A_636 : vector<1x16xf32> to vector<16xf32>
        %add3A_638 = arith.addf %add3A_586, %get3A_637 : vector<16xf32>
        %mul3A_639 = arith.constant 15 : i32
        %mul3A_640 = arith.muli %scan3A_501, %mul3A_639 : i32
        %add3A_641 = arith.constant 60 : i32
        %add3A_642 = arith.addi %add3A_641, %mul3A_640 : i32
        %add3A_643 = arith.constant 2 : i32
        %add3A_644 = arith.addi %add3A_642, %add3A_643 : i32
        %get3A_645 = arith.index_cast %add3A_644 : i32 to index
        %get3A_646 = arith.constant 0 : index
        %get3A_647 = tpu.vector_load %arg8[%get3A_645, %get3A_646] {strides = array<i32>} : memref<120x64xf32, #tpu.memory_space<vmem>>, vector<1x16xf32>,
        %get3A_648 = vector.shape_cast %get3A_647 : vector<1x16xf32> to vector<16xf32>
        %add3A_649 = arith.addf %add3A_597, %get3A_648 : vector<16xf32>
        %get3A_650 = arith.index_cast %add3A_644 : i32 to index
        %get3A_651 = arith.constant 16 : index
        %get3A_652 = tpu.vector_load %arg8[%get3A_650, %get3A_651] {strides = array<i32>} : memref<120x64xf32, #tpu.memory_space<vmem>>, vector<1x16xf32>,
        %get3A_653 = vector.shape_cast %get3A_652 : vector<1x16xf32> to vector<16xf32>
        %add3A_654 = arith.addf %add3A_602, %get3A_653 : vector<16xf32>
        %get3A_655 = arith.index_cast %add3A_644 : i32 to index
        %get3A_656 = arith.constant 32 : index
        %get3A_657 = tpu.vector_load %arg8[%get3A_655, %get3A_656] {strides = array<i32>} : memref<120x64xf32, #tpu.memory_space<vmem>>, vector<1x16xf32>,
        %get3A_658 = vector.shape_cast %get3A_657 : vector<1x16xf32> to vector<16xf32>
        %add3A_659 = arith.addf %add3A_607, %get3A_658 : vector<16xf32>
        %get3A_660 = arith.index_cast %add3A_644 : i32 to index
        %get3A_661 = arith.constant 48 : index
        %get3A_662 = tpu.vector_load %arg8[%get3A_660, %get3A_661] {strides = array<i32>} : memref<120x64xf32, #tpu.memory_space<vmem>>, vector<1x16xf32>,
        %get3A_663 = vector.shape_cast %get3A_662 : vector<1x16xf32> to vector<16xf32>
        %add3A_664 = arith.addf %add3A_612, %get3A_663 : vector<16xf32>
        %mul3A_665 = arith.constant 15 : i32
        %mul3A_666 = arith.muli %scan3A_501, %mul3A_665 : i32
        %add3A_667 = arith.constant 0 : i32
        %add3A_668 = arith.addi %add3A_667, %mul3A_666 : i32
        %add3A_669 = arith.constant 3 : i32
        %add3A_670 = arith.addi %add3A_668, %add3A_669 : i32
        %get3A_671 = arith.index_cast %add3A_670 : i32 to index
        %get3A_672 = arith.constant 0 : index
        %get3A_673 = tpu.vector_load %arg8[%get3A_671, %get3A_672] {strides = array<i32>} : memref<120x64xf32, #tpu.memory_space<vmem>>, vector<1x16xf32>,
        %get3A_674 = vector.shape_cast %get3A_673 : vector<1x16xf32> to vector<16xf32>
        %add3A_675 = arith.addf %add3A_623, %get3A_674 : vector<16xf32>
        %get3A_676 = arith.index_cast %add3A_670 : i32 to index
        %get3A_677 = arith.constant 16 : index
        %get3A_678 = tpu.vector_load %arg8[%get3A_676, %get3A_677] {strides = array<i32>} : memref<120x64xf32, #tpu.memory_space<vmem>>, vector<1x16xf32>,
        %get3A_679 = vector.shape_cast %get3A_678 : vector<1x16xf32> to vector<16xf32>
        %add3A_680 = arith.addf %add3A_628, %get3A_679 : vector<16xf32>
        %get3A_681 = arith.index_cast %add3A_670 : i32 to index
        %get3A_682 = arith.constant 32 : index
        %get3A_683 = tpu.vector_load %arg8[%get3A_681, %get3A_682] {strides = array<i32>} : memref<120x64xf32, #tpu.memory_space<vmem>>, vector<1x16xf32>,
        %get3A_684 = vector.shape_cast %get3A_683 : vector<1x16xf32> to vector<16xf32>
        %add3A_685 = arith.addf %add3A_633, %get3A_684 : vector<16xf32>
        %get3A_686 = arith.index_cast %add3A_670 : i32 to index
        %get3A_687 = arith.constant 48 : index
        %get3A_688 = tpu.vector_load %arg8[%get3A_686, %get3A_687] {strides = array<i32>} : memref<120x64xf32, #tpu.memory_space<vmem>>, vector<1x16xf32>,
        %get3A_689 = vector.shape_cast %get3A_688 : vector<1x16xf32> to vector<16xf32>
        %add3A_690 = arith.addf %add3A_638, %get3A_689 : vector<16xf32>
        %mul3A_691 = arith.constant 15 : i32
        %mul3A_692 = arith.muli %scan3A_501, %mul3A_691 : i32
        %add3A_693 = arith.constant 60 : i32
        %add3A_694 = arith.addi %add3A_693, %mul3A_692 : i32
        %add3A_695 = arith.constant 3 : i32
        %add3A_696 = arith.addi %add3A_694, %add3A_695 : i32
        %get3A_697 = arith.index_cast %add3A_696 : i32 to index
        %get3A_698 = arith.constant 0 : index
        %get3A_699 = tpu.vector_load %arg8[%get3A_697, %get3A_698] {strides = array<i32>} : memref<120x64xf32, #tpu.memory_space<vmem>>, vector<1x16xf32>,
        %get3A_700 = vector.shape_cast %get3A_699 : vector<1x16xf32> to vector<16xf32>
        %add3A_701 = arith.addf %add3A_649, %get3A_700 : vector<16xf32>
        %get3A_702 = arith.index_cast %add3A_696 : i32 to index
        %get3A_703 = arith.constant 16 : index
        %get3A_704 = tpu.vector_load %arg8[%get3A_702, %get3A_703] {strides = array<i32>} : memref<120x64xf32, #tpu.memory_space<vmem>>, vector<1x16xf32>,
        %get3A_705 = vector.shape_cast %get3A_704 : vector<1x16xf32> to vector<16xf32>
        %add3A_706 = arith.addf %add3A_654, %get3A_705 : vector<16xf32>
        %get3A_707 = arith.index_cast %add3A_696 : i32 to index
        %get3A_708 = arith.constant 32 : index
        %get3A_709 = tpu.vector_load %arg8[%get3A_707, %get3A_708] {strides = array<i32>} : memref<120x64xf32, #tpu.memory_space<vmem>>, vector<1x16xf32>,
        %get3A_710 = vector.shape_cast %get3A_709 : vector<1x16xf32> to vector<16xf32>
        %add3A_711 = arith.addf %add3A_659, %get3A_710 : vector<16xf32>
        %get3A_712 = arith.index_cast %add3A_696 : i32 to index
        %get3A_713 = arith.constant 48 : index
        %get3A_714 = tpu.vector_load %arg8[%get3A_712, %get3A_713] {strides = array<i32>} : memref<120x64xf32, #tpu.memory_space<vmem>>, vector<1x16xf32>,
        %get3A_715 = vector.shape_cast %get3A_714 : vector<1x16xf32> to vector<16xf32>
        %add3A_716 = arith.addf %add3A_664, %get3A_715 : vector<16xf32>
        %mul3A_717 = arith.constant 15 : i32
        %mul3A_718 = arith.muli %scan3A_501, %mul3A_717 : i32
        %add3A_719 = arith.constant 0 : i32
        %add3A_720 = arith.addi %add3A_719, %mul3A_718 : i32
        %add3A_721 = arith.constant 4 : i32
        %add3A_722 = arith.addi %add3A_720, %add3A_721 : i32
        %get3A_723 = arith.index_cast %add3A_722 : i32 to index
        %get3A_724 = arith.constant 0 : index
        %get3A_725 = tpu.vector_load %arg8[%get3A_723, %get3A_724] {strides = array<i32>} : memref<120x64xf32, #tpu.memory_space<vmem>>, vector<1x16xf32>,
        %get3A_726 = vector.shape_cast %get3A_725 : vector<1x16xf32> to vector<16xf32>
        %add3A_727 = arith.addf %add3A_675, %get3A_726 : vector<16xf32>
        %get3A_728 = arith.index_cast %add3A_722 : i32 to index
        %get3A_729 = arith.constant 16 : index
        %get3A_730 = tpu.vector_load %arg8[%get3A_728, %get3A_729] {strides = array<i32>} : memref<120x64xf32, #tpu.memory_space<vmem>>, vector<1x16xf32>,
        %get3A_731 = vector.shape_cast %get3A_730 : vector<1x16xf32> to vector<16xf32>
        %add3A_732 = arith.addf %add3A_680, %get3A_731 : vector<16xf32>
        %get3A_733 = arith.index_cast %add3A_722 : i32 to index
        %get3A_734 = arith.constant 32 : index
        %get3A_735 = tpu.vector_load %arg8[%get3A_733, %get3A_734] {strides = array<i32>} : memref<120x64xf32, #tpu.memory_space<vmem>>, vector<1x16xf32>,
        %get3A_736 = vector.shape_cast %get3A_735 : vector<1x16xf32> to vector<16xf32>
        %add3A_737 = arith.addf %add3A_685, %get3A_736 : vector<16xf32>
        %get3A_738 = arith.index_cast %add3A_722 : i32 to index
        %get3A_739 = arith.constant 48 : index
        %get3A_740 = tpu.vector_load %arg8[%get3A_738, %get3A_739] {strides = array<i32>} : memref<120x64xf32, #tpu.memory_space<vmem>>, vector<1x16xf32>,
        %get3A_741 = vector.shape_cast %get3A_740 : vector<1x16xf32> to vector<16xf32>
        %add3A_742 = arith.addf %add3A_690, %get3A_741 : vector<16xf32>
        %mul3A_743 = arith.constant 15 : i32
        %mul3A_744 = arith.muli %scan3A_501, %mul3A_743 : i32
        %add3A_745 = arith.constant 60 : i32
        %add3A_746 = arith.addi %add3A_745, %mul3A_744 : i32
        %add3A_747 = arith.constant 4 : i32
        %add3A_748 = arith.addi %add3A_746, %add3A_747 : i32
        %get3A_749 = arith.index_cast %add3A_748 : i32 to index
        %get3A_750 = arith.constant 0 : index
        %get3A_751 = tpu.vector_load %arg8[%get3A_749, %get3A_750] {strides = array<i32>} : memref<120x64xf32, #tpu.memory_space<vmem>>, vector<1x16xf32>,
        %get3A_752 = vector.shape_cast %get3A_751 : vector<1x16xf32> to vector<16xf32>
        %add3A_753 = arith.addf %add3A_701, %get3A_752 : vector<16xf32>
        %get3A_754 = arith.index_cast %add3A_748 : i32 to index
        %get3A_755 = arith.constant 16 : index
        %get3A_756 = tpu.vector_load %arg8[%get3A_754, %get3A_755] {strides = array<i32>} : memref<120x64xf32, #tpu.memory_space<vmem>>, vector<1x16xf32>,
        %get3A_757 = vector.shape_cast %get3A_756 : vector<1x16xf32> to vector<16xf32>
        %add3A_758 = arith.addf %add3A_706, %get3A_757 : vector<16xf32>
        %get3A_759 = arith.index_cast %add3A_748 : i32 to index
        %get3A_760 = arith.constant 32 : index
        %get3A_761 = tpu.vector_load %arg8[%get3A_759, %get3A_760] {strides = array<i32>} : memref<120x64xf32, #tpu.memory_space<vmem>>, vector<1x16xf32>,
        %get3A_762 = vector.shape_cast %get3A_761 : vector<1x16xf32> to vector<16xf32>
        %add3A_763 = arith.addf %add3A_711, %get3A_762 : vector<16xf32>
        %get3A_764 = arith.index_cast %add3A_748 : i32 to index
        %get3A_765 = arith.constant 48 : index
        %get3A_766 = tpu.vector_load %arg8[%get3A_764, %get3A_765] {strides = array<i32>} : memref<120x64xf32, #tpu.memory_space<vmem>>, vector<1x16xf32>,
        %get3A_767 = vector.shape_cast %get3A_766 : vector<1x16xf32> to vector<16xf32>
        %add3A_768 = arith.addf %add3A_716, %get3A_767 : vector<16xf32>
        %mul3A_769 = arith.constant 15 : i32
        %mul3A_770 = arith.muli %scan3A_501, %mul3A_769 : i32
        %add3A_771 = arith.constant 0 : i32
        %add3A_772 = arith.addi %add3A_771, %mul3A_770 : i32
        %add3A_773 = arith.constant 5 : i32
        %add3A_774 = arith.addi %add3A_772, %add3A_773 : i32
        %get3A_775 = arith.index_cast %add3A_774 : i32 to index
        %get3A_776 = arith.constant 0 : index
        %get3A_777 = tpu.vector_load %arg8[%get3A_775, %get3A_776] {strides = array<i32>} : memref<120x64xf32, #tpu.memory_space<vmem>>, vector<1x16xf32>,
        %get3A_778 = vector.shape_cast %get3A_777 : vector<1x16xf32> to vector<16xf32>
        %add3A_779 = arith.addf %add3A_727, %get3A_778 : vector<16xf32>
        %get3A_780 = arith.index_cast %add3A_774 : i32 to index
        %get3A_781 = arith.constant 16 : index
        %get3A_782 = tpu.vector_load %arg8[%get3A_780, %get3A_781] {strides = array<i32>} : memref<120x64xf32, #tpu.memory_space<vmem>>, vector<1x16xf32>,
        %get3A_783 = vector.shape_cast %get3A_782 : vector<1x16xf32> to vector<16xf32>
        %add3A_784 = arith.addf %add3A_732, %get3A_783 : vector<16xf32>
        %get3A_785 = arith.index_cast %add3A_774 : i32 to index
        %get3A_786 = arith.constant 32 : index
        %get3A_787 = tpu.vector_load %arg8[%get3A_785, %get3A_786] {strides = array<i32>} : memref<120x64xf32, #tpu.memory_space<vmem>>, vector<1x16xf32>,
        %get3A_788 = vector.shape_cast %get3A_787 : vector<1x16xf32> to vector<16xf32>
        %add3A_789 = arith.addf %add3A_737, %get3A_788 : vector<16xf32>
        %get3A_790 = arith.index_cast %add3A_774 : i32 to index
        %get3A_791 = arith.constant 48 : index
        %get3A_792 = tpu.vector_load %arg8[%get3A_790, %get3A_791] {strides = array<i32>} : memref<120x64xf32, #tpu.memory_space<vmem>>, vector<1x16xf32>,
        %get3A_793 = vector.shape_cast %get3A_792 : vector<1x16xf32> to vector<16xf32>
        %add3A_794 = arith.addf %add3A_742, %get3A_793 : vector<16xf32>
        %mul3A_795 = arith.constant 15 : i32
        %mul3A_796 = arith.muli %scan3A_501, %mul3A_795 : i32
        %add3A_797 = arith.constant 60 : i32
        %add3A_798 = arith.addi %add3A_797, %mul3A_796 : i32
        %add3A_799 = arith.constant 5 : i32
        %add3A_800 = arith.addi %add3A_798, %add3A_799 : i32
        %get3A_801 = arith.index_cast %add3A_800 : i32 to index
        %get3A_802 = arith.constant 0 : index
        %get3A_803 = tpu.vector_load %arg8[%get3A_801, %get3A_802] {strides = array<i32>} : memref<120x64xf32, #tpu.memory_space<vmem>>, vector<1x16xf32>,
        %get3A_804 = vector.shape_cast %get3A_803 : vector<1x16xf32> to vector<16xf32>
        %add3A_805 = arith.addf %add3A_753, %get3A_804 : vector<16xf32>
        %get3A_806 = arith.index_cast %add3A_800 : i32 to index
        %get3A_807 = arith.constant 16 : index
        %get3A_808 = tpu.vector_load %arg8[%get3A_806, %get3A_807] {strides = array<i32>} : memref<120x64xf32, #tpu.memory_space<vmem>>, vector<1x16xf32>,
        %get3A_809 = vector.shape_cast %get3A_808 : vector<1x16xf32> to vector<16xf32>
        %add3A_810 = arith.addf %add3A_758, %get3A_809 : vector<16xf32>
        %get3A_811 = arith.index_cast %add3A_800 : i32 to index
        %get3A_812 = arith.constant 32 : index
        %get3A_813 = tpu.vector_load %arg8[%get3A_811, %get3A_812] {strides = array<i32>} : memref<120x64xf32, #tpu.memory_space<vmem>>, vector<1x16xf32>,
        %get3A_814 = vector.shape_cast %get3A_813 : vector<1x16xf32> to vector<16xf32>
        %add3A_815 = arith.addf %add3A_763, %get3A_814 : vector<16xf32>
        %get3A_816 = arith.index_cast %add3A_800 : i32 to index
        %get3A_817 = arith.constant 48 : index
        %get3A_818 = tpu.vector_load %arg8[%get3A_816, %get3A_817] {strides = array<i32>} : memref<120x64xf32, #tpu.memory_space<vmem>>, vector<1x16xf32>,
        %get3A_819 = vector.shape_cast %get3A_818 : vector<1x16xf32> to vector<16xf32>
        %add3A_820 = arith.addf %add3A_768, %get3A_819 : vector<16xf32>
        %mul3A_821 = arith.constant 15 : i32
        %mul3A_822 = arith.muli %scan3A_501, %mul3A_821 : i32
        %add3A_823 = arith.constant 0 : i32
        %add3A_824 = arith.addi %add3A_823, %mul3A_822 : i32
        %add3A_825 = arith.constant 6 : i32
        %add3A_826 = arith.addi %add3A_824, %add3A_825 : i32
        %get3A_827 = arith.index_cast %add3A_826 : i32 to index
        %get3A_828 = arith.constant 0 : index
        %get3A_829 = tpu.vector_load %arg8[%get3A_827, %get3A_828] {strides = array<i32>} : memref<120x64xf32, #tpu.memory_space<vmem>>, vector<1x16xf32>,
        %get3A_830 = vector.shape_cast %get3A_829 : vector<1x16xf32> to vector<16xf32>
        %add3A_831 = arith.addf %add3A_779, %get3A_830 : vector<16xf32>
        %get3A_832 = arith.index_cast %add3A_826 : i32 to index
        %get3A_833 = arith.constant 16 : index
        %get3A_834 = tpu.vector_load %arg8[%get3A_832, %get3A_833] {strides = array<i32>} : memref<120x64xf32, #tpu.memory_space<vmem>>, vector<1x16xf32>,
        %get3A_835 = vector.shape_cast %get3A_834 : vector<1x16xf32> to vector<16xf32>
        %add3A_836 = arith.addf %add3A_784, %get3A_835 : vector<16xf32>
        %get3A_837 = arith.index_cast %add3A_826 : i32 to index
        %get3A_838 = arith.constant 32 : index
        %get3A_839 = tpu.vector_load %arg8[%get3A_837, %get3A_838] {strides = array<i32>} : memref<120x64xf32, #tpu.memory_space<vmem>>, vector<1x16xf32>,
        %get3A_840 = vector.shape_cast %get3A_839 : vector<1x16xf32> to vector<16xf32>
        %add3A_841 = arith.addf %add3A_789, %get3A_840 : vector<16xf32>
        %get3A_842 = arith.index_cast %add3A_826 : i32 to index
        %get3A_843 = arith.constant 48 : index
        %get3A_844 = tpu.vector_load %arg8[%get3A_842, %get3A_843] {strides = array<i32>} : memref<120x64xf32, #tpu.memory_space<vmem>>, vector<1x16xf32>,
        %get3A_845 = vector.shape_cast %get3A_844 : vector<1x16xf32> to vector<16xf32>
        %add3A_846 = arith.addf %add3A_794, %get3A_845 : vector<16xf32>
        %mul3A_847 = arith.constant 15 : i32
        %mul3A_848 = arith.muli %scan3A_501, %mul3A_847 : i32
        %add3A_849 = arith.constant 60 : i32
        %add3A_850 = arith.addi %add3A_849, %mul3A_848 : i32
        %add3A_851 = arith.constant 6 : i32
        %add3A_852 = arith.addi %add3A_850, %add3A_851 : i32
        %get3A_853 = arith.index_cast %add3A_852 : i32 to index
        %get3A_854 = arith.constant 0 : index
        %get3A_855 = tpu.vector_load %arg8[%get3A_853, %get3A_854] {strides = array<i32>} : memref<120x64xf32, #tpu.memory_space<vmem>>, vector<1x16xf32>,
        %get3A_856 = vector.shape_cast %get3A_855 : vector<1x16xf32> to vector<16xf32>
        %add3A_857 = arith.addf %add3A_805, %get3A_856 : vector<16xf32>
        %get3A_858 = arith.index_cast %add3A_852 : i32 to index
        %get3A_859 = arith.constant 16 : index
        %get3A_860 = tpu.vector_load %arg8[%get3A_858, %get3A_859] {strides = array<i32>} : memref<120x64xf32, #tpu.memory_space<vmem>>, vector<1x16xf32>,
        %get3A_861 = vector.shape_cast %get3A_860 : vector<1x16xf32> to vector<16xf32>
        %add3A_862 = arith.addf %add3A_810, %get3A_861 : vector<16xf32>
        %get3A_863 = arith.index_cast %add3A_852 : i32 to index
        %get3A_864 = arith.constant 32 : index
        %get3A_865 = tpu.vector_load %arg8[%get3A_863, %get3A_864] {strides = array<i32>} : memref<120x64xf32, #tpu.memory_space<vmem>>, vector<1x16xf32>,
        %get3A_866 = vector.shape_cast %get3A_865 : vector<1x16xf32> to vector<16xf32>
        %add3A_867 = arith.addf %add3A_815, %get3A_866 : vector<16xf32>
        %get3A_868 = arith.index_cast %add3A_852 : i32 to index
        %get3A_869 = arith.constant 48 : index
        %get3A_870 = tpu.vector_load %arg8[%get3A_868, %get3A_869] {strides = array<i32>} : memref<120x64xf32, #tpu.memory_space<vmem>>, vector<1x16xf32>,
        %get3A_871 = vector.shape_cast %get3A_870 : vector<1x16xf32> to vector<16xf32>
        %add3A_872 = arith.addf %add3A_820, %get3A_871 : vector<16xf32>
        %mul3A_873 = arith.constant 15 : i32
        %mul3A_874 = arith.muli %scan3A_501, %mul3A_873 : i32
        %add3A_875 = arith.constant 0 : i32
        %add3A_876 = arith.addi %add3A_875, %mul3A_874 : i32
        %add3A_877 = arith.constant 7 : i32
        %add3A_878 = arith.addi %add3A_876, %add3A_877 : i32
        %get3A_879 = arith.index_cast %add3A_878 : i32 to index
        %get3A_880 = arith.constant 0 : index
        %get3A_881 = tpu.vector_load %arg8[%get3A_879, %get3A_880] {strides = array<i32>} : memref<120x64xf32, #tpu.memory_space<vmem>>, vector<1x16xf32>,
        %get3A_882 = vector.shape_cast %get3A_881 : vector<1x16xf32> to vector<16xf32>
        %add3A_883 = arith.addf %add3A_831, %get3A_882 : vector<16xf32>
        %get3A_884 = arith.index_cast %add3A_878 : i32 to index
        %get3A_885 = arith.constant 16 : index
        %get3A_886 = tpu.vector_load %arg8[%get3A_884, %get3A_885] {strides = array<i32>} : memref<120x64xf32, #tpu.memory_space<vmem>>, vector<1x16xf32>,
        %get3A_887 = vector.shape_cast %get3A_886 : vector<1x16xf32> to vector<16xf32>
        %add3A_888 = arith.addf %add3A_836, %get3A_887 : vector<16xf32>
        %get3A_889 = arith.index_cast %add3A_878 : i32 to index
        %get3A_890 = arith.constant 32 : index
        %get3A_891 = tpu.vector_load %arg8[%get3A_889, %get3A_890] {strides = array<i32>} : memref<120x64xf32, #tpu.memory_space<vmem>>, vector<1x16xf32>,
        %get3A_892 = vector.shape_cast %get3A_891 : vector<1x16xf32> to vector<16xf32>
        %add3A_893 = arith.addf %add3A_841, %get3A_892 : vector<16xf32>
        %get3A_894 = arith.index_cast %add3A_878 : i32 to index
        %get3A_895 = arith.constant 48 : index
        %get3A_896 = tpu.vector_load %arg8[%get3A_894, %get3A_895] {strides = array<i32>} : memref<120x64xf32, #tpu.memory_space<vmem>>, vector<1x16xf32>,
        %get3A_897 = vector.shape_cast %get3A_896 : vector<1x16xf32> to vector<16xf32>
        %add3A_898 = arith.addf %add3A_846, %get3A_897 : vector<16xf32>
        %mul3A_899 = arith.constant 15 : i32
        %mul3A_900 = arith.muli %scan3A_501, %mul3A_899 : i32
        %add3A_901 = arith.constant 60 : i32
        %add3A_902 = arith.addi %add3A_901, %mul3A_900 : i32
        %add3A_903 = arith.constant 7 : i32
        %add3A_904 = arith.addi %add3A_902, %add3A_903 : i32
        %get3A_905 = arith.index_cast %add3A_904 : i32 to index
        %get3A_906 = arith.constant 0 : index
        %get3A_907 = tpu.vector_load %arg8[%get3A_905, %get3A_906] {strides = array<i32>} : memref<120x64xf32, #tpu.memory_space<vmem>>, vector<1x16xf32>,
        %get3A_908 = vector.shape_cast %get3A_907 : vector<1x16xf32> to vector<16xf32>
        %add3A_909 = arith.addf %add3A_857, %get3A_908 : vector<16xf32>
        %get3A_910 = arith.index_cast %add3A_904 : i32 to index
        %get3A_911 = arith.constant 16 : index
        %get3A_912 = tpu.vector_load %arg8[%get3A_910, %get3A_911] {strides = array<i32>} : memref<120x64xf32, #tpu.memory_space<vmem>>, vector<1x16xf32>,
        %get3A_913 = vector.shape_cast %get3A_912 : vector<1x16xf32> to vector<16xf32>
        %add3A_914 = arith.addf %add3A_862, %get3A_913 : vector<16xf32>
        %get3A_915 = arith.index_cast %add3A_904 : i32 to index
        %get3A_916 = arith.constant 32 : index
        %get3A_917 = tpu.vector_load %arg8[%get3A_915, %get3A_916] {strides = array<i32>} : memref<120x64xf32, #tpu.memory_space<vmem>>, vector<1x16xf32>,
        %get3A_918 = vector.shape_cast %get3A_917 : vector<1x16xf32> to vector<16xf32>
        %add3A_919 = arith.addf %add3A_867, %get3A_918 : vector<16xf32>
        %get3A_920 = arith.index_cast %add3A_904 : i32 to index
        %get3A_921 = arith.constant 48 : index
        %get3A_922 = tpu.vector_load %arg8[%get3A_920, %get3A_921] {strides = array<i32>} : memref<120x64xf32, #tpu.memory_space<vmem>>, vector<1x16xf32>,
        %get3A_923 = vector.shape_cast %get3A_922 : vector<1x16xf32> to vector<16xf32>
        %add3A_924 = arith.addf %add3A_872, %get3A_923 : vector<16xf32>
        %mul3A_925 = arith.constant 15 : i32
        %mul3A_926 = arith.muli %scan3A_501, %mul3A_925 : i32
        %add3A_927 = arith.constant 0 : i32
        %add3A_928 = arith.addi %add3A_927, %mul3A_926 : i32
        %add3A_929 = arith.constant 8 : i32
        %add3A_930 = arith.addi %add3A_928, %add3A_929 : i32
        %get3A_931 = arith.index_cast %add3A_930 : i32 to index
        %get3A_932 = arith.constant 0 : index
        %get3A_933 = tpu.vector_load %arg8[%get3A_931, %get3A_932] {strides = array<i32>} : memref<120x64xf32, #tpu.memory_space<vmem>>, vector<1x16xf32>,
        %get3A_934 = vector.shape_cast %get3A_933 : vector<1x16xf32> to vector<16xf32>
        %add3A_935 = arith.addf %add3A_883, %get3A_934 : vector<16xf32>
        %get3A_936 = arith.index_cast %add3A_930 : i32 to index
        %get3A_937 = arith.constant 16 : index
        %get3A_938 = tpu.vector_load %arg8[%get3A_936, %get3A_937] {strides = array<i32>} : memref<120x64xf32, #tpu.memory_space<vmem>>, vector<1x16xf32>,
        %get3A_939 = vector.shape_cast %get3A_938 : vector<1x16xf32> to vector<16xf32>
        %add3A_940 = arith.addf %add3A_888, %get3A_939 : vector<16xf32>
        %get3A_941 = arith.index_cast %add3A_930 : i32 to index
        %get3A_942 = arith.constant 32 : index
        %get3A_943 = tpu.vector_load %arg8[%get3A_941, %get3A_942] {strides = array<i32>} : memref<120x64xf32, #tpu.memory_space<vmem>>, vector<1x16xf32>,
        %get3A_944 = vector.shape_cast %get3A_943 : vector<1x16xf32> to vector<16xf32>
        %add3A_945 = arith.addf %add3A_893, %get3A_944 : vector<16xf32>
        %get3A_946 = arith.index_cast %add3A_930 : i32 to index
        %get3A_947 = arith.constant 48 : index
        %get3A_948 = tpu.vector_load %arg8[%get3A_946, %get3A_947] {strides = array<i32>} : memref<120x64xf32, #tpu.memory_space<vmem>>, vector<1x16xf32>,
        %get3A_949 = vector.shape_cast %get3A_948 : vector<1x16xf32> to vector<16xf32>
        %add3A_950 = arith.addf %add3A_898, %get3A_949 : vector<16xf32>
        %mul3A_951 = arith.constant 15 : i32
        %mul3A_952 = arith.muli %scan3A_501, %mul3A_951 : i32
        %add3A_953 = arith.constant 60 : i32
        %add3A_954 = arith.addi %add3A_953, %mul3A_952 : i32
        %add3A_955 = arith.constant 8 : i32
        %add3A_956 = arith.addi %add3A_954, %add3A_955 : i32
        %get3A_957 = arith.index_cast %add3A_956 : i32 to index
        %get3A_958 = arith.constant 0 : index
        %get3A_959 = tpu.vector_load %arg8[%get3A_957, %get3A_958] {strides = array<i32>} : memref<120x64xf32, #tpu.memory_space<vmem>>, vector<1x16xf32>,
        %get3A_960 = vector.shape_cast %get3A_959 : vector<1x16xf32> to vector<16xf32>
        %add3A_961 = arith.addf %add3A_909, %get3A_960 : vector<16xf32>
        %get3A_962 = arith.index_cast %add3A_956 : i32 to index
        %get3A_963 = arith.constant 16 : index
        %get3A_964 = tpu.vector_load %arg8[%get3A_962, %get3A_963] {strides = array<i32>} : memref<120x64xf32, #tpu.memory_space<vmem>>, vector<1x16xf32>,
        %get3A_965 = vector.shape_cast %get3A_964 : vector<1x16xf32> to vector<16xf32>
        %add3A_966 = arith.addf %add3A_914, %get3A_965 : vector<16xf32>
        %get3A_967 = arith.index_cast %add3A_956 : i32 to index
        %get3A_968 = arith.constant 32 : index
        %get3A_969 = tpu.vector_load %arg8[%get3A_967, %get3A_968] {strides = array<i32>} : memref<120x64xf32, #tpu.memory_space<vmem>>, vector<1x16xf32>,
        %get3A_970 = vector.shape_cast %get3A_969 : vector<1x16xf32> to vector<16xf32>
        %add3A_971 = arith.addf %add3A_919, %get3A_970 : vector<16xf32>
        %get3A_972 = arith.index_cast %add3A_956 : i32 to index
        %get3A_973 = arith.constant 48 : index
        %get3A_974 = tpu.vector_load %arg8[%get3A_972, %get3A_973] {strides = array<i32>} : memref<120x64xf32, #tpu.memory_space<vmem>>, vector<1x16xf32>,
        %get3A_975 = vector.shape_cast %get3A_974 : vector<1x16xf32> to vector<16xf32>
        %add3A_976 = arith.addf %add3A_924, %get3A_975 : vector<16xf32>
        %mul3A_977 = arith.constant 15 : i32
        %mul3A_978 = arith.muli %scan3A_501, %mul3A_977 : i32
        %add3A_979 = arith.constant 0 : i32
        %add3A_980 = arith.addi %add3A_979, %mul3A_978 : i32
        %add3A_981 = arith.constant 9 : i32
        %add3A_982 = arith.addi %add3A_980, %add3A_981 : i32
        %get3A_983 = arith.index_cast %add3A_982 : i32 to index
        %get3A_984 = arith.constant 0 : index
        %get3A_985 = tpu.vector_load %arg8[%get3A_983, %get3A_984] {strides = array<i32>} : memref<120x64xf32, #tpu.memory_space<vmem>>, vector<1x16xf32>,
        %get3A_986 = vector.shape_cast %get3A_985 : vector<1x16xf32> to vector<16xf32>
        %add3A_987 = arith.addf %add3A_935, %get3A_986 : vector<16xf32>
        %get3A_988 = arith.index_cast %add3A_982 : i32 to index
        %get3A_989 = arith.constant 16 : index
        %get3A_990 = tpu.vector_load %arg8[%get3A_988, %get3A_989] {strides = array<i32>} : memref<120x64xf32, #tpu.memory_space<vmem>>, vector<1x16xf32>,
        %get3A_991 = vector.shape_cast %get3A_990 : vector<1x16xf32> to vector<16xf32>
        %add3A_992 = arith.addf %add3A_940, %get3A_991 : vector<16xf32>
        %get3A_993 = arith.index_cast %add3A_982 : i32 to index
        %get3A_994 = arith.constant 32 : index
        %get3A_995 = tpu.vector_load %arg8[%get3A_993, %get3A_994] {strides = array<i32>} : memref<120x64xf32, #tpu.memory_space<vmem>>, vector<1x16xf32>,
        %get3A_996 = vector.shape_cast %get3A_995 : vector<1x16xf32> to vector<16xf32>
        %add3A_997 = arith.addf %add3A_945, %get3A_996 : vector<16xf32>
        %get3A_998 = arith.index_cast %add3A_982 : i32 to index
        %get3A_999 = arith.constant 48 : index
        %get3A_1000 = tpu.vector_load %arg8[%get3A_998, %get3A_999] {strides = array<i32>} : memref<120x64xf32, #tpu.memory_space<vmem>>, vector<1x16xf32>,
        %get3A_1001 = vector.shape_cast %get3A_1000 : vector<1x16xf32> to vector<16xf32>
        %add3A_1002 = arith.addf %add3A_950, %get3A_1001 : vector<16xf32>
        %mul3A_1003 = arith.constant 15 : i32
        %mul3A_1004 = arith.muli %scan3A_501, %mul3A_1003 : i32
        %add3A_1005 = arith.constant 60 : i32
        %add3A_1006 = arith.addi %add3A_1005, %mul3A_1004 : i32
        %add3A_1007 = arith.constant 9 : i32
        %add3A_1008 = arith.addi %add3A_1006, %add3A_1007 : i32
        %get3A_1009 = arith.index_cast %add3A_1008 : i32 to index
        %get3A_1010 = arith.constant 0 : index
        %get3A_1011 = tpu.vector_load %arg8[%get3A_1009, %get3A_1010] {strides = array<i32>} : memref<120x64xf32, #tpu.memory_space<vmem>>, vector<1x16xf32>,
        %get3A_1012 = vector.shape_cast %get3A_1011 : vector<1x16xf32> to vector<16xf32>
        %add3A_1013 = arith.addf %add3A_961, %get3A_1012 : vector<16xf32>
        %get3A_1014 = arith.index_cast %add3A_1008 : i32 to index
        %get3A_1015 = arith.constant 16 : index
        %get3A_1016 = tpu.vector_load %arg8[%get3A_1014, %get3A_1015] {strides = array<i32>} : memref<120x64xf32, #tpu.memory_space<vmem>>, vector<1x16xf32>,
        %get3A_1017 = vector.shape_cast %get3A_1016 : vector<1x16xf32> to vector<16xf32>
        %add3A_1018 = arith.addf %add3A_966, %get3A_1017 : vector<16xf32>
        %get3A_1019 = arith.index_cast %add3A_1008 : i32 to index
        %get3A_1020 = arith.constant 32 : index
        %get3A_1021 = tpu.vector_load %arg8[%get3A_1019, %get3A_1020] {strides = array<i32>} : memref<120x64xf32, #tpu.memory_space<vmem>>, vector<1x16xf32>,
        %get3A_1022 = vector.shape_cast %get3A_1021 : vector<1x16xf32> to vector<16xf32>
        %add3A_1023 = arith.addf %add3A_971, %get3A_1022 : vector<16xf32>
        %get3A_1024 = arith.index_cast %add3A_1008 : i32 to index
        %get3A_1025 = arith.constant 48 : index
        %get3A_1026 = tpu.vector_load %arg8[%get3A_1024, %get3A_1025] {strides = array<i32>} : memref<120x64xf32, #tpu.memory_space<vmem>>, vector<1x16xf32>,
        %get3A_1027 = vector.shape_cast %get3A_1026 : vector<1x16xf32> to vector<16xf32>
        %add3A_1028 = arith.addf %add3A_976, %get3A_1027 : vector<16xf32>
        %mul3A_1029 = arith.constant 15 : i32
        %mul3A_1030 = arith.muli %scan3A_501, %mul3A_1029 : i32
        %add3A_1031 = arith.constant 0 : i32
        %add3A_1032 = arith.addi %add3A_1031, %mul3A_1030 : i32
        %add3A_1033 = arith.constant 10 : i32
        %add3A_1034 = arith.addi %add3A_1032, %add3A_1033 : i32
        %get3A_1035 = arith.index_cast %add3A_1034 : i32 to index
        %get3A_1036 = arith.constant 0 : index
        %get3A_1037 = tpu.vector_load %arg8[%get3A_1035, %get3A_1036] {strides = array<i32>} : memref<120x64xf32, #tpu.memory_space<vmem>>, vector<1x16xf32>,
        %get3A_1038 = vector.shape_cast %get3A_1037 : vector<1x16xf32> to vector<16xf32>
        %add3A_1039 = arith.addf %add3A_987, %get3A_1038 : vector<16xf32>
        %get3A_1040 = arith.index_cast %add3A_1034 : i32 to index
        %get3A_1041 = arith.constant 16 : index
        %get3A_1042 = tpu.vector_load %arg8[%get3A_1040, %get3A_1041] {strides = array<i32>} : memref<120x64xf32, #tpu.memory_space<vmem>>, vector<1x16xf32>,
        %get3A_1043 = vector.shape_cast %get3A_1042 : vector<1x16xf32> to vector<16xf32>
        %add3A_1044 = arith.addf %add3A_992, %get3A_1043 : vector<16xf32>
        %get3A_1045 = arith.index_cast %add3A_1034 : i32 to index
        %get3A_1046 = arith.constant 32 : index
        %get3A_1047 = tpu.vector_load %arg8[%get3A_1045, %get3A_1046] {strides = array<i32>} : memref<120x64xf32, #tpu.memory_space<vmem>>, vector<1x16xf32>,
        %get3A_1048 = vector.shape_cast %get3A_1047 : vector<1x16xf32> to vector<16xf32>
        %add3A_1049 = arith.addf %add3A_997, %get3A_1048 : vector<16xf32>
        %get3A_1050 = arith.index_cast %add3A_1034 : i32 to index
        %get3A_1051 = arith.constant 48 : index
        %get3A_1052 = tpu.vector_load %arg8[%get3A_1050, %get3A_1051] {strides = array<i32>} : memref<120x64xf32, #tpu.memory_space<vmem>>, vector<1x16xf32>,
        %get3A_1053 = vector.shape_cast %get3A_1052 : vector<1x16xf32> to vector<16xf32>
        %add3A_1054 = arith.addf %add3A_1002, %get3A_1053 : vector<16xf32>
        %mul3A_1055 = arith.constant 15 : i32
        %mul3A_1056 = arith.muli %scan3A_501, %mul3A_1055 : i32
        %add3A_1057 = arith.constant 60 : i32
        %add3A_1058 = arith.addi %add3A_1057, %mul3A_1056 : i32
        %add3A_1059 = arith.constant 10 : i32
        %add3A_1060 = arith.addi %add3A_1058, %add3A_1059 : i32
        %get3A_1061 = arith.index_cast %add3A_1060 : i32 to index
        %get3A_1062 = arith.constant 0 : index
        %get3A_1063 = tpu.vector_load %arg8[%get3A_1061, %get3A_1062] {strides = array<i32>} : memref<120x64xf32, #tpu.memory_space<vmem>>, vector<1x16xf32>,
        %get3A_1064 = vector.shape_cast %get3A_1063 : vector<1x16xf32> to vector<16xf32>
        %add3A_1065 = arith.addf %add3A_1013, %get3A_1064 : vector<16xf32>
        %get3A_1066 = arith.index_cast %add3A_1060 : i32 to index
        %get3A_1067 = arith.constant 16 : index
        %get3A_1068 = tpu.vector_load %arg8[%get3A_1066, %get3A_1067] {strides = array<i32>} : memref<120x64xf32, #tpu.memory_space<vmem>>, vector<1x16xf32>,
        %get3A_1069 = vector.shape_cast %get3A_1068 : vector<1x16xf32> to vector<16xf32>
        %add3A_1070 = arith.addf %add3A_1018, %get3A_1069 : vector<16xf32>
        %get3A_1071 = arith.index_cast %add3A_1060 : i32 to index
        %get3A_1072 = arith.constant 32 : index
        %get3A_1073 = tpu.vector_load %arg8[%get3A_1071, %get3A_1072] {strides = array<i32>} : memref<120x64xf32, #tpu.memory_space<vmem>>, vector<1x16xf32>,
        %get3A_1074 = vector.shape_cast %get3A_1073 : vector<1x16xf32> to vector<16xf32>
        %add3A_1075 = arith.addf %add3A_1023, %get3A_1074 : vector<16xf32>
        %get3A_1076 = arith.index_cast %add3A_1060 : i32 to index
        %get3A_1077 = arith.constant 48 : index
        %get3A_1078 = tpu.vector_load %arg8[%get3A_1076, %get3A_1077] {strides = array<i32>} : memref<120x64xf32, #tpu.memory_space<vmem>>, vector<1x16xf32>,
        %get3A_1079 = vector.shape_cast %get3A_1078 : vector<1x16xf32> to vector<16xf32>
        %add3A_1080 = arith.addf %add3A_1028, %get3A_1079 : vector<16xf32>
        %mul3A_1081 = arith.constant 15 : i32
        %mul3A_1082 = arith.muli %scan3A_501, %mul3A_1081 : i32
        %add3A_1083 = arith.constant 0 : i32
        %add3A_1084 = arith.addi %add3A_1083, %mul3A_1082 : i32
        %add3A_1085 = arith.constant 11 : i32
        %add3A_1086 = arith.addi %add3A_1084, %add3A_1085 : i32
        %get3A_1087 = arith.index_cast %add3A_1086 : i32 to index
        %get3A_1088 = arith.constant 0 : index
        %get3A_1089 = tpu.vector_load %arg8[%get3A_1087, %get3A_1088] {strides = array<i32>} : memref<120x64xf32, #tpu.memory_space<vmem>>, vector<1x16xf32>,
        %get3A_1090 = vector.shape_cast %get3A_1089 : vector<1x16xf32> to vector<16xf32>
        %add3A_1091 = arith.addf %add3A_1039, %get3A_1090 : vector<16xf32>
        %get3A_1092 = arith.index_cast %add3A_1086 : i32 to index
        %get3A_1093 = arith.constant 16 : index
        %get3A_1094 = tpu.vector_load %arg8[%get3A_1092, %get3A_1093] {strides = array<i32>} : memref<120x64xf32, #tpu.memory_space<vmem>>, vector<1x16xf32>,
        %get3A_1095 = vector.shape_cast %get3A_1094 : vector<1x16xf32> to vector<16xf32>
        %add3A_1096 = arith.addf %add3A_1044, %get3A_1095 : vector<16xf32>
        %get3A_1097 = arith.index_cast %add3A_1086 : i32 to index
        %get3A_1098 = arith.constant 32 : index
        %get3A_1099 = tpu.vector_load %arg8[%get3A_1097, %get3A_1098] {strides = array<i32>} : memref<120x64xf32, #tpu.memory_space<vmem>>, vector<1x16xf32>,
        %get3A_1100 = vector.shape_cast %get3A_1099 : vector<1x16xf32> to vector<16xf32>
        %add3A_1101 = arith.addf %add3A_1049, %get3A_1100 : vector<16xf32>
        %get3A_1102 = arith.index_cast %add3A_1086 : i32 to index
        %get3A_1103 = arith.constant 48 : index
        %get3A_1104 = tpu.vector_load %arg8[%get3A_1102, %get3A_1103] {strides = array<i32>} : memref<120x64xf32, #tpu.memory_space<vmem>>, vector<1x16xf32>,
        %get3A_1105 = vector.shape_cast %get3A_1104 : vector<1x16xf32> to vector<16xf32>
        %add3A_1106 = arith.addf %add3A_1054, %get3A_1105 : vector<16xf32>
        %mul3A_1107 = arith.constant 15 : i32
        %mul3A_1108 = arith.muli %scan3A_501, %mul3A_1107 : i32
        %add3A_1109 = arith.constant 60 : i32
        %add3A_1110 = arith.addi %add3A_1109, %mul3A_1108 : i32
        %add3A_1111 = arith.constant 11 : i32
        %add3A_1112 = arith.addi %add3A_1110, %add3A_1111 : i32
        %get3A_1113 = arith.index_cast %add3A_1112 : i32 to index
        %get3A_1114 = arith.constant 0 : index
        %get3A_1115 = tpu.vector_load %arg8[%get3A_1113, %get3A_1114] {strides = array<i32>} : memref<120x64xf32, #tpu.memory_space<vmem>>, vector<1x16xf32>,
        %get3A_1116 = vector.shape_cast %get3A_1115 : vector<1x16xf32> to vector<16xf32>
        %add3A_1117 = arith.addf %add3A_1065, %get3A_1116 : vector<16xf32>
        %get3A_1118 = arith.index_cast %add3A_1112 : i32 to index
        %get3A_1119 = arith.constant 16 : index
        %get3A_1120 = tpu.vector_load %arg8[%get3A_1118, %get3A_1119] {strides = array<i32>} : memref<120x64xf32, #tpu.memory_space<vmem>>, vector<1x16xf32>,
        %get3A_1121 = vector.shape_cast %get3A_1120 : vector<1x16xf32> to vector<16xf32>
        %add3A_1122 = arith.addf %add3A_1070, %get3A_1121 : vector<16xf32>
        %get3A_1123 = arith.index_cast %add3A_1112 : i32 to index
        %get3A_1124 = arith.constant 32 : index
        %get3A_1125 = tpu.vector_load %arg8[%get3A_1123, %get3A_1124] {strides = array<i32>} : memref<120x64xf32, #tpu.memory_space<vmem>>, vector<1x16xf32>,
        %get3A_1126 = vector.shape_cast %get3A_1125 : vector<1x16xf32> to vector<16xf32>
        %add3A_1127 = arith.addf %add3A_1075, %get3A_1126 : vector<16xf32>
        %get3A_1128 = arith.index_cast %add3A_1112 : i32 to index
        %get3A_1129 = arith.constant 48 : index
        %get3A_1130 = tpu.vector_load %arg8[%get3A_1128, %get3A_1129] {strides = array<i32>} : memref<120x64xf32, #tpu.memory_space<vmem>>, vector<1x16xf32>,
        %get3A_1131 = vector.shape_cast %get3A_1130 : vector<1x16xf32> to vector<16xf32>
        %add3A_1132 = arith.addf %add3A_1080, %get3A_1131 : vector<16xf32>
        %mul3A_1133 = arith.constant 15 : i32
        %mul3A_1134 = arith.muli %scan3A_501, %mul3A_1133 : i32
        %add3A_1135 = arith.constant 0 : i32
        %add3A_1136 = arith.addi %add3A_1135, %mul3A_1134 : i32
        %add3A_1137 = arith.constant 12 : i32
        %add3A_1138 = arith.addi %add3A_1136, %add3A_1137 : i32
        %get3A_1139 = arith.index_cast %add3A_1138 : i32 to index
        %get3A_1140 = arith.constant 0 : index
        %get3A_1141 = tpu.vector_load %arg8[%get3A_1139, %get3A_1140] {strides = array<i32>} : memref<120x64xf32, #tpu.memory_space<vmem>>, vector<1x16xf32>,
        %get3A_1142 = vector.shape_cast %get3A_1141 : vector<1x16xf32> to vector<16xf32>
        %add3A_1143 = arith.addf %add3A_1091, %get3A_1142 : vector<16xf32>
        %get3A_1144 = arith.index_cast %add3A_1138 : i32 to index
        %get3A_1145 = arith.constant 16 : index
        %get3A_1146 = tpu.vector_load %arg8[%get3A_1144, %get3A_1145] {strides = array<i32>} : memref<120x64xf32, #tpu.memory_space<vmem>>, vector<1x16xf32>,
        %get3A_1147 = vector.shape_cast %get3A_1146 : vector<1x16xf32> to vector<16xf32>
        %add3A_1148 = arith.addf %add3A_1096, %get3A_1147 : vector<16xf32>
        %get3A_1149 = arith.index_cast %add3A_1138 : i32 to index
        %get3A_1150 = arith.constant 32 : index
        %get3A_1151 = tpu.vector_load %arg8[%get3A_1149, %get3A_1150] {strides = array<i32>} : memref<120x64xf32, #tpu.memory_space<vmem>>, vector<1x16xf32>,
        %get3A_1152 = vector.shape_cast %get3A_1151 : vector<1x16xf32> to vector<16xf32>
        %add3A_1153 = arith.addf %add3A_1101, %get3A_1152 : vector<16xf32>
        %get3A_1154 = arith.index_cast %add3A_1138 : i32 to index
        %get3A_1155 = arith.constant 48 : index
        %get3A_1156 = tpu.vector_load %arg8[%get3A_1154, %get3A_1155] {strides = array<i32>} : memref<120x64xf32, #tpu.memory_space<vmem>>, vector<1x16xf32>,
        %get3A_1157 = vector.shape_cast %get3A_1156 : vector<1x16xf32> to vector<16xf32>
        %add3A_1158 = arith.addf %add3A_1106, %get3A_1157 : vector<16xf32>
        %mul3A_1159 = arith.constant 15 : i32
        %mul3A_1160 = arith.muli %scan3A_501, %mul3A_1159 : i32
        %add3A_1161 = arith.constant 60 : i32
        %add3A_1162 = arith.addi %add3A_1161, %mul3A_1160 : i32
        %add3A_1163 = arith.constant 12 : i32
        %add3A_1164 = arith.addi %add3A_1162, %add3A_1163 : i32
        %get3A_1165 = arith.index_cast %add3A_1164 : i32 to index
        %get3A_1166 = arith.constant 0 : index
        %get3A_1167 = tpu.vector_load %arg8[%get3A_1165, %get3A_1166] {strides = array<i32>} : memref<120x64xf32, #tpu.memory_space<vmem>>, vector<1x16xf32>,
        %get3A_1168 = vector.shape_cast %get3A_1167 : vector<1x16xf32> to vector<16xf32>
        %add3A_1169 = arith.addf %add3A_1117, %get3A_1168 : vector<16xf32>
        %get3A_1170 = arith.index_cast %add3A_1164 : i32 to index
        %get3A_1171 = arith.constant 16 : index
        %get3A_1172 = tpu.vector_load %arg8[%get3A_1170, %get3A_1171] {strides = array<i32>} : memref<120x64xf32, #tpu.memory_space<vmem>>, vector<1x16xf32>,
        %get3A_1173 = vector.shape_cast %get3A_1172 : vector<1x16xf32> to vector<16xf32>
        %add3A_1174 = arith.addf %add3A_1122, %get3A_1173 : vector<16xf32>
        %get3A_1175 = arith.index_cast %add3A_1164 : i32 to index
        %get3A_1176 = arith.constant 32 : index
        %get3A_1177 = tpu.vector_load %arg8[%get3A_1175, %get3A_1176] {strides = array<i32>} : memref<120x64xf32, #tpu.memory_space<vmem>>, vector<1x16xf32>,
        %get3A_1178 = vector.shape_cast %get3A_1177 : vector<1x16xf32> to vector<16xf32>
        %add3A_1179 = arith.addf %add3A_1127, %get3A_1178 : vector<16xf32>
        %get3A_1180 = arith.index_cast %add3A_1164 : i32 to index
        %get3A_1181 = arith.constant 48 : index
        %get3A_1182 = tpu.vector_load %arg8[%get3A_1180, %get3A_1181] {strides = array<i32>} : memref<120x64xf32, #tpu.memory_space<vmem>>, vector<1x16xf32>,
        %get3A_1183 = vector.shape_cast %get3A_1182 : vector<1x16xf32> to vector<16xf32>
        %add3A_1184 = arith.addf %add3A_1132, %get3A_1183 : vector<16xf32>
        %mul3A_1185 = arith.constant 15 : i32
        %mul3A_1186 = arith.muli %scan3A_501, %mul3A_1185 : i32
        %add3A_1187 = arith.constant 0 : i32
        %add3A_1188 = arith.addi %add3A_1187, %mul3A_1186 : i32
        %add3A_1189 = arith.constant 13 : i32
        %add3A_1190 = arith.addi %add3A_1188, %add3A_1189 : i32
        %get3A_1191 = arith.index_cast %add3A_1190 : i32 to index
        %get3A_1192 = arith.constant 0 : index
        %get3A_1193 = tpu.vector_load %arg8[%get3A_1191, %get3A_1192] {strides = array<i32>} : memref<120x64xf32, #tpu.memory_space<vmem>>, vector<1x16xf32>,
        %get3A_1194 = vector.shape_cast %get3A_1193 : vector<1x16xf32> to vector<16xf32>
        %add3A_1195 = arith.addf %add3A_1143, %get3A_1194 : vector<16xf32>
        %get3A_1196 = arith.index_cast %add3A_1190 : i32 to index
        %get3A_1197 = arith.constant 16 : index
        %get3A_1198 = tpu.vector_load %arg8[%get3A_1196, %get3A_1197] {strides = array<i32>} : memref<120x64xf32, #tpu.memory_space<vmem>>, vector<1x16xf32>,
        %get3A_1199 = vector.shape_cast %get3A_1198 : vector<1x16xf32> to vector<16xf32>
        %add3A_1200 = arith.addf %add3A_1148, %get3A_1199 : vector<16xf32>
        %get3A_1201 = arith.index_cast %add3A_1190 : i32 to index
        %get3A_1202 = arith.constant 32 : index
        %get3A_1203 = tpu.vector_load %arg8[%get3A_1201, %get3A_1202] {strides = array<i32>} : memref<120x64xf32, #tpu.memory_space<vmem>>, vector<1x16xf32>,
        %get3A_1204 = vector.shape_cast %get3A_1203 : vector<1x16xf32> to vector<16xf32>
        %add3A_1205 = arith.addf %add3A_1153, %get3A_1204 : vector<16xf32>
        %get3A_1206 = arith.index_cast %add3A_1190 : i32 to index
        %get3A_1207 = arith.constant 48 : index
        %get3A_1208 = tpu.vector_load %arg8[%get3A_1206, %get3A_1207] {strides = array<i32>} : memref<120x64xf32, #tpu.memory_space<vmem>>, vector<1x16xf32>,
        %get3A_1209 = vector.shape_cast %get3A_1208 : vector<1x16xf32> to vector<16xf32>
        %add3A_1210 = arith.addf %add3A_1158, %get3A_1209 : vector<16xf32>
        %mul3A_1211 = arith.constant 15 : i32
        %mul3A_1212 = arith.muli %scan3A_501, %mul3A_1211 : i32
        %add3A_1213 = arith.constant 60 : i32
        %add3A_1214 = arith.addi %add3A_1213, %mul3A_1212 : i32
        %add3A_1215 = arith.constant 13 : i32
        %add3A_1216 = arith.addi %add3A_1214, %add3A_1215 : i32
        %get3A_1217 = arith.index_cast %add3A_1216 : i32 to index
        %get3A_1218 = arith.constant 0 : index
        %get3A_1219 = tpu.vector_load %arg8[%get3A_1217, %get3A_1218] {strides = array<i32>} : memref<120x64xf32, #tpu.memory_space<vmem>>, vector<1x16xf32>,
        %get3A_1220 = vector.shape_cast %get3A_1219 : vector<1x16xf32> to vector<16xf32>
        %add3A_1221 = arith.addf %add3A_1169, %get3A_1220 : vector<16xf32>
        %get3A_1222 = arith.index_cast %add3A_1216 : i32 to index
        %get3A_1223 = arith.constant 16 : index
        %get3A_1224 = tpu.vector_load %arg8[%get3A_1222, %get3A_1223] {strides = array<i32>} : memref<120x64xf32, #tpu.memory_space<vmem>>, vector<1x16xf32>,
        %get3A_1225 = vector.shape_cast %get3A_1224 : vector<1x16xf32> to vector<16xf32>
        %add3A_1226 = arith.addf %add3A_1174, %get3A_1225 : vector<16xf32>
        %get3A_1227 = arith.index_cast %add3A_1216 : i32 to index
        %get3A_1228 = arith.constant 32 : index
        %get3A_1229 = tpu.vector_load %arg8[%get3A_1227, %get3A_1228] {strides = array<i32>} : memref<120x64xf32, #tpu.memory_space<vmem>>, vector<1x16xf32>,
        %get3A_1230 = vector.shape_cast %get3A_1229 : vector<1x16xf32> to vector<16xf32>
        %add3A_1231 = arith.addf %add3A_1179, %get3A_1230 : vector<16xf32>
        %get3A_1232 = arith.index_cast %add3A_1216 : i32 to index
        %get3A_1233 = arith.constant 48 : index
        %get3A_1234 = tpu.vector_load %arg8[%get3A_1232, %get3A_1233] {strides = array<i32>} : memref<120x64xf32, #tpu.memory_space<vmem>>, vector<1x16xf32>,
        %get3A_1235 = vector.shape_cast %get3A_1234 : vector<1x16xf32> to vector<16xf32>
        %add3A_1236 = arith.addf %add3A_1184, %get3A_1235 : vector<16xf32>
        %mul3A_1237 = arith.constant 15 : i32
        %mul3A_1238 = arith.muli %scan3A_501, %mul3A_1237 : i32
        %add3A_1239 = arith.constant 0 : i32
        %add3A_1240 = arith.addi %add3A_1239, %mul3A_1238 : i32
        %add3A_1241 = arith.constant 14 : i32
        %add3A_1242 = arith.addi %add3A_1240, %add3A_1241 : i32
        %get3A_1243 = arith.index_cast %add3A_1242 : i32 to index
        %get3A_1244 = arith.constant 0 : index
        %get3A_1245 = tpu.vector_load %arg8[%get3A_1243, %get3A_1244] {strides = array<i32>} : memref<120x64xf32, #tpu.memory_space<vmem>>, vector<1x16xf32>,
        %get3A_1246 = vector.shape_cast %get3A_1245 : vector<1x16xf32> to vector<16xf32>
        %add3A_1247 = arith.addf %add3A_1195, %get3A_1246 : vector<16xf32>
        %get3A_1248 = arith.index_cast %add3A_1242 : i32 to index
        %get3A_1249 = arith.constant 16 : index
        %get3A_1250 = tpu.vector_load %arg8[%get3A_1248, %get3A_1249] {strides = array<i32>} : memref<120x64xf32, #tpu.memory_space<vmem>>, vector<1x16xf32>,
        %get3A_1251 = vector.shape_cast %get3A_1250 : vector<1x16xf32> to vector<16xf32>
        %add3A_1252 = arith.addf %add3A_1200, %get3A_1251 : vector<16xf32>
        %get3A_1253 = arith.index_cast %add3A_1242 : i32 to index
        %get3A_1254 = arith.constant 32 : index
        %get3A_1255 = tpu.vector_load %arg8[%get3A_1253, %get3A_1254] {strides = array<i32>} : memref<120x64xf32, #tpu.memory_space<vmem>>, vector<1x16xf32>,
        %get3A_1256 = vector.shape_cast %get3A_1255 : vector<1x16xf32> to vector<16xf32>
        %add3A_1257 = arith.addf %add3A_1205, %get3A_1256 : vector<16xf32>
        %get3A_1258 = arith.index_cast %add3A_1242 : i32 to index
        %get3A_1259 = arith.constant 48 : index
        %get3A_1260 = tpu.vector_load %arg8[%get3A_1258, %get3A_1259] {strides = array<i32>} : memref<120x64xf32, #tpu.memory_space<vmem>>, vector<1x16xf32>,
        %get3A_1261 = vector.shape_cast %get3A_1260 : vector<1x16xf32> to vector<16xf32>
        %add3A_1262 = arith.addf %add3A_1210, %get3A_1261 : vector<16xf32>
        %mul3A_1263 = arith.constant 15 : i32
        %mul3A_1264 = arith.muli %scan3A_501, %mul3A_1263 : i32
        %add3A_1265 = arith.constant 60 : i32
        %add3A_1266 = arith.addi %add3A_1265, %mul3A_1264 : i32
        %add3A_1267 = arith.constant 14 : i32
        %add3A_1268 = arith.addi %add3A_1266, %add3A_1267 : i32
        %get3A_1269 = arith.index_cast %add3A_1268 : i32 to index
        %get3A_1270 = arith.constant 0 : index
        %get3A_1271 = tpu.vector_load %arg8[%get3A_1269, %get3A_1270] {strides = array<i32>} : memref<120x64xf32, #tpu.memory_space<vmem>>, vector<1x16xf32>,
        %get3A_1272 = vector.shape_cast %get3A_1271 : vector<1x16xf32> to vector<16xf32>
        %add3A_1273 = arith.addf %add3A_1221, %get3A_1272 : vector<16xf32>
        %get3A_1274 = arith.index_cast %add3A_1268 : i32 to index
        %get3A_1275 = arith.constant 16 : index
        %get3A_1276 = tpu.vector_load %arg8[%get3A_1274, %get3A_1275] {strides = array<i32>} : memref<120x64xf32, #tpu.memory_space<vmem>>, vector<1x16xf32>,
        %get3A_1277 = vector.shape_cast %get3A_1276 : vector<1x16xf32> to vector<16xf32>
        %add3A_1278 = arith.addf %add3A_1226, %get3A_1277 : vector<16xf32>
        %get3A_1279 = arith.index_cast %add3A_1268 : i32 to index
        %get3A_1280 = arith.constant 32 : index
        %get3A_1281 = tpu.vector_load %arg8[%get3A_1279, %get3A_1280] {strides = array<i32>} : memref<120x64xf32, #tpu.memory_space<vmem>>, vector<1x16xf32>,
        %get3A_1282 = vector.shape_cast %get3A_1281 : vector<1x16xf32> to vector<16xf32>
        %add3A_1283 = arith.addf %add3A_1231, %get3A_1282 : vector<16xf32>
        %get3A_1284 = arith.index_cast %add3A_1268 : i32 to index
        %get3A_1285 = arith.constant 48 : index
        %get3A_1286 = tpu.vector_load %arg8[%get3A_1284, %get3A_1285] {strides = array<i32>} : memref<120x64xf32, #tpu.memory_space<vmem>>, vector<1x16xf32>,
        %get3A_1287 = vector.shape_cast %get3A_1286 : vector<1x16xf32> to vector<16xf32>
        %add3A_1288 = arith.addf %add3A_1236, %get3A_1287 : vector<16xf32>
        scf.yield %add3A_1247, %add3A_1252, %add3A_1257, %add3A_1262, %add3A_1273, %add3A_1278, %add3A_1283, %add3A_1288 : vector<16xf32>, vector<16xf32>, vector<16xf32>, vector<16xf32>, vector<16xf32>, vector<16xf32>, vector<16xf32>, vector<16xf32>
      }
      %scan3A_177 = arith.constant 4 : i32
      %add3A_178 = arith.constant 4 : i32
      %add3A_179 = arith.addi %add3A_165, %add3A_178 : i32
      %lt3A_180 = arith.constant 336 : i32
      %lt3A_181 = arith.cmpi slt, %add3A_179, %lt3A_180 : i32
      %convert_element_type3A_182 = arith.extui %lt3A_181 : i1 to i32
      %cond3A_183 = arith.constant 0 : i32
      %cond3A_184 = arith.cmpi ne, %convert_element_type3A_182, %cond3A_183 : i32
      scf.if %cond3A_184 {
        %add3A_501 = arith.constant 4 : i32
        %add3A_502 = arith.addi %add3A_165, %add3A_501 : i32
        %mul3A_503 = arith.constant 120 : i32
        %mul3A_504 = arith.muli %add3A_502, %mul3A_503 : i32
        %dma_start3A_505 = tpu.memref_slice %arg6[%mul3A_504] : memref<40320xi32, #tpu.memory_space<vmem>> -> memref<120xi32, #tpu.memory_space<vmem>>
        %dma_start3A_506 = arith.constant 0 : i32
        %dma_start3A_507 = arith.constant 0 : i32
        %dma_start3A_508 = tpu.memref_slice %arg3[%dma_start3A_506, %dma_start3A_507] : memref<100000x64xf32, #tpu.memory_space<hbm>> -> memref<100000x64xf32, #tpu.memory_space<hbm>>
        tpu.enqueue_indirect_dma source(%dma_start3A_508 : memref<100000x64xf32, #tpu.memory_space<hbm>>) target(%arg8 : memref<120x64xf32, #tpu.memory_space<vmem>>) offsets(%dma_start3A_505 : memref<120xi32, #tpu.memory_space<vmem>>) semaphore(%arg16 : memref<!tpu.dma_semaphore, #tpu.memory_space<semaphore_mem>>)
      } else {
      }
      %ge3A_185 = arith.constant 4 : i32
      %ge3A_186 = arith.cmpi sge, %add3A_165, %ge3A_185 : i32
      %convert_element_type3A_187 = arith.extui %ge3A_186 : i1 to i32
      %cond3A_188 = arith.constant 0 : i32
      %cond3A_189 = arith.cmpi ne, %convert_element_type3A_187, %cond3A_188 : i32
      scf.if %cond3A_189 {
        %dma_wait3A_501 = arith.constant 0 : i32
        %dma_wait3A_502 = arith.constant 0 : i32
        %dma_wait3A_503 = tpu.memref_slice %arg4[%dma_wait3A_501, %dma_wait3A_502] : memref<1024x64xf32, #tpu.memory_space<hbm>> -> memref<2x64xf32, #tpu.memory_space<hbm>>
        %dma_wait3A_504 = arith.constant 0 : i32
        %dma_wait3A_505 = arith.constant 0 : i32
        %dma_wait3A_506 = tpu.memref_slice %arg4[%dma_wait3A_504, %dma_wait3A_505] : memref<1024x64xf32, #tpu.memory_space<hbm>> -> memref<2x64xf32, #tpu.memory_space<hbm>>
        tpu.wait_dma2 semaphore(%arg20 : memref<!tpu.dma_semaphore, #tpu.memory_space<semaphore_mem>>) src(%arg12 : memref<2x64xf32, #tpu.memory_space<vmem>>) dst(%dma_wait3A_506 : memref<2x64xf32, #tpu.memory_space<hbm>>)
      } else {
      }
      %mul3A_190 = arith.constant 5.000000e-02 : f32
      %mul3A_191 = vector.broadcast %mul3A_190 : f32 to vector<16xf32>
      %mul3A_192 = arith.mulf %scan3A_176#0, %mul3A_191 : vector<16xf32>
      %swap3A_193 = arith.constant 0 : i32
      %swap3A_194 = arith.index_cast %swap3A_193 : i32 to index
      %swap3A_195 = arith.constant 0 : index
      %swap3A_196 = tpu.vector_load %arg12[%swap3A_194, %swap3A_195] {strides = array<i32>} : memref<2x64xf32, #tpu.memory_space<vmem>>, vector<1x16xf32>,
      %swap3A_197 = vector.shape_cast %swap3A_196 : vector<1x16xf32> to vector<16xf32>
      %swap3A_198 = vector.shape_cast %mul3A_192 : vector<16xf32> to vector<1x16xf32>
      tpu.vector_store %arg12[%swap3A_194, %swap3A_195], %swap3A_198 {strides = array<i32>} : memref<2x64xf32, #tpu.memory_space<vmem>>, vector<1x16xf32>,
      %mul3A_199 = arith.constant 5.000000e-02 : f32
      %mul3A_200 = vector.broadcast %mul3A_199 : f32 to vector<16xf32>
      %mul3A_201 = arith.mulf %scan3A_176#1, %mul3A_200 : vector<16xf32>
      %swap3A_202 = arith.constant 0 : i32
      %swap3A_203 = arith.index_cast %swap3A_202 : i32 to index
      %swap3A_204 = arith.constant 16 : index
      %swap3A_205 = tpu.vector_load %arg12[%swap3A_203, %swap3A_204] {strides = array<i32>} : memref<2x64xf32, #tpu.memory_space<vmem>>, vector<1x16xf32>,
      %swap3A_206 = vector.shape_cast %swap3A_205 : vector<1x16xf32> to vector<16xf32>
      %swap3A_207 = vector.shape_cast %mul3A_201 : vector<16xf32> to vector<1x16xf32>
      tpu.vector_store %arg12[%swap3A_203, %swap3A_204], %swap3A_207 {strides = array<i32>} : memref<2x64xf32, #tpu.memory_space<vmem>>, vector<1x16xf32>,
      %mul3A_208 = arith.constant 5.000000e-02 : f32
      %mul3A_209 = vector.broadcast %mul3A_208 : f32 to vector<16xf32>
      %mul3A_210 = arith.mulf %scan3A_176#2, %mul3A_209 : vector<16xf32>
      %swap3A_211 = arith.constant 0 : i32
      %swap3A_212 = arith.index_cast %swap3A_211 : i32 to index
      %swap3A_213 = arith.constant 32 : index
      %swap3A_214 = tpu.vector_load %arg12[%swap3A_212, %swap3A_213] {strides = array<i32>} : memref<2x64xf32, #tpu.memory_space<vmem>>, vector<1x16xf32>,
      %swap3A_215 = vector.shape_cast %swap3A_214 : vector<1x16xf32> to vector<16xf32>
      %swap3A_216 = vector.shape_cast %mul3A_210 : vector<16xf32> to vector<1x16xf32>
      tpu.vector_store %arg12[%swap3A_212, %swap3A_213], %swap3A_216 {strides = array<i32>} : memref<2x64xf32, #tpu.memory_space<vmem>>, vector<1x16xf32>,
      %mul3A_217 = arith.constant 5.000000e-02 : f32
      %mul3A_218 = vector.broadcast %mul3A_217 : f32 to vector<16xf32>
      %mul3A_219 = arith.mulf %scan3A_176#3, %mul3A_218 : vector<16xf32>
      %swap3A_220 = arith.constant 0 : i32
      %swap3A_221 = arith.index_cast %swap3A_220 : i32 to index
      %swap3A_222 = arith.constant 48 : index
      %swap3A_223 = tpu.vector_load %arg12[%swap3A_221, %swap3A_222] {strides = array<i32>} : memref<2x64xf32, #tpu.memory_space<vmem>>, vector<1x16xf32>,
      %swap3A_224 = vector.shape_cast %swap3A_223 : vector<1x16xf32> to vector<16xf32>
      %swap3A_225 = vector.shape_cast %mul3A_219 : vector<16xf32> to vector<1x16xf32>
      tpu.vector_store %arg12[%swap3A_221, %swap3A_222], %swap3A_225 {strides = array<i32>} : memref<2x64xf32, #tpu.memory_space<vmem>>, vector<1x16xf32>,
      %mul3A_226 = arith.constant 5.000000e-02 : f32
      %mul3A_227 = vector.broadcast %mul3A_226 : f32 to vector<16xf32>
      %mul3A_228 = arith.mulf %scan3A_176#4, %mul3A_227 : vector<16xf32>
      %swap3A_229 = arith.constant 1 : i32
      %swap3A_230 = arith.index_cast %swap3A_229 : i32 to index
      %swap3A_231 = arith.constant 0 : index
      %swap3A_232 = tpu.vector_load %arg12[%swap3A_230, %swap3A_231] {strides = array<i32>} : memref<2x64xf32, #tpu.memory_space<vmem>>, vector<1x16xf32>,
      %swap3A_233 = vector.shape_cast %swap3A_232 : vector<1x16xf32> to vector<16xf32>
      %swap3A_234 = vector.shape_cast %mul3A_228 : vector<16xf32> to vector<1x16xf32>
      tpu.vector_store %arg12[%swap3A_230, %swap3A_231], %swap3A_234 {strides = array<i32>} : memref<2x64xf32, #tpu.memory_space<vmem>>, vector<1x16xf32>,
      %mul3A_235 = arith.constant 5.000000e-02 : f32
      %mul3A_236 = vector.broadcast %mul3A_235 : f32 to vector<16xf32>
      %mul3A_237 = arith.mulf %scan3A_176#5, %mul3A_236 : vector<16xf32>
      %swap3A_238 = arith.constant 1 : i32
      %swap3A_239 = arith.index_cast %swap3A_238 : i32 to index
      %swap3A_240 = arith.constant 16 : index
      %swap3A_241 = tpu.vector_load %arg12[%swap3A_239, %swap3A_240] {strides = array<i32>} : memref<2x64xf32, #tpu.memory_space<vmem>>, vector<1x16xf32>,
      %swap3A_242 = vector.shape_cast %swap3A_241 : vector<1x16xf32> to vector<16xf32>
      %swap3A_243 = vector.shape_cast %mul3A_237 : vector<16xf32> to vector<1x16xf32>
      tpu.vector_store %arg12[%swap3A_239, %swap3A_240], %swap3A_243 {strides = array<i32>} : memref<2x64xf32, #tpu.memory_space<vmem>>, vector<1x16xf32>,
      %mul3A_244 = arith.constant 5.000000e-02 : f32
      %mul3A_245 = vector.broadcast %mul3A_244 : f32 to vector<16xf32>
      %mul3A_246 = arith.mulf %scan3A_176#6, %mul3A_245 : vector<16xf32>
      %swap3A_247 = arith.constant 1 : i32
      %swap3A_248 = arith.index_cast %swap3A_247 : i32 to index
      %swap3A_249 = arith.constant 32 : index
      %swap3A_250 = tpu.vector_load %arg12[%swap3A_248, %swap3A_249] {strides = array<i32>} : memref<2x64xf32, #tpu.memory_space<vmem>>, vector<1x16xf32>,
      %swap3A_251 = vector.shape_cast %swap3A_250 : vector<1x16xf32> to vector<16xf32>
      %swap3A_252 = vector.shape_cast %mul3A_246 : vector<16xf32> to vector<1x16xf32>
      tpu.vector_store %arg12[%swap3A_248, %swap3A_249], %swap3A_252 {strides = array<i32>} : memref<2x64xf32, #tpu.memory_space<vmem>>, vector<1x16xf32>,
      %mul3A_253 = arith.constant 5.000000e-02 : f32
      %mul3A_254 = vector.broadcast %mul3A_253 : f32 to vector<16xf32>
      %mul3A_255 = arith.mulf %scan3A_176#7, %mul3A_254 : vector<16xf32>
      %swap3A_256 = arith.constant 1 : i32
      %swap3A_257 = arith.index_cast %swap3A_256 : i32 to index
      %swap3A_258 = arith.constant 48 : index
      %swap3A_259 = tpu.vector_load %arg12[%swap3A_257, %swap3A_258] {strides = array<i32>} : memref<2x64xf32, #tpu.memory_space<vmem>>, vector<1x16xf32>,
      %swap3A_260 = vector.shape_cast %swap3A_259 : vector<1x16xf32> to vector<16xf32>
      %swap3A_261 = vector.shape_cast %mul3A_255 : vector<16xf32> to vector<1x16xf32>
      tpu.vector_store %arg12[%swap3A_257, %swap3A_258], %swap3A_261 {strides = array<i32>} : memref<2x64xf32, #tpu.memory_space<vmem>>, vector<1x16xf32>,
      %mul3A_262 = arith.constant 2 : i32
      %mul3A_263 = arith.muli %add3A_165, %mul3A_262 : i32
      %add3A_264 = arith.addi %mul3A_2, %mul3A_263 : i32
      %lt3A_265 = arith.constant 1024 : i32
      %lt3A_266 = arith.cmpi slt, %add3A_264, %lt3A_265 : i32
      %convert_element_type3A_267 = arith.extui %lt3A_266 : i1 to i32
      %cond3A_268 = arith.constant 0 : i32
      %cond3A_269 = arith.cmpi ne, %convert_element_type3A_267, %cond3A_268 : i32
      scf.if %cond3A_269 {
        %dma_start3A_501 = arith.constant 0 : i32
        %dma_start3A_502 = tpu.memref_slice %arg4[%add3A_264, %dma_start3A_501] : memref<1024x64xf32, #tpu.memory_space<hbm>> -> memref<2x64xf32, #tpu.memory_space<hbm>>
        %dma_start3A_503 = arith.constant 0 : i32
        %dma_start3A_504 = tpu.memref_slice %arg4[%add3A_264, %dma_start3A_503] : memref<1024x64xf32, #tpu.memory_space<hbm>> -> memref<2x64xf32, #tpu.memory_space<hbm>>
        tpu.enqueue_dma source(%arg12 : memref<2x64xf32, #tpu.memory_space<vmem>>) target(%dma_start3A_504 : memref<2x64xf32, #tpu.memory_space<hbm>>) target_semaphore(%arg20 : memref<!tpu.dma_semaphore, #tpu.memory_space<semaphore_mem>>)
      } else {
      }
      %ge3A_270 = arith.constant 1024 : i32
      %ge3A_271 = arith.cmpi sge, %add3A_264, %ge3A_270 : i32
      %convert_element_type3A_272 = arith.extui %ge3A_271 : i1 to i32
      %cond3A_273 = arith.constant 0 : i32
      %cond3A_274 = arith.cmpi ne, %convert_element_type3A_272, %cond3A_273 : i32
      scf.if %cond3A_274 {
        %sub3A = arith.constant 1024 : i32
        %sub3A_501 = arith.subi %add3A_264, %sub3A : i32
        %dma_start3A_502 = arith.constant 0 : i32
        %dma_start3A_503 = tpu.memref_slice %arg5[%sub3A_501, %dma_start3A_502] : memref<20480x64xf32, #tpu.memory_space<hbm>> -> memref<2x64xf32, #tpu.memory_space<hbm>>
        %dma_start3A_504 = arith.constant 0 : i32
        %dma_start3A_505 = tpu.memref_slice %arg5[%sub3A_501, %dma_start3A_504] : memref<20480x64xf32, #tpu.memory_space<hbm>> -> memref<2x64xf32, #tpu.memory_space<hbm>>
        tpu.enqueue_dma source(%arg12 : memref<2x64xf32, #tpu.memory_space<vmem>>) target(%dma_start3A_505 : memref<2x64xf32, #tpu.memory_space<hbm>>) target_semaphore(%arg20 : memref<!tpu.dma_semaphore, #tpu.memory_space<semaphore_mem>>)
      } else {
      }
      %mul3A_275 = arith.constant 4 : i32
      %mul3A_276 = arith.muli %mul3A_275, %scan3A_53 : i32
      %add3A_277 = arith.constant 2 : i32
      %add3A_278 = arith.addi %mul3A_276, %add3A_277 : i32
      %mul3A_279 = arith.constant 120 : i32
      %mul3A_280 = arith.muli %add3A_278, %mul3A_279 : i32
      %dma_wait3A_281 = tpu.memref_slice %arg6[%mul3A_280] : memref<40320xi32, #tpu.memory_space<vmem>> -> memref<120xi32, #tpu.memory_space<vmem>>
      %dma_wait3A_282 = arith.constant 0 : i32
      %dma_wait3A_283 = arith.constant 0 : i32
      %dma_wait3A_284 = tpu.memref_slice %arg3[%dma_wait3A_282, %dma_wait3A_283] : memref<100000x64xf32, #tpu.memory_space<hbm>> -> memref<100000x64xf32, #tpu.memory_space<hbm>>
      tpu.wait_indirect_dma semaphore(%arg17 : memref<!tpu.dma_semaphore, #tpu.memory_space<semaphore_mem>>) src(%dma_wait3A_284 : memref<100000x64xf32, #tpu.memory_space<hbm>>) dst(%arg9 : memref<120x64xf32, #tpu.memory_space<vmem>>)
      %scan3A_285 = arith.constant 0 : i32
      %scan3A_286 = arith.constant 4 : i32
      %scan3A_287 = arith.addi %scan3A_285, %scan3A_286 : i32
      %scan3A_288 = arith.constant 1 : i32
      %scan3A_289:8 = scf.for %scan3A_501 = %scan3A_285 to %scan3A_287 step %scan3A_288 iter_args(%scan3A_502 = %broadcast_in_dim3A_24, %scan3A_503 = %broadcast_in_dim3A_24, %scan3A_504 = %broadcast_in_dim3A_24, %scan3A_505 = %broadcast_in_dim3A_24, %scan3A_506 = %broadcast_in_dim3A_24, %scan3A_507 = %broadcast_in_dim3A_24, %scan3A_508 = %broadcast_in_dim3A_24, %scan3A_509 = %broadcast_in_dim3A_24) -> (vector<16xf32>, vector<16xf32>, vector<16xf32>, vector<16xf32>, vector<16xf32>, vector<16xf32>, vector<16xf32>, vector<16xf32>)  : i32 {
        %mul3A_510 = arith.constant 15 : i32
        %mul3A_511 = arith.muli %scan3A_501, %mul3A_510 : i32
        %add3A_512 = arith.constant 0 : i32
        %add3A_513 = arith.addi %add3A_512, %mul3A_511 : i32
        %add3A_514 = arith.constant 0 : i32
        %add3A_515 = arith.addi %add3A_513, %add3A_514 : i32
        %get3A = arith.index_cast %add3A_515 : i32 to index
        %get3A_516 = arith.constant 0 : index
        %get3A_517 = tpu.vector_load %arg9[%get3A, %get3A_516] {strides = array<i32>} : memref<120x64xf32, #tpu.memory_space<vmem>>, vector<1x16xf32>,
        %get3A_518 = vector.shape_cast %get3A_517 : vector<1x16xf32> to vector<16xf32>
        %add3A_519 = arith.addf %scan3A_502, %get3A_518 : vector<16xf32>
        %get3A_520 = arith.index_cast %add3A_515 : i32 to index
        %get3A_521 = arith.constant 16 : index
        %get3A_522 = tpu.vector_load %arg9[%get3A_520, %get3A_521] {strides = array<i32>} : memref<120x64xf32, #tpu.memory_space<vmem>>, vector<1x16xf32>,
        %get3A_523 = vector.shape_cast %get3A_522 : vector<1x16xf32> to vector<16xf32>
        %add3A_524 = arith.addf %scan3A_503, %get3A_523 : vector<16xf32>
        %get3A_525 = arith.index_cast %add3A_515 : i32 to index
        %get3A_526 = arith.constant 32 : index
        %get3A_527 = tpu.vector_load %arg9[%get3A_525, %get3A_526] {strides = array<i32>} : memref<120x64xf32, #tpu.memory_space<vmem>>, vector<1x16xf32>,
        %get3A_528 = vector.shape_cast %get3A_527 : vector<1x16xf32> to vector<16xf32>
        %add3A_529 = arith.addf %scan3A_504, %get3A_528 : vector<16xf32>
        %get3A_530 = arith.index_cast %add3A_515 : i32 to index
        %get3A_531 = arith.constant 48 : index
        %get3A_532 = tpu.vector_load %arg9[%get3A_530, %get3A_531] {strides = array<i32>} : memref<120x64xf32, #tpu.memory_space<vmem>>, vector<1x16xf32>,
        %get3A_533 = vector.shape_cast %get3A_532 : vector<1x16xf32> to vector<16xf32>
        %add3A_534 = arith.addf %scan3A_505, %get3A_533 : vector<16xf32>
        %mul3A_535 = arith.constant 15 : i32
        %mul3A_536 = arith.muli %scan3A_501, %mul3A_535 : i32
        %add3A_537 = arith.constant 60 : i32
        %add3A_538 = arith.addi %add3A_537, %mul3A_536 : i32
        %add3A_539 = arith.constant 0 : i32
        %add3A_540 = arith.addi %add3A_538, %add3A_539 : i32
        %get3A_541 = arith.index_cast %add3A_540 : i32 to index
        %get3A_542 = arith.constant 0 : index
        %get3A_543 = tpu.vector_load %arg9[%get3A_541, %get3A_542] {strides = array<i32>} : memref<120x64xf32, #tpu.memory_space<vmem>>, vector<1x16xf32>,
        %get3A_544 = vector.shape_cast %get3A_543 : vector<1x16xf32> to vector<16xf32>
        %add3A_545 = arith.addf %scan3A_506, %get3A_544 : vector<16xf32>
        %get3A_546 = arith.index_cast %add3A_540 : i32 to index
        %get3A_547 = arith.constant 16 : index
        %get3A_548 = tpu.vector_load %arg9[%get3A_546, %get3A_547] {strides = array<i32>} : memref<120x64xf32, #tpu.memory_space<vmem>>, vector<1x16xf32>,
        %get3A_549 = vector.shape_cast %get3A_548 : vector<1x16xf32> to vector<16xf32>
        %add3A_550 = arith.addf %scan3A_507, %get3A_549 : vector<16xf32>
        %get3A_551 = arith.index_cast %add3A_540 : i32 to index
        %get3A_552 = arith.constant 32 : index
        %get3A_553 = tpu.vector_load %arg9[%get3A_551, %get3A_552] {strides = array<i32>} : memref<120x64xf32, #tpu.memory_space<vmem>>, vector<1x16xf32>,
        %get3A_554 = vector.shape_cast %get3A_553 : vector<1x16xf32> to vector<16xf32>
        %add3A_555 = arith.addf %scan3A_508, %get3A_554 : vector<16xf32>
        %get3A_556 = arith.index_cast %add3A_540 : i32 to index
        %get3A_557 = arith.constant 48 : index
        %get3A_558 = tpu.vector_load %arg9[%get3A_556, %get3A_557] {strides = array<i32>} : memref<120x64xf32, #tpu.memory_space<vmem>>, vector<1x16xf32>,
        %get3A_559 = vector.shape_cast %get3A_558 : vector<1x16xf32> to vector<16xf32>
        %add3A_560 = arith.addf %scan3A_509, %get3A_559 : vector<16xf32>
        %mul3A_561 = arith.constant 15 : i32
        %mul3A_562 = arith.muli %scan3A_501, %mul3A_561 : i32
        %add3A_563 = arith.constant 0 : i32
        %add3A_564 = arith.addi %add3A_563, %mul3A_562 : i32
        %add3A_565 = arith.constant 1 : i32
        %add3A_566 = arith.addi %add3A_564, %add3A_565 : i32
        %get3A_567 = arith.index_cast %add3A_566 : i32 to index
        %get3A_568 = arith.constant 0 : index
        %get3A_569 = tpu.vector_load %arg9[%get3A_567, %get3A_568] {strides = array<i32>} : memref<120x64xf32, #tpu.memory_space<vmem>>, vector<1x16xf32>,
        %get3A_570 = vector.shape_cast %get3A_569 : vector<1x16xf32> to vector<16xf32>
        %add3A_571 = arith.addf %add3A_519, %get3A_570 : vector<16xf32>
        %get3A_572 = arith.index_cast %add3A_566 : i32 to index
        %get3A_573 = arith.constant 16 : index
        %get3A_574 = tpu.vector_load %arg9[%get3A_572, %get3A_573] {strides = array<i32>} : memref<120x64xf32, #tpu.memory_space<vmem>>, vector<1x16xf32>,
        %get3A_575 = vector.shape_cast %get3A_574 : vector<1x16xf32> to vector<16xf32>
        %add3A_576 = arith.addf %add3A_524, %get3A_575 : vector<16xf32>
        %get3A_577 = arith.index_cast %add3A_566 : i32 to index
        %get3A_578 = arith.constant 32 : index
        %get3A_579 = tpu.vector_load %arg9[%get3A_577, %get3A_578] {strides = array<i32>} : memref<120x64xf32, #tpu.memory_space<vmem>>, vector<1x16xf32>,
        %get3A_580 = vector.shape_cast %get3A_579 : vector<1x16xf32> to vector<16xf32>
        %add3A_581 = arith.addf %add3A_529, %get3A_580 : vector<16xf32>
        %get3A_582 = arith.index_cast %add3A_566 : i32 to index
        %get3A_583 = arith.constant 48 : index
        %get3A_584 = tpu.vector_load %arg9[%get3A_582, %get3A_583] {strides = array<i32>} : memref<120x64xf32, #tpu.memory_space<vmem>>, vector<1x16xf32>,
        %get3A_585 = vector.shape_cast %get3A_584 : vector<1x16xf32> to vector<16xf32>
        %add3A_586 = arith.addf %add3A_534, %get3A_585 : vector<16xf32>
        %mul3A_587 = arith.constant 15 : i32
        %mul3A_588 = arith.muli %scan3A_501, %mul3A_587 : i32
        %add3A_589 = arith.constant 60 : i32
        %add3A_590 = arith.addi %add3A_589, %mul3A_588 : i32
        %add3A_591 = arith.constant 1 : i32
        %add3A_592 = arith.addi %add3A_590, %add3A_591 : i32
        %get3A_593 = arith.index_cast %add3A_592 : i32 to index
        %get3A_594 = arith.constant 0 : index
        %get3A_595 = tpu.vector_load %arg9[%get3A_593, %get3A_594] {strides = array<i32>} : memref<120x64xf32, #tpu.memory_space<vmem>>, vector<1x16xf32>,
        %get3A_596 = vector.shape_cast %get3A_595 : vector<1x16xf32> to vector<16xf32>
        %add3A_597 = arith.addf %add3A_545, %get3A_596 : vector<16xf32>
        %get3A_598 = arith.index_cast %add3A_592 : i32 to index
        %get3A_599 = arith.constant 16 : index
        %get3A_600 = tpu.vector_load %arg9[%get3A_598, %get3A_599] {strides = array<i32>} : memref<120x64xf32, #tpu.memory_space<vmem>>, vector<1x16xf32>,
        %get3A_601 = vector.shape_cast %get3A_600 : vector<1x16xf32> to vector<16xf32>
        %add3A_602 = arith.addf %add3A_550, %get3A_601 : vector<16xf32>
        %get3A_603 = arith.index_cast %add3A_592 : i32 to index
        %get3A_604 = arith.constant 32 : index
        %get3A_605 = tpu.vector_load %arg9[%get3A_603, %get3A_604] {strides = array<i32>} : memref<120x64xf32, #tpu.memory_space<vmem>>, vector<1x16xf32>,
        %get3A_606 = vector.shape_cast %get3A_605 : vector<1x16xf32> to vector<16xf32>
        %add3A_607 = arith.addf %add3A_555, %get3A_606 : vector<16xf32>
        %get3A_608 = arith.index_cast %add3A_592 : i32 to index
        %get3A_609 = arith.constant 48 : index
        %get3A_610 = tpu.vector_load %arg9[%get3A_608, %get3A_609] {strides = array<i32>} : memref<120x64xf32, #tpu.memory_space<vmem>>, vector<1x16xf32>,
        %get3A_611 = vector.shape_cast %get3A_610 : vector<1x16xf32> to vector<16xf32>
        %add3A_612 = arith.addf %add3A_560, %get3A_611 : vector<16xf32>
        %mul3A_613 = arith.constant 15 : i32
        %mul3A_614 = arith.muli %scan3A_501, %mul3A_613 : i32
        %add3A_615 = arith.constant 0 : i32
        %add3A_616 = arith.addi %add3A_615, %mul3A_614 : i32
        %add3A_617 = arith.constant 2 : i32
        %add3A_618 = arith.addi %add3A_616, %add3A_617 : i32
        %get3A_619 = arith.index_cast %add3A_618 : i32 to index
        %get3A_620 = arith.constant 0 : index
        %get3A_621 = tpu.vector_load %arg9[%get3A_619, %get3A_620] {strides = array<i32>} : memref<120x64xf32, #tpu.memory_space<vmem>>, vector<1x16xf32>,
        %get3A_622 = vector.shape_cast %get3A_621 : vector<1x16xf32> to vector<16xf32>
        %add3A_623 = arith.addf %add3A_571, %get3A_622 : vector<16xf32>
        %get3A_624 = arith.index_cast %add3A_618 : i32 to index
        %get3A_625 = arith.constant 16 : index
        %get3A_626 = tpu.vector_load %arg9[%get3A_624, %get3A_625] {strides = array<i32>} : memref<120x64xf32, #tpu.memory_space<vmem>>, vector<1x16xf32>,
        %get3A_627 = vector.shape_cast %get3A_626 : vector<1x16xf32> to vector<16xf32>
        %add3A_628 = arith.addf %add3A_576, %get3A_627 : vector<16xf32>
        %get3A_629 = arith.index_cast %add3A_618 : i32 to index
        %get3A_630 = arith.constant 32 : index
        %get3A_631 = tpu.vector_load %arg9[%get3A_629, %get3A_630] {strides = array<i32>} : memref<120x64xf32, #tpu.memory_space<vmem>>, vector<1x16xf32>,
        %get3A_632 = vector.shape_cast %get3A_631 : vector<1x16xf32> to vector<16xf32>
        %add3A_633 = arith.addf %add3A_581, %get3A_632 : vector<16xf32>
        %get3A_634 = arith.index_cast %add3A_618 : i32 to index
        %get3A_635 = arith.constant 48 : index
        %get3A_636 = tpu.vector_load %arg9[%get3A_634, %get3A_635] {strides = array<i32>} : memref<120x64xf32, #tpu.memory_space<vmem>>, vector<1x16xf32>,
        %get3A_637 = vector.shape_cast %get3A_636 : vector<1x16xf32> to vector<16xf32>
        %add3A_638 = arith.addf %add3A_586, %get3A_637 : vector<16xf32>
        %mul3A_639 = arith.constant 15 : i32
        %mul3A_640 = arith.muli %scan3A_501, %mul3A_639 : i32
        %add3A_641 = arith.constant 60 : i32
        %add3A_642 = arith.addi %add3A_641, %mul3A_640 : i32
        %add3A_643 = arith.constant 2 : i32
        %add3A_644 = arith.addi %add3A_642, %add3A_643 : i32
        %get3A_645 = arith.index_cast %add3A_644 : i32 to index
        %get3A_646 = arith.constant 0 : index
        %get3A_647 = tpu.vector_load %arg9[%get3A_645, %get3A_646] {strides = array<i32>} : memref<120x64xf32, #tpu.memory_space<vmem>>, vector<1x16xf32>,
        %get3A_648 = vector.shape_cast %get3A_647 : vector<1x16xf32> to vector<16xf32>
        %add3A_649 = arith.addf %add3A_597, %get3A_648 : vector<16xf32>
        %get3A_650 = arith.index_cast %add3A_644 : i32 to index
        %get3A_651 = arith.constant 16 : index
        %get3A_652 = tpu.vector_load %arg9[%get3A_650, %get3A_651] {strides = array<i32>} : memref<120x64xf32, #tpu.memory_space<vmem>>, vector<1x16xf32>,
        %get3A_653 = vector.shape_cast %get3A_652 : vector<1x16xf32> to vector<16xf32>
        %add3A_654 = arith.addf %add3A_602, %get3A_653 : vector<16xf32>
        %get3A_655 = arith.index_cast %add3A_644 : i32 to index
        %get3A_656 = arith.constant 32 : index
        %get3A_657 = tpu.vector_load %arg9[%get3A_655, %get3A_656] {strides = array<i32>} : memref<120x64xf32, #tpu.memory_space<vmem>>, vector<1x16xf32>,
        %get3A_658 = vector.shape_cast %get3A_657 : vector<1x16xf32> to vector<16xf32>
        %add3A_659 = arith.addf %add3A_607, %get3A_658 : vector<16xf32>
        %get3A_660 = arith.index_cast %add3A_644 : i32 to index
        %get3A_661 = arith.constant 48 : index
        %get3A_662 = tpu.vector_load %arg9[%get3A_660, %get3A_661] {strides = array<i32>} : memref<120x64xf32, #tpu.memory_space<vmem>>, vector<1x16xf32>,
        %get3A_663 = vector.shape_cast %get3A_662 : vector<1x16xf32> to vector<16xf32>
        %add3A_664 = arith.addf %add3A_612, %get3A_663 : vector<16xf32>
        %mul3A_665 = arith.constant 15 : i32
        %mul3A_666 = arith.muli %scan3A_501, %mul3A_665 : i32
        %add3A_667 = arith.constant 0 : i32
        %add3A_668 = arith.addi %add3A_667, %mul3A_666 : i32
        %add3A_669 = arith.constant 3 : i32
        %add3A_670 = arith.addi %add3A_668, %add3A_669 : i32
        %get3A_671 = arith.index_cast %add3A_670 : i32 to index
        %get3A_672 = arith.constant 0 : index
        %get3A_673 = tpu.vector_load %arg9[%get3A_671, %get3A_672] {strides = array<i32>} : memref<120x64xf32, #tpu.memory_space<vmem>>, vector<1x16xf32>,
        %get3A_674 = vector.shape_cast %get3A_673 : vector<1x16xf32> to vector<16xf32>
        %add3A_675 = arith.addf %add3A_623, %get3A_674 : vector<16xf32>
        %get3A_676 = arith.index_cast %add3A_670 : i32 to index
        %get3A_677 = arith.constant 16 : index
        %get3A_678 = tpu.vector_load %arg9[%get3A_676, %get3A_677] {strides = array<i32>} : memref<120x64xf32, #tpu.memory_space<vmem>>, vector<1x16xf32>,
        %get3A_679 = vector.shape_cast %get3A_678 : vector<1x16xf32> to vector<16xf32>
        %add3A_680 = arith.addf %add3A_628, %get3A_679 : vector<16xf32>
        %get3A_681 = arith.index_cast %add3A_670 : i32 to index
        %get3A_682 = arith.constant 32 : index
        %get3A_683 = tpu.vector_load %arg9[%get3A_681, %get3A_682] {strides = array<i32>} : memref<120x64xf32, #tpu.memory_space<vmem>>, vector<1x16xf32>,
        %get3A_684 = vector.shape_cast %get3A_683 : vector<1x16xf32> to vector<16xf32>
        %add3A_685 = arith.addf %add3A_633, %get3A_684 : vector<16xf32>
        %get3A_686 = arith.index_cast %add3A_670 : i32 to index
        %get3A_687 = arith.constant 48 : index
        %get3A_688 = tpu.vector_load %arg9[%get3A_686, %get3A_687] {strides = array<i32>} : memref<120x64xf32, #tpu.memory_space<vmem>>, vector<1x16xf32>,
        %get3A_689 = vector.shape_cast %get3A_688 : vector<1x16xf32> to vector<16xf32>
        %add3A_690 = arith.addf %add3A_638, %get3A_689 : vector<16xf32>
        %mul3A_691 = arith.constant 15 : i32
        %mul3A_692 = arith.muli %scan3A_501, %mul3A_691 : i32
        %add3A_693 = arith.constant 60 : i32
        %add3A_694 = arith.addi %add3A_693, %mul3A_692 : i32
        %add3A_695 = arith.constant 3 : i32
        %add3A_696 = arith.addi %add3A_694, %add3A_695 : i32
        %get3A_697 = arith.index_cast %add3A_696 : i32 to index
        %get3A_698 = arith.constant 0 : index
        %get3A_699 = tpu.vector_load %arg9[%get3A_697, %get3A_698] {strides = array<i32>} : memref<120x64xf32, #tpu.memory_space<vmem>>, vector<1x16xf32>,
        %get3A_700 = vector.shape_cast %get3A_699 : vector<1x16xf32> to vector<16xf32>
        %add3A_701 = arith.addf %add3A_649, %get3A_700 : vector<16xf32>
        %get3A_702 = arith.index_cast %add3A_696 : i32 to index
        %get3A_703 = arith.constant 16 : index
        %get3A_704 = tpu.vector_load %arg9[%get3A_702, %get3A_703] {strides = array<i32>} : memref<120x64xf32, #tpu.memory_space<vmem>>, vector<1x16xf32>,
        %get3A_705 = vector.shape_cast %get3A_704 : vector<1x16xf32> to vector<16xf32>
        %add3A_706 = arith.addf %add3A_654, %get3A_705 : vector<16xf32>
        %get3A_707 = arith.index_cast %add3A_696 : i32 to index
        %get3A_708 = arith.constant 32 : index
        %get3A_709 = tpu.vector_load %arg9[%get3A_707, %get3A_708] {strides = array<i32>} : memref<120x64xf32, #tpu.memory_space<vmem>>, vector<1x16xf32>,
        %get3A_710 = vector.shape_cast %get3A_709 : vector<1x16xf32> to vector<16xf32>
        %add3A_711 = arith.addf %add3A_659, %get3A_710 : vector<16xf32>
        %get3A_712 = arith.index_cast %add3A_696 : i32 to index
        %get3A_713 = arith.constant 48 : index
        %get3A_714 = tpu.vector_load %arg9[%get3A_712, %get3A_713] {strides = array<i32>} : memref<120x64xf32, #tpu.memory_space<vmem>>, vector<1x16xf32>,
        %get3A_715 = vector.shape_cast %get3A_714 : vector<1x16xf32> to vector<16xf32>
        %add3A_716 = arith.addf %add3A_664, %get3A_715 : vector<16xf32>
        %mul3A_717 = arith.constant 15 : i32
        %mul3A_718 = arith.muli %scan3A_501, %mul3A_717 : i32
        %add3A_719 = arith.constant 0 : i32
        %add3A_720 = arith.addi %add3A_719, %mul3A_718 : i32
        %add3A_721 = arith.constant 4 : i32
        %add3A_722 = arith.addi %add3A_720, %add3A_721 : i32
        %get3A_723 = arith.index_cast %add3A_722 : i32 to index
        %get3A_724 = arith.constant 0 : index
        %get3A_725 = tpu.vector_load %arg9[%get3A_723, %get3A_724] {strides = array<i32>} : memref<120x64xf32, #tpu.memory_space<vmem>>, vector<1x16xf32>,
        %get3A_726 = vector.shape_cast %get3A_725 : vector<1x16xf32> to vector<16xf32>
        %add3A_727 = arith.addf %add3A_675, %get3A_726 : vector<16xf32>
        %get3A_728 = arith.index_cast %add3A_722 : i32 to index
        %get3A_729 = arith.constant 16 : index
        %get3A_730 = tpu.vector_load %arg9[%get3A_728, %get3A_729] {strides = array<i32>} : memref<120x64xf32, #tpu.memory_space<vmem>>, vector<1x16xf32>,
        %get3A_731 = vector.shape_cast %get3A_730 : vector<1x16xf32> to vector<16xf32>
        %add3A_732 = arith.addf %add3A_680, %get3A_731 : vector<16xf32>
        %get3A_733 = arith.index_cast %add3A_722 : i32 to index
        %get3A_734 = arith.constant 32 : index
        %get3A_735 = tpu.vector_load %arg9[%get3A_733, %get3A_734] {strides = array<i32>} : memref<120x64xf32, #tpu.memory_space<vmem>>, vector<1x16xf32>,
        %get3A_736 = vector.shape_cast %get3A_735 : vector<1x16xf32> to vector<16xf32>
        %add3A_737 = arith.addf %add3A_685, %get3A_736 : vector<16xf32>
        %get3A_738 = arith.index_cast %add3A_722 : i32 to index
        %get3A_739 = arith.constant 48 : index
        %get3A_740 = tpu.vector_load %arg9[%get3A_738, %get3A_739] {strides = array<i32>} : memref<120x64xf32, #tpu.memory_space<vmem>>, vector<1x16xf32>,
        %get3A_741 = vector.shape_cast %get3A_740 : vector<1x16xf32> to vector<16xf32>
        %add3A_742 = arith.addf %add3A_690, %get3A_741 : vector<16xf32>
        %mul3A_743 = arith.constant 15 : i32
        %mul3A_744 = arith.muli %scan3A_501, %mul3A_743 : i32
        %add3A_745 = arith.constant 60 : i32
        %add3A_746 = arith.addi %add3A_745, %mul3A_744 : i32
        %add3A_747 = arith.constant 4 : i32
        %add3A_748 = arith.addi %add3A_746, %add3A_747 : i32
        %get3A_749 = arith.index_cast %add3A_748 : i32 to index
        %get3A_750 = arith.constant 0 : index
        %get3A_751 = tpu.vector_load %arg9[%get3A_749, %get3A_750] {strides = array<i32>} : memref<120x64xf32, #tpu.memory_space<vmem>>, vector<1x16xf32>,
        %get3A_752 = vector.shape_cast %get3A_751 : vector<1x16xf32> to vector<16xf32>
        %add3A_753 = arith.addf %add3A_701, %get3A_752 : vector<16xf32>
        %get3A_754 = arith.index_cast %add3A_748 : i32 to index
        %get3A_755 = arith.constant 16 : index
        %get3A_756 = tpu.vector_load %arg9[%get3A_754, %get3A_755] {strides = array<i32>} : memref<120x64xf32, #tpu.memory_space<vmem>>, vector<1x16xf32>,
        %get3A_757 = vector.shape_cast %get3A_756 : vector<1x16xf32> to vector<16xf32>
        %add3A_758 = arith.addf %add3A_706, %get3A_757 : vector<16xf32>
        %get3A_759 = arith.index_cast %add3A_748 : i32 to index
        %get3A_760 = arith.constant 32 : index
        %get3A_761 = tpu.vector_load %arg9[%get3A_759, %get3A_760] {strides = array<i32>} : memref<120x64xf32, #tpu.memory_space<vmem>>, vector<1x16xf32>,
        %get3A_762 = vector.shape_cast %get3A_761 : vector<1x16xf32> to vector<16xf32>
        %add3A_763 = arith.addf %add3A_711, %get3A_762 : vector<16xf32>
        %get3A_764 = arith.index_cast %add3A_748 : i32 to index
        %get3A_765 = arith.constant 48 : index
        %get3A_766 = tpu.vector_load %arg9[%get3A_764, %get3A_765] {strides = array<i32>} : memref<120x64xf32, #tpu.memory_space<vmem>>, vector<1x16xf32>,
        %get3A_767 = vector.shape_cast %get3A_766 : vector<1x16xf32> to vector<16xf32>
        %add3A_768 = arith.addf %add3A_716, %get3A_767 : vector<16xf32>
        %mul3A_769 = arith.constant 15 : i32
        %mul3A_770 = arith.muli %scan3A_501, %mul3A_769 : i32
        %add3A_771 = arith.constant 0 : i32
        %add3A_772 = arith.addi %add3A_771, %mul3A_770 : i32
        %add3A_773 = arith.constant 5 : i32
        %add3A_774 = arith.addi %add3A_772, %add3A_773 : i32
        %get3A_775 = arith.index_cast %add3A_774 : i32 to index
        %get3A_776 = arith.constant 0 : index
        %get3A_777 = tpu.vector_load %arg9[%get3A_775, %get3A_776] {strides = array<i32>} : memref<120x64xf32, #tpu.memory_space<vmem>>, vector<1x16xf32>,
        %get3A_778 = vector.shape_cast %get3A_777 : vector<1x16xf32> to vector<16xf32>
        %add3A_779 = arith.addf %add3A_727, %get3A_778 : vector<16xf32>
        %get3A_780 = arith.index_cast %add3A_774 : i32 to index
        %get3A_781 = arith.constant 16 : index
        %get3A_782 = tpu.vector_load %arg9[%get3A_780, %get3A_781] {strides = array<i32>} : memref<120x64xf32, #tpu.memory_space<vmem>>, vector<1x16xf32>,
        %get3A_783 = vector.shape_cast %get3A_782 : vector<1x16xf32> to vector<16xf32>
        %add3A_784 = arith.addf %add3A_732, %get3A_783 : vector<16xf32>
        %get3A_785 = arith.index_cast %add3A_774 : i32 to index
        %get3A_786 = arith.constant 32 : index
        %get3A_787 = tpu.vector_load %arg9[%get3A_785, %get3A_786] {strides = array<i32>} : memref<120x64xf32, #tpu.memory_space<vmem>>, vector<1x16xf32>,
        %get3A_788 = vector.shape_cast %get3A_787 : vector<1x16xf32> to vector<16xf32>
        %add3A_789 = arith.addf %add3A_737, %get3A_788 : vector<16xf32>
        %get3A_790 = arith.index_cast %add3A_774 : i32 to index
        %get3A_791 = arith.constant 48 : index
        %get3A_792 = tpu.vector_load %arg9[%get3A_790, %get3A_791] {strides = array<i32>} : memref<120x64xf32, #tpu.memory_space<vmem>>, vector<1x16xf32>,
        %get3A_793 = vector.shape_cast %get3A_792 : vector<1x16xf32> to vector<16xf32>
        %add3A_794 = arith.addf %add3A_742, %get3A_793 : vector<16xf32>
        %mul3A_795 = arith.constant 15 : i32
        %mul3A_796 = arith.muli %scan3A_501, %mul3A_795 : i32
        %add3A_797 = arith.constant 60 : i32
        %add3A_798 = arith.addi %add3A_797, %mul3A_796 : i32
        %add3A_799 = arith.constant 5 : i32
        %add3A_800 = arith.addi %add3A_798, %add3A_799 : i32
        %get3A_801 = arith.index_cast %add3A_800 : i32 to index
        %get3A_802 = arith.constant 0 : index
        %get3A_803 = tpu.vector_load %arg9[%get3A_801, %get3A_802] {strides = array<i32>} : memref<120x64xf32, #tpu.memory_space<vmem>>, vector<1x16xf32>,
        %get3A_804 = vector.shape_cast %get3A_803 : vector<1x16xf32> to vector<16xf32>
        %add3A_805 = arith.addf %add3A_753, %get3A_804 : vector<16xf32>
        %get3A_806 = arith.index_cast %add3A_800 : i32 to index
        %get3A_807 = arith.constant 16 : index
        %get3A_808 = tpu.vector_load %arg9[%get3A_806, %get3A_807] {strides = array<i32>} : memref<120x64xf32, #tpu.memory_space<vmem>>, vector<1x16xf32>,
        %get3A_809 = vector.shape_cast %get3A_808 : vector<1x16xf32> to vector<16xf32>
        %add3A_810 = arith.addf %add3A_758, %get3A_809 : vector<16xf32>
        %get3A_811 = arith.index_cast %add3A_800 : i32 to index
        %get3A_812 = arith.constant 32 : index
        %get3A_813 = tpu.vector_load %arg9[%get3A_811, %get3A_812] {strides = array<i32>} : memref<120x64xf32, #tpu.memory_space<vmem>>, vector<1x16xf32>,
        %get3A_814 = vector.shape_cast %get3A_813 : vector<1x16xf32> to vector<16xf32>
        %add3A_815 = arith.addf %add3A_763, %get3A_814 : vector<16xf32>
        %get3A_816 = arith.index_cast %add3A_800 : i32 to index
        %get3A_817 = arith.constant 48 : index
        %get3A_818 = tpu.vector_load %arg9[%get3A_816, %get3A_817] {strides = array<i32>} : memref<120x64xf32, #tpu.memory_space<vmem>>, vector<1x16xf32>,
        %get3A_819 = vector.shape_cast %get3A_818 : vector<1x16xf32> to vector<16xf32>
        %add3A_820 = arith.addf %add3A_768, %get3A_819 : vector<16xf32>
        %mul3A_821 = arith.constant 15 : i32
        %mul3A_822 = arith.muli %scan3A_501, %mul3A_821 : i32
        %add3A_823 = arith.constant 0 : i32
        %add3A_824 = arith.addi %add3A_823, %mul3A_822 : i32
        %add3A_825 = arith.constant 6 : i32
        %add3A_826 = arith.addi %add3A_824, %add3A_825 : i32
        %get3A_827 = arith.index_cast %add3A_826 : i32 to index
        %get3A_828 = arith.constant 0 : index
        %get3A_829 = tpu.vector_load %arg9[%get3A_827, %get3A_828] {strides = array<i32>} : memref<120x64xf32, #tpu.memory_space<vmem>>, vector<1x16xf32>,
        %get3A_830 = vector.shape_cast %get3A_829 : vector<1x16xf32> to vector<16xf32>
        %add3A_831 = arith.addf %add3A_779, %get3A_830 : vector<16xf32>
        %get3A_832 = arith.index_cast %add3A_826 : i32 to index
        %get3A_833 = arith.constant 16 : index
        %get3A_834 = tpu.vector_load %arg9[%get3A_832, %get3A_833] {strides = array<i32>} : memref<120x64xf32, #tpu.memory_space<vmem>>, vector<1x16xf32>,
        %get3A_835 = vector.shape_cast %get3A_834 : vector<1x16xf32> to vector<16xf32>
        %add3A_836 = arith.addf %add3A_784, %get3A_835 : vector<16xf32>
        %get3A_837 = arith.index_cast %add3A_826 : i32 to index
        %get3A_838 = arith.constant 32 : index
        %get3A_839 = tpu.vector_load %arg9[%get3A_837, %get3A_838] {strides = array<i32>} : memref<120x64xf32, #tpu.memory_space<vmem>>, vector<1x16xf32>,
        %get3A_840 = vector.shape_cast %get3A_839 : vector<1x16xf32> to vector<16xf32>
        %add3A_841 = arith.addf %add3A_789, %get3A_840 : vector<16xf32>
        %get3A_842 = arith.index_cast %add3A_826 : i32 to index
        %get3A_843 = arith.constant 48 : index
        %get3A_844 = tpu.vector_load %arg9[%get3A_842, %get3A_843] {strides = array<i32>} : memref<120x64xf32, #tpu.memory_space<vmem>>, vector<1x16xf32>,
        %get3A_845 = vector.shape_cast %get3A_844 : vector<1x16xf32> to vector<16xf32>
        %add3A_846 = arith.addf %add3A_794, %get3A_845 : vector<16xf32>
        %mul3A_847 = arith.constant 15 : i32
        %mul3A_848 = arith.muli %scan3A_501, %mul3A_847 : i32
        %add3A_849 = arith.constant 60 : i32
        %add3A_850 = arith.addi %add3A_849, %mul3A_848 : i32
        %add3A_851 = arith.constant 6 : i32
        %add3A_852 = arith.addi %add3A_850, %add3A_851 : i32
        %get3A_853 = arith.index_cast %add3A_852 : i32 to index
        %get3A_854 = arith.constant 0 : index
        %get3A_855 = tpu.vector_load %arg9[%get3A_853, %get3A_854] {strides = array<i32>} : memref<120x64xf32, #tpu.memory_space<vmem>>, vector<1x16xf32>,
        %get3A_856 = vector.shape_cast %get3A_855 : vector<1x16xf32> to vector<16xf32>
        %add3A_857 = arith.addf %add3A_805, %get3A_856 : vector<16xf32>
        %get3A_858 = arith.index_cast %add3A_852 : i32 to index
        %get3A_859 = arith.constant 16 : index
        %get3A_860 = tpu.vector_load %arg9[%get3A_858, %get3A_859] {strides = array<i32>} : memref<120x64xf32, #tpu.memory_space<vmem>>, vector<1x16xf32>,
        %get3A_861 = vector.shape_cast %get3A_860 : vector<1x16xf32> to vector<16xf32>
        %add3A_862 = arith.addf %add3A_810, %get3A_861 : vector<16xf32>
        %get3A_863 = arith.index_cast %add3A_852 : i32 to index
        %get3A_864 = arith.constant 32 : index
        %get3A_865 = tpu.vector_load %arg9[%get3A_863, %get3A_864] {strides = array<i32>} : memref<120x64xf32, #tpu.memory_space<vmem>>, vector<1x16xf32>,
        %get3A_866 = vector.shape_cast %get3A_865 : vector<1x16xf32> to vector<16xf32>
        %add3A_867 = arith.addf %add3A_815, %get3A_866 : vector<16xf32>
        %get3A_868 = arith.index_cast %add3A_852 : i32 to index
        %get3A_869 = arith.constant 48 : index
        %get3A_870 = tpu.vector_load %arg9[%get3A_868, %get3A_869] {strides = array<i32>} : memref<120x64xf32, #tpu.memory_space<vmem>>, vector<1x16xf32>,
        %get3A_871 = vector.shape_cast %get3A_870 : vector<1x16xf32> to vector<16xf32>
        %add3A_872 = arith.addf %add3A_820, %get3A_871 : vector<16xf32>
        %mul3A_873 = arith.constant 15 : i32
        %mul3A_874 = arith.muli %scan3A_501, %mul3A_873 : i32
        %add3A_875 = arith.constant 0 : i32
        %add3A_876 = arith.addi %add3A_875, %mul3A_874 : i32
        %add3A_877 = arith.constant 7 : i32
        %add3A_878 = arith.addi %add3A_876, %add3A_877 : i32
        %get3A_879 = arith.index_cast %add3A_878 : i32 to index
        %get3A_880 = arith.constant 0 : index
        %get3A_881 = tpu.vector_load %arg9[%get3A_879, %get3A_880] {strides = array<i32>} : memref<120x64xf32, #tpu.memory_space<vmem>>, vector<1x16xf32>,
        %get3A_882 = vector.shape_cast %get3A_881 : vector<1x16xf32> to vector<16xf32>
        %add3A_883 = arith.addf %add3A_831, %get3A_882 : vector<16xf32>
        %get3A_884 = arith.index_cast %add3A_878 : i32 to index
        %get3A_885 = arith.constant 16 : index
        %get3A_886 = tpu.vector_load %arg9[%get3A_884, %get3A_885] {strides = array<i32>} : memref<120x64xf32, #tpu.memory_space<vmem>>, vector<1x16xf32>,
        %get3A_887 = vector.shape_cast %get3A_886 : vector<1x16xf32> to vector<16xf32>
        %add3A_888 = arith.addf %add3A_836, %get3A_887 : vector<16xf32>
        %get3A_889 = arith.index_cast %add3A_878 : i32 to index
        %get3A_890 = arith.constant 32 : index
        %get3A_891 = tpu.vector_load %arg9[%get3A_889, %get3A_890] {strides = array<i32>} : memref<120x64xf32, #tpu.memory_space<vmem>>, vector<1x16xf32>,
        %get3A_892 = vector.shape_cast %get3A_891 : vector<1x16xf32> to vector<16xf32>
        %add3A_893 = arith.addf %add3A_841, %get3A_892 : vector<16xf32>
        %get3A_894 = arith.index_cast %add3A_878 : i32 to index
        %get3A_895 = arith.constant 48 : index
        %get3A_896 = tpu.vector_load %arg9[%get3A_894, %get3A_895] {strides = array<i32>} : memref<120x64xf32, #tpu.memory_space<vmem>>, vector<1x16xf32>,
        %get3A_897 = vector.shape_cast %get3A_896 : vector<1x16xf32> to vector<16xf32>
        %add3A_898 = arith.addf %add3A_846, %get3A_897 : vector<16xf32>
        %mul3A_899 = arith.constant 15 : i32
        %mul3A_900 = arith.muli %scan3A_501, %mul3A_899 : i32
        %add3A_901 = arith.constant 60 : i32
        %add3A_902 = arith.addi %add3A_901, %mul3A_900 : i32
        %add3A_903 = arith.constant 7 : i32
        %add3A_904 = arith.addi %add3A_902, %add3A_903 : i32
        %get3A_905 = arith.index_cast %add3A_904 : i32 to index
        %get3A_906 = arith.constant 0 : index
        %get3A_907 = tpu.vector_load %arg9[%get3A_905, %get3A_906] {strides = array<i32>} : memref<120x64xf32, #tpu.memory_space<vmem>>, vector<1x16xf32>,
        %get3A_908 = vector.shape_cast %get3A_907 : vector<1x16xf32> to vector<16xf32>
        %add3A_909 = arith.addf %add3A_857, %get3A_908 : vector<16xf32>
        %get3A_910 = arith.index_cast %add3A_904 : i32 to index
        %get3A_911 = arith.constant 16 : index
        %get3A_912 = tpu.vector_load %arg9[%get3A_910, %get3A_911] {strides = array<i32>} : memref<120x64xf32, #tpu.memory_space<vmem>>, vector<1x16xf32>,
        %get3A_913 = vector.shape_cast %get3A_912 : vector<1x16xf32> to vector<16xf32>
        %add3A_914 = arith.addf %add3A_862, %get3A_913 : vector<16xf32>
        %get3A_915 = arith.index_cast %add3A_904 : i32 to index
        %get3A_916 = arith.constant 32 : index
        %get3A_917 = tpu.vector_load %arg9[%get3A_915, %get3A_916] {strides = array<i32>} : memref<120x64xf32, #tpu.memory_space<vmem>>, vector<1x16xf32>,
        %get3A_918 = vector.shape_cast %get3A_917 : vector<1x16xf32> to vector<16xf32>
        %add3A_919 = arith.addf %add3A_867, %get3A_918 : vector<16xf32>
        %get3A_920 = arith.index_cast %add3A_904 : i32 to index
        %get3A_921 = arith.constant 48 : index
        %get3A_922 = tpu.vector_load %arg9[%get3A_920, %get3A_921] {strides = array<i32>} : memref<120x64xf32, #tpu.memory_space<vmem>>, vector<1x16xf32>,
        %get3A_923 = vector.shape_cast %get3A_922 : vector<1x16xf32> to vector<16xf32>
        %add3A_924 = arith.addf %add3A_872, %get3A_923 : vector<16xf32>
        %mul3A_925 = arith.constant 15 : i32
        %mul3A_926 = arith.muli %scan3A_501, %mul3A_925 : i32
        %add3A_927 = arith.constant 0 : i32
        %add3A_928 = arith.addi %add3A_927, %mul3A_926 : i32
        %add3A_929 = arith.constant 8 : i32
        %add3A_930 = arith.addi %add3A_928, %add3A_929 : i32
        %get3A_931 = arith.index_cast %add3A_930 : i32 to index
        %get3A_932 = arith.constant 0 : index
        %get3A_933 = tpu.vector_load %arg9[%get3A_931, %get3A_932] {strides = array<i32>} : memref<120x64xf32, #tpu.memory_space<vmem>>, vector<1x16xf32>,
        %get3A_934 = vector.shape_cast %get3A_933 : vector<1x16xf32> to vector<16xf32>
        %add3A_935 = arith.addf %add3A_883, %get3A_934 : vector<16xf32>
        %get3A_936 = arith.index_cast %add3A_930 : i32 to index
        %get3A_937 = arith.constant 16 : index
        %get3A_938 = tpu.vector_load %arg9[%get3A_936, %get3A_937] {strides = array<i32>} : memref<120x64xf32, #tpu.memory_space<vmem>>, vector<1x16xf32>,
        %get3A_939 = vector.shape_cast %get3A_938 : vector<1x16xf32> to vector<16xf32>
        %add3A_940 = arith.addf %add3A_888, %get3A_939 : vector<16xf32>
        %get3A_941 = arith.index_cast %add3A_930 : i32 to index
        %get3A_942 = arith.constant 32 : index
        %get3A_943 = tpu.vector_load %arg9[%get3A_941, %get3A_942] {strides = array<i32>} : memref<120x64xf32, #tpu.memory_space<vmem>>, vector<1x16xf32>,
        %get3A_944 = vector.shape_cast %get3A_943 : vector<1x16xf32> to vector<16xf32>
        %add3A_945 = arith.addf %add3A_893, %get3A_944 : vector<16xf32>
        %get3A_946 = arith.index_cast %add3A_930 : i32 to index
        %get3A_947 = arith.constant 48 : index
        %get3A_948 = tpu.vector_load %arg9[%get3A_946, %get3A_947] {strides = array<i32>} : memref<120x64xf32, #tpu.memory_space<vmem>>, vector<1x16xf32>,
        %get3A_949 = vector.shape_cast %get3A_948 : vector<1x16xf32> to vector<16xf32>
        %add3A_950 = arith.addf %add3A_898, %get3A_949 : vector<16xf32>
        %mul3A_951 = arith.constant 15 : i32
        %mul3A_952 = arith.muli %scan3A_501, %mul3A_951 : i32
        %add3A_953 = arith.constant 60 : i32
        %add3A_954 = arith.addi %add3A_953, %mul3A_952 : i32
        %add3A_955 = arith.constant 8 : i32
        %add3A_956 = arith.addi %add3A_954, %add3A_955 : i32
        %get3A_957 = arith.index_cast %add3A_956 : i32 to index
        %get3A_958 = arith.constant 0 : index
        %get3A_959 = tpu.vector_load %arg9[%get3A_957, %get3A_958] {strides = array<i32>} : memref<120x64xf32, #tpu.memory_space<vmem>>, vector<1x16xf32>,
        %get3A_960 = vector.shape_cast %get3A_959 : vector<1x16xf32> to vector<16xf32>
        %add3A_961 = arith.addf %add3A_909, %get3A_960 : vector<16xf32>
        %get3A_962 = arith.index_cast %add3A_956 : i32 to index
        %get3A_963 = arith.constant 16 : index
        %get3A_964 = tpu.vector_load %arg9[%get3A_962, %get3A_963] {strides = array<i32>} : memref<120x64xf32, #tpu.memory_space<vmem>>, vector<1x16xf32>,
        %get3A_965 = vector.shape_cast %get3A_964 : vector<1x16xf32> to vector<16xf32>
        %add3A_966 = arith.addf %add3A_914, %get3A_965 : vector<16xf32>
        %get3A_967 = arith.index_cast %add3A_956 : i32 to index
        %get3A_968 = arith.constant 32 : index
        %get3A_969 = tpu.vector_load %arg9[%get3A_967, %get3A_968] {strides = array<i32>} : memref<120x64xf32, #tpu.memory_space<vmem>>, vector<1x16xf32>,
        %get3A_970 = vector.shape_cast %get3A_969 : vector<1x16xf32> to vector<16xf32>
        %add3A_971 = arith.addf %add3A_919, %get3A_970 : vector<16xf32>
        %get3A_972 = arith.index_cast %add3A_956 : i32 to index
        %get3A_973 = arith.constant 48 : index
        %get3A_974 = tpu.vector_load %arg9[%get3A_972, %get3A_973] {strides = array<i32>} : memref<120x64xf32, #tpu.memory_space<vmem>>, vector<1x16xf32>,
        %get3A_975 = vector.shape_cast %get3A_974 : vector<1x16xf32> to vector<16xf32>
        %add3A_976 = arith.addf %add3A_924, %get3A_975 : vector<16xf32>
        %mul3A_977 = arith.constant 15 : i32
        %mul3A_978 = arith.muli %scan3A_501, %mul3A_977 : i32
        %add3A_979 = arith.constant 0 : i32
        %add3A_980 = arith.addi %add3A_979, %mul3A_978 : i32
        %add3A_981 = arith.constant 9 : i32
        %add3A_982 = arith.addi %add3A_980, %add3A_981 : i32
        %get3A_983 = arith.index_cast %add3A_982 : i32 to index
        %get3A_984 = arith.constant 0 : index
        %get3A_985 = tpu.vector_load %arg9[%get3A_983, %get3A_984] {strides = array<i32>} : memref<120x64xf32, #tpu.memory_space<vmem>>, vector<1x16xf32>,
        %get3A_986 = vector.shape_cast %get3A_985 : vector<1x16xf32> to vector<16xf32>
        %add3A_987 = arith.addf %add3A_935, %get3A_986 : vector<16xf32>
        %get3A_988 = arith.index_cast %add3A_982 : i32 to index
        %get3A_989 = arith.constant 16 : index
        %get3A_990 = tpu.vector_load %arg9[%get3A_988, %get3A_989] {strides = array<i32>} : memref<120x64xf32, #tpu.memory_space<vmem>>, vector<1x16xf32>,
        %get3A_991 = vector.shape_cast %get3A_990 : vector<1x16xf32> to vector<16xf32>
        %add3A_992 = arith.addf %add3A_940, %get3A_991 : vector<16xf32>
        %get3A_993 = arith.index_cast %add3A_982 : i32 to index
        %get3A_994 = arith.constant 32 : index
        %get3A_995 = tpu.vector_load %arg9[%get3A_993, %get3A_994] {strides = array<i32>} : memref<120x64xf32, #tpu.memory_space<vmem>>, vector<1x16xf32>,
        %get3A_996 = vector.shape_cast %get3A_995 : vector<1x16xf32> to vector<16xf32>
        %add3A_997 = arith.addf %add3A_945, %get3A_996 : vector<16xf32>
        %get3A_998 = arith.index_cast %add3A_982 : i32 to index
        %get3A_999 = arith.constant 48 : index
        %get3A_1000 = tpu.vector_load %arg9[%get3A_998, %get3A_999] {strides = array<i32>} : memref<120x64xf32, #tpu.memory_space<vmem>>, vector<1x16xf32>,
        %get3A_1001 = vector.shape_cast %get3A_1000 : vector<1x16xf32> to vector<16xf32>
        %add3A_1002 = arith.addf %add3A_950, %get3A_1001 : vector<16xf32>
        %mul3A_1003 = arith.constant 15 : i32
        %mul3A_1004 = arith.muli %scan3A_501, %mul3A_1003 : i32
        %add3A_1005 = arith.constant 60 : i32
        %add3A_1006 = arith.addi %add3A_1005, %mul3A_1004 : i32
        %add3A_1007 = arith.constant 9 : i32
        %add3A_1008 = arith.addi %add3A_1006, %add3A_1007 : i32
        %get3A_1009 = arith.index_cast %add3A_1008 : i32 to index
        %get3A_1010 = arith.constant 0 : index
        %get3A_1011 = tpu.vector_load %arg9[%get3A_1009, %get3A_1010] {strides = array<i32>} : memref<120x64xf32, #tpu.memory_space<vmem>>, vector<1x16xf32>,
        %get3A_1012 = vector.shape_cast %get3A_1011 : vector<1x16xf32> to vector<16xf32>
        %add3A_1013 = arith.addf %add3A_961, %get3A_1012 : vector<16xf32>
        %get3A_1014 = arith.index_cast %add3A_1008 : i32 to index
        %get3A_1015 = arith.constant 16 : index
        %get3A_1016 = tpu.vector_load %arg9[%get3A_1014, %get3A_1015] {strides = array<i32>} : memref<120x64xf32, #tpu.memory_space<vmem>>, vector<1x16xf32>,
        %get3A_1017 = vector.shape_cast %get3A_1016 : vector<1x16xf32> to vector<16xf32>
        %add3A_1018 = arith.addf %add3A_966, %get3A_1017 : vector<16xf32>
        %get3A_1019 = arith.index_cast %add3A_1008 : i32 to index
        %get3A_1020 = arith.constant 32 : index
        %get3A_1021 = tpu.vector_load %arg9[%get3A_1019, %get3A_1020] {strides = array<i32>} : memref<120x64xf32, #tpu.memory_space<vmem>>, vector<1x16xf32>,
        %get3A_1022 = vector.shape_cast %get3A_1021 : vector<1x16xf32> to vector<16xf32>
        %add3A_1023 = arith.addf %add3A_971, %get3A_1022 : vector<16xf32>
        %get3A_1024 = arith.index_cast %add3A_1008 : i32 to index
        %get3A_1025 = arith.constant 48 : index
        %get3A_1026 = tpu.vector_load %arg9[%get3A_1024, %get3A_1025] {strides = array<i32>} : memref<120x64xf32, #tpu.memory_space<vmem>>, vector<1x16xf32>,
        %get3A_1027 = vector.shape_cast %get3A_1026 : vector<1x16xf32> to vector<16xf32>
        %add3A_1028 = arith.addf %add3A_976, %get3A_1027 : vector<16xf32>
        %mul3A_1029 = arith.constant 15 : i32
        %mul3A_1030 = arith.muli %scan3A_501, %mul3A_1029 : i32
        %add3A_1031 = arith.constant 0 : i32
        %add3A_1032 = arith.addi %add3A_1031, %mul3A_1030 : i32
        %add3A_1033 = arith.constant 10 : i32
        %add3A_1034 = arith.addi %add3A_1032, %add3A_1033 : i32
        %get3A_1035 = arith.index_cast %add3A_1034 : i32 to index
        %get3A_1036 = arith.constant 0 : index
        %get3A_1037 = tpu.vector_load %arg9[%get3A_1035, %get3A_1036] {strides = array<i32>} : memref<120x64xf32, #tpu.memory_space<vmem>>, vector<1x16xf32>,
        %get3A_1038 = vector.shape_cast %get3A_1037 : vector<1x16xf32> to vector<16xf32>
        %add3A_1039 = arith.addf %add3A_987, %get3A_1038 : vector<16xf32>
        %get3A_1040 = arith.index_cast %add3A_1034 : i32 to index
        %get3A_1041 = arith.constant 16 : index
        %get3A_1042 = tpu.vector_load %arg9[%get3A_1040, %get3A_1041] {strides = array<i32>} : memref<120x64xf32, #tpu.memory_space<vmem>>, vector<1x16xf32>,
        %get3A_1043 = vector.shape_cast %get3A_1042 : vector<1x16xf32> to vector<16xf32>
        %add3A_1044 = arith.addf %add3A_992, %get3A_1043 : vector<16xf32>
        %get3A_1045 = arith.index_cast %add3A_1034 : i32 to index
        %get3A_1046 = arith.constant 32 : index
        %get3A_1047 = tpu.vector_load %arg9[%get3A_1045, %get3A_1046] {strides = array<i32>} : memref<120x64xf32, #tpu.memory_space<vmem>>, vector<1x16xf32>,
        %get3A_1048 = vector.shape_cast %get3A_1047 : vector<1x16xf32> to vector<16xf32>
        %add3A_1049 = arith.addf %add3A_997, %get3A_1048 : vector<16xf32>
        %get3A_1050 = arith.index_cast %add3A_1034 : i32 to index
        %get3A_1051 = arith.constant 48 : index
        %get3A_1052 = tpu.vector_load %arg9[%get3A_1050, %get3A_1051] {strides = array<i32>} : memref<120x64xf32, #tpu.memory_space<vmem>>, vector<1x16xf32>,
        %get3A_1053 = vector.shape_cast %get3A_1052 : vector<1x16xf32> to vector<16xf32>
        %add3A_1054 = arith.addf %add3A_1002, %get3A_1053 : vector<16xf32>
        %mul3A_1055 = arith.constant 15 : i32
        %mul3A_1056 = arith.muli %scan3A_501, %mul3A_1055 : i32
        %add3A_1057 = arith.constant 60 : i32
        %add3A_1058 = arith.addi %add3A_1057, %mul3A_1056 : i32
        %add3A_1059 = arith.constant 10 : i32
        %add3A_1060 = arith.addi %add3A_1058, %add3A_1059 : i32
        %get3A_1061 = arith.index_cast %add3A_1060 : i32 to index
        %get3A_1062 = arith.constant 0 : index
        %get3A_1063 = tpu.vector_load %arg9[%get3A_1061, %get3A_1062] {strides = array<i32>} : memref<120x64xf32, #tpu.memory_space<vmem>>, vector<1x16xf32>,
        %get3A_1064 = vector.shape_cast %get3A_1063 : vector<1x16xf32> to vector<16xf32>
        %add3A_1065 = arith.addf %add3A_1013, %get3A_1064 : vector<16xf32>
        %get3A_1066 = arith.index_cast %add3A_1060 : i32 to index
        %get3A_1067 = arith.constant 16 : index
        %get3A_1068 = tpu.vector_load %arg9[%get3A_1066, %get3A_1067] {strides = array<i32>} : memref<120x64xf32, #tpu.memory_space<vmem>>, vector<1x16xf32>,
        %get3A_1069 = vector.shape_cast %get3A_1068 : vector<1x16xf32> to vector<16xf32>
        %add3A_1070 = arith.addf %add3A_1018, %get3A_1069 : vector<16xf32>
        %get3A_1071 = arith.index_cast %add3A_1060 : i32 to index
        %get3A_1072 = arith.constant 32 : index
        %get3A_1073 = tpu.vector_load %arg9[%get3A_1071, %get3A_1072] {strides = array<i32>} : memref<120x64xf32, #tpu.memory_space<vmem>>, vector<1x16xf32>,
        %get3A_1074 = vector.shape_cast %get3A_1073 : vector<1x16xf32> to vector<16xf32>
        %add3A_1075 = arith.addf %add3A_1023, %get3A_1074 : vector<16xf32>
        %get3A_1076 = arith.index_cast %add3A_1060 : i32 to index
        %get3A_1077 = arith.constant 48 : index
        %get3A_1078 = tpu.vector_load %arg9[%get3A_1076, %get3A_1077] {strides = array<i32>} : memref<120x64xf32, #tpu.memory_space<vmem>>, vector<1x16xf32>,
        %get3A_1079 = vector.shape_cast %get3A_1078 : vector<1x16xf32> to vector<16xf32>
        %add3A_1080 = arith.addf %add3A_1028, %get3A_1079 : vector<16xf32>
        %mul3A_1081 = arith.constant 15 : i32
        %mul3A_1082 = arith.muli %scan3A_501, %mul3A_1081 : i32
        %add3A_1083 = arith.constant 0 : i32
        %add3A_1084 = arith.addi %add3A_1083, %mul3A_1082 : i32
        %add3A_1085 = arith.constant 11 : i32
        %add3A_1086 = arith.addi %add3A_1084, %add3A_1085 : i32
        %get3A_1087 = arith.index_cast %add3A_1086 : i32 to index
        %get3A_1088 = arith.constant 0 : index
        %get3A_1089 = tpu.vector_load %arg9[%get3A_1087, %get3A_1088] {strides = array<i32>} : memref<120x64xf32, #tpu.memory_space<vmem>>, vector<1x16xf32>,
        %get3A_1090 = vector.shape_cast %get3A_1089 : vector<1x16xf32> to vector<16xf32>
        %add3A_1091 = arith.addf %add3A_1039, %get3A_1090 : vector<16xf32>
        %get3A_1092 = arith.index_cast %add3A_1086 : i32 to index
        %get3A_1093 = arith.constant 16 : index
        %get3A_1094 = tpu.vector_load %arg9[%get3A_1092, %get3A_1093] {strides = array<i32>} : memref<120x64xf32, #tpu.memory_space<vmem>>, vector<1x16xf32>,
        %get3A_1095 = vector.shape_cast %get3A_1094 : vector<1x16xf32> to vector<16xf32>
        %add3A_1096 = arith.addf %add3A_1044, %get3A_1095 : vector<16xf32>
        %get3A_1097 = arith.index_cast %add3A_1086 : i32 to index
        %get3A_1098 = arith.constant 32 : index
        %get3A_1099 = tpu.vector_load %arg9[%get3A_1097, %get3A_1098] {strides = array<i32>} : memref<120x64xf32, #tpu.memory_space<vmem>>, vector<1x16xf32>,
        %get3A_1100 = vector.shape_cast %get3A_1099 : vector<1x16xf32> to vector<16xf32>
        %add3A_1101 = arith.addf %add3A_1049, %get3A_1100 : vector<16xf32>
        %get3A_1102 = arith.index_cast %add3A_1086 : i32 to index
        %get3A_1103 = arith.constant 48 : index
        %get3A_1104 = tpu.vector_load %arg9[%get3A_1102, %get3A_1103] {strides = array<i32>} : memref<120x64xf32, #tpu.memory_space<vmem>>, vector<1x16xf32>,
        %get3A_1105 = vector.shape_cast %get3A_1104 : vector<1x16xf32> to vector<16xf32>
        %add3A_1106 = arith.addf %add3A_1054, %get3A_1105 : vector<16xf32>
        %mul3A_1107 = arith.constant 15 : i32
        %mul3A_1108 = arith.muli %scan3A_501, %mul3A_1107 : i32
        %add3A_1109 = arith.constant 60 : i32
        %add3A_1110 = arith.addi %add3A_1109, %mul3A_1108 : i32
        %add3A_1111 = arith.constant 11 : i32
        %add3A_1112 = arith.addi %add3A_1110, %add3A_1111 : i32
        %get3A_1113 = arith.index_cast %add3A_1112 : i32 to index
        %get3A_1114 = arith.constant 0 : index
        %get3A_1115 = tpu.vector_load %arg9[%get3A_1113, %get3A_1114] {strides = array<i32>} : memref<120x64xf32, #tpu.memory_space<vmem>>, vector<1x16xf32>,
        %get3A_1116 = vector.shape_cast %get3A_1115 : vector<1x16xf32> to vector<16xf32>
        %add3A_1117 = arith.addf %add3A_1065, %get3A_1116 : vector<16xf32>
        %get3A_1118 = arith.index_cast %add3A_1112 : i32 to index
        %get3A_1119 = arith.constant 16 : index
        %get3A_1120 = tpu.vector_load %arg9[%get3A_1118, %get3A_1119] {strides = array<i32>} : memref<120x64xf32, #tpu.memory_space<vmem>>, vector<1x16xf32>,
        %get3A_1121 = vector.shape_cast %get3A_1120 : vector<1x16xf32> to vector<16xf32>
        %add3A_1122 = arith.addf %add3A_1070, %get3A_1121 : vector<16xf32>
        %get3A_1123 = arith.index_cast %add3A_1112 : i32 to index
        %get3A_1124 = arith.constant 32 : index
        %get3A_1125 = tpu.vector_load %arg9[%get3A_1123, %get3A_1124] {strides = array<i32>} : memref<120x64xf32, #tpu.memory_space<vmem>>, vector<1x16xf32>,
        %get3A_1126 = vector.shape_cast %get3A_1125 : vector<1x16xf32> to vector<16xf32>
        %add3A_1127 = arith.addf %add3A_1075, %get3A_1126 : vector<16xf32>
        %get3A_1128 = arith.index_cast %add3A_1112 : i32 to index
        %get3A_1129 = arith.constant 48 : index
        %get3A_1130 = tpu.vector_load %arg9[%get3A_1128, %get3A_1129] {strides = array<i32>} : memref<120x64xf32, #tpu.memory_space<vmem>>, vector<1x16xf32>,
        %get3A_1131 = vector.shape_cast %get3A_1130 : vector<1x16xf32> to vector<16xf32>
        %add3A_1132 = arith.addf %add3A_1080, %get3A_1131 : vector<16xf32>
        %mul3A_1133 = arith.constant 15 : i32
        %mul3A_1134 = arith.muli %scan3A_501, %mul3A_1133 : i32
        %add3A_1135 = arith.constant 0 : i32
        %add3A_1136 = arith.addi %add3A_1135, %mul3A_1134 : i32
        %add3A_1137 = arith.constant 12 : i32
        %add3A_1138 = arith.addi %add3A_1136, %add3A_1137 : i32
        %get3A_1139 = arith.index_cast %add3A_1138 : i32 to index
        %get3A_1140 = arith.constant 0 : index
        %get3A_1141 = tpu.vector_load %arg9[%get3A_1139, %get3A_1140] {strides = array<i32>} : memref<120x64xf32, #tpu.memory_space<vmem>>, vector<1x16xf32>,
        %get3A_1142 = vector.shape_cast %get3A_1141 : vector<1x16xf32> to vector<16xf32>
        %add3A_1143 = arith.addf %add3A_1091, %get3A_1142 : vector<16xf32>
        %get3A_1144 = arith.index_cast %add3A_1138 : i32 to index
        %get3A_1145 = arith.constant 16 : index
        %get3A_1146 = tpu.vector_load %arg9[%get3A_1144, %get3A_1145] {strides = array<i32>} : memref<120x64xf32, #tpu.memory_space<vmem>>, vector<1x16xf32>,
        %get3A_1147 = vector.shape_cast %get3A_1146 : vector<1x16xf32> to vector<16xf32>
        %add3A_1148 = arith.addf %add3A_1096, %get3A_1147 : vector<16xf32>
        %get3A_1149 = arith.index_cast %add3A_1138 : i32 to index
        %get3A_1150 = arith.constant 32 : index
        %get3A_1151 = tpu.vector_load %arg9[%get3A_1149, %get3A_1150] {strides = array<i32>} : memref<120x64xf32, #tpu.memory_space<vmem>>, vector<1x16xf32>,
        %get3A_1152 = vector.shape_cast %get3A_1151 : vector<1x16xf32> to vector<16xf32>
        %add3A_1153 = arith.addf %add3A_1101, %get3A_1152 : vector<16xf32>
        %get3A_1154 = arith.index_cast %add3A_1138 : i32 to index
        %get3A_1155 = arith.constant 48 : index
        %get3A_1156 = tpu.vector_load %arg9[%get3A_1154, %get3A_1155] {strides = array<i32>} : memref<120x64xf32, #tpu.memory_space<vmem>>, vector<1x16xf32>,
        %get3A_1157 = vector.shape_cast %get3A_1156 : vector<1x16xf32> to vector<16xf32>
        %add3A_1158 = arith.addf %add3A_1106, %get3A_1157 : vector<16xf32>
        %mul3A_1159 = arith.constant 15 : i32
        %mul3A_1160 = arith.muli %scan3A_501, %mul3A_1159 : i32
        %add3A_1161 = arith.constant 60 : i32
        %add3A_1162 = arith.addi %add3A_1161, %mul3A_1160 : i32
        %add3A_1163 = arith.constant 12 : i32
        %add3A_1164 = arith.addi %add3A_1162, %add3A_1163 : i32
        %get3A_1165 = arith.index_cast %add3A_1164 : i32 to index
        %get3A_1166 = arith.constant 0 : index
        %get3A_1167 = tpu.vector_load %arg9[%get3A_1165, %get3A_1166] {strides = array<i32>} : memref<120x64xf32, #tpu.memory_space<vmem>>, vector<1x16xf32>,
        %get3A_1168 = vector.shape_cast %get3A_1167 : vector<1x16xf32> to vector<16xf32>
        %add3A_1169 = arith.addf %add3A_1117, %get3A_1168 : vector<16xf32>
        %get3A_1170 = arith.index_cast %add3A_1164 : i32 to index
        %get3A_1171 = arith.constant 16 : index
        %get3A_1172 = tpu.vector_load %arg9[%get3A_1170, %get3A_1171] {strides = array<i32>} : memref<120x64xf32, #tpu.memory_space<vmem>>, vector<1x16xf32>,
        %get3A_1173 = vector.shape_cast %get3A_1172 : vector<1x16xf32> to vector<16xf32>
        %add3A_1174 = arith.addf %add3A_1122, %get3A_1173 : vector<16xf32>
        %get3A_1175 = arith.index_cast %add3A_1164 : i32 to index
        %get3A_1176 = arith.constant 32 : index
        %get3A_1177 = tpu.vector_load %arg9[%get3A_1175, %get3A_1176] {strides = array<i32>} : memref<120x64xf32, #tpu.memory_space<vmem>>, vector<1x16xf32>,
        %get3A_1178 = vector.shape_cast %get3A_1177 : vector<1x16xf32> to vector<16xf32>
        %add3A_1179 = arith.addf %add3A_1127, %get3A_1178 : vector<16xf32>
        %get3A_1180 = arith.index_cast %add3A_1164 : i32 to index
        %get3A_1181 = arith.constant 48 : index
        %get3A_1182 = tpu.vector_load %arg9[%get3A_1180, %get3A_1181] {strides = array<i32>} : memref<120x64xf32, #tpu.memory_space<vmem>>, vector<1x16xf32>,
        %get3A_1183 = vector.shape_cast %get3A_1182 : vector<1x16xf32> to vector<16xf32>
        %add3A_1184 = arith.addf %add3A_1132, %get3A_1183 : vector<16xf32>
        %mul3A_1185 = arith.constant 15 : i32
        %mul3A_1186 = arith.muli %scan3A_501, %mul3A_1185 : i32
        %add3A_1187 = arith.constant 0 : i32
        %add3A_1188 = arith.addi %add3A_1187, %mul3A_1186 : i32
        %add3A_1189 = arith.constant 13 : i32
        %add3A_1190 = arith.addi %add3A_1188, %add3A_1189 : i32
        %get3A_1191 = arith.index_cast %add3A_1190 : i32 to index
        %get3A_1192 = arith.constant 0 : index
        %get3A_1193 = tpu.vector_load %arg9[%get3A_1191, %get3A_1192] {strides = array<i32>} : memref<120x64xf32, #tpu.memory_space<vmem>>, vector<1x16xf32>,
        %get3A_1194 = vector.shape_cast %get3A_1193 : vector<1x16xf32> to vector<16xf32>
        %add3A_1195 = arith.addf %add3A_1143, %get3A_1194 : vector<16xf32>
        %get3A_1196 = arith.index_cast %add3A_1190 : i32 to index
        %get3A_1197 = arith.constant 16 : index
        %get3A_1198 = tpu.vector_load %arg9[%get3A_1196, %get3A_1197] {strides = array<i32>} : memref<120x64xf32, #tpu.memory_space<vmem>>, vector<1x16xf32>,
        %get3A_1199 = vector.shape_cast %get3A_1198 : vector<1x16xf32> to vector<16xf32>
        %add3A_1200 = arith.addf %add3A_1148, %get3A_1199 : vector<16xf32>
        %get3A_1201 = arith.index_cast %add3A_1190 : i32 to index
        %get3A_1202 = arith.constant 32 : index
        %get3A_1203 = tpu.vector_load %arg9[%get3A_1201, %get3A_1202] {strides = array<i32>} : memref<120x64xf32, #tpu.memory_space<vmem>>, vector<1x16xf32>,
        %get3A_1204 = vector.shape_cast %get3A_1203 : vector<1x16xf32> to vector<16xf32>
        %add3A_1205 = arith.addf %add3A_1153, %get3A_1204 : vector<16xf32>
        %get3A_1206 = arith.index_cast %add3A_1190 : i32 to index
        %get3A_1207 = arith.constant 48 : index
        %get3A_1208 = tpu.vector_load %arg9[%get3A_1206, %get3A_1207] {strides = array<i32>} : memref<120x64xf32, #tpu.memory_space<vmem>>, vector<1x16xf32>,
        %get3A_1209 = vector.shape_cast %get3A_1208 : vector<1x16xf32> to vector<16xf32>
        %add3A_1210 = arith.addf %add3A_1158, %get3A_1209 : vector<16xf32>
        %mul3A_1211 = arith.constant 15 : i32
        %mul3A_1212 = arith.muli %scan3A_501, %mul3A_1211 : i32
        %add3A_1213 = arith.constant 60 : i32
        %add3A_1214 = arith.addi %add3A_1213, %mul3A_1212 : i32
        %add3A_1215 = arith.constant 13 : i32
        %add3A_1216 = arith.addi %add3A_1214, %add3A_1215 : i32
        %get3A_1217 = arith.index_cast %add3A_1216 : i32 to index
        %get3A_1218 = arith.constant 0 : index
        %get3A_1219 = tpu.vector_load %arg9[%get3A_1217, %get3A_1218] {strides = array<i32>} : memref<120x64xf32, #tpu.memory_space<vmem>>, vector<1x16xf32>,
        %get3A_1220 = vector.shape_cast %get3A_1219 : vector<1x16xf32> to vector<16xf32>
        %add3A_1221 = arith.addf %add3A_1169, %get3A_1220 : vector<16xf32>
        %get3A_1222 = arith.index_cast %add3A_1216 : i32 to index
        %get3A_1223 = arith.constant 16 : index
        %get3A_1224 = tpu.vector_load %arg9[%get3A_1222, %get3A_1223] {strides = array<i32>} : memref<120x64xf32, #tpu.memory_space<vmem>>, vector<1x16xf32>,
        %get3A_1225 = vector.shape_cast %get3A_1224 : vector<1x16xf32> to vector<16xf32>
        %add3A_1226 = arith.addf %add3A_1174, %get3A_1225 : vector<16xf32>
        %get3A_1227 = arith.index_cast %add3A_1216 : i32 to index
        %get3A_1228 = arith.constant 32 : index
        %get3A_1229 = tpu.vector_load %arg9[%get3A_1227, %get3A_1228] {strides = array<i32>} : memref<120x64xf32, #tpu.memory_space<vmem>>, vector<1x16xf32>,
        %get3A_1230 = vector.shape_cast %get3A_1229 : vector<1x16xf32> to vector<16xf32>
        %add3A_1231 = arith.addf %add3A_1179, %get3A_1230 : vector<16xf32>
        %get3A_1232 = arith.index_cast %add3A_1216 : i32 to index
        %get3A_1233 = arith.constant 48 : index
        %get3A_1234 = tpu.vector_load %arg9[%get3A_1232, %get3A_1233] {strides = array<i32>} : memref<120x64xf32, #tpu.memory_space<vmem>>, vector<1x16xf32>,
        %get3A_1235 = vector.shape_cast %get3A_1234 : vector<1x16xf32> to vector<16xf32>
        %add3A_1236 = arith.addf %add3A_1184, %get3A_1235 : vector<16xf32>
        %mul3A_1237 = arith.constant 15 : i32
        %mul3A_1238 = arith.muli %scan3A_501, %mul3A_1237 : i32
        %add3A_1239 = arith.constant 0 : i32
        %add3A_1240 = arith.addi %add3A_1239, %mul3A_1238 : i32
        %add3A_1241 = arith.constant 14 : i32
        %add3A_1242 = arith.addi %add3A_1240, %add3A_1241 : i32
        %get3A_1243 = arith.index_cast %add3A_1242 : i32 to index
        %get3A_1244 = arith.constant 0 : index
        %get3A_1245 = tpu.vector_load %arg9[%get3A_1243, %get3A_1244] {strides = array<i32>} : memref<120x64xf32, #tpu.memory_space<vmem>>, vector<1x16xf32>,
        %get3A_1246 = vector.shape_cast %get3A_1245 : vector<1x16xf32> to vector<16xf32>
        %add3A_1247 = arith.addf %add3A_1195, %get3A_1246 : vector<16xf32>
        %get3A_1248 = arith.index_cast %add3A_1242 : i32 to index
        %get3A_1249 = arith.constant 16 : index
        %get3A_1250 = tpu.vector_load %arg9[%get3A_1248, %get3A_1249] {strides = array<i32>} : memref<120x64xf32, #tpu.memory_space<vmem>>, vector<1x16xf32>,
        %get3A_1251 = vector.shape_cast %get3A_1250 : vector<1x16xf32> to vector<16xf32>
        %add3A_1252 = arith.addf %add3A_1200, %get3A_1251 : vector<16xf32>
        %get3A_1253 = arith.index_cast %add3A_1242 : i32 to index
        %get3A_1254 = arith.constant 32 : index
        %get3A_1255 = tpu.vector_load %arg9[%get3A_1253, %get3A_1254] {strides = array<i32>} : memref<120x64xf32, #tpu.memory_space<vmem>>, vector<1x16xf32>,
        %get3A_1256 = vector.shape_cast %get3A_1255 : vector<1x16xf32> to vector<16xf32>
        %add3A_1257 = arith.addf %add3A_1205, %get3A_1256 : vector<16xf32>
        %get3A_1258 = arith.index_cast %add3A_1242 : i32 to index
        %get3A_1259 = arith.constant 48 : index
        %get3A_1260 = tpu.vector_load %arg9[%get3A_1258, %get3A_1259] {strides = array<i32>} : memref<120x64xf32, #tpu.memory_space<vmem>>, vector<1x16xf32>,
        %get3A_1261 = vector.shape_cast %get3A_1260 : vector<1x16xf32> to vector<16xf32>
        %add3A_1262 = arith.addf %add3A_1210, %get3A_1261 : vector<16xf32>
        %mul3A_1263 = arith.constant 15 : i32
        %mul3A_1264 = arith.muli %scan3A_501, %mul3A_1263 : i32
        %add3A_1265 = arith.constant 60 : i32
        %add3A_1266 = arith.addi %add3A_1265, %mul3A_1264 : i32
        %add3A_1267 = arith.constant 14 : i32
        %add3A_1268 = arith.addi %add3A_1266, %add3A_1267 : i32
        %get3A_1269 = arith.index_cast %add3A_1268 : i32 to index
        %get3A_1270 = arith.constant 0 : index
        %get3A_1271 = tpu.vector_load %arg9[%get3A_1269, %get3A_1270] {strides = array<i32>} : memref<120x64xf32, #tpu.memory_space<vmem>>, vector<1x16xf32>,
        %get3A_1272 = vector.shape_cast %get3A_1271 : vector<1x16xf32> to vector<16xf32>
        %add3A_1273 = arith.addf %add3A_1221, %get3A_1272 : vector<16xf32>
        %get3A_1274 = arith.index_cast %add3A_1268 : i32 to index
        %get3A_1275 = arith.constant 16 : index
        %get3A_1276 = tpu.vector_load %arg9[%get3A_1274, %get3A_1275] {strides = array<i32>} : memref<120x64xf32, #tpu.memory_space<vmem>>, vector<1x16xf32>,
        %get3A_1277 = vector.shape_cast %get3A_1276 : vector<1x16xf32> to vector<16xf32>
        %add3A_1278 = arith.addf %add3A_1226, %get3A_1277 : vector<16xf32>
        %get3A_1279 = arith.index_cast %add3A_1268 : i32 to index
        %get3A_1280 = arith.constant 32 : index
        %get3A_1281 = tpu.vector_load %arg9[%get3A_1279, %get3A_1280] {strides = array<i32>} : memref<120x64xf32, #tpu.memory_space<vmem>>, vector<1x16xf32>,
        %get3A_1282 = vector.shape_cast %get3A_1281 : vector<1x16xf32> to vector<16xf32>
        %add3A_1283 = arith.addf %add3A_1231, %get3A_1282 : vector<16xf32>
        %get3A_1284 = arith.index_cast %add3A_1268 : i32 to index
        %get3A_1285 = arith.constant 48 : index
        %get3A_1286 = tpu.vector_load %arg9[%get3A_1284, %get3A_1285] {strides = array<i32>} : memref<120x64xf32, #tpu.memory_space<vmem>>, vector<1x16xf32>,
        %get3A_1287 = vector.shape_cast %get3A_1286 : vector<1x16xf32> to vector<16xf32>
        %add3A_1288 = arith.addf %add3A_1236, %get3A_1287 : vector<16xf32>
        scf.yield %add3A_1247, %add3A_1252, %add3A_1257, %add3A_1262, %add3A_1273, %add3A_1278, %add3A_1283, %add3A_1288 : vector<16xf32>, vector<16xf32>, vector<16xf32>, vector<16xf32>, vector<16xf32>, vector<16xf32>, vector<16xf32>, vector<16xf32>
      }
      %scan3A_290 = arith.constant 4 : i32
      %add3A_291 = arith.constant 4 : i32
      %add3A_292 = arith.addi %add3A_278, %add3A_291 : i32
      %lt3A_293 = arith.constant 336 : i32
      %lt3A_294 = arith.cmpi slt, %add3A_292, %lt3A_293 : i32
      %convert_element_type3A_295 = arith.extui %lt3A_294 : i1 to i32
      %cond3A_296 = arith.constant 0 : i32
      %cond3A_297 = arith.cmpi ne, %convert_element_type3A_295, %cond3A_296 : i32
      scf.if %cond3A_297 {
        %add3A_501 = arith.constant 4 : i32
        %add3A_502 = arith.addi %add3A_278, %add3A_501 : i32
        %mul3A_503 = arith.constant 120 : i32
        %mul3A_504 = arith.muli %add3A_502, %mul3A_503 : i32
        %dma_start3A_505 = tpu.memref_slice %arg6[%mul3A_504] : memref<40320xi32, #tpu.memory_space<vmem>> -> memref<120xi32, #tpu.memory_space<vmem>>
        %dma_start3A_506 = arith.constant 0 : i32
        %dma_start3A_507 = arith.constant 0 : i32
        %dma_start3A_508 = tpu.memref_slice %arg3[%dma_start3A_506, %dma_start3A_507] : memref<100000x64xf32, #tpu.memory_space<hbm>> -> memref<100000x64xf32, #tpu.memory_space<hbm>>
        tpu.enqueue_indirect_dma source(%dma_start3A_508 : memref<100000x64xf32, #tpu.memory_space<hbm>>) target(%arg9 : memref<120x64xf32, #tpu.memory_space<vmem>>) offsets(%dma_start3A_505 : memref<120xi32, #tpu.memory_space<vmem>>) semaphore(%arg17 : memref<!tpu.dma_semaphore, #tpu.memory_space<semaphore_mem>>)
      } else {
      }
      %ge3A_298 = arith.constant 4 : i32
      %ge3A_299 = arith.cmpi sge, %add3A_278, %ge3A_298 : i32
      %convert_element_type3A_300 = arith.extui %ge3A_299 : i1 to i32
      %cond3A_301 = arith.constant 0 : i32
      %cond3A_302 = arith.cmpi ne, %convert_element_type3A_300, %cond3A_301 : i32
      scf.if %cond3A_302 {
        %dma_wait3A_501 = arith.constant 0 : i32
        %dma_wait3A_502 = arith.constant 0 : i32
        %dma_wait3A_503 = tpu.memref_slice %arg4[%dma_wait3A_501, %dma_wait3A_502] : memref<1024x64xf32, #tpu.memory_space<hbm>> -> memref<2x64xf32, #tpu.memory_space<hbm>>
        %dma_wait3A_504 = arith.constant 0 : i32
        %dma_wait3A_505 = arith.constant 0 : i32
        %dma_wait3A_506 = tpu.memref_slice %arg4[%dma_wait3A_504, %dma_wait3A_505] : memref<1024x64xf32, #tpu.memory_space<hbm>> -> memref<2x64xf32, #tpu.memory_space<hbm>>
        tpu.wait_dma2 semaphore(%arg21 : memref<!tpu.dma_semaphore, #tpu.memory_space<semaphore_mem>>) src(%arg13 : memref<2x64xf32, #tpu.memory_space<vmem>>) dst(%dma_wait3A_506 : memref<2x64xf32, #tpu.memory_space<hbm>>)
      } else {
      }
      %mul3A_303 = arith.constant 5.000000e-02 : f32
      %mul3A_304 = vector.broadcast %mul3A_303 : f32 to vector<16xf32>
      %mul3A_305 = arith.mulf %scan3A_289#0, %mul3A_304 : vector<16xf32>
      %swap3A_306 = arith.constant 0 : i32
      %swap3A_307 = arith.index_cast %swap3A_306 : i32 to index
      %swap3A_308 = arith.constant 0 : index
      %swap3A_309 = tpu.vector_load %arg13[%swap3A_307, %swap3A_308] {strides = array<i32>} : memref<2x64xf32, #tpu.memory_space<vmem>>, vector<1x16xf32>,
      %swap3A_310 = vector.shape_cast %swap3A_309 : vector<1x16xf32> to vector<16xf32>
      %swap3A_311 = vector.shape_cast %mul3A_305 : vector<16xf32> to vector<1x16xf32>
      tpu.vector_store %arg13[%swap3A_307, %swap3A_308], %swap3A_311 {strides = array<i32>} : memref<2x64xf32, #tpu.memory_space<vmem>>, vector<1x16xf32>,
      %mul3A_312 = arith.constant 5.000000e-02 : f32
      %mul3A_313 = vector.broadcast %mul3A_312 : f32 to vector<16xf32>
      %mul3A_314 = arith.mulf %scan3A_289#1, %mul3A_313 : vector<16xf32>
      %swap3A_315 = arith.constant 0 : i32
      %swap3A_316 = arith.index_cast %swap3A_315 : i32 to index
      %swap3A_317 = arith.constant 16 : index
      %swap3A_318 = tpu.vector_load %arg13[%swap3A_316, %swap3A_317] {strides = array<i32>} : memref<2x64xf32, #tpu.memory_space<vmem>>, vector<1x16xf32>,
      %swap3A_319 = vector.shape_cast %swap3A_318 : vector<1x16xf32> to vector<16xf32>
      %swap3A_320 = vector.shape_cast %mul3A_314 : vector<16xf32> to vector<1x16xf32>
      tpu.vector_store %arg13[%swap3A_316, %swap3A_317], %swap3A_320 {strides = array<i32>} : memref<2x64xf32, #tpu.memory_space<vmem>>, vector<1x16xf32>,
      %mul3A_321 = arith.constant 5.000000e-02 : f32
      %mul3A_322 = vector.broadcast %mul3A_321 : f32 to vector<16xf32>
      %mul3A_323 = arith.mulf %scan3A_289#2, %mul3A_322 : vector<16xf32>
      %swap3A_324 = arith.constant 0 : i32
      %swap3A_325 = arith.index_cast %swap3A_324 : i32 to index
      %swap3A_326 = arith.constant 32 : index
      %swap3A_327 = tpu.vector_load %arg13[%swap3A_325, %swap3A_326] {strides = array<i32>} : memref<2x64xf32, #tpu.memory_space<vmem>>, vector<1x16xf32>,
      %swap3A_328 = vector.shape_cast %swap3A_327 : vector<1x16xf32> to vector<16xf32>
      %swap3A_329 = vector.shape_cast %mul3A_323 : vector<16xf32> to vector<1x16xf32>
      tpu.vector_store %arg13[%swap3A_325, %swap3A_326], %swap3A_329 {strides = array<i32>} : memref<2x64xf32, #tpu.memory_space<vmem>>, vector<1x16xf32>,
      %mul3A_330 = arith.constant 5.000000e-02 : f32
      %mul3A_331 = vector.broadcast %mul3A_330 : f32 to vector<16xf32>
      %mul3A_332 = arith.mulf %scan3A_289#3, %mul3A_331 : vector<16xf32>
      %swap3A_333 = arith.constant 0 : i32
      %swap3A_334 = arith.index_cast %swap3A_333 : i32 to index
      %swap3A_335 = arith.constant 48 : index
      %swap3A_336 = tpu.vector_load %arg13[%swap3A_334, %swap3A_335] {strides = array<i32>} : memref<2x64xf32, #tpu.memory_space<vmem>>, vector<1x16xf32>,
      %swap3A_337 = vector.shape_cast %swap3A_336 : vector<1x16xf32> to vector<16xf32>
      %swap3A_338 = vector.shape_cast %mul3A_332 : vector<16xf32> to vector<1x16xf32>
      tpu.vector_store %arg13[%swap3A_334, %swap3A_335], %swap3A_338 {strides = array<i32>} : memref<2x64xf32, #tpu.memory_space<vmem>>, vector<1x16xf32>,
      %mul3A_339 = arith.constant 5.000000e-02 : f32
      %mul3A_340 = vector.broadcast %mul3A_339 : f32 to vector<16xf32>
      %mul3A_341 = arith.mulf %scan3A_289#4, %mul3A_340 : vector<16xf32>
      %swap3A_342 = arith.constant 1 : i32
      %swap3A_343 = arith.index_cast %swap3A_342 : i32 to index
      %swap3A_344 = arith.constant 0 : index
      %swap3A_345 = tpu.vector_load %arg13[%swap3A_343, %swap3A_344] {strides = array<i32>} : memref<2x64xf32, #tpu.memory_space<vmem>>, vector<1x16xf32>,
      %swap3A_346 = vector.shape_cast %swap3A_345 : vector<1x16xf32> to vector<16xf32>
      %swap3A_347 = vector.shape_cast %mul3A_341 : vector<16xf32> to vector<1x16xf32>
      tpu.vector_store %arg13[%swap3A_343, %swap3A_344], %swap3A_347 {strides = array<i32>} : memref<2x64xf32, #tpu.memory_space<vmem>>, vector<1x16xf32>,
      %mul3A_348 = arith.constant 5.000000e-02 : f32
      %mul3A_349 = vector.broadcast %mul3A_348 : f32 to vector<16xf32>
      %mul3A_350 = arith.mulf %scan3A_289#5, %mul3A_349 : vector<16xf32>
      %swap3A_351 = arith.constant 1 : i32
      %swap3A_352 = arith.index_cast %swap3A_351 : i32 to index
      %swap3A_353 = arith.constant 16 : index
      %swap3A_354 = tpu.vector_load %arg13[%swap3A_352, %swap3A_353] {strides = array<i32>} : memref<2x64xf32, #tpu.memory_space<vmem>>, vector<1x16xf32>,
      %swap3A_355 = vector.shape_cast %swap3A_354 : vector<1x16xf32> to vector<16xf32>
      %swap3A_356 = vector.shape_cast %mul3A_350 : vector<16xf32> to vector<1x16xf32>
      tpu.vector_store %arg13[%swap3A_352, %swap3A_353], %swap3A_356 {strides = array<i32>} : memref<2x64xf32, #tpu.memory_space<vmem>>, vector<1x16xf32>,
      %mul3A_357 = arith.constant 5.000000e-02 : f32
      %mul3A_358 = vector.broadcast %mul3A_357 : f32 to vector<16xf32>
      %mul3A_359 = arith.mulf %scan3A_289#6, %mul3A_358 : vector<16xf32>
      %swap3A_360 = arith.constant 1 : i32
      %swap3A_361 = arith.index_cast %swap3A_360 : i32 to index
      %swap3A_362 = arith.constant 32 : index
      %swap3A_363 = tpu.vector_load %arg13[%swap3A_361, %swap3A_362] {strides = array<i32>} : memref<2x64xf32, #tpu.memory_space<vmem>>, vector<1x16xf32>,
      %swap3A_364 = vector.shape_cast %swap3A_363 : vector<1x16xf32> to vector<16xf32>
      %swap3A_365 = vector.shape_cast %mul3A_359 : vector<16xf32> to vector<1x16xf32>
      tpu.vector_store %arg13[%swap3A_361, %swap3A_362], %swap3A_365 {strides = array<i32>} : memref<2x64xf32, #tpu.memory_space<vmem>>, vector<1x16xf32>,
      %mul3A_366 = arith.constant 5.000000e-02 : f32
      %mul3A_367 = vector.broadcast %mul3A_366 : f32 to vector<16xf32>
      %mul3A_368 = arith.mulf %scan3A_289#7, %mul3A_367 : vector<16xf32>
      %swap3A_369 = arith.constant 1 : i32
      %swap3A_370 = arith.index_cast %swap3A_369 : i32 to index
      %swap3A_371 = arith.constant 48 : index
      %swap3A_372 = tpu.vector_load %arg13[%swap3A_370, %swap3A_371] {strides = array<i32>} : memref<2x64xf32, #tpu.memory_space<vmem>>, vector<1x16xf32>,
      %swap3A_373 = vector.shape_cast %swap3A_372 : vector<1x16xf32> to vector<16xf32>
      %swap3A_374 = vector.shape_cast %mul3A_368 : vector<16xf32> to vector<1x16xf32>
      tpu.vector_store %arg13[%swap3A_370, %swap3A_371], %swap3A_374 {strides = array<i32>} : memref<2x64xf32, #tpu.memory_space<vmem>>, vector<1x16xf32>,
      %mul3A_375 = arith.constant 2 : i32
      %mul3A_376 = arith.muli %add3A_278, %mul3A_375 : i32
      %add3A_377 = arith.addi %mul3A_2, %mul3A_376 : i32
      %lt3A_378 = arith.constant 1024 : i32
      %lt3A_379 = arith.cmpi slt, %add3A_377, %lt3A_378 : i32
      %convert_element_type3A_380 = arith.extui %lt3A_379 : i1 to i32
      %cond3A_381 = arith.constant 0 : i32
      %cond3A_382 = arith.cmpi ne, %convert_element_type3A_380, %cond3A_381 : i32
      scf.if %cond3A_382 {
        %dma_start3A_501 = arith.constant 0 : i32
        %dma_start3A_502 = tpu.memref_slice %arg4[%add3A_377, %dma_start3A_501] : memref<1024x64xf32, #tpu.memory_space<hbm>> -> memref<2x64xf32, #tpu.memory_space<hbm>>
        %dma_start3A_503 = arith.constant 0 : i32
        %dma_start3A_504 = tpu.memref_slice %arg4[%add3A_377, %dma_start3A_503] : memref<1024x64xf32, #tpu.memory_space<hbm>> -> memref<2x64xf32, #tpu.memory_space<hbm>>
        tpu.enqueue_dma source(%arg13 : memref<2x64xf32, #tpu.memory_space<vmem>>) target(%dma_start3A_504 : memref<2x64xf32, #tpu.memory_space<hbm>>) target_semaphore(%arg21 : memref<!tpu.dma_semaphore, #tpu.memory_space<semaphore_mem>>)
      } else {
      }
      %ge3A_383 = arith.constant 1024 : i32
      %ge3A_384 = arith.cmpi sge, %add3A_377, %ge3A_383 : i32
      %convert_element_type3A_385 = arith.extui %ge3A_384 : i1 to i32
      %cond3A_386 = arith.constant 0 : i32
      %cond3A_387 = arith.cmpi ne, %convert_element_type3A_385, %cond3A_386 : i32
      scf.if %cond3A_387 {
        %sub3A = arith.constant 1024 : i32
        %sub3A_501 = arith.subi %add3A_377, %sub3A : i32
        %dma_start3A_502 = arith.constant 0 : i32
        %dma_start3A_503 = tpu.memref_slice %arg5[%sub3A_501, %dma_start3A_502] : memref<20480x64xf32, #tpu.memory_space<hbm>> -> memref<2x64xf32, #tpu.memory_space<hbm>>
        %dma_start3A_504 = arith.constant 0 : i32
        %dma_start3A_505 = tpu.memref_slice %arg5[%sub3A_501, %dma_start3A_504] : memref<20480x64xf32, #tpu.memory_space<hbm>> -> memref<2x64xf32, #tpu.memory_space<hbm>>
        tpu.enqueue_dma source(%arg13 : memref<2x64xf32, #tpu.memory_space<vmem>>) target(%dma_start3A_505 : memref<2x64xf32, #tpu.memory_space<hbm>>) target_semaphore(%arg21 : memref<!tpu.dma_semaphore, #tpu.memory_space<semaphore_mem>>)
      } else {
      }
      %mul3A_388 = arith.constant 4 : i32
      %mul3A_389 = arith.muli %mul3A_388, %scan3A_53 : i32
      %add3A_390 = arith.constant 3 : i32
      %add3A_391 = arith.addi %mul3A_389, %add3A_390 : i32
      %mul3A_392 = arith.constant 120 : i32
      %mul3A_393 = arith.muli %add3A_391, %mul3A_392 : i32
      %dma_wait3A_394 = tpu.memref_slice %arg6[%mul3A_393] : memref<40320xi32, #tpu.memory_space<vmem>> -> memref<120xi32, #tpu.memory_space<vmem>>
      %dma_wait3A_395 = arith.constant 0 : i32
      %dma_wait3A_396 = arith.constant 0 : i32
      %dma_wait3A_397 = tpu.memref_slice %arg3[%dma_wait3A_395, %dma_wait3A_396] : memref<100000x64xf32, #tpu.memory_space<hbm>> -> memref<100000x64xf32, #tpu.memory_space<hbm>>
      tpu.wait_indirect_dma semaphore(%arg18 : memref<!tpu.dma_semaphore, #tpu.memory_space<semaphore_mem>>) src(%dma_wait3A_397 : memref<100000x64xf32, #tpu.memory_space<hbm>>) dst(%arg10 : memref<120x64xf32, #tpu.memory_space<vmem>>)
      %scan3A_398 = arith.constant 0 : i32
      %scan3A_399 = arith.constant 4 : i32
      %scan3A_400 = arith.addi %scan3A_398, %scan3A_399 : i32
      %scan3A_401 = arith.constant 1 : i32
      %scan3A_402:8 = scf.for %scan3A_501 = %scan3A_398 to %scan3A_400 step %scan3A_401 iter_args(%scan3A_502 = %broadcast_in_dim3A_24, %scan3A_503 = %broadcast_in_dim3A_24, %scan3A_504 = %broadcast_in_dim3A_24, %scan3A_505 = %broadcast_in_dim3A_24, %scan3A_506 = %broadcast_in_dim3A_24, %scan3A_507 = %broadcast_in_dim3A_24, %scan3A_508 = %broadcast_in_dim3A_24, %scan3A_509 = %broadcast_in_dim3A_24) -> (vector<16xf32>, vector<16xf32>, vector<16xf32>, vector<16xf32>, vector<16xf32>, vector<16xf32>, vector<16xf32>, vector<16xf32>)  : i32 {
        %mul3A_510 = arith.constant 15 : i32
        %mul3A_511 = arith.muli %scan3A_501, %mul3A_510 : i32
        %add3A_512 = arith.constant 0 : i32
        %add3A_513 = arith.addi %add3A_512, %mul3A_511 : i32
        %add3A_514 = arith.constant 0 : i32
        %add3A_515 = arith.addi %add3A_513, %add3A_514 : i32
        %get3A = arith.index_cast %add3A_515 : i32 to index
        %get3A_516 = arith.constant 0 : index
        %get3A_517 = tpu.vector_load %arg10[%get3A, %get3A_516] {strides = array<i32>} : memref<120x64xf32, #tpu.memory_space<vmem>>, vector<1x16xf32>,
        %get3A_518 = vector.shape_cast %get3A_517 : vector<1x16xf32> to vector<16xf32>
        %add3A_519 = arith.addf %scan3A_502, %get3A_518 : vector<16xf32>
        %get3A_520 = arith.index_cast %add3A_515 : i32 to index
        %get3A_521 = arith.constant 16 : index
        %get3A_522 = tpu.vector_load %arg10[%get3A_520, %get3A_521] {strides = array<i32>} : memref<120x64xf32, #tpu.memory_space<vmem>>, vector<1x16xf32>,
        %get3A_523 = vector.shape_cast %get3A_522 : vector<1x16xf32> to vector<16xf32>
        %add3A_524 = arith.addf %scan3A_503, %get3A_523 : vector<16xf32>
        %get3A_525 = arith.index_cast %add3A_515 : i32 to index
        %get3A_526 = arith.constant 32 : index
        %get3A_527 = tpu.vector_load %arg10[%get3A_525, %get3A_526] {strides = array<i32>} : memref<120x64xf32, #tpu.memory_space<vmem>>, vector<1x16xf32>,
        %get3A_528 = vector.shape_cast %get3A_527 : vector<1x16xf32> to vector<16xf32>
        %add3A_529 = arith.addf %scan3A_504, %get3A_528 : vector<16xf32>
        %get3A_530 = arith.index_cast %add3A_515 : i32 to index
        %get3A_531 = arith.constant 48 : index
        %get3A_532 = tpu.vector_load %arg10[%get3A_530, %get3A_531] {strides = array<i32>} : memref<120x64xf32, #tpu.memory_space<vmem>>, vector<1x16xf32>,
        %get3A_533 = vector.shape_cast %get3A_532 : vector<1x16xf32> to vector<16xf32>
        %add3A_534 = arith.addf %scan3A_505, %get3A_533 : vector<16xf32>
        %mul3A_535 = arith.constant 15 : i32
        %mul3A_536 = arith.muli %scan3A_501, %mul3A_535 : i32
        %add3A_537 = arith.constant 60 : i32
        %add3A_538 = arith.addi %add3A_537, %mul3A_536 : i32
        %add3A_539 = arith.constant 0 : i32
        %add3A_540 = arith.addi %add3A_538, %add3A_539 : i32
        %get3A_541 = arith.index_cast %add3A_540 : i32 to index
        %get3A_542 = arith.constant 0 : index
        %get3A_543 = tpu.vector_load %arg10[%get3A_541, %get3A_542] {strides = array<i32>} : memref<120x64xf32, #tpu.memory_space<vmem>>, vector<1x16xf32>,
        %get3A_544 = vector.shape_cast %get3A_543 : vector<1x16xf32> to vector<16xf32>
        %add3A_545 = arith.addf %scan3A_506, %get3A_544 : vector<16xf32>
        %get3A_546 = arith.index_cast %add3A_540 : i32 to index
        %get3A_547 = arith.constant 16 : index
        %get3A_548 = tpu.vector_load %arg10[%get3A_546, %get3A_547] {strides = array<i32>} : memref<120x64xf32, #tpu.memory_space<vmem>>, vector<1x16xf32>,
        %get3A_549 = vector.shape_cast %get3A_548 : vector<1x16xf32> to vector<16xf32>
        %add3A_550 = arith.addf %scan3A_507, %get3A_549 : vector<16xf32>
        %get3A_551 = arith.index_cast %add3A_540 : i32 to index
        %get3A_552 = arith.constant 32 : index
        %get3A_553 = tpu.vector_load %arg10[%get3A_551, %get3A_552] {strides = array<i32>} : memref<120x64xf32, #tpu.memory_space<vmem>>, vector<1x16xf32>,
        %get3A_554 = vector.shape_cast %get3A_553 : vector<1x16xf32> to vector<16xf32>
        %add3A_555 = arith.addf %scan3A_508, %get3A_554 : vector<16xf32>
        %get3A_556 = arith.index_cast %add3A_540 : i32 to index
        %get3A_557 = arith.constant 48 : index
        %get3A_558 = tpu.vector_load %arg10[%get3A_556, %get3A_557] {strides = array<i32>} : memref<120x64xf32, #tpu.memory_space<vmem>>, vector<1x16xf32>,
        %get3A_559 = vector.shape_cast %get3A_558 : vector<1x16xf32> to vector<16xf32>
        %add3A_560 = arith.addf %scan3A_509, %get3A_559 : vector<16xf32>
        %mul3A_561 = arith.constant 15 : i32
        %mul3A_562 = arith.muli %scan3A_501, %mul3A_561 : i32
        %add3A_563 = arith.constant 0 : i32
        %add3A_564 = arith.addi %add3A_563, %mul3A_562 : i32
        %add3A_565 = arith.constant 1 : i32
        %add3A_566 = arith.addi %add3A_564, %add3A_565 : i32
        %get3A_567 = arith.index_cast %add3A_566 : i32 to index
        %get3A_568 = arith.constant 0 : index
        %get3A_569 = tpu.vector_load %arg10[%get3A_567, %get3A_568] {strides = array<i32>} : memref<120x64xf32, #tpu.memory_space<vmem>>, vector<1x16xf32>,
        %get3A_570 = vector.shape_cast %get3A_569 : vector<1x16xf32> to vector<16xf32>
        %add3A_571 = arith.addf %add3A_519, %get3A_570 : vector<16xf32>
        %get3A_572 = arith.index_cast %add3A_566 : i32 to index
        %get3A_573 = arith.constant 16 : index
        %get3A_574 = tpu.vector_load %arg10[%get3A_572, %get3A_573] {strides = array<i32>} : memref<120x64xf32, #tpu.memory_space<vmem>>, vector<1x16xf32>,
        %get3A_575 = vector.shape_cast %get3A_574 : vector<1x16xf32> to vector<16xf32>
        %add3A_576 = arith.addf %add3A_524, %get3A_575 : vector<16xf32>
        %get3A_577 = arith.index_cast %add3A_566 : i32 to index
        %get3A_578 = arith.constant 32 : index
        %get3A_579 = tpu.vector_load %arg10[%get3A_577, %get3A_578] {strides = array<i32>} : memref<120x64xf32, #tpu.memory_space<vmem>>, vector<1x16xf32>,
        %get3A_580 = vector.shape_cast %get3A_579 : vector<1x16xf32> to vector<16xf32>
        %add3A_581 = arith.addf %add3A_529, %get3A_580 : vector<16xf32>
        %get3A_582 = arith.index_cast %add3A_566 : i32 to index
        %get3A_583 = arith.constant 48 : index
        %get3A_584 = tpu.vector_load %arg10[%get3A_582, %get3A_583] {strides = array<i32>} : memref<120x64xf32, #tpu.memory_space<vmem>>, vector<1x16xf32>,
        %get3A_585 = vector.shape_cast %get3A_584 : vector<1x16xf32> to vector<16xf32>
        %add3A_586 = arith.addf %add3A_534, %get3A_585 : vector<16xf32>
        %mul3A_587 = arith.constant 15 : i32
        %mul3A_588 = arith.muli %scan3A_501, %mul3A_587 : i32
        %add3A_589 = arith.constant 60 : i32
        %add3A_590 = arith.addi %add3A_589, %mul3A_588 : i32
        %add3A_591 = arith.constant 1 : i32
        %add3A_592 = arith.addi %add3A_590, %add3A_591 : i32
        %get3A_593 = arith.index_cast %add3A_592 : i32 to index
        %get3A_594 = arith.constant 0 : index
        %get3A_595 = tpu.vector_load %arg10[%get3A_593, %get3A_594] {strides = array<i32>} : memref<120x64xf32, #tpu.memory_space<vmem>>, vector<1x16xf32>,
        %get3A_596 = vector.shape_cast %get3A_595 : vector<1x16xf32> to vector<16xf32>
        %add3A_597 = arith.addf %add3A_545, %get3A_596 : vector<16xf32>
        %get3A_598 = arith.index_cast %add3A_592 : i32 to index
        %get3A_599 = arith.constant 16 : index
        %get3A_600 = tpu.vector_load %arg10[%get3A_598, %get3A_599] {strides = array<i32>} : memref<120x64xf32, #tpu.memory_space<vmem>>, vector<1x16xf32>,
        %get3A_601 = vector.shape_cast %get3A_600 : vector<1x16xf32> to vector<16xf32>
        %add3A_602 = arith.addf %add3A_550, %get3A_601 : vector<16xf32>
        %get3A_603 = arith.index_cast %add3A_592 : i32 to index
        %get3A_604 = arith.constant 32 : index
        %get3A_605 = tpu.vector_load %arg10[%get3A_603, %get3A_604] {strides = array<i32>} : memref<120x64xf32, #tpu.memory_space<vmem>>, vector<1x16xf32>,
        %get3A_606 = vector.shape_cast %get3A_605 : vector<1x16xf32> to vector<16xf32>
        %add3A_607 = arith.addf %add3A_555, %get3A_606 : vector<16xf32>
        %get3A_608 = arith.index_cast %add3A_592 : i32 to index
        %get3A_609 = arith.constant 48 : index
        %get3A_610 = tpu.vector_load %arg10[%get3A_608, %get3A_609] {strides = array<i32>} : memref<120x64xf32, #tpu.memory_space<vmem>>, vector<1x16xf32>,
        %get3A_611 = vector.shape_cast %get3A_610 : vector<1x16xf32> to vector<16xf32>
        %add3A_612 = arith.addf %add3A_560, %get3A_611 : vector<16xf32>
        %mul3A_613 = arith.constant 15 : i32
        %mul3A_614 = arith.muli %scan3A_501, %mul3A_613 : i32
        %add3A_615 = arith.constant 0 : i32
        %add3A_616 = arith.addi %add3A_615, %mul3A_614 : i32
        %add3A_617 = arith.constant 2 : i32
        %add3A_618 = arith.addi %add3A_616, %add3A_617 : i32
        %get3A_619 = arith.index_cast %add3A_618 : i32 to index
        %get3A_620 = arith.constant 0 : index
        %get3A_621 = tpu.vector_load %arg10[%get3A_619, %get3A_620] {strides = array<i32>} : memref<120x64xf32, #tpu.memory_space<vmem>>, vector<1x16xf32>,
        %get3A_622 = vector.shape_cast %get3A_621 : vector<1x16xf32> to vector<16xf32>
        %add3A_623 = arith.addf %add3A_571, %get3A_622 : vector<16xf32>
        %get3A_624 = arith.index_cast %add3A_618 : i32 to index
        %get3A_625 = arith.constant 16 : index
        %get3A_626 = tpu.vector_load %arg10[%get3A_624, %get3A_625] {strides = array<i32>} : memref<120x64xf32, #tpu.memory_space<vmem>>, vector<1x16xf32>,
        %get3A_627 = vector.shape_cast %get3A_626 : vector<1x16xf32> to vector<16xf32>
        %add3A_628 = arith.addf %add3A_576, %get3A_627 : vector<16xf32>
        %get3A_629 = arith.index_cast %add3A_618 : i32 to index
        %get3A_630 = arith.constant 32 : index
        %get3A_631 = tpu.vector_load %arg10[%get3A_629, %get3A_630] {strides = array<i32>} : memref<120x64xf32, #tpu.memory_space<vmem>>, vector<1x16xf32>,
        %get3A_632 = vector.shape_cast %get3A_631 : vector<1x16xf32> to vector<16xf32>
        %add3A_633 = arith.addf %add3A_581, %get3A_632 : vector<16xf32>
        %get3A_634 = arith.index_cast %add3A_618 : i32 to index
        %get3A_635 = arith.constant 48 : index
        %get3A_636 = tpu.vector_load %arg10[%get3A_634, %get3A_635] {strides = array<i32>} : memref<120x64xf32, #tpu.memory_space<vmem>>, vector<1x16xf32>,
        %get3A_637 = vector.shape_cast %get3A_636 : vector<1x16xf32> to vector<16xf32>
        %add3A_638 = arith.addf %add3A_586, %get3A_637 : vector<16xf32>
        %mul3A_639 = arith.constant 15 : i32
        %mul3A_640 = arith.muli %scan3A_501, %mul3A_639 : i32
        %add3A_641 = arith.constant 60 : i32
        %add3A_642 = arith.addi %add3A_641, %mul3A_640 : i32
        %add3A_643 = arith.constant 2 : i32
        %add3A_644 = arith.addi %add3A_642, %add3A_643 : i32
        %get3A_645 = arith.index_cast %add3A_644 : i32 to index
        %get3A_646 = arith.constant 0 : index
        %get3A_647 = tpu.vector_load %arg10[%get3A_645, %get3A_646] {strides = array<i32>} : memref<120x64xf32, #tpu.memory_space<vmem>>, vector<1x16xf32>,
        %get3A_648 = vector.shape_cast %get3A_647 : vector<1x16xf32> to vector<16xf32>
        %add3A_649 = arith.addf %add3A_597, %get3A_648 : vector<16xf32>
        %get3A_650 = arith.index_cast %add3A_644 : i32 to index
        %get3A_651 = arith.constant 16 : index
        %get3A_652 = tpu.vector_load %arg10[%get3A_650, %get3A_651] {strides = array<i32>} : memref<120x64xf32, #tpu.memory_space<vmem>>, vector<1x16xf32>,
        %get3A_653 = vector.shape_cast %get3A_652 : vector<1x16xf32> to vector<16xf32>
        %add3A_654 = arith.addf %add3A_602, %get3A_653 : vector<16xf32>
        %get3A_655 = arith.index_cast %add3A_644 : i32 to index
        %get3A_656 = arith.constant 32 : index
        %get3A_657 = tpu.vector_load %arg10[%get3A_655, %get3A_656] {strides = array<i32>} : memref<120x64xf32, #tpu.memory_space<vmem>>, vector<1x16xf32>,
        %get3A_658 = vector.shape_cast %get3A_657 : vector<1x16xf32> to vector<16xf32>
        %add3A_659 = arith.addf %add3A_607, %get3A_658 : vector<16xf32>
        %get3A_660 = arith.index_cast %add3A_644 : i32 to index
        %get3A_661 = arith.constant 48 : index
        %get3A_662 = tpu.vector_load %arg10[%get3A_660, %get3A_661] {strides = array<i32>} : memref<120x64xf32, #tpu.memory_space<vmem>>, vector<1x16xf32>,
        %get3A_663 = vector.shape_cast %get3A_662 : vector<1x16xf32> to vector<16xf32>
        %add3A_664 = arith.addf %add3A_612, %get3A_663 : vector<16xf32>
        %mul3A_665 = arith.constant 15 : i32
        %mul3A_666 = arith.muli %scan3A_501, %mul3A_665 : i32
        %add3A_667 = arith.constant 0 : i32
        %add3A_668 = arith.addi %add3A_667, %mul3A_666 : i32
        %add3A_669 = arith.constant 3 : i32
        %add3A_670 = arith.addi %add3A_668, %add3A_669 : i32
        %get3A_671 = arith.index_cast %add3A_670 : i32 to index
        %get3A_672 = arith.constant 0 : index
        %get3A_673 = tpu.vector_load %arg10[%get3A_671, %get3A_672] {strides = array<i32>} : memref<120x64xf32, #tpu.memory_space<vmem>>, vector<1x16xf32>,
        %get3A_674 = vector.shape_cast %get3A_673 : vector<1x16xf32> to vector<16xf32>
        %add3A_675 = arith.addf %add3A_623, %get3A_674 : vector<16xf32>
        %get3A_676 = arith.index_cast %add3A_670 : i32 to index
        %get3A_677 = arith.constant 16 : index
        %get3A_678 = tpu.vector_load %arg10[%get3A_676, %get3A_677] {strides = array<i32>} : memref<120x64xf32, #tpu.memory_space<vmem>>, vector<1x16xf32>,
        %get3A_679 = vector.shape_cast %get3A_678 : vector<1x16xf32> to vector<16xf32>
        %add3A_680 = arith.addf %add3A_628, %get3A_679 : vector<16xf32>
        %get3A_681 = arith.index_cast %add3A_670 : i32 to index
        %get3A_682 = arith.constant 32 : index
        %get3A_683 = tpu.vector_load %arg10[%get3A_681, %get3A_682] {strides = array<i32>} : memref<120x64xf32, #tpu.memory_space<vmem>>, vector<1x16xf32>,
        %get3A_684 = vector.shape_cast %get3A_683 : vector<1x16xf32> to vector<16xf32>
        %add3A_685 = arith.addf %add3A_633, %get3A_684 : vector<16xf32>
        %get3A_686 = arith.index_cast %add3A_670 : i32 to index
        %get3A_687 = arith.constant 48 : index
        %get3A_688 = tpu.vector_load %arg10[%get3A_686, %get3A_687] {strides = array<i32>} : memref<120x64xf32, #tpu.memory_space<vmem>>, vector<1x16xf32>,
        %get3A_689 = vector.shape_cast %get3A_688 : vector<1x16xf32> to vector<16xf32>
        %add3A_690 = arith.addf %add3A_638, %get3A_689 : vector<16xf32>
        %mul3A_691 = arith.constant 15 : i32
        %mul3A_692 = arith.muli %scan3A_501, %mul3A_691 : i32
        %add3A_693 = arith.constant 60 : i32
        %add3A_694 = arith.addi %add3A_693, %mul3A_692 : i32
        %add3A_695 = arith.constant 3 : i32
        %add3A_696 = arith.addi %add3A_694, %add3A_695 : i32
        %get3A_697 = arith.index_cast %add3A_696 : i32 to index
        %get3A_698 = arith.constant 0 : index
        %get3A_699 = tpu.vector_load %arg10[%get3A_697, %get3A_698] {strides = array<i32>} : memref<120x64xf32, #tpu.memory_space<vmem>>, vector<1x16xf32>,
        %get3A_700 = vector.shape_cast %get3A_699 : vector<1x16xf32> to vector<16xf32>
        %add3A_701 = arith.addf %add3A_649, %get3A_700 : vector<16xf32>
        %get3A_702 = arith.index_cast %add3A_696 : i32 to index
        %get3A_703 = arith.constant 16 : index
        %get3A_704 = tpu.vector_load %arg10[%get3A_702, %get3A_703] {strides = array<i32>} : memref<120x64xf32, #tpu.memory_space<vmem>>, vector<1x16xf32>,
        %get3A_705 = vector.shape_cast %get3A_704 : vector<1x16xf32> to vector<16xf32>
        %add3A_706 = arith.addf %add3A_654, %get3A_705 : vector<16xf32>
        %get3A_707 = arith.index_cast %add3A_696 : i32 to index
        %get3A_708 = arith.constant 32 : index
        %get3A_709 = tpu.vector_load %arg10[%get3A_707, %get3A_708] {strides = array<i32>} : memref<120x64xf32, #tpu.memory_space<vmem>>, vector<1x16xf32>,
        %get3A_710 = vector.shape_cast %get3A_709 : vector<1x16xf32> to vector<16xf32>
        %add3A_711 = arith.addf %add3A_659, %get3A_710 : vector<16xf32>
        %get3A_712 = arith.index_cast %add3A_696 : i32 to index
        %get3A_713 = arith.constant 48 : index
        %get3A_714 = tpu.vector_load %arg10[%get3A_712, %get3A_713] {strides = array<i32>} : memref<120x64xf32, #tpu.memory_space<vmem>>, vector<1x16xf32>,
        %get3A_715 = vector.shape_cast %get3A_714 : vector<1x16xf32> to vector<16xf32>
        %add3A_716 = arith.addf %add3A_664, %get3A_715 : vector<16xf32>
        %mul3A_717 = arith.constant 15 : i32
        %mul3A_718 = arith.muli %scan3A_501, %mul3A_717 : i32
        %add3A_719 = arith.constant 0 : i32
        %add3A_720 = arith.addi %add3A_719, %mul3A_718 : i32
        %add3A_721 = arith.constant 4 : i32
        %add3A_722 = arith.addi %add3A_720, %add3A_721 : i32
        %get3A_723 = arith.index_cast %add3A_722 : i32 to index
        %get3A_724 = arith.constant 0 : index
        %get3A_725 = tpu.vector_load %arg10[%get3A_723, %get3A_724] {strides = array<i32>} : memref<120x64xf32, #tpu.memory_space<vmem>>, vector<1x16xf32>,
        %get3A_726 = vector.shape_cast %get3A_725 : vector<1x16xf32> to vector<16xf32>
        %add3A_727 = arith.addf %add3A_675, %get3A_726 : vector<16xf32>
        %get3A_728 = arith.index_cast %add3A_722 : i32 to index
        %get3A_729 = arith.constant 16 : index
        %get3A_730 = tpu.vector_load %arg10[%get3A_728, %get3A_729] {strides = array<i32>} : memref<120x64xf32, #tpu.memory_space<vmem>>, vector<1x16xf32>,
        %get3A_731 = vector.shape_cast %get3A_730 : vector<1x16xf32> to vector<16xf32>
        %add3A_732 = arith.addf %add3A_680, %get3A_731 : vector<16xf32>
        %get3A_733 = arith.index_cast %add3A_722 : i32 to index
        %get3A_734 = arith.constant 32 : index
        %get3A_735 = tpu.vector_load %arg10[%get3A_733, %get3A_734] {strides = array<i32>} : memref<120x64xf32, #tpu.memory_space<vmem>>, vector<1x16xf32>,
        %get3A_736 = vector.shape_cast %get3A_735 : vector<1x16xf32> to vector<16xf32>
        %add3A_737 = arith.addf %add3A_685, %get3A_736 : vector<16xf32>
        %get3A_738 = arith.index_cast %add3A_722 : i32 to index
        %get3A_739 = arith.constant 48 : index
        %get3A_740 = tpu.vector_load %arg10[%get3A_738, %get3A_739] {strides = array<i32>} : memref<120x64xf32, #tpu.memory_space<vmem>>, vector<1x16xf32>,
        %get3A_741 = vector.shape_cast %get3A_740 : vector<1x16xf32> to vector<16xf32>
        %add3A_742 = arith.addf %add3A_690, %get3A_741 : vector<16xf32>
        %mul3A_743 = arith.constant 15 : i32
        %mul3A_744 = arith.muli %scan3A_501, %mul3A_743 : i32
        %add3A_745 = arith.constant 60 : i32
        %add3A_746 = arith.addi %add3A_745, %mul3A_744 : i32
        %add3A_747 = arith.constant 4 : i32
        %add3A_748 = arith.addi %add3A_746, %add3A_747 : i32
        %get3A_749 = arith.index_cast %add3A_748 : i32 to index
        %get3A_750 = arith.constant 0 : index
        %get3A_751 = tpu.vector_load %arg10[%get3A_749, %get3A_750] {strides = array<i32>} : memref<120x64xf32, #tpu.memory_space<vmem>>, vector<1x16xf32>,
        %get3A_752 = vector.shape_cast %get3A_751 : vector<1x16xf32> to vector<16xf32>
        %add3A_753 = arith.addf %add3A_701, %get3A_752 : vector<16xf32>
        %get3A_754 = arith.index_cast %add3A_748 : i32 to index
        %get3A_755 = arith.constant 16 : index
        %get3A_756 = tpu.vector_load %arg10[%get3A_754, %get3A_755] {strides = array<i32>} : memref<120x64xf32, #tpu.memory_space<vmem>>, vector<1x16xf32>,
        %get3A_757 = vector.shape_cast %get3A_756 : vector<1x16xf32> to vector<16xf32>
        %add3A_758 = arith.addf %add3A_706, %get3A_757 : vector<16xf32>
        %get3A_759 = arith.index_cast %add3A_748 : i32 to index
        %get3A_760 = arith.constant 32 : index
        %get3A_761 = tpu.vector_load %arg10[%get3A_759, %get3A_760] {strides = array<i32>} : memref<120x64xf32, #tpu.memory_space<vmem>>, vector<1x16xf32>,
        %get3A_762 = vector.shape_cast %get3A_761 : vector<1x16xf32> to vector<16xf32>
        %add3A_763 = arith.addf %add3A_711, %get3A_762 : vector<16xf32>
        %get3A_764 = arith.index_cast %add3A_748 : i32 to index
        %get3A_765 = arith.constant 48 : index
        %get3A_766 = tpu.vector_load %arg10[%get3A_764, %get3A_765] {strides = array<i32>} : memref<120x64xf32, #tpu.memory_space<vmem>>, vector<1x16xf32>,
        %get3A_767 = vector.shape_cast %get3A_766 : vector<1x16xf32> to vector<16xf32>
        %add3A_768 = arith.addf %add3A_716, %get3A_767 : vector<16xf32>
        %mul3A_769 = arith.constant 15 : i32
        %mul3A_770 = arith.muli %scan3A_501, %mul3A_769 : i32
        %add3A_771 = arith.constant 0 : i32
        %add3A_772 = arith.addi %add3A_771, %mul3A_770 : i32
        %add3A_773 = arith.constant 5 : i32
        %add3A_774 = arith.addi %add3A_772, %add3A_773 : i32
        %get3A_775 = arith.index_cast %add3A_774 : i32 to index
        %get3A_776 = arith.constant 0 : index
        %get3A_777 = tpu.vector_load %arg10[%get3A_775, %get3A_776] {strides = array<i32>} : memref<120x64xf32, #tpu.memory_space<vmem>>, vector<1x16xf32>,
        %get3A_778 = vector.shape_cast %get3A_777 : vector<1x16xf32> to vector<16xf32>
        %add3A_779 = arith.addf %add3A_727, %get3A_778 : vector<16xf32>
        %get3A_780 = arith.index_cast %add3A_774 : i32 to index
        %get3A_781 = arith.constant 16 : index
        %get3A_782 = tpu.vector_load %arg10[%get3A_780, %get3A_781] {strides = array<i32>} : memref<120x64xf32, #tpu.memory_space<vmem>>, vector<1x16xf32>,
        %get3A_783 = vector.shape_cast %get3A_782 : vector<1x16xf32> to vector<16xf32>
        %add3A_784 = arith.addf %add3A_732, %get3A_783 : vector<16xf32>
        %get3A_785 = arith.index_cast %add3A_774 : i32 to index
        %get3A_786 = arith.constant 32 : index
        %get3A_787 = tpu.vector_load %arg10[%get3A_785, %get3A_786] {strides = array<i32>} : memref<120x64xf32, #tpu.memory_space<vmem>>, vector<1x16xf32>,
        %get3A_788 = vector.shape_cast %get3A_787 : vector<1x16xf32> to vector<16xf32>
        %add3A_789 = arith.addf %add3A_737, %get3A_788 : vector<16xf32>
        %get3A_790 = arith.index_cast %add3A_774 : i32 to index
        %get3A_791 = arith.constant 48 : index
        %get3A_792 = tpu.vector_load %arg10[%get3A_790, %get3A_791] {strides = array<i32>} : memref<120x64xf32, #tpu.memory_space<vmem>>, vector<1x16xf32>,
        %get3A_793 = vector.shape_cast %get3A_792 : vector<1x16xf32> to vector<16xf32>
        %add3A_794 = arith.addf %add3A_742, %get3A_793 : vector<16xf32>
        %mul3A_795 = arith.constant 15 : i32
        %mul3A_796 = arith.muli %scan3A_501, %mul3A_795 : i32
        %add3A_797 = arith.constant 60 : i32
        %add3A_798 = arith.addi %add3A_797, %mul3A_796 : i32
        %add3A_799 = arith.constant 5 : i32
        %add3A_800 = arith.addi %add3A_798, %add3A_799 : i32
        %get3A_801 = arith.index_cast %add3A_800 : i32 to index
        %get3A_802 = arith.constant 0 : index
        %get3A_803 = tpu.vector_load %arg10[%get3A_801, %get3A_802] {strides = array<i32>} : memref<120x64xf32, #tpu.memory_space<vmem>>, vector<1x16xf32>,
        %get3A_804 = vector.shape_cast %get3A_803 : vector<1x16xf32> to vector<16xf32>
        %add3A_805 = arith.addf %add3A_753, %get3A_804 : vector<16xf32>
        %get3A_806 = arith.index_cast %add3A_800 : i32 to index
        %get3A_807 = arith.constant 16 : index
        %get3A_808 = tpu.vector_load %arg10[%get3A_806, %get3A_807] {strides = array<i32>} : memref<120x64xf32, #tpu.memory_space<vmem>>, vector<1x16xf32>,
        %get3A_809 = vector.shape_cast %get3A_808 : vector<1x16xf32> to vector<16xf32>
        %add3A_810 = arith.addf %add3A_758, %get3A_809 : vector<16xf32>
        %get3A_811 = arith.index_cast %add3A_800 : i32 to index
        %get3A_812 = arith.constant 32 : index
        %get3A_813 = tpu.vector_load %arg10[%get3A_811, %get3A_812] {strides = array<i32>} : memref<120x64xf32, #tpu.memory_space<vmem>>, vector<1x16xf32>,
        %get3A_814 = vector.shape_cast %get3A_813 : vector<1x16xf32> to vector<16xf32>
        %add3A_815 = arith.addf %add3A_763, %get3A_814 : vector<16xf32>
        %get3A_816 = arith.index_cast %add3A_800 : i32 to index
        %get3A_817 = arith.constant 48 : index
        %get3A_818 = tpu.vector_load %arg10[%get3A_816, %get3A_817] {strides = array<i32>} : memref<120x64xf32, #tpu.memory_space<vmem>>, vector<1x16xf32>,
        %get3A_819 = vector.shape_cast %get3A_818 : vector<1x16xf32> to vector<16xf32>
        %add3A_820 = arith.addf %add3A_768, %get3A_819 : vector<16xf32>
        %mul3A_821 = arith.constant 15 : i32
        %mul3A_822 = arith.muli %scan3A_501, %mul3A_821 : i32
        %add3A_823 = arith.constant 0 : i32
        %add3A_824 = arith.addi %add3A_823, %mul3A_822 : i32
        %add3A_825 = arith.constant 6 : i32
        %add3A_826 = arith.addi %add3A_824, %add3A_825 : i32
        %get3A_827 = arith.index_cast %add3A_826 : i32 to index
        %get3A_828 = arith.constant 0 : index
        %get3A_829 = tpu.vector_load %arg10[%get3A_827, %get3A_828] {strides = array<i32>} : memref<120x64xf32, #tpu.memory_space<vmem>>, vector<1x16xf32>,
        %get3A_830 = vector.shape_cast %get3A_829 : vector<1x16xf32> to vector<16xf32>
        %add3A_831 = arith.addf %add3A_779, %get3A_830 : vector<16xf32>
        %get3A_832 = arith.index_cast %add3A_826 : i32 to index
        %get3A_833 = arith.constant 16 : index
        %get3A_834 = tpu.vector_load %arg10[%get3A_832, %get3A_833] {strides = array<i32>} : memref<120x64xf32, #tpu.memory_space<vmem>>, vector<1x16xf32>,
        %get3A_835 = vector.shape_cast %get3A_834 : vector<1x16xf32> to vector<16xf32>
        %add3A_836 = arith.addf %add3A_784, %get3A_835 : vector<16xf32>
        %get3A_837 = arith.index_cast %add3A_826 : i32 to index
        %get3A_838 = arith.constant 32 : index
        %get3A_839 = tpu.vector_load %arg10[%get3A_837, %get3A_838] {strides = array<i32>} : memref<120x64xf32, #tpu.memory_space<vmem>>, vector<1x16xf32>,
        %get3A_840 = vector.shape_cast %get3A_839 : vector<1x16xf32> to vector<16xf32>
        %add3A_841 = arith.addf %add3A_789, %get3A_840 : vector<16xf32>
        %get3A_842 = arith.index_cast %add3A_826 : i32 to index
        %get3A_843 = arith.constant 48 : index
        %get3A_844 = tpu.vector_load %arg10[%get3A_842, %get3A_843] {strides = array<i32>} : memref<120x64xf32, #tpu.memory_space<vmem>>, vector<1x16xf32>,
        %get3A_845 = vector.shape_cast %get3A_844 : vector<1x16xf32> to vector<16xf32>
        %add3A_846 = arith.addf %add3A_794, %get3A_845 : vector<16xf32>
        %mul3A_847 = arith.constant 15 : i32
        %mul3A_848 = arith.muli %scan3A_501, %mul3A_847 : i32
        %add3A_849 = arith.constant 60 : i32
        %add3A_850 = arith.addi %add3A_849, %mul3A_848 : i32
        %add3A_851 = arith.constant 6 : i32
        %add3A_852 = arith.addi %add3A_850, %add3A_851 : i32
        %get3A_853 = arith.index_cast %add3A_852 : i32 to index
        %get3A_854 = arith.constant 0 : index
        %get3A_855 = tpu.vector_load %arg10[%get3A_853, %get3A_854] {strides = array<i32>} : memref<120x64xf32, #tpu.memory_space<vmem>>, vector<1x16xf32>,
        %get3A_856 = vector.shape_cast %get3A_855 : vector<1x16xf32> to vector<16xf32>
        %add3A_857 = arith.addf %add3A_805, %get3A_856 : vector<16xf32>
        %get3A_858 = arith.index_cast %add3A_852 : i32 to index
        %get3A_859 = arith.constant 16 : index
        %get3A_860 = tpu.vector_load %arg10[%get3A_858, %get3A_859] {strides = array<i32>} : memref<120x64xf32, #tpu.memory_space<vmem>>, vector<1x16xf32>,
        %get3A_861 = vector.shape_cast %get3A_860 : vector<1x16xf32> to vector<16xf32>
        %add3A_862 = arith.addf %add3A_810, %get3A_861 : vector<16xf32>
        %get3A_863 = arith.index_cast %add3A_852 : i32 to index
        %get3A_864 = arith.constant 32 : index
        %get3A_865 = tpu.vector_load %arg10[%get3A_863, %get3A_864] {strides = array<i32>} : memref<120x64xf32, #tpu.memory_space<vmem>>, vector<1x16xf32>,
        %get3A_866 = vector.shape_cast %get3A_865 : vector<1x16xf32> to vector<16xf32>
        %add3A_867 = arith.addf %add3A_815, %get3A_866 : vector<16xf32>
        %get3A_868 = arith.index_cast %add3A_852 : i32 to index
        %get3A_869 = arith.constant 48 : index
        %get3A_870 = tpu.vector_load %arg10[%get3A_868, %get3A_869] {strides = array<i32>} : memref<120x64xf32, #tpu.memory_space<vmem>>, vector<1x16xf32>,
        %get3A_871 = vector.shape_cast %get3A_870 : vector<1x16xf32> to vector<16xf32>
        %add3A_872 = arith.addf %add3A_820, %get3A_871 : vector<16xf32>
        %mul3A_873 = arith.constant 15 : i32
        %mul3A_874 = arith.muli %scan3A_501, %mul3A_873 : i32
        %add3A_875 = arith.constant 0 : i32
        %add3A_876 = arith.addi %add3A_875, %mul3A_874 : i32
        %add3A_877 = arith.constant 7 : i32
        %add3A_878 = arith.addi %add3A_876, %add3A_877 : i32
        %get3A_879 = arith.index_cast %add3A_878 : i32 to index
        %get3A_880 = arith.constant 0 : index
        %get3A_881 = tpu.vector_load %arg10[%get3A_879, %get3A_880] {strides = array<i32>} : memref<120x64xf32, #tpu.memory_space<vmem>>, vector<1x16xf32>,
        %get3A_882 = vector.shape_cast %get3A_881 : vector<1x16xf32> to vector<16xf32>
        %add3A_883 = arith.addf %add3A_831, %get3A_882 : vector<16xf32>
        %get3A_884 = arith.index_cast %add3A_878 : i32 to index
        %get3A_885 = arith.constant 16 : index
        %get3A_886 = tpu.vector_load %arg10[%get3A_884, %get3A_885] {strides = array<i32>} : memref<120x64xf32, #tpu.memory_space<vmem>>, vector<1x16xf32>,
        %get3A_887 = vector.shape_cast %get3A_886 : vector<1x16xf32> to vector<16xf32>
        %add3A_888 = arith.addf %add3A_836, %get3A_887 : vector<16xf32>
        %get3A_889 = arith.index_cast %add3A_878 : i32 to index
        %get3A_890 = arith.constant 32 : index
        %get3A_891 = tpu.vector_load %arg10[%get3A_889, %get3A_890] {strides = array<i32>} : memref<120x64xf32, #tpu.memory_space<vmem>>, vector<1x16xf32>,
        %get3A_892 = vector.shape_cast %get3A_891 : vector<1x16xf32> to vector<16xf32>
        %add3A_893 = arith.addf %add3A_841, %get3A_892 : vector<16xf32>
        %get3A_894 = arith.index_cast %add3A_878 : i32 to index
        %get3A_895 = arith.constant 48 : index
        %get3A_896 = tpu.vector_load %arg10[%get3A_894, %get3A_895] {strides = array<i32>} : memref<120x64xf32, #tpu.memory_space<vmem>>, vector<1x16xf32>,
        %get3A_897 = vector.shape_cast %get3A_896 : vector<1x16xf32> to vector<16xf32>
        %add3A_898 = arith.addf %add3A_846, %get3A_897 : vector<16xf32>
        %mul3A_899 = arith.constant 15 : i32
        %mul3A_900 = arith.muli %scan3A_501, %mul3A_899 : i32
        %add3A_901 = arith.constant 60 : i32
        %add3A_902 = arith.addi %add3A_901, %mul3A_900 : i32
        %add3A_903 = arith.constant 7 : i32
        %add3A_904 = arith.addi %add3A_902, %add3A_903 : i32
        %get3A_905 = arith.index_cast %add3A_904 : i32 to index
        %get3A_906 = arith.constant 0 : index
        %get3A_907 = tpu.vector_load %arg10[%get3A_905, %get3A_906] {strides = array<i32>} : memref<120x64xf32, #tpu.memory_space<vmem>>, vector<1x16xf32>,
        %get3A_908 = vector.shape_cast %get3A_907 : vector<1x16xf32> to vector<16xf32>
        %add3A_909 = arith.addf %add3A_857, %get3A_908 : vector<16xf32>
        %get3A_910 = arith.index_cast %add3A_904 : i32 to index
        %get3A_911 = arith.constant 16 : index
        %get3A_912 = tpu.vector_load %arg10[%get3A_910, %get3A_911] {strides = array<i32>} : memref<120x64xf32, #tpu.memory_space<vmem>>, vector<1x16xf32>,
        %get3A_913 = vector.shape_cast %get3A_912 : vector<1x16xf32> to vector<16xf32>
        %add3A_914 = arith.addf %add3A_862, %get3A_913 : vector<16xf32>
        %get3A_915 = arith.index_cast %add3A_904 : i32 to index
        %get3A_916 = arith.constant 32 : index
        %get3A_917 = tpu.vector_load %arg10[%get3A_915, %get3A_916] {strides = array<i32>} : memref<120x64xf32, #tpu.memory_space<vmem>>, vector<1x16xf32>,
        %get3A_918 = vector.shape_cast %get3A_917 : vector<1x16xf32> to vector<16xf32>
        %add3A_919 = arith.addf %add3A_867, %get3A_918 : vector<16xf32>
        %get3A_920 = arith.index_cast %add3A_904 : i32 to index
        %get3A_921 = arith.constant 48 : index
        %get3A_922 = tpu.vector_load %arg10[%get3A_920, %get3A_921] {strides = array<i32>} : memref<120x64xf32, #tpu.memory_space<vmem>>, vector<1x16xf32>,
        %get3A_923 = vector.shape_cast %get3A_922 : vector<1x16xf32> to vector<16xf32>
        %add3A_924 = arith.addf %add3A_872, %get3A_923 : vector<16xf32>
        %mul3A_925 = arith.constant 15 : i32
        %mul3A_926 = arith.muli %scan3A_501, %mul3A_925 : i32
        %add3A_927 = arith.constant 0 : i32
        %add3A_928 = arith.addi %add3A_927, %mul3A_926 : i32
        %add3A_929 = arith.constant 8 : i32
        %add3A_930 = arith.addi %add3A_928, %add3A_929 : i32
        %get3A_931 = arith.index_cast %add3A_930 : i32 to index
        %get3A_932 = arith.constant 0 : index
        %get3A_933 = tpu.vector_load %arg10[%get3A_931, %get3A_932] {strides = array<i32>} : memref<120x64xf32, #tpu.memory_space<vmem>>, vector<1x16xf32>,
        %get3A_934 = vector.shape_cast %get3A_933 : vector<1x16xf32> to vector<16xf32>
        %add3A_935 = arith.addf %add3A_883, %get3A_934 : vector<16xf32>
        %get3A_936 = arith.index_cast %add3A_930 : i32 to index
        %get3A_937 = arith.constant 16 : index
        %get3A_938 = tpu.vector_load %arg10[%get3A_936, %get3A_937] {strides = array<i32>} : memref<120x64xf32, #tpu.memory_space<vmem>>, vector<1x16xf32>,
        %get3A_939 = vector.shape_cast %get3A_938 : vector<1x16xf32> to vector<16xf32>
        %add3A_940 = arith.addf %add3A_888, %get3A_939 : vector<16xf32>
        %get3A_941 = arith.index_cast %add3A_930 : i32 to index
        %get3A_942 = arith.constant 32 : index
        %get3A_943 = tpu.vector_load %arg10[%get3A_941, %get3A_942] {strides = array<i32>} : memref<120x64xf32, #tpu.memory_space<vmem>>, vector<1x16xf32>,
        %get3A_944 = vector.shape_cast %get3A_943 : vector<1x16xf32> to vector<16xf32>
        %add3A_945 = arith.addf %add3A_893, %get3A_944 : vector<16xf32>
        %get3A_946 = arith.index_cast %add3A_930 : i32 to index
        %get3A_947 = arith.constant 48 : index
        %get3A_948 = tpu.vector_load %arg10[%get3A_946, %get3A_947] {strides = array<i32>} : memref<120x64xf32, #tpu.memory_space<vmem>>, vector<1x16xf32>,
        %get3A_949 = vector.shape_cast %get3A_948 : vector<1x16xf32> to vector<16xf32>
        %add3A_950 = arith.addf %add3A_898, %get3A_949 : vector<16xf32>
        %mul3A_951 = arith.constant 15 : i32
        %mul3A_952 = arith.muli %scan3A_501, %mul3A_951 : i32
        %add3A_953 = arith.constant 60 : i32
        %add3A_954 = arith.addi %add3A_953, %mul3A_952 : i32
        %add3A_955 = arith.constant 8 : i32
        %add3A_956 = arith.addi %add3A_954, %add3A_955 : i32
        %get3A_957 = arith.index_cast %add3A_956 : i32 to index
        %get3A_958 = arith.constant 0 : index
        %get3A_959 = tpu.vector_load %arg10[%get3A_957, %get3A_958] {strides = array<i32>} : memref<120x64xf32, #tpu.memory_space<vmem>>, vector<1x16xf32>,
        %get3A_960 = vector.shape_cast %get3A_959 : vector<1x16xf32> to vector<16xf32>
        %add3A_961 = arith.addf %add3A_909, %get3A_960 : vector<16xf32>
        %get3A_962 = arith.index_cast %add3A_956 : i32 to index
        %get3A_963 = arith.constant 16 : index
        %get3A_964 = tpu.vector_load %arg10[%get3A_962, %get3A_963] {strides = array<i32>} : memref<120x64xf32, #tpu.memory_space<vmem>>, vector<1x16xf32>,
        %get3A_965 = vector.shape_cast %get3A_964 : vector<1x16xf32> to vector<16xf32>
        %add3A_966 = arith.addf %add3A_914, %get3A_965 : vector<16xf32>
        %get3A_967 = arith.index_cast %add3A_956 : i32 to index
        %get3A_968 = arith.constant 32 : index
        %get3A_969 = tpu.vector_load %arg10[%get3A_967, %get3A_968] {strides = array<i32>} : memref<120x64xf32, #tpu.memory_space<vmem>>, vector<1x16xf32>,
        %get3A_970 = vector.shape_cast %get3A_969 : vector<1x16xf32> to vector<16xf32>
        %add3A_971 = arith.addf %add3A_919, %get3A_970 : vector<16xf32>
        %get3A_972 = arith.index_cast %add3A_956 : i32 to index
        %get3A_973 = arith.constant 48 : index
        %get3A_974 = tpu.vector_load %arg10[%get3A_972, %get3A_973] {strides = array<i32>} : memref<120x64xf32, #tpu.memory_space<vmem>>, vector<1x16xf32>,
        %get3A_975 = vector.shape_cast %get3A_974 : vector<1x16xf32> to vector<16xf32>
        %add3A_976 = arith.addf %add3A_924, %get3A_975 : vector<16xf32>
        %mul3A_977 = arith.constant 15 : i32
        %mul3A_978 = arith.muli %scan3A_501, %mul3A_977 : i32
        %add3A_979 = arith.constant 0 : i32
        %add3A_980 = arith.addi %add3A_979, %mul3A_978 : i32
        %add3A_981 = arith.constant 9 : i32
        %add3A_982 = arith.addi %add3A_980, %add3A_981 : i32
        %get3A_983 = arith.index_cast %add3A_982 : i32 to index
        %get3A_984 = arith.constant 0 : index
        %get3A_985 = tpu.vector_load %arg10[%get3A_983, %get3A_984] {strides = array<i32>} : memref<120x64xf32, #tpu.memory_space<vmem>>, vector<1x16xf32>,
        %get3A_986 = vector.shape_cast %get3A_985 : vector<1x16xf32> to vector<16xf32>
        %add3A_987 = arith.addf %add3A_935, %get3A_986 : vector<16xf32>
        %get3A_988 = arith.index_cast %add3A_982 : i32 to index
        %get3A_989 = arith.constant 16 : index
        %get3A_990 = tpu.vector_load %arg10[%get3A_988, %get3A_989] {strides = array<i32>} : memref<120x64xf32, #tpu.memory_space<vmem>>, vector<1x16xf32>,
        %get3A_991 = vector.shape_cast %get3A_990 : vector<1x16xf32> to vector<16xf32>
        %add3A_992 = arith.addf %add3A_940, %get3A_991 : vector<16xf32>
        %get3A_993 = arith.index_cast %add3A_982 : i32 to index
        %get3A_994 = arith.constant 32 : index
        %get3A_995 = tpu.vector_load %arg10[%get3A_993, %get3A_994] {strides = array<i32>} : memref<120x64xf32, #tpu.memory_space<vmem>>, vector<1x16xf32>,
        %get3A_996 = vector.shape_cast %get3A_995 : vector<1x16xf32> to vector<16xf32>
        %add3A_997 = arith.addf %add3A_945, %get3A_996 : vector<16xf32>
        %get3A_998 = arith.index_cast %add3A_982 : i32 to index
        %get3A_999 = arith.constant 48 : index
        %get3A_1000 = tpu.vector_load %arg10[%get3A_998, %get3A_999] {strides = array<i32>} : memref<120x64xf32, #tpu.memory_space<vmem>>, vector<1x16xf32>,
        %get3A_1001 = vector.shape_cast %get3A_1000 : vector<1x16xf32> to vector<16xf32>
        %add3A_1002 = arith.addf %add3A_950, %get3A_1001 : vector<16xf32>
        %mul3A_1003 = arith.constant 15 : i32
        %mul3A_1004 = arith.muli %scan3A_501, %mul3A_1003 : i32
        %add3A_1005 = arith.constant 60 : i32
        %add3A_1006 = arith.addi %add3A_1005, %mul3A_1004 : i32
        %add3A_1007 = arith.constant 9 : i32
        %add3A_1008 = arith.addi %add3A_1006, %add3A_1007 : i32
        %get3A_1009 = arith.index_cast %add3A_1008 : i32 to index
        %get3A_1010 = arith.constant 0 : index
        %get3A_1011 = tpu.vector_load %arg10[%get3A_1009, %get3A_1010] {strides = array<i32>} : memref<120x64xf32, #tpu.memory_space<vmem>>, vector<1x16xf32>,
        %get3A_1012 = vector.shape_cast %get3A_1011 : vector<1x16xf32> to vector<16xf32>
        %add3A_1013 = arith.addf %add3A_961, %get3A_1012 : vector<16xf32>
        %get3A_1014 = arith.index_cast %add3A_1008 : i32 to index
        %get3A_1015 = arith.constant 16 : index
        %get3A_1016 = tpu.vector_load %arg10[%get3A_1014, %get3A_1015] {strides = array<i32>} : memref<120x64xf32, #tpu.memory_space<vmem>>, vector<1x16xf32>,
        %get3A_1017 = vector.shape_cast %get3A_1016 : vector<1x16xf32> to vector<16xf32>
        %add3A_1018 = arith.addf %add3A_966, %get3A_1017 : vector<16xf32>
        %get3A_1019 = arith.index_cast %add3A_1008 : i32 to index
        %get3A_1020 = arith.constant 32 : index
        %get3A_1021 = tpu.vector_load %arg10[%get3A_1019, %get3A_1020] {strides = array<i32>} : memref<120x64xf32, #tpu.memory_space<vmem>>, vector<1x16xf32>,
        %get3A_1022 = vector.shape_cast %get3A_1021 : vector<1x16xf32> to vector<16xf32>
        %add3A_1023 = arith.addf %add3A_971, %get3A_1022 : vector<16xf32>
        %get3A_1024 = arith.index_cast %add3A_1008 : i32 to index
        %get3A_1025 = arith.constant 48 : index
        %get3A_1026 = tpu.vector_load %arg10[%get3A_1024, %get3A_1025] {strides = array<i32>} : memref<120x64xf32, #tpu.memory_space<vmem>>, vector<1x16xf32>,
        %get3A_1027 = vector.shape_cast %get3A_1026 : vector<1x16xf32> to vector<16xf32>
        %add3A_1028 = arith.addf %add3A_976, %get3A_1027 : vector<16xf32>
        %mul3A_1029 = arith.constant 15 : i32
        %mul3A_1030 = arith.muli %scan3A_501, %mul3A_1029 : i32
        %add3A_1031 = arith.constant 0 : i32
        %add3A_1032 = arith.addi %add3A_1031, %mul3A_1030 : i32
        %add3A_1033 = arith.constant 10 : i32
        %add3A_1034 = arith.addi %add3A_1032, %add3A_1033 : i32
        %get3A_1035 = arith.index_cast %add3A_1034 : i32 to index
        %get3A_1036 = arith.constant 0 : index
        %get3A_1037 = tpu.vector_load %arg10[%get3A_1035, %get3A_1036] {strides = array<i32>} : memref<120x64xf32, #tpu.memory_space<vmem>>, vector<1x16xf32>,
        %get3A_1038 = vector.shape_cast %get3A_1037 : vector<1x16xf32> to vector<16xf32>
        %add3A_1039 = arith.addf %add3A_987, %get3A_1038 : vector<16xf32>
        %get3A_1040 = arith.index_cast %add3A_1034 : i32 to index
        %get3A_1041 = arith.constant 16 : index
        %get3A_1042 = tpu.vector_load %arg10[%get3A_1040, %get3A_1041] {strides = array<i32>} : memref<120x64xf32, #tpu.memory_space<vmem>>, vector<1x16xf32>,
        %get3A_1043 = vector.shape_cast %get3A_1042 : vector<1x16xf32> to vector<16xf32>
        %add3A_1044 = arith.addf %add3A_992, %get3A_1043 : vector<16xf32>
        %get3A_1045 = arith.index_cast %add3A_1034 : i32 to index
        %get3A_1046 = arith.constant 32 : index
        %get3A_1047 = tpu.vector_load %arg10[%get3A_1045, %get3A_1046] {strides = array<i32>} : memref<120x64xf32, #tpu.memory_space<vmem>>, vector<1x16xf32>,
        %get3A_1048 = vector.shape_cast %get3A_1047 : vector<1x16xf32> to vector<16xf32>
        %add3A_1049 = arith.addf %add3A_997, %get3A_1048 : vector<16xf32>
        %get3A_1050 = arith.index_cast %add3A_1034 : i32 to index
        %get3A_1051 = arith.constant 48 : index
        %get3A_1052 = tpu.vector_load %arg10[%get3A_1050, %get3A_1051] {strides = array<i32>} : memref<120x64xf32, #tpu.memory_space<vmem>>, vector<1x16xf32>,
        %get3A_1053 = vector.shape_cast %get3A_1052 : vector<1x16xf32> to vector<16xf32>
        %add3A_1054 = arith.addf %add3A_1002, %get3A_1053 : vector<16xf32>
        %mul3A_1055 = arith.constant 15 : i32
        %mul3A_1056 = arith.muli %scan3A_501, %mul3A_1055 : i32
        %add3A_1057 = arith.constant 60 : i32
        %add3A_1058 = arith.addi %add3A_1057, %mul3A_1056 : i32
        %add3A_1059 = arith.constant 10 : i32
        %add3A_1060 = arith.addi %add3A_1058, %add3A_1059 : i32
        %get3A_1061 = arith.index_cast %add3A_1060 : i32 to index
        %get3A_1062 = arith.constant 0 : index
        %get3A_1063 = tpu.vector_load %arg10[%get3A_1061, %get3A_1062] {strides = array<i32>} : memref<120x64xf32, #tpu.memory_space<vmem>>, vector<1x16xf32>,
        %get3A_1064 = vector.shape_cast %get3A_1063 : vector<1x16xf32> to vector<16xf32>
        %add3A_1065 = arith.addf %add3A_1013, %get3A_1064 : vector<16xf32>
        %get3A_1066 = arith.index_cast %add3A_1060 : i32 to index
        %get3A_1067 = arith.constant 16 : index
        %get3A_1068 = tpu.vector_load %arg10[%get3A_1066, %get3A_1067] {strides = array<i32>} : memref<120x64xf32, #tpu.memory_space<vmem>>, vector<1x16xf32>,
        %get3A_1069 = vector.shape_cast %get3A_1068 : vector<1x16xf32> to vector<16xf32>
        %add3A_1070 = arith.addf %add3A_1018, %get3A_1069 : vector<16xf32>
        %get3A_1071 = arith.index_cast %add3A_1060 : i32 to index
        %get3A_1072 = arith.constant 32 : index
        %get3A_1073 = tpu.vector_load %arg10[%get3A_1071, %get3A_1072] {strides = array<i32>} : memref<120x64xf32, #tpu.memory_space<vmem>>, vector<1x16xf32>,
        %get3A_1074 = vector.shape_cast %get3A_1073 : vector<1x16xf32> to vector<16xf32>
        %add3A_1075 = arith.addf %add3A_1023, %get3A_1074 : vector<16xf32>
        %get3A_1076 = arith.index_cast %add3A_1060 : i32 to index
        %get3A_1077 = arith.constant 48 : index
        %get3A_1078 = tpu.vector_load %arg10[%get3A_1076, %get3A_1077] {strides = array<i32>} : memref<120x64xf32, #tpu.memory_space<vmem>>, vector<1x16xf32>,
        %get3A_1079 = vector.shape_cast %get3A_1078 : vector<1x16xf32> to vector<16xf32>
        %add3A_1080 = arith.addf %add3A_1028, %get3A_1079 : vector<16xf32>
        %mul3A_1081 = arith.constant 15 : i32
        %mul3A_1082 = arith.muli %scan3A_501, %mul3A_1081 : i32
        %add3A_1083 = arith.constant 0 : i32
        %add3A_1084 = arith.addi %add3A_1083, %mul3A_1082 : i32
        %add3A_1085 = arith.constant 11 : i32
        %add3A_1086 = arith.addi %add3A_1084, %add3A_1085 : i32
        %get3A_1087 = arith.index_cast %add3A_1086 : i32 to index
        %get3A_1088 = arith.constant 0 : index
        %get3A_1089 = tpu.vector_load %arg10[%get3A_1087, %get3A_1088] {strides = array<i32>} : memref<120x64xf32, #tpu.memory_space<vmem>>, vector<1x16xf32>,
        %get3A_1090 = vector.shape_cast %get3A_1089 : vector<1x16xf32> to vector<16xf32>
        %add3A_1091 = arith.addf %add3A_1039, %get3A_1090 : vector<16xf32>
        %get3A_1092 = arith.index_cast %add3A_1086 : i32 to index
        %get3A_1093 = arith.constant 16 : index
        %get3A_1094 = tpu.vector_load %arg10[%get3A_1092, %get3A_1093] {strides = array<i32>} : memref<120x64xf32, #tpu.memory_space<vmem>>, vector<1x16xf32>,
        %get3A_1095 = vector.shape_cast %get3A_1094 : vector<1x16xf32> to vector<16xf32>
        %add3A_1096 = arith.addf %add3A_1044, %get3A_1095 : vector<16xf32>
        %get3A_1097 = arith.index_cast %add3A_1086 : i32 to index
        %get3A_1098 = arith.constant 32 : index
        %get3A_1099 = tpu.vector_load %arg10[%get3A_1097, %get3A_1098] {strides = array<i32>} : memref<120x64xf32, #tpu.memory_space<vmem>>, vector<1x16xf32>,
        %get3A_1100 = vector.shape_cast %get3A_1099 : vector<1x16xf32> to vector<16xf32>
        %add3A_1101 = arith.addf %add3A_1049, %get3A_1100 : vector<16xf32>
        %get3A_1102 = arith.index_cast %add3A_1086 : i32 to index
        %get3A_1103 = arith.constant 48 : index
        %get3A_1104 = tpu.vector_load %arg10[%get3A_1102, %get3A_1103] {strides = array<i32>} : memref<120x64xf32, #tpu.memory_space<vmem>>, vector<1x16xf32>,
        %get3A_1105 = vector.shape_cast %get3A_1104 : vector<1x16xf32> to vector<16xf32>
        %add3A_1106 = arith.addf %add3A_1054, %get3A_1105 : vector<16xf32>
        %mul3A_1107 = arith.constant 15 : i32
        %mul3A_1108 = arith.muli %scan3A_501, %mul3A_1107 : i32
        %add3A_1109 = arith.constant 60 : i32
        %add3A_1110 = arith.addi %add3A_1109, %mul3A_1108 : i32
        %add3A_1111 = arith.constant 11 : i32
        %add3A_1112 = arith.addi %add3A_1110, %add3A_1111 : i32
        %get3A_1113 = arith.index_cast %add3A_1112 : i32 to index
        %get3A_1114 = arith.constant 0 : index
        %get3A_1115 = tpu.vector_load %arg10[%get3A_1113, %get3A_1114] {strides = array<i32>} : memref<120x64xf32, #tpu.memory_space<vmem>>, vector<1x16xf32>,
        %get3A_1116 = vector.shape_cast %get3A_1115 : vector<1x16xf32> to vector<16xf32>
        %add3A_1117 = arith.addf %add3A_1065, %get3A_1116 : vector<16xf32>
        %get3A_1118 = arith.index_cast %add3A_1112 : i32 to index
        %get3A_1119 = arith.constant 16 : index
        %get3A_1120 = tpu.vector_load %arg10[%get3A_1118, %get3A_1119] {strides = array<i32>} : memref<120x64xf32, #tpu.memory_space<vmem>>, vector<1x16xf32>,
        %get3A_1121 = vector.shape_cast %get3A_1120 : vector<1x16xf32> to vector<16xf32>
        %add3A_1122 = arith.addf %add3A_1070, %get3A_1121 : vector<16xf32>
        %get3A_1123 = arith.index_cast %add3A_1112 : i32 to index
        %get3A_1124 = arith.constant 32 : index
        %get3A_1125 = tpu.vector_load %arg10[%get3A_1123, %get3A_1124] {strides = array<i32>} : memref<120x64xf32, #tpu.memory_space<vmem>>, vector<1x16xf32>,
        %get3A_1126 = vector.shape_cast %get3A_1125 : vector<1x16xf32> to vector<16xf32>
        %add3A_1127 = arith.addf %add3A_1075, %get3A_1126 : vector<16xf32>
        %get3A_1128 = arith.index_cast %add3A_1112 : i32 to index
        %get3A_1129 = arith.constant 48 : index
        %get3A_1130 = tpu.vector_load %arg10[%get3A_1128, %get3A_1129] {strides = array<i32>} : memref<120x64xf32, #tpu.memory_space<vmem>>, vector<1x16xf32>,
        %get3A_1131 = vector.shape_cast %get3A_1130 : vector<1x16xf32> to vector<16xf32>
        %add3A_1132 = arith.addf %add3A_1080, %get3A_1131 : vector<16xf32>
        %mul3A_1133 = arith.constant 15 : i32
        %mul3A_1134 = arith.muli %scan3A_501, %mul3A_1133 : i32
        %add3A_1135 = arith.constant 0 : i32
        %add3A_1136 = arith.addi %add3A_1135, %mul3A_1134 : i32
        %add3A_1137 = arith.constant 12 : i32
        %add3A_1138 = arith.addi %add3A_1136, %add3A_1137 : i32
        %get3A_1139 = arith.index_cast %add3A_1138 : i32 to index
        %get3A_1140 = arith.constant 0 : index
        %get3A_1141 = tpu.vector_load %arg10[%get3A_1139, %get3A_1140] {strides = array<i32>} : memref<120x64xf32, #tpu.memory_space<vmem>>, vector<1x16xf32>,
        %get3A_1142 = vector.shape_cast %get3A_1141 : vector<1x16xf32> to vector<16xf32>
        %add3A_1143 = arith.addf %add3A_1091, %get3A_1142 : vector<16xf32>
        %get3A_1144 = arith.index_cast %add3A_1138 : i32 to index
        %get3A_1145 = arith.constant 16 : index
        %get3A_1146 = tpu.vector_load %arg10[%get3A_1144, %get3A_1145] {strides = array<i32>} : memref<120x64xf32, #tpu.memory_space<vmem>>, vector<1x16xf32>,
        %get3A_1147 = vector.shape_cast %get3A_1146 : vector<1x16xf32> to vector<16xf32>
        %add3A_1148 = arith.addf %add3A_1096, %get3A_1147 : vector<16xf32>
        %get3A_1149 = arith.index_cast %add3A_1138 : i32 to index
        %get3A_1150 = arith.constant 32 : index
        %get3A_1151 = tpu.vector_load %arg10[%get3A_1149, %get3A_1150] {strides = array<i32>} : memref<120x64xf32, #tpu.memory_space<vmem>>, vector<1x16xf32>,
        %get3A_1152 = vector.shape_cast %get3A_1151 : vector<1x16xf32> to vector<16xf32>
        %add3A_1153 = arith.addf %add3A_1101, %get3A_1152 : vector<16xf32>
        %get3A_1154 = arith.index_cast %add3A_1138 : i32 to index
        %get3A_1155 = arith.constant 48 : index
        %get3A_1156 = tpu.vector_load %arg10[%get3A_1154, %get3A_1155] {strides = array<i32>} : memref<120x64xf32, #tpu.memory_space<vmem>>, vector<1x16xf32>,
        %get3A_1157 = vector.shape_cast %get3A_1156 : vector<1x16xf32> to vector<16xf32>
        %add3A_1158 = arith.addf %add3A_1106, %get3A_1157 : vector<16xf32>
        %mul3A_1159 = arith.constant 15 : i32
        %mul3A_1160 = arith.muli %scan3A_501, %mul3A_1159 : i32
        %add3A_1161 = arith.constant 60 : i32
        %add3A_1162 = arith.addi %add3A_1161, %mul3A_1160 : i32
        %add3A_1163 = arith.constant 12 : i32
        %add3A_1164 = arith.addi %add3A_1162, %add3A_1163 : i32
        %get3A_1165 = arith.index_cast %add3A_1164 : i32 to index
        %get3A_1166 = arith.constant 0 : index
        %get3A_1167 = tpu.vector_load %arg10[%get3A_1165, %get3A_1166] {strides = array<i32>} : memref<120x64xf32, #tpu.memory_space<vmem>>, vector<1x16xf32>,
        %get3A_1168 = vector.shape_cast %get3A_1167 : vector<1x16xf32> to vector<16xf32>
        %add3A_1169 = arith.addf %add3A_1117, %get3A_1168 : vector<16xf32>
        %get3A_1170 = arith.index_cast %add3A_1164 : i32 to index
        %get3A_1171 = arith.constant 16 : index
        %get3A_1172 = tpu.vector_load %arg10[%get3A_1170, %get3A_1171] {strides = array<i32>} : memref<120x64xf32, #tpu.memory_space<vmem>>, vector<1x16xf32>,
        %get3A_1173 = vector.shape_cast %get3A_1172 : vector<1x16xf32> to vector<16xf32>
        %add3A_1174 = arith.addf %add3A_1122, %get3A_1173 : vector<16xf32>
        %get3A_1175 = arith.index_cast %add3A_1164 : i32 to index
        %get3A_1176 = arith.constant 32 : index
        %get3A_1177 = tpu.vector_load %arg10[%get3A_1175, %get3A_1176] {strides = array<i32>} : memref<120x64xf32, #tpu.memory_space<vmem>>, vector<1x16xf32>,
        %get3A_1178 = vector.shape_cast %get3A_1177 : vector<1x16xf32> to vector<16xf32>
        %add3A_1179 = arith.addf %add3A_1127, %get3A_1178 : vector<16xf32>
        %get3A_1180 = arith.index_cast %add3A_1164 : i32 to index
        %get3A_1181 = arith.constant 48 : index
        %get3A_1182 = tpu.vector_load %arg10[%get3A_1180, %get3A_1181] {strides = array<i32>} : memref<120x64xf32, #tpu.memory_space<vmem>>, vector<1x16xf32>,
        %get3A_1183 = vector.shape_cast %get3A_1182 : vector<1x16xf32> to vector<16xf32>
        %add3A_1184 = arith.addf %add3A_1132, %get3A_1183 : vector<16xf32>
        %mul3A_1185 = arith.constant 15 : i32
        %mul3A_1186 = arith.muli %scan3A_501, %mul3A_1185 : i32
        %add3A_1187 = arith.constant 0 : i32
        %add3A_1188 = arith.addi %add3A_1187, %mul3A_1186 : i32
        %add3A_1189 = arith.constant 13 : i32
        %add3A_1190 = arith.addi %add3A_1188, %add3A_1189 : i32
        %get3A_1191 = arith.index_cast %add3A_1190 : i32 to index
        %get3A_1192 = arith.constant 0 : index
        %get3A_1193 = tpu.vector_load %arg10[%get3A_1191, %get3A_1192] {strides = array<i32>} : memref<120x64xf32, #tpu.memory_space<vmem>>, vector<1x16xf32>,
        %get3A_1194 = vector.shape_cast %get3A_1193 : vector<1x16xf32> to vector<16xf32>
        %add3A_1195 = arith.addf %add3A_1143, %get3A_1194 : vector<16xf32>
        %get3A_1196 = arith.index_cast %add3A_1190 : i32 to index
        %get3A_1197 = arith.constant 16 : index
        %get3A_1198 = tpu.vector_load %arg10[%get3A_1196, %get3A_1197] {strides = array<i32>} : memref<120x64xf32, #tpu.memory_space<vmem>>, vector<1x16xf32>,
        %get3A_1199 = vector.shape_cast %get3A_1198 : vector<1x16xf32> to vector<16xf32>
        %add3A_1200 = arith.addf %add3A_1148, %get3A_1199 : vector<16xf32>
        %get3A_1201 = arith.index_cast %add3A_1190 : i32 to index
        %get3A_1202 = arith.constant 32 : index
        %get3A_1203 = tpu.vector_load %arg10[%get3A_1201, %get3A_1202] {strides = array<i32>} : memref<120x64xf32, #tpu.memory_space<vmem>>, vector<1x16xf32>,
        %get3A_1204 = vector.shape_cast %get3A_1203 : vector<1x16xf32> to vector<16xf32>
        %add3A_1205 = arith.addf %add3A_1153, %get3A_1204 : vector<16xf32>
        %get3A_1206 = arith.index_cast %add3A_1190 : i32 to index
        %get3A_1207 = arith.constant 48 : index
        %get3A_1208 = tpu.vector_load %arg10[%get3A_1206, %get3A_1207] {strides = array<i32>} : memref<120x64xf32, #tpu.memory_space<vmem>>, vector<1x16xf32>,
        %get3A_1209 = vector.shape_cast %get3A_1208 : vector<1x16xf32> to vector<16xf32>
        %add3A_1210 = arith.addf %add3A_1158, %get3A_1209 : vector<16xf32>
        %mul3A_1211 = arith.constant 15 : i32
        %mul3A_1212 = arith.muli %scan3A_501, %mul3A_1211 : i32
        %add3A_1213 = arith.constant 60 : i32
        %add3A_1214 = arith.addi %add3A_1213, %mul3A_1212 : i32
        %add3A_1215 = arith.constant 13 : i32
        %add3A_1216 = arith.addi %add3A_1214, %add3A_1215 : i32
        %get3A_1217 = arith.index_cast %add3A_1216 : i32 to index
        %get3A_1218 = arith.constant 0 : index
        %get3A_1219 = tpu.vector_load %arg10[%get3A_1217, %get3A_1218] {strides = array<i32>} : memref<120x64xf32, #tpu.memory_space<vmem>>, vector<1x16xf32>,
        %get3A_1220 = vector.shape_cast %get3A_1219 : vector<1x16xf32> to vector<16xf32>
        %add3A_1221 = arith.addf %add3A_1169, %get3A_1220 : vector<16xf32>
        %get3A_1222 = arith.index_cast %add3A_1216 : i32 to index
        %get3A_1223 = arith.constant 16 : index
        %get3A_1224 = tpu.vector_load %arg10[%get3A_1222, %get3A_1223] {strides = array<i32>} : memref<120x64xf32, #tpu.memory_space<vmem>>, vector<1x16xf32>,
        %get3A_1225 = vector.shape_cast %get3A_1224 : vector<1x16xf32> to vector<16xf32>
        %add3A_1226 = arith.addf %add3A_1174, %get3A_1225 : vector<16xf32>
        %get3A_1227 = arith.index_cast %add3A_1216 : i32 to index
        %get3A_1228 = arith.constant 32 : index
        %get3A_1229 = tpu.vector_load %arg10[%get3A_1227, %get3A_1228] {strides = array<i32>} : memref<120x64xf32, #tpu.memory_space<vmem>>, vector<1x16xf32>,
        %get3A_1230 = vector.shape_cast %get3A_1229 : vector<1x16xf32> to vector<16xf32>
        %add3A_1231 = arith.addf %add3A_1179, %get3A_1230 : vector<16xf32>
        %get3A_1232 = arith.index_cast %add3A_1216 : i32 to index
        %get3A_1233 = arith.constant 48 : index
        %get3A_1234 = tpu.vector_load %arg10[%get3A_1232, %get3A_1233] {strides = array<i32>} : memref<120x64xf32, #tpu.memory_space<vmem>>, vector<1x16xf32>,
        %get3A_1235 = vector.shape_cast %get3A_1234 : vector<1x16xf32> to vector<16xf32>
        %add3A_1236 = arith.addf %add3A_1184, %get3A_1235 : vector<16xf32>
        %mul3A_1237 = arith.constant 15 : i32
        %mul3A_1238 = arith.muli %scan3A_501, %mul3A_1237 : i32
        %add3A_1239 = arith.constant 0 : i32
        %add3A_1240 = arith.addi %add3A_1239, %mul3A_1238 : i32
        %add3A_1241 = arith.constant 14 : i32
        %add3A_1242 = arith.addi %add3A_1240, %add3A_1241 : i32
        %get3A_1243 = arith.index_cast %add3A_1242 : i32 to index
        %get3A_1244 = arith.constant 0 : index
        %get3A_1245 = tpu.vector_load %arg10[%get3A_1243, %get3A_1244] {strides = array<i32>} : memref<120x64xf32, #tpu.memory_space<vmem>>, vector<1x16xf32>,
        %get3A_1246 = vector.shape_cast %get3A_1245 : vector<1x16xf32> to vector<16xf32>
        %add3A_1247 = arith.addf %add3A_1195, %get3A_1246 : vector<16xf32>
        %get3A_1248 = arith.index_cast %add3A_1242 : i32 to index
        %get3A_1249 = arith.constant 16 : index
        %get3A_1250 = tpu.vector_load %arg10[%get3A_1248, %get3A_1249] {strides = array<i32>} : memref<120x64xf32, #tpu.memory_space<vmem>>, vector<1x16xf32>,
        %get3A_1251 = vector.shape_cast %get3A_1250 : vector<1x16xf32> to vector<16xf32>
        %add3A_1252 = arith.addf %add3A_1200, %get3A_1251 : vector<16xf32>
        %get3A_1253 = arith.index_cast %add3A_1242 : i32 to index
        %get3A_1254 = arith.constant 32 : index
        %get3A_1255 = tpu.vector_load %arg10[%get3A_1253, %get3A_1254] {strides = array<i32>} : memref<120x64xf32, #tpu.memory_space<vmem>>, vector<1x16xf32>,
        %get3A_1256 = vector.shape_cast %get3A_1255 : vector<1x16xf32> to vector<16xf32>
        %add3A_1257 = arith.addf %add3A_1205, %get3A_1256 : vector<16xf32>
        %get3A_1258 = arith.index_cast %add3A_1242 : i32 to index
        %get3A_1259 = arith.constant 48 : index
        %get3A_1260 = tpu.vector_load %arg10[%get3A_1258, %get3A_1259] {strides = array<i32>} : memref<120x64xf32, #tpu.memory_space<vmem>>, vector<1x16xf32>,
        %get3A_1261 = vector.shape_cast %get3A_1260 : vector<1x16xf32> to vector<16xf32>
        %add3A_1262 = arith.addf %add3A_1210, %get3A_1261 : vector<16xf32>
        %mul3A_1263 = arith.constant 15 : i32
        %mul3A_1264 = arith.muli %scan3A_501, %mul3A_1263 : i32
        %add3A_1265 = arith.constant 60 : i32
        %add3A_1266 = arith.addi %add3A_1265, %mul3A_1264 : i32
        %add3A_1267 = arith.constant 14 : i32
        %add3A_1268 = arith.addi %add3A_1266, %add3A_1267 : i32
        %get3A_1269 = arith.index_cast %add3A_1268 : i32 to index
        %get3A_1270 = arith.constant 0 : index
        %get3A_1271 = tpu.vector_load %arg10[%get3A_1269, %get3A_1270] {strides = array<i32>} : memref<120x64xf32, #tpu.memory_space<vmem>>, vector<1x16xf32>,
        %get3A_1272 = vector.shape_cast %get3A_1271 : vector<1x16xf32> to vector<16xf32>
        %add3A_1273 = arith.addf %add3A_1221, %get3A_1272 : vector<16xf32>
        %get3A_1274 = arith.index_cast %add3A_1268 : i32 to index
        %get3A_1275 = arith.constant 16 : index
        %get3A_1276 = tpu.vector_load %arg10[%get3A_1274, %get3A_1275] {strides = array<i32>} : memref<120x64xf32, #tpu.memory_space<vmem>>, vector<1x16xf32>,
        %get3A_1277 = vector.shape_cast %get3A_1276 : vector<1x16xf32> to vector<16xf32>
        %add3A_1278 = arith.addf %add3A_1226, %get3A_1277 : vector<16xf32>
        %get3A_1279 = arith.index_cast %add3A_1268 : i32 to index
        %get3A_1280 = arith.constant 32 : index
        %get3A_1281 = tpu.vector_load %arg10[%get3A_1279, %get3A_1280] {strides = array<i32>} : memref<120x64xf32, #tpu.memory_space<vmem>>, vector<1x16xf32>,
        %get3A_1282 = vector.shape_cast %get3A_1281 : vector<1x16xf32> to vector<16xf32>
        %add3A_1283 = arith.addf %add3A_1231, %get3A_1282 : vector<16xf32>
        %get3A_1284 = arith.index_cast %add3A_1268 : i32 to index
        %get3A_1285 = arith.constant 48 : index
        %get3A_1286 = tpu.vector_load %arg10[%get3A_1284, %get3A_1285] {strides = array<i32>} : memref<120x64xf32, #tpu.memory_space<vmem>>, vector<1x16xf32>,
        %get3A_1287 = vector.shape_cast %get3A_1286 : vector<1x16xf32> to vector<16xf32>
        %add3A_1288 = arith.addf %add3A_1236, %get3A_1287 : vector<16xf32>
        scf.yield %add3A_1247, %add3A_1252, %add3A_1257, %add3A_1262, %add3A_1273, %add3A_1278, %add3A_1283, %add3A_1288 : vector<16xf32>, vector<16xf32>, vector<16xf32>, vector<16xf32>, vector<16xf32>, vector<16xf32>, vector<16xf32>, vector<16xf32>
      }
      %scan3A_403 = arith.constant 4 : i32
      %add3A_404 = arith.constant 4 : i32
      %add3A_405 = arith.addi %add3A_391, %add3A_404 : i32
      %lt3A_406 = arith.constant 336 : i32
      %lt3A_407 = arith.cmpi slt, %add3A_405, %lt3A_406 : i32
      %convert_element_type3A_408 = arith.extui %lt3A_407 : i1 to i32
      %cond3A_409 = arith.constant 0 : i32
      %cond3A_410 = arith.cmpi ne, %convert_element_type3A_408, %cond3A_409 : i32
      scf.if %cond3A_410 {
        %add3A_501 = arith.constant 4 : i32
        %add3A_502 = arith.addi %add3A_391, %add3A_501 : i32
        %mul3A_503 = arith.constant 120 : i32
        %mul3A_504 = arith.muli %add3A_502, %mul3A_503 : i32
        %dma_start3A_505 = tpu.memref_slice %arg6[%mul3A_504] : memref<40320xi32, #tpu.memory_space<vmem>> -> memref<120xi32, #tpu.memory_space<vmem>>
        %dma_start3A_506 = arith.constant 0 : i32
        %dma_start3A_507 = arith.constant 0 : i32
        %dma_start3A_508 = tpu.memref_slice %arg3[%dma_start3A_506, %dma_start3A_507] : memref<100000x64xf32, #tpu.memory_space<hbm>> -> memref<100000x64xf32, #tpu.memory_space<hbm>>
        tpu.enqueue_indirect_dma source(%dma_start3A_508 : memref<100000x64xf32, #tpu.memory_space<hbm>>) target(%arg10 : memref<120x64xf32, #tpu.memory_space<vmem>>) offsets(%dma_start3A_505 : memref<120xi32, #tpu.memory_space<vmem>>) semaphore(%arg18 : memref<!tpu.dma_semaphore, #tpu.memory_space<semaphore_mem>>)
      } else {
      }
      %ge3A_411 = arith.constant 4 : i32
      %ge3A_412 = arith.cmpi sge, %add3A_391, %ge3A_411 : i32
      %convert_element_type3A_413 = arith.extui %ge3A_412 : i1 to i32
      %cond3A_414 = arith.constant 0 : i32
      %cond3A_415 = arith.cmpi ne, %convert_element_type3A_413, %cond3A_414 : i32
      scf.if %cond3A_415 {
        %dma_wait3A_501 = arith.constant 0 : i32
        %dma_wait3A_502 = arith.constant 0 : i32
        %dma_wait3A_503 = tpu.memref_slice %arg4[%dma_wait3A_501, %dma_wait3A_502] : memref<1024x64xf32, #tpu.memory_space<hbm>> -> memref<2x64xf32, #tpu.memory_space<hbm>>
        %dma_wait3A_504 = arith.constant 0 : i32
        %dma_wait3A_505 = arith.constant 0 : i32
        %dma_wait3A_506 = tpu.memref_slice %arg4[%dma_wait3A_504, %dma_wait3A_505] : memref<1024x64xf32, #tpu.memory_space<hbm>> -> memref<2x64xf32, #tpu.memory_space<hbm>>
        tpu.wait_dma2 semaphore(%arg22 : memref<!tpu.dma_semaphore, #tpu.memory_space<semaphore_mem>>) src(%arg14 : memref<2x64xf32, #tpu.memory_space<vmem>>) dst(%dma_wait3A_506 : memref<2x64xf32, #tpu.memory_space<hbm>>)
      } else {
      }
      %mul3A_416 = arith.constant 5.000000e-02 : f32
      %mul3A_417 = vector.broadcast %mul3A_416 : f32 to vector<16xf32>
      %mul3A_418 = arith.mulf %scan3A_402#0, %mul3A_417 : vector<16xf32>
      %swap3A_419 = arith.constant 0 : i32
      %swap3A_420 = arith.index_cast %swap3A_419 : i32 to index
      %swap3A_421 = arith.constant 0 : index
      %swap3A_422 = tpu.vector_load %arg14[%swap3A_420, %swap3A_421] {strides = array<i32>} : memref<2x64xf32, #tpu.memory_space<vmem>>, vector<1x16xf32>,
      %swap3A_423 = vector.shape_cast %swap3A_422 : vector<1x16xf32> to vector<16xf32>
      %swap3A_424 = vector.shape_cast %mul3A_418 : vector<16xf32> to vector<1x16xf32>
      tpu.vector_store %arg14[%swap3A_420, %swap3A_421], %swap3A_424 {strides = array<i32>} : memref<2x64xf32, #tpu.memory_space<vmem>>, vector<1x16xf32>,
      %mul3A_425 = arith.constant 5.000000e-02 : f32
      %mul3A_426 = vector.broadcast %mul3A_425 : f32 to vector<16xf32>
      %mul3A_427 = arith.mulf %scan3A_402#1, %mul3A_426 : vector<16xf32>
      %swap3A_428 = arith.constant 0 : i32
      %swap3A_429 = arith.index_cast %swap3A_428 : i32 to index
      %swap3A_430 = arith.constant 16 : index
      %swap3A_431 = tpu.vector_load %arg14[%swap3A_429, %swap3A_430] {strides = array<i32>} : memref<2x64xf32, #tpu.memory_space<vmem>>, vector<1x16xf32>,
      %swap3A_432 = vector.shape_cast %swap3A_431 : vector<1x16xf32> to vector<16xf32>
      %swap3A_433 = vector.shape_cast %mul3A_427 : vector<16xf32> to vector<1x16xf32>
      tpu.vector_store %arg14[%swap3A_429, %swap3A_430], %swap3A_433 {strides = array<i32>} : memref<2x64xf32, #tpu.memory_space<vmem>>, vector<1x16xf32>,
      %mul3A_434 = arith.constant 5.000000e-02 : f32
      %mul3A_435 = vector.broadcast %mul3A_434 : f32 to vector<16xf32>
      %mul3A_436 = arith.mulf %scan3A_402#2, %mul3A_435 : vector<16xf32>
      %swap3A_437 = arith.constant 0 : i32
      %swap3A_438 = arith.index_cast %swap3A_437 : i32 to index
      %swap3A_439 = arith.constant 32 : index
      %swap3A_440 = tpu.vector_load %arg14[%swap3A_438, %swap3A_439] {strides = array<i32>} : memref<2x64xf32, #tpu.memory_space<vmem>>, vector<1x16xf32>,
      %swap3A_441 = vector.shape_cast %swap3A_440 : vector<1x16xf32> to vector<16xf32>
      %swap3A_442 = vector.shape_cast %mul3A_436 : vector<16xf32> to vector<1x16xf32>
      tpu.vector_store %arg14[%swap3A_438, %swap3A_439], %swap3A_442 {strides = array<i32>} : memref<2x64xf32, #tpu.memory_space<vmem>>, vector<1x16xf32>,
      %mul3A_443 = arith.constant 5.000000e-02 : f32
      %mul3A_444 = vector.broadcast %mul3A_443 : f32 to vector<16xf32>
      %mul3A_445 = arith.mulf %scan3A_402#3, %mul3A_444 : vector<16xf32>
      %swap3A_446 = arith.constant 0 : i32
      %swap3A_447 = arith.index_cast %swap3A_446 : i32 to index
      %swap3A_448 = arith.constant 48 : index
      %swap3A_449 = tpu.vector_load %arg14[%swap3A_447, %swap3A_448] {strides = array<i32>} : memref<2x64xf32, #tpu.memory_space<vmem>>, vector<1x16xf32>,
      %swap3A_450 = vector.shape_cast %swap3A_449 : vector<1x16xf32> to vector<16xf32>
      %swap3A_451 = vector.shape_cast %mul3A_445 : vector<16xf32> to vector<1x16xf32>
      tpu.vector_store %arg14[%swap3A_447, %swap3A_448], %swap3A_451 {strides = array<i32>} : memref<2x64xf32, #tpu.memory_space<vmem>>, vector<1x16xf32>,
      %mul3A_452 = arith.constant 5.000000e-02 : f32
      %mul3A_453 = vector.broadcast %mul3A_452 : f32 to vector<16xf32>
      %mul3A_454 = arith.mulf %scan3A_402#4, %mul3A_453 : vector<16xf32>
      %swap3A_455 = arith.constant 1 : i32
      %swap3A_456 = arith.index_cast %swap3A_455 : i32 to index
      %swap3A_457 = arith.constant 0 : index
      %swap3A_458 = tpu.vector_load %arg14[%swap3A_456, %swap3A_457] {strides = array<i32>} : memref<2x64xf32, #tpu.memory_space<vmem>>, vector<1x16xf32>,
      %swap3A_459 = vector.shape_cast %swap3A_458 : vector<1x16xf32> to vector<16xf32>
      %swap3A_460 = vector.shape_cast %mul3A_454 : vector<16xf32> to vector<1x16xf32>
      tpu.vector_store %arg14[%swap3A_456, %swap3A_457], %swap3A_460 {strides = array<i32>} : memref<2x64xf32, #tpu.memory_space<vmem>>, vector<1x16xf32>,
      %mul3A_461 = arith.constant 5.000000e-02 : f32
      %mul3A_462 = vector.broadcast %mul3A_461 : f32 to vector<16xf32>
      %mul3A_463 = arith.mulf %scan3A_402#5, %mul3A_462 : vector<16xf32>
      %swap3A_464 = arith.constant 1 : i32
      %swap3A_465 = arith.index_cast %swap3A_464 : i32 to index
      %swap3A_466 = arith.constant 16 : index
      %swap3A_467 = tpu.vector_load %arg14[%swap3A_465, %swap3A_466] {strides = array<i32>} : memref<2x64xf32, #tpu.memory_space<vmem>>, vector<1x16xf32>,
      %swap3A_468 = vector.shape_cast %swap3A_467 : vector<1x16xf32> to vector<16xf32>
      %swap3A_469 = vector.shape_cast %mul3A_463 : vector<16xf32> to vector<1x16xf32>
      tpu.vector_store %arg14[%swap3A_465, %swap3A_466], %swap3A_469 {strides = array<i32>} : memref<2x64xf32, #tpu.memory_space<vmem>>, vector<1x16xf32>,
      %mul3A_470 = arith.constant 5.000000e-02 : f32
      %mul3A_471 = vector.broadcast %mul3A_470 : f32 to vector<16xf32>
      %mul3A_472 = arith.mulf %scan3A_402#6, %mul3A_471 : vector<16xf32>
      %swap3A_473 = arith.constant 1 : i32
      %swap3A_474 = arith.index_cast %swap3A_473 : i32 to index
      %swap3A_475 = arith.constant 32 : index
      %swap3A_476 = tpu.vector_load %arg14[%swap3A_474, %swap3A_475] {strides = array<i32>} : memref<2x64xf32, #tpu.memory_space<vmem>>, vector<1x16xf32>,
      %swap3A_477 = vector.shape_cast %swap3A_476 : vector<1x16xf32> to vector<16xf32>
      %swap3A_478 = vector.shape_cast %mul3A_472 : vector<16xf32> to vector<1x16xf32>
      tpu.vector_store %arg14[%swap3A_474, %swap3A_475], %swap3A_478 {strides = array<i32>} : memref<2x64xf32, #tpu.memory_space<vmem>>, vector<1x16xf32>,
      %mul3A_479 = arith.constant 5.000000e-02 : f32
      %mul3A_480 = vector.broadcast %mul3A_479 : f32 to vector<16xf32>
      %mul3A_481 = arith.mulf %scan3A_402#7, %mul3A_480 : vector<16xf32>
      %swap3A_482 = arith.constant 1 : i32
      %swap3A_483 = arith.index_cast %swap3A_482 : i32 to index
      %swap3A_484 = arith.constant 48 : index
      %swap3A_485 = tpu.vector_load %arg14[%swap3A_483, %swap3A_484] {strides = array<i32>} : memref<2x64xf32, #tpu.memory_space<vmem>>, vector<1x16xf32>,
      %swap3A_486 = vector.shape_cast %swap3A_485 : vector<1x16xf32> to vector<16xf32>
      %swap3A_487 = vector.shape_cast %mul3A_481 : vector<16xf32> to vector<1x16xf32>
      tpu.vector_store %arg14[%swap3A_483, %swap3A_484], %swap3A_487 {strides = array<i32>} : memref<2x64xf32, #tpu.memory_space<vmem>>, vector<1x16xf32>,
      %mul3A_488 = arith.constant 2 : i32
      %mul3A_489 = arith.muli %add3A_391, %mul3A_488 : i32
      %add3A_490 = arith.addi %mul3A_2, %mul3A_489 : i32
      %lt3A_491 = arith.constant 1024 : i32
      %lt3A_492 = arith.cmpi slt, %add3A_490, %lt3A_491 : i32
      %convert_element_type3A_493 = arith.extui %lt3A_492 : i1 to i32
      %cond3A_494 = arith.constant 0 : i32
      %cond3A_495 = arith.cmpi ne, %convert_element_type3A_493, %cond3A_494 : i32
      scf.if %cond3A_495 {
        %dma_start3A_501 = arith.constant 0 : i32
        %dma_start3A_502 = tpu.memref_slice %arg4[%add3A_490, %dma_start3A_501] : memref<1024x64xf32, #tpu.memory_space<hbm>> -> memref<2x64xf32, #tpu.memory_space<hbm>>
        %dma_start3A_503 = arith.constant 0 : i32
        %dma_start3A_504 = tpu.memref_slice %arg4[%add3A_490, %dma_start3A_503] : memref<1024x64xf32, #tpu.memory_space<hbm>> -> memref<2x64xf32, #tpu.memory_space<hbm>>
        tpu.enqueue_dma source(%arg14 : memref<2x64xf32, #tpu.memory_space<vmem>>) target(%dma_start3A_504 : memref<2x64xf32, #tpu.memory_space<hbm>>) target_semaphore(%arg22 : memref<!tpu.dma_semaphore, #tpu.memory_space<semaphore_mem>>)
      } else {
      }
      %ge3A_496 = arith.constant 1024 : i32
      %ge3A_497 = arith.cmpi sge, %add3A_490, %ge3A_496 : i32
      %convert_element_type3A_498 = arith.extui %ge3A_497 : i1 to i32
      %cond3A_499 = arith.constant 0 : i32
      %cond3A_500 = arith.cmpi ne, %convert_element_type3A_498, %cond3A_499 : i32
      scf.if %cond3A_500 {
        %sub3A = arith.constant 1024 : i32
        %sub3A_501 = arith.subi %add3A_490, %sub3A : i32
        %dma_start3A_502 = arith.constant 0 : i32
        %dma_start3A_503 = tpu.memref_slice %arg5[%sub3A_501, %dma_start3A_502] : memref<20480x64xf32, #tpu.memory_space<hbm>> -> memref<2x64xf32, #tpu.memory_space<hbm>>
        %dma_start3A_504 = arith.constant 0 : i32
        %dma_start3A_505 = tpu.memref_slice %arg5[%sub3A_501, %dma_start3A_504] : memref<20480x64xf32, #tpu.memory_space<hbm>> -> memref<2x64xf32, #tpu.memory_space<hbm>>
        tpu.enqueue_dma source(%arg14 : memref<2x64xf32, #tpu.memory_space<vmem>>) target(%dma_start3A_505 : memref<2x64xf32, #tpu.memory_space<hbm>>) target_semaphore(%arg22 : memref<!tpu.dma_semaphore, #tpu.memory_space<semaphore_mem>>)
      } else {
      }
    }
    %scan3A_29 = arith.constant 84 : i32
    %dma_wait3A = arith.constant 0 : i32
    %dma_wait3A_30 = arith.constant 0 : i32
    %dma_wait3A_31 = tpu.memref_slice %arg4[%dma_wait3A, %dma_wait3A_30] : memref<1024x64xf32, #tpu.memory_space<hbm>> -> memref<2x64xf32, #tpu.memory_space<hbm>>
    %dma_wait3A_32 = arith.constant 0 : i32
    %dma_wait3A_33 = arith.constant 0 : i32
    %dma_wait3A_34 = tpu.memref_slice %arg4[%dma_wait3A_32, %dma_wait3A_33] : memref<1024x64xf32, #tpu.memory_space<hbm>> -> memref<2x64xf32, #tpu.memory_space<hbm>>
    tpu.wait_dma2 semaphore(%arg19 : memref<!tpu.dma_semaphore, #tpu.memory_space<semaphore_mem>>) src(%arg11 : memref<2x64xf32, #tpu.memory_space<vmem>>) dst(%dma_wait3A_34 : memref<2x64xf32, #tpu.memory_space<hbm>>)
    %dma_wait3A_35 = arith.constant 0 : i32
    %dma_wait3A_36 = arith.constant 0 : i32
    %dma_wait3A_37 = tpu.memref_slice %arg4[%dma_wait3A_35, %dma_wait3A_36] : memref<1024x64xf32, #tpu.memory_space<hbm>> -> memref<2x64xf32, #tpu.memory_space<hbm>>
    %dma_wait3A_38 = arith.constant 0 : i32
    %dma_wait3A_39 = arith.constant 0 : i32
    %dma_wait3A_40 = tpu.memref_slice %arg4[%dma_wait3A_38, %dma_wait3A_39] : memref<1024x64xf32, #tpu.memory_space<hbm>> -> memref<2x64xf32, #tpu.memory_space<hbm>>
    tpu.wait_dma2 semaphore(%arg20 : memref<!tpu.dma_semaphore, #tpu.memory_space<semaphore_mem>>) src(%arg12 : memref<2x64xf32, #tpu.memory_space<vmem>>) dst(%dma_wait3A_40 : memref<2x64xf32, #tpu.memory_space<hbm>>)
    %dma_wait3A_41 = arith.constant 0 : i32
    %dma_wait3A_42 = arith.constant 0 : i32
    %dma_wait3A_43 = tpu.memref_slice %arg4[%dma_wait3A_41, %dma_wait3A_42] : memref<1024x64xf32, #tpu.memory_space<hbm>> -> memref<2x64xf32, #tpu.memory_space<hbm>>
    %dma_wait3A_44 = arith.constant 0 : i32
    %dma_wait3A_45 = arith.constant 0 : i32
    %dma_wait3A_46 = tpu.memref_slice %arg4[%dma_wait3A_44, %dma_wait3A_45] : memref<1024x64xf32, #tpu.memory_space<hbm>> -> memref<2x64xf32, #tpu.memory_space<hbm>>
    tpu.wait_dma2 semaphore(%arg21 : memref<!tpu.dma_semaphore, #tpu.memory_space<semaphore_mem>>) src(%arg13 : memref<2x64xf32, #tpu.memory_space<vmem>>) dst(%dma_wait3A_46 : memref<2x64xf32, #tpu.memory_space<hbm>>)
    %dma_wait3A_47 = arith.constant 0 : i32
    %dma_wait3A_48 = arith.constant 0 : i32
    %dma_wait3A_49 = tpu.memref_slice %arg4[%dma_wait3A_47, %dma_wait3A_48] : memref<1024x64xf32, #tpu.memory_space<hbm>> -> memref<2x64xf32, #tpu.memory_space<hbm>>
    %dma_wait3A_50 = arith.constant 0 : i32
    %dma_wait3A_51 = arith.constant 0 : i32
    %dma_wait3A_52 = tpu.memref_slice %arg4[%dma_wait3A_50, %dma_wait3A_51] : memref<1024x64xf32, #tpu.memory_space<hbm>> -> memref<2x64xf32, #tpu.memory_space<hbm>>
    tpu.wait_dma2 semaphore(%arg22 : memref<!tpu.dma_semaphore, #tpu.memory_space<semaphore_mem>>) src(%arg14 : memref<2x64xf32, #tpu.memory_space<vmem>>) dst(%dma_wait3A_52 : memref<2x64xf32, #tpu.memory_space<hbm>>)
    return
  }
}

</mosaic_0001>

<sc_bundles>
// kernel: kernel.3.cloned.1.call-start
scs
__scs_entry_jumppad:
0x0: {  	(pc) =	sbr.rel $0x88, $3  }
0x1: {  	(tag) =	ssettag $0x0;
	lr =	simm.s32 $0x1  }
0x2: {  	[smem:$0x3F9D] =	sst lr;
	_ =	strace $0xD0000000  }
0x3: {  	_ = 	snop  }
0x4: {  	_ = 	snop  }
0x5: {  	_ = 	snop  }
0x6: {  	_ = 	snop  }
0x7: {  	_ = 	snop  }
__scs_overlays_trampoline_lowered:
0x8: {  	[smem:$0x3FAC] =	sst s0  }
0x9: {  	[smem:$0x3FAD] =	sst s1  }
0xa: {  	[smem:$0x3FAE] =	sst s2  }
0xb: {  	[smem:$0x3FAF] =	sst s3  }
0xc: {  	[smem:$0x3FB0] =	sst s4  }
0xd: {  	[smem:$0x3FB1] =	sst s5  }
0xe: {  	[smem:$0x3FB2] =	sst s6  }
0xf: {  	[smem:$0x3FB3] =	sst s7  }
0x10: {  	[smem:$0x3FB4] =	sst s8  }
0x11: {  	[smem:$0x3FB5] =	sst s9;
	s0 =	simm.s32 @!p0 $0x0  }
0x12: {  	s1 =	sld [smem:$0x3F9B];
	s0 =	simm.s32 @p0 $0x1  }
0x13: {  	[smem:$0x3FB6] =	sst s0;
	s0 =	simm.s32 @!p1 $0x0  }
0x14: {  	s2 =	sld [smem:$0x3F9A];
	s0 =	simm.s32 @p1 $0x1  }
0x15: {  	[smem:$0x3FB7] =	sst s0;
	s0 =	simm.s32 @!p2 $0x0  }
0x16: {  	s3 =	sld [smem:$0x3FDB];
	s0 =	simm.s32 @p2 $0x1  }
0x17: {  	s4 =	simm.s32 $0x1BF5;
	[smem:$0x3FB9] =	sst s0  }
0x18: {  	s0 =	sld [smem:$0x3F9C];
	_ =	swait.ge [sflag:s4], $0x0  }
0x19: {  	s7 =	sld [smem:$0x3F9D]  }
0x1a: {  	s8 =	sadd.s32 $0xFFFFE003, lr  }
0x1b: {  	s9 =	sadd.s32 $0xFFFFFEF7, lr;
	s5 =	simm.s32 $0xFFFFFFFF;
	p2 =	slt.u32 s8, $0xFFFFF086  }
0x1c: {  	p1 =	slt.u32 s9, $0xF7A;
	s5 =	simm.s32 @!p2 $0x0  }
0x1d: {  	s5 =	simm.s32 @p1 $0x1;
	p0 =	seq.s32 s7, s2  }
0x1e: {  	s7 =	smul.u32 @!p0 $0xF7A, s2;
	p2 =	seq.s32 @!p0 s5, $0x0  }
0x1f: {  	s9 =	smul.u32 $0xF7A, s1;
	s8 =	simm.s32 @!p0 $0x1BF5;
	p2 =	por !p2, p0  }
0x20: {  	[sflag:s8] =	ssyncset.s32 @!p0 $0xFFFFF086;
	s6 =	sadd.s32 @!p0 s3, s7;
	s7 =	simm.s32 @!p0 $0x108  }
0x21: {  	s3 =	sadd.s32 s3, s9;
	s6 =	sadd.s32 @!p0 $0x88, s6;
	s7 =	simm.s32 @p2 $0x1082  }
0x22: {  	[simem:s7], [sflag:s8] =	dma.local @!p0 [hbm:s6], $0xF7A  }
0x23: {  	s9 =	sor.u32 $0xD0000000, s2;
	s6 =	simm.s32 $0x108;
	_ =	swait.ge @!p0 [sflag:s8], $0x0  }
0x24: {  	s3 =	sadd.s32 $0x88, s3;
	s6 =	simm.s32 @!p1 $0x1082;
	[sflag:s4] =	ssyncset.s32 $0xFFFFF086  }
0x25: {  	[simem:s6], [sflag:s4] =	dma.local [hbm:s3], $0xF7A  }
0x26: {  	[smem:$0x3F9D] =	sst s1;
	(tag) =	ssettag s2;
	_ =	strace s9  }
0x27: {  	s1 =	sld [smem:$0x3FAD]  }
0x28: {  	s2 =	sld [smem:$0x3FAE]  }
0x29: {  	s4 =	sld [smem:$0x3FB0]  }
0x2a: {  	p0 =	seq.s32 s5, $0x0;
	s5 =	sld [smem:$0x3FB1]  }
0x2b: {  	s6 =	sld [smem:$0x3FB2]  }
0x2c: {  	s7 =	sld [smem:$0x3FB3]  }
0x2d: {  	s3 =	simm.s32 $0x108;
	s8 =	sld [smem:$0x3FB4]  }
0x2e: {  	s3 =	simm.s32 @!p0 $0x1082;
	s9 =	sld [smem:$0x3FB5]  }
0x2f: {  	lr =	sadd.s32 s0, s3;
	s0 =	sld [smem:$0x3FAC]  }
0x30: {  	s3 =	sld [smem:$0x3FAF]  }
0x31: {  	[smem:$0x3FB8] =	sst s10  }
0x32: {  	s10 =	sld [smem:$0x3FB6];
	_ =	sdelay $0x3  }
0x33: {  	p0 =	seq.s32 s10, $0x1;
	s10 =	sld [smem:$0x3FB8];
	_ =	sdelay $0x3  }
0x34: {  	[smem:$0x3FB8] =	sst s10  }
0x35: {  	s10 =	sld [smem:$0x3FB7];
	_ =	sdelay $0x3  }
0x36: {  	p1 =	seq.s32 s10, $0x1;
	s10 =	sld [smem:$0x3FB8];
	_ =	sdelay $0x3  }
0x37: {  	[smem:$0x3FB8] =	sst s10  }
0x38: {  	s10 =	sld [smem:$0x3FB9]  }
0x39: {  	_ = 	snop;
	(pc) =	sbr.ind lr, $3  }
0x3a: {  	_ = 	snop  }
0x3b: {  	_ = 	snop  }
0x3c: {  	p2 =	seq.s32 s10, $0x1;
	s10 =	sld [smem:$0x3FB8]  }
0x3d: {  	_ =	shalt  }
0x3e: {  	_ =	shalt  }
0x3f: {  	_ =	shalt  }
0x40: {  	_ =	shalt  }
0x41: {  	_ =	shalt  }
0x42: {  	_ =	shalt  }
0x43: {  	_ =	shalt  }
0x44: {  	_ =	shalt  }
0x45: {  	_ =	shalt  }
0x46: {  	_ =	shalt  }
0x47: {  	_ =	shalt  }
0x48: {  	_ =	shalt  }
0x49: {  	_ =	shalt  }
0x4a: {  	_ =	shalt  }
0x4b: {  	_ =	shalt  }
0x4c: {  	_ =	shalt  }
0x4d: {  	_ =	shalt  }
0x4e: {  	_ =	shalt  }
0x4f: {  	_ =	shalt  }
0x50: {  	_ =	shalt  }
0x51: {  	_ =	shalt  }
0x52: {  	_ =	shalt  }
0x53: {  	_ =	shalt  }
0x54: {  	_ =	shalt  }
0x55: {  	_ =	shalt  }
0x56: {  	_ =	shalt  }
0x57: {  	_ =	shalt  }
0x58: {  	_ =	shalt  }
0x59: {  	_ =	shalt  }
0x5a: {  	_ =	shalt  }
0x5b: {  	_ =	shalt  }
0x5c: {  	_ =	shalt  }
0x5d: {  	_ =	shalt  }
0x5e: {  	_ =	shalt  }
0x5f: {  	_ =	shalt  }
0x60: {  	_ =	shalt  }
0x61: {  	_ =	shalt  }
0x62: {  	_ =	shalt  }
0x63: {  	_ =	shalt  }
0x64: {  	_ =	shalt  }
0x65: {  	_ =	shalt  }
0x66: {  	_ =	shalt  }
0x67: {  	_ =	shalt  }
0x68: {  	_ =	shalt  }
0x69: {  	_ =	shalt  }
0x6a: {  	_ =	shalt  }
0x6b: {  	_ =	shalt  }
0x6c: {  	_ =	shalt  }
0x6d: {  	_ =	shalt  }
0x6e: {  	_ =	shalt  }
0x6f: {  	_ =	shalt  }
0x70: {  	_ =	shalt  }
0x71: {  	_ =	shalt  }
0x72: {  	_ =	shalt  }
0x73: {  	_ =	shalt  }
0x74: {  	_ =	shalt  }
0x75: {  	_ =	shalt  }
0x76: {  	_ =	shalt  }
0x77: {  	_ =	shalt  }
0x78: {  	_ =	shalt  }
0x79: {  	_ =	shalt  }
0x7a: {  	_ =	shalt  }
0x7b: {  	_ =	shalt  }
0x7c: {  	_ =	shalt  }
0x7d: {  	_ =	shalt  }
0x7e: {  	_ =	shalt  }
0x7f: {  	_ =	shalt  }
0x80: {  	_ =	shalt  }
0x81: {  	_ =	shalt  }
0x82: {  	_ =	shalt  }
0x83: {  	_ =	shalt  }
0x84: {  	_ =	shalt  }
0x85: {  	_ =	shalt  }
0x86: {  	_ =	shalt  }
0x87: {  	_ =	shalt  }
.Lfunc_end0:
.L_simem_size_0:
called_computation_lowered:
.L_overlay_start_0:
0x88: {  	s2 =	sld [smem:$0x3FD9]  }
0x89: {  	s3 =	sld [smem:$0x3FFE];
	_ =	sdelay $0x1  }
0x8a: {  	s1 =	srdreg.scid  }
0x8b: {  	s0 =	sand.u32 $0x1, s1  }
0x8c: {  	s14 =	sshll.u32 s0, $0xA;
	s2 =	sadd.s32 s3, s2  }
0x8d: {  	s2 =	sadd.s32 s2, s14  }
0x8e: {  	[smem:$0x3FC4] =	sst s2  }
0x8f: {  	_ = 	snop  }
0x90: {  	s2 =	sld [smem:$0x3FD0];
	_ =	sdelay $0x2  }
0x91: {  	s15 =	simm.s32 $0xA;
	s4 =	simm.s32 $0x10  }
0x92: {  	[smem:s4], [sflag:s15] =	dma.local [hbm:s2], $0x1  }
0x93: {  	_ =	swait.eq [sflag:s15], $0x1  }
0x94: {  	[sflag:s15] =	ssyncset.done $0x0  }
0x95: {  	s16 =	sld [smem:$0x10];
	[sflag:s15] =	ssyncadd.s32 $0xFFFFFFFF  }
0x96: {  	s17 =	sld [smem:$0x11];
	(tm) =	ssettm $0x1  }
0x97: {  	s18 =	sld [smem:$0x3FFB];
	_ =	sdelay $0x3  }
0x98: {  	_ =	strace s18  }
0x99: {  	s4 =	sld [smem:$0x3FFC];
	_ =	sdelay $0x3  }
0x9a: {  	_ =	strace s4  }
0x9b: {  	s4 =	sld [smem:$0x3FFD];
	_ =	sdelay $0x3  }
0x9c: {  	_ =	strace s4  }
0x9d: {  	_ =	strace $0x8FFFFFFF  }
0x9e: {  	s19 =	sld [smem:$0x3FDB];
	_ =	sdelay $0x1  }
0x9f: {  	s5 =	simm.s32 $_scs_section_size  }
0xa0: {  	s6 =	simm.s32 $_size__tile_overlayer_lowered;
	s7 =	simm.s32 $_tile_overlayer_lowered  }
0xa1: {  	s22 =	simm.s32 $0x1BFF;
	s21 =	sshll.u32 s7, $0x1;
	s4 =	sadd.s32 s5, s19  }
0xa2: {  	s8 =	simm.s32 $0x0;
	s20 =	sshll.u32 s6, $0x1;
	s6 =	sadd.s32 s21, s4  }
0xa3: {  	[timem:s8], [sflag:s22] =	dma.local [hbm:s6], s20  }
0xa4: {  	_ =	swait.ge [sflag:s22], s20  }
0xa5: {  	s5 =	ssub.s32 $0x0, s20;
	[sflag:s22] =	ssyncset.done $0x0  }
0xa6: {  	[sflag:s22] =	ssyncadd.s32 s5;
	_ =	sdelay $0x1  }
0xa7: {  	s23 =	simm.s32 $0x1B8B  }
0xa8: {  	_ =	swait.ge [sflag:s23], $0x1  }
0xa9: {  	[sflag:s23] =	ssyncset.done $0x0  }
0xaa: {  	s25 =	simm.s32 $0x1B8E;
	s24 =	sld [smem:$0x3FFE];
	[sflag:s23] =	ssyncadd.s32 $0xFFFFFFFF  }
0xab: {  	s26 =	simm.s32 $execute0_lowered;
	[smem:$0x3FD2] =	sst s25  }
0xac: {  	s6 =	sshll.u32 s26, $0x1;
	_ =	strace $0x80000046;
	[dreg:$0x1] =	wrdreg $0xFFFFFFFF  }
0xad: {  	s28 =	simm.s32 $_size_execute0_lowered;
	s4 =	sadd.s32 s4, s6;
	[dreg:$0x0] =	wrdreg $0x0  }
0xae: {  	s6 =	sshll.u32 s28, $0x1;
	[dreg:$0x2] =	wrdreg s4  }
0xaf: {  	[dreg:$0x3] =	wrdreg s6  }
0xb0: {  	[dreg:$0x4] =	wrdreg $0xC0  }
0xb1: {  	_ =	task [dreg:s8], $0x5FFFF  }
0xb2: {  	[dreg:$0x1] =	wrdreg $0xFFFFFFFF  }
0xb3: {  	[dreg:$0x0] =	wrdreg $0x60  }
0xb4: {  	[dreg:$0x2] =	wrdreg s24  }
0xb5: {  	[dreg:$0x3] =	wrdreg s16  }
0xb6: {  	[dreg:$0x4] =	wrdreg s17  }
0xb7: {  	[dreg:$0x5] =	wrdreg $0x9  }
0xb8: {  	_ =	task.clear_ibuf [dreg:s8], $0x6FFFF;
	_ =	strace $0x90000046  }
0xb9: {  	s29 =	simm.s32 $0x9;
	_ =	strace $0x80000048  }
0xba: {  	_ =	swait.ge [sflag:s29], $0x1  }
0xbb: {  	[sflag:s29] =	ssyncadd.s32 $0xFFFFFFFF  }
0xbc: {  	_ =	strace $0x90000048  }
0xbd: {  	_ =	sfence  }
0xbe: {  	s30 =	sld [smem:$0x0];
	_ =	sdelay $0x2  }
0xbf: {  	s31 =	sshll.u32 s1, $0xD;
	s1 =	sshrl.u32 s1, $0x2  }
0xc0: {  	s3 =	sand.u32 $0x4000, s31;
	s1 =	sadd.s32 s1, s30  }
0xc1: {  	s0 =	sor.u32 s3, s0;
	s1 =	sshll.u32 s1, $0x11  }
0xc2: {  	s0 =	sor.u32 s1, s0  }
0xc3: {  	s0 =	sadd.s32 $0x8F2B, s0  }
0xc4: {  	[sflag:s0] =	ssyncadd.remote.s32 $0x1  }
0xc5: {  	_ =	sfence.sel $0xFFFF  }
0xc6: {  	[dreg:$0x0] =	wrdreg $0xFFFFFFFF;
	(pc) =	sbr.abs _section_cstart, $3  }
0xc7: {  	[dreg:$0x1] =	wrdreg $0xFFFFFFFF  }
0xc8: {  	_ =	task.clear_ibuf [dreg:s8], $0x2FFFF;
	_ =	strace $0x9FFFFFFF  }
0xc9: {  	(tm) =	ssettm $0x7FFFFFFF  }
tec
execute0_lowered:
.L_overlay_start_1:
0x0: {  	(tag) =	ssettag $0x1  }
0x1: {  	s0 =	rddreg [dreg:$0x0]  }
0x2: {  	s2 =	rddreg [dreg:$0x1];
	s1 =	srdreg.scid  }
0x3: {  	s4 =	stileid.u32;
	s3 =	rddreg [dreg:$0x2]  }
0x4: {  	s9 =	simm.s32 $0x9;
	s10 =	simm.s32 $0x78;
	s14 =	simm.s32 $0xD980  }
0x5: {  	s15 =	simm.s32 $0x168;
	s16 =	simm.s32 $0xF780;
	s17 =	simm.s32 $0x1  }
0x6: {  	s18 =	simm.s32 $0x11580;
	s19 =	simm.s32 $0x2;
	s20 =	simm.s32 $0x11600  }
0x7: {  	s21 =	simm.s32 $0x3;
	s22 =	simm.s32 $0x11680;
	s23 =	simm.s32 $0x4  }
0x8: {  	s24 =	simm.s32 $0x11700;
	s25 =	simm.s32 $0x5;
	s26 =	simm.s32 $0x6  }
0x9: {  	s28 =	simm.s32 $0x7;
	s1 =	sand.u32 $0x1, s1;
	s5 =	sshll.u32 s4, $0x1  }
0xa: {  	s29 =	simm.s32 $0x8;
	s4 =	simm.s32 $0x0;
	s6 =	sor.u32 s1, s5  }
0xb: {  	[smem:$0x7FF] =	sst s4;
	s1 =	ssub.s32 $0x2, s1;
	s5 =	smul.u32 $0x13B0, s6  }
0xc: {  	s30 =	simm.s32 $0x0;
	_ =	strace $0x80000047;
	s7 =	sshrl.u32 s1, $0x1  }
0xd: {  	s6 =	smul.u32 $0x2A0, s6;
	s31 =	ssub.s32 s1, s7;
	s8 =	sadd.s32 s5, s0  }
0xe: {  	s5 =	sadd.s32 $0x187400, s0;
	s7 =	sadd.s32 $0xA00, s8;
	s8 =	smax.u32 s31, $0x1  }
.LBB2_1:
0xf: {  	[tilespmem:s4], [sflag:$0x9] =	stream.linear.gather [hbm4b:s7+s4], $0x9D80, $0x38;
	[tilespmem:$0x11780] =	vst v63  }
0x10: {  	_ =	swait.ge [sflag:s9], $0x9D80  }
0x11: {  	[sflag:s9] =	ssyncset.done $0x0  }
0x12: {  	s0 =	simm.s32 $0x9D80;
	[sflag:s9] =	ssyncadd.s32 $0xFFFF6280  }
0x13: {  	[tilespmem:s0], [sflag:$0x1] =	stream.indirect.gather [hbm4b:s5+s10], $0x40, s4, s10, $0xb8;
	[tilespmem:$0x11780] =	vst v63  }
0x14: {  	s12 =	simm.s32 $0xBB80  }
0x15: {  	[tilespmem:s12], [sflag:$0x2] =	stream.indirect.gather [hbm4b:s5+s10], $0x40, s10, s10, $0xb8;
	[tilespmem:$0x11780] =	vst v63  }
0x16: {  	s13 =	simm.s32 $0xF0  }
0x17: {  	[tilespmem:s14], [sflag:$0x3] =	stream.indirect.gather [hbm4b:s5+s10], $0x40, s13, s10, $0xb8;
	[tilespmem:$0x11780] =	vst v63  }
0x18: {  	s31 =	simm.s32 $0x0  }
0x19: {  	[tilespmem:s16], [sflag:$0x4] =	stream.indirect.gather [hbm4b:s5+s10], $0x40, s15, s10, $0xb8;
	[tilespmem:$0x11780] =	vst v63  }
.LBB2_2:
0x1a: {  	_ =	swait.ge [sflag:s17], $0x1E00  }
0x1b: {  	[sflag:s17] =	ssyncset.done $0x0  }
0x1c: {  	s0 =	simm.s32 $0x1E0;
	[sflag:s17] =	ssyncadd.s32 $0xFFFFE200  }
0x1d: {  	v12 =	vld [tilespmem:s0+$0x9F20]  }
0x1e: {  	v13 =	vld [tilespmem:s0+$0x9F30]  }
0x1f: {  	v14 =	vld [tilespmem:s0+$0x9F40]  }
0x20: {  	v15 =	vld [tilespmem:s0+$0x9F50]  }
0x21: {  	v0 =	vld [tilespmem:s0+$0xAE20]  }
0x22: {  	v59 =	vld [tilespmem:s0+$0xAE30]  }
0x23: {  	v19 =	vld [tilespmem:s0+$0x9EE0]  }
0x24: {  	v21 =	vld [tilespmem:s0+$0x9EF0]  }
0x25: {  	v18 =	vld [tilespmem:s0+$0x9F00]  }
0x26: {  	v20 =	vld [tilespmem:s0+$0x9F10]  }
0x27: {  	v60 =	vld [tilespmem:s0+$0xADE0]  }
0x28: {  	v61 =	vld [tilespmem:s0+$0xADF0]  }
0x29: {  	v3 =	vld [tilespmem:s0+$0x9EA0]  }
0x2a: {  	v30 =	vld [tilespmem:s0+$0x9EB0]  }
0x2b: {  	v1 =	vld [tilespmem:s0+$0x9EC0]  }
0x2c: {  	v2 =	vld [tilespmem:s0+$0x9ED0]  }
0x2d: {  	v62 =	vld [tilespmem:s0+$0xADA0]  }
0x2e: {  	v63 =	vld [tilespmem:s0+$0xADB0]  }
0x2f: {  	v27 =	vld [tilespmem:s0+$0x9E60]  }
0x30: {  	v28 =	vld [tilespmem:s0+$0x9E70]  }
0x31: {  	v29 =	vld [tilespmem:s0+$0x9E80]  }
0x32: {  	v34 =	vld [tilespmem:s0+$0x9E90]  }
0x33: {  	v4 =	vld [tilespmem:s0+$0xAD60]  }
0x34: {  	v5 =	vld [tilespmem:s0+$0xAD70]  }
0x35: {  	v35 =	vld [tilespmem:s0+$0x9E20]  }
0x36: {  	v36 =	vld [tilespmem:s0+$0x9E30]  }
0x37: {  	v37 =	vld [tilespmem:s0+$0x9E40]  }
0x38: {  	v40 =	vld [tilespmem:s0+$0x9E50]  }
0x39: {  	v6 =	vld [tilespmem:s0+$0xAD20]  }
0x3a: {  	v9 =	vld [tilespmem:s0+$0xAD30]  }
0x3b: {  	v41 =	vld [tilespmem:s0+$0x9DE0]  }
0x3c: {  	v42 =	vld [tilespmem:s0+$0x9DF0]  }
0x3d: {  	v43 =	vld [tilespmem:s0+$0x9E00]  }
0x3e: {  	v45 =	vld [tilespmem:s0+$0x9E10]  }
0x3f: {  	v10 =	vld [tilespmem:s0+$0xACE0]  }
0x40: {  	v11 =	vld [tilespmem:s0+$0xACF0]  }
0x41: {  	v44 =	vld [tilespmem:s0+$0x9DA0]  }
0x42: {  	v46 =	vld [tilespmem:s0+$0x9DB0]  }
0x43: {  	v47 =	vld [tilespmem:s0+$0x9DC0]  }
0x44: {  	v48 =	vld [tilespmem:s0+$0x9DD0]  }
0x45: {  	v16 =	vld [tilespmem:s0+$0xACA0]  }
0x46: {  	v17 =	vld [tilespmem:s0+$0xACB0]  }
0x47: {  	v38 =	vld [tilespmem:s0+$0x9D60]  }
0x48: {  	v39 =	vld [tilespmem:s0+$0x9D70]  }
0x49: {  	v49 =	vld [tilespmem:s0+$0x9D80]  }
0x4a: {  	v32 =	vld [tilespmem:s0+$0x9D20]  }
0x4b: {  	v33 =	vld [tilespmem:s0+$0x9D30]  }
0x4c: {  	v26 =	vld [tilespmem:s0+$0x9CE0]  }
0x4d: {  	v31 =	vld [tilespmem:s0+$0x9CF0]  }
0x4e: {  	v50 =	vld [tilespmem:s0+$0x9CA0]  }
0x4f: {  	v51 =	vld [tilespmem:s0+$0x9CB0]  }
0x50: {  	v52 =	vld [tilespmem:s0+$0x9C60]  }
0x51: {  	v53 =	vld [tilespmem:s0+$0x9C70]  }
0x52: {  	v54 =	vld [tilespmem:s0+$0x9C20]  }
0x53: {  	v55 =	vld [tilespmem:s0+$0x9C30]  }
0x54: {  	v56 =	vld [tilespmem:s0+$0x9BE0]  }
0x55: {  	v57 =	vld [tilespmem:s0+$0x9BF0]  }
0x56: {  	v58 =	vld [tilespmem:s0+$0x9BA0]  }
0x57: {  	v24 =	vld [tilespmem:s0+$0x9C40]  }
0x58: {  	[tilespmem:$0x1FF80] =	vst v59;
	v59 =	vld [tilespmem:s0+$0x9BB0]  }
0x59: {  	[tilespmem:$0x1FF90] =	vst v60;
	v60 =	vld [tilespmem:s0+$0x9BC0]  }
0x5a: {  	[tilespmem:$0x1FFA0] =	vst v61;
	v61 =	vld [tilespmem:s0+$0x9BD0]  }
0x5b: {  	[tilespmem:$0x1FFB0] =	vst v62;
	v62 =	vld [tilespmem:s0+$0x9C00]  }
0x5c: {  	v22 =	vimm.f32 $0.0e+00;
	[tilespmem:$0x1FFC0] =	vst v63;
	v63 =	vld [tilespmem:s0+$0x9C10]  }
0x5d: {  	v23 =	vld [tilespmem:s0+$0x9C50];
	v58 =	vadd.f32 v58, v22  }
0x5e: {  	v25 =	vld [tilespmem:s0+$0x9C80];
	v59 =	vadd.f32 v59, v22;
	v60 =	vadd.f32 v60, v22  }
0x5f: {  	[tilespmem:$0x1FFD0] =	vst v4;
	v4 =	vld [tilespmem:s0+$0x9CC0];
	v56 =	vadd.f32 v56, v58;
	v61 =	vadd.f32 v61, v22  }
0x60: {  	[tilespmem:$0x1FF70] =	vst v0;
	v58 =	vld [tilespmem:s0+$0x9C90];
	v57 =	vadd.f32 v57, v59;
	v7 =	vadd.f32 v62, v60  }
0x61: {  	[tilespmem:$0x1FFE0] =	vst v5;
	v5 =	vld [tilespmem:s0+$0x9CD0];
	v54 =	vadd.f32 v54, v56;
	v0 =	vadd.f32 v63, v61  }
0x62: {  	[tilespmem:$0x1FFF0] =	vst v6;
	v6 =	vld [tilespmem:s0+$0x9D00];
	v55 =	vadd.f32 v55, v57;
	v24 =	vadd.f32 v24, v7  }
0x63: {  	v52 =	vadd.f32 v52, v54;
	v54 =	vld [tilespmem:s0+$0xAB60];
	v23 =	vadd.f32 v23, v0  }
0x64: {  	v7 =	vld [tilespmem:s0+$0x9D10];
	v53 =	vadd.f32 v53, v55;
	v24 =	vadd.f32 v25, v24  }
0x65: {  	v50 =	vadd.f32 v50, v52;
	v23 =	vadd.f32 v58, v23;
	v25 =	vld [tilespmem:s0+$0x9D40]  }
0x66: {  	v59 =	vld [tilespmem:s0+$0x9D50];
	v51 =	vadd.f32 v51, v53;
	v24 =	vadd.f32 v4, v24  }
0x67: {  	v60 =	vld [tilespmem:s0+$0x9D90];
	v50 =	vadd.f32 v26, v50;
	v23 =	vadd.f32 v5, v23  }
0x68: {  	v26 =	vld [tilespmem:s0+$0xAC60];
	v51 =	vadd.f32 v31, v51;
	v24 =	vadd.f32 v6, v24  }
0x69: {  	v55 =	vld [tilespmem:s0+$0xAB70];
	v50 =	vadd.f32 v32, v50;
	v23 =	vadd.f32 v7, v23  }
0x6a: {  	v32 =	vld [tilespmem:s0+$0xAC20];
	v51 =	vadd.f32 v33, v51;
	v24 =	vadd.f32 v25, v24  }
0x6b: {  	v31 =	vld [tilespmem:s0+$0xAC70];
	v23 =	vadd.f32 v59, v23;
	v25 =	vadd.f32 v38, v50  }
0x6c: {  	v33 =	vld [tilespmem:s0+$0xAC30];
	v61 =	vadd.f32 v39, v51;
	v24 =	vadd.f32 v49, v24  }
0x6d: {  	v38 =	vld [tilespmem:s0+$0xABE0];
	v23 =	vadd.f32 v60, v23;
	v25 =	vadd.f32 v44, v25  }
0x6e: {  	v50 =	vld [tilespmem:s0+$0xAB20];
	v46 =	vadd.f32 v46, v61;
	v24 =	vadd.f32 v47, v24  }
0x6f: {  	v39 =	vld [tilespmem:s0+$0xABF0];
	v23 =	vadd.f32 v48, v23;
	v25 =	vadd.f32 v41, v25  }
0x70: {  	v44 =	vld [tilespmem:s0+$0xABA0];
	v62 =	vadd.f32 v42, v46;
	v24 =	vadd.f32 v43, v24  }
0x71: {  	v49 =	vld [tilespmem:s0+$0xABB0];
	v23 =	vadd.f32 v45, v23;
	v25 =	vadd.f32 v35, v25  }
0x72: {  	v51 =	vld [tilespmem:s0+$0xAB30];
	v63 =	vadd.f32 v36, v62;
	v24 =	vadd.f32 v37, v24  }
0x73: {  	v41 =	vld [tilespmem:s0+$0xAAB0];
	v23 =	vadd.f32 v40, v23;
	v25 =	vadd.f32 v27, v25  }
0x74: {  	v45 =	vld [tilespmem:s0+$0xAAE0];
	v28 =	vadd.f32 v28, v63;
	v24 =	vadd.f32 v29, v24  }
0x75: {  	v46 =	vld [tilespmem:s0+$0xAAF0];
	v23 =	vadd.f32 v34, v23;
	v27 =	vadd.f32 v3, v25  }
0x76: {  	v40 =	vld [tilespmem:s0+$0xAAA0];
	v25 =	vimm.f32 $0.0e+00;
	v28 =	vadd.f32 v30, v28;
	v29 =	vadd.f32 v1, v24  }
0x77: {  	s1 =	simm.s32 $0x1680;
	v34 =	vld [tilespmem:s0+$0xAAC0];
	v30 =	vadd.f32 v2, v23;
	v23 =	vimm.f32 $0.0e+00;
	v24 =	vimm.f32 $0.0e+00  }
.LBB2_3:
0x78: {  	v35 =	vld [tilespmem:s0+$0xAAD0]  }
0x79: {  	v36 =	vld [tilespmem:s0+$0xAB00]  }
0x7a: {  	v37 =	vld [tilespmem:s0+$0xAB10]  }
0x7b: {  	v0 =	vld [tilespmem:$0x1FFF0]  }
0x7c: {  	v42 =	vld [tilespmem:$0x1FFE0]  }
0x7d: {  	v43 =	vld [tilespmem:$0x1FFB0]  }
0x7e: {  	v47 =	vld [tilespmem:$0x1FF90]  }
0x7f: {  	v48 =	vld [tilespmem:$0x1FFA0];
	v19 =	vadd.f32 v19, v27  }
0x80: {  	v52 =	vld [tilespmem:$0x1FF80];
	v20 =	vadd.f32 v20, v30  }
0x81: {  	v21 =	vadd.f32 v21, v28;
	v27 =	vadd.f32 v12, v19;
	v12 =	vld [tilespmem:s0+$0xAB40]  }
0x82: {  	v18 =	vadd.f32 v18, v29;
	v30 =	vadd.f32 v15, v20;
	v15 =	vld [tilespmem:s0+$0xAB50]  }
0x83: {  	v20 =	vld [tilespmem:s0+$0xAB80]  }
0x84: {  	v28 =	vadd.f32 v13, v21;
	v29 =	vadd.f32 v14, v18;
	v21 =	vld [tilespmem:s0+$0xAB90]  }
0x85: {  	v13 =	vadd.f32 v40, v22;
	v14 =	vadd.f32 v41, v25;
	v22 =	vld [tilespmem:s0+$0xABC0]  }
0x86: {  	v18 =	vadd.f32 v34, v23;
	v19 =	vadd.f32 v35, v24;
	v23 =	vld [tilespmem:s0+$0xABD0]  }
0x87: {  	v41 =	vld [tilespmem:$0x1FFD0];
	v13 =	vadd.f32 v45, v13;
	v14 =	vadd.f32 v46, v14  }
0x88: {  	v18 =	vadd.f32 v36, v18;
	v19 =	vadd.f32 v37, v19;
	v45 =	vld [tilespmem:s0+$0xAE50]  }
0x89: {  	v13 =	vadd.f32 v50, v13;
	v14 =	vadd.f32 v51, v14;
	v51 =	vld [tilespmem:$0x1FF70]  }
0x8a: {  	v12 =	vadd.f32 v12, v18;
	v18 =	vld [tilespmem:s0+$0xAC00]  }
0x8b: {  	v15 =	vadd.f32 v15, v19;
	v19 =	vld [tilespmem:s0+$0xAC10];
	v13 =	vadd.f32 v54, v13  }
0x8c: {  	v14 =	vadd.f32 v55, v14;
	v12 =	vadd.f32 v20, v12;
	v20 =	vld [tilespmem:s0+$0xAC40]  }
0x8d: {  	v15 =	vadd.f32 v21, v15;
	v21 =	vld [tilespmem:s0+$0xAC50]  }
0x8e: {  	v13 =	vadd.f32 v44, v13;
	v14 =	vadd.f32 v49, v14;
	v44 =	vld [tilespmem:$0x1FFC0]  }
0x8f: {  	v12 =	vadd.f32 v22, v12;
	v15 =	vadd.f32 v23, v15;
	v22 =	vld [tilespmem:s0+$0xAC80]  }
0x90: {  	v23 =	vld [tilespmem:s0+$0xAC90];
	v13 =	vadd.f32 v38, v13;
	v14 =	vadd.f32 v39, v14  }
0x91: {  	v12 =	vadd.f32 v18, v12;
	v15 =	vadd.f32 v19, v15;
	v18 =	vld [tilespmem:s0+$0xACC0]  }
0x92: {  	v19 =	vld [tilespmem:s0+$0xACD0];
	v13 =	vadd.f32 v32, v13;
	v14 =	vadd.f32 v33, v14  }
0x93: {  	v12 =	vadd.f32 v20, v12;
	v15 =	vadd.f32 v21, v15;
	v20 =	vld [tilespmem:s0+$0xAD00]  }
0x94: {  	v21 =	vld [tilespmem:s0+$0xAD10];
	v13 =	vadd.f32 v26, v13;
	v14 =	vadd.f32 v31, v14  }
0x95: {  	v12 =	vadd.f32 v22, v12;
	v15 =	vadd.f32 v23, v15;
	v22 =	vld [tilespmem:s0+$0xAD40]  }
0x96: {  	v13 =	vadd.f32 v16, v13;
	v14 =	vadd.f32 v17, v14;
	v16 =	vld [tilespmem:s0+$0xAD50]  }
0x97: {  	v17 =	vld [tilespmem:s0+$0xAD80];
	v12 =	vadd.f32 v18, v12;
	v15 =	vadd.f32 v19, v15  }
0x98: {  	v10 =	vadd.f32 v10, v13;
	v11 =	vadd.f32 v11, v14;
	v13 =	vld [tilespmem:s0+$0xAD90]  }
0x99: {  	v12 =	vadd.f32 v20, v12;
	v14 =	vadd.f32 v21, v15;
	v15 =	vld [tilespmem:s0+$0xADC0]  }
0x9a: {  	v8 =	vadd.f32 v0, v10;
	v9 =	vadd.f32 v9, v11;
	v10 =	vld [tilespmem:s0+$0xADD0]  }
0x9b: {  	v11 =	vadd.f32 v22, v12;
	v12 =	vadd.f32 v16, v14;
	v16 =	vld [tilespmem:s0+$0xAE00]  }
0x9c: {  	v6 =	vadd.f32 v41, v8;
	v8 =	vld [tilespmem:s0+$0xAE10]  }
0x9d: {  	v7 =	vadd.f32 v42, v9;
	v9 =	vadd.f32 v17, v11;
	v17 =	vld [tilespmem:s0+$0xAE40];
	s0 =	sshra.s32 s1, $0x2  }
0x9e: {  	v11 =	vadd.f32 v13, v12;
	v12 =	vld [tilespmem:s0+$0x9F20]  }
0x9f: {  	v13 =	vld [tilespmem:s0+$0x9F30]  }
0xa0: {  	v14 =	vld [tilespmem:s0+$0x9F40]  }
0xa1: {  	v53 =	vld [tilespmem:s0+$0xAE20]  }
0xa2: {  	v54 =	vld [tilespmem:s0+$0xAE30]  }
0xa3: {  	v19 =	vld [tilespmem:s0+$0x9EE0]  }
0xa4: {  	v21 =	vld [tilespmem:s0+$0x9EF0]  }
0xa5: {  	v18 =	vld [tilespmem:s0+$0x9F00]  }
0xa6: {  	v20 =	vld [tilespmem:s0+$0x9F10]  }
0xa7: {  	v55 =	vld [tilespmem:s0+$0xADE0]  }
0xa8: {  	v56 =	vld [tilespmem:s0+$0xADF0]  }
0xa9: {  	v34 =	vld [tilespmem:s0+$0x9EA0]  }
0xaa: {  	v36 =	vld [tilespmem:s0+$0x9EB0]  }
0xab: {  	v35 =	vld [tilespmem:s0+$0x9EC0]  }
0xac: {  	v37 =	vld [tilespmem:s0+$0x9ED0]  }
0xad: {  	v57 =	vld [tilespmem:s0+$0xADA0]  }
0xae: {  	v58 =	vld [tilespmem:s0+$0xADB0]  }
0xaf: {  	v40 =	vld [tilespmem:s0+$0x9E60]  }
0xb0: {  	v42 =	vld [tilespmem:s0+$0x9E70]  }
0xb1: {  	v41 =	vld [tilespmem:s0+$0x9E80]  }
0xb2: {  	v4 =	vadd.f32 v43, v6;
	v43 =	vld [tilespmem:s0+$0x9E90]  }
0xb3: {  	v59 =	vld [tilespmem:s0+$0xAD60]  }
0xb4: {  	v60 =	vld [tilespmem:s0+$0xAD70]  }
0xb5: {  	v61 =	vld [tilespmem:s0+$0xAD20]  }
0xb6: {  	v5 =	vadd.f32 v44, v7;
	v44 =	vld [tilespmem:s0+$0x9D60]  }
0xb7: {  	v33 =	vld [tilespmem:s0+$0x9D20]  }
0xb8: {  	v38 =	vld [tilespmem:s0+$0x9D30]  }
0xb9: {  	v31 =	vld [tilespmem:s0+$0x9CE0]  }
0xba: {  	v32 =	vld [tilespmem:s0+$0x9CF0]  }
0xbb: {  	v26 =	vld [tilespmem:s0+$0x9CA0]  }
0xbc: {  	v39 =	vld [tilespmem:s0+$0x9CB0]  }
0xbd: {  	v62 =	vld [tilespmem:s0+$0x9C20]  }
0xbe: {  	v63 =	vld [tilespmem:s0+$0x9C30]  }
0xbf: {  	v0 =	vld [tilespmem:s0+$0x9BE0]  }
0xc0: {  	v1 =	vld [tilespmem:s0+$0x9BF0]  }
0xc1: {  	v6 =	vld [tilespmem:s0+$0x9C00]  }
0xc2: {  	v7 =	vld [tilespmem:s0+$0x9C10]  }
0xc3: {  	v46 =	vadd.f32 v15, v9;
	v15 =	vld [tilespmem:s0+$0x9F50]  }
0xc4: {  	v9 =	vadd.f32 v10, v11;
	v10 =	vld [tilespmem:s0+$0xACE0]  }
0xc5: {  	v11 =	vld [tilespmem:s0+$0xACF0]  }
0xc6: {  	v2 =	vadd.f32 v47, v4;
	v47 =	vld [tilespmem:s0+$0x9E30]  }
0xc7: {  	v3 =	vadd.f32 v48, v5;
	v48 =	vld [tilespmem:s0+$0x9E50]  }
0xc8: {  	v4 =	vld [tilespmem:s0+$0x9BC0]  }
0xc9: {  	v5 =	vld [tilespmem:s0+$0x9BD0]  }
0xca: {  	v49 =	vadd.f32 v16, v46;
	v46 =	vld [tilespmem:s0+$0x9E40]  }
0xcb: {  	v50 =	vadd.f32 v8, v9;
	v9 =	vld [tilespmem:s0+$0xAD30]  }
0xcc: {  	v16 =	vld [tilespmem:s0+$0xACA0]  }
0xcd: {  	v8 =	vld [tilespmem:s0+$0x9C40]  }
0xce: {  	v25 =	vadd.f32 v52, v3;
	v52 =	vld [tilespmem:s0+$0x9DF0]  }
0xcf: {  	v22 =	vadd.f32 v51, v2;
	v51 =	vld [tilespmem:s0+$0x9E00]  }
0xd0: {  	v2 =	vld [tilespmem:s0+$0x9BA0]  }
0xd1: {  	v3 =	vld [tilespmem:s0+$0x9BB0]  }
0xd2: {  	v24 =	vadd.f32 v45, v50;
	v45 =	vld [tilespmem:s0+$0x9E20]  }
0xd3: {  	v50 =	vld [tilespmem:s0+$0x9DE0]  }
0xd4: {  	[tilespmem:$0x1FF70] =	vst v53;
	v53 =	vld [tilespmem:s0+$0x9E10]  }
0xd5: {  	[tilespmem:$0x1FF80] =	vst v54;
	v54 =	vld [tilespmem:s0+$0x9DA0]  }
0xd6: {  	[tilespmem:$0x1FF90] =	vst v55;
	v55 =	vld [tilespmem:s0+$0x9DB0]  }
0xd7: {  	[tilespmem:$0x1FFA0] =	vst v56;
	v56 =	vld [tilespmem:s0+$0x9DC0]  }
0xd8: {  	[tilespmem:$0x1FFB0] =	vst v57;
	v57 =	vld [tilespmem:s0+$0x9DD0]  }
0xd9: {  	v23 =	vadd.f32 v17, v49;
	v17 =	vld [tilespmem:s0+$0xACB0]  }
0xda: {  	v49 =	vld [tilespmem:s0+$0x9D70]  }
0xdb: {  	[tilespmem:$0x1FFC0] =	vst v58;
	v58 =	vld [tilespmem:s0+$0x9D80]  }
0xdc: {  	[tilespmem:$0x1FFD0] =	vst v59;
	v59 =	vld [tilespmem:s0+$0x9D90]  }
0xdd: {  	[tilespmem:$0x1FFE0] =	vst v60;
	v60 =	vld [tilespmem:s0+$0x9C60]  }
0xde: {  	[tilespmem:$0x1FFF0] =	vst v61;
	v61 =	vld [tilespmem:s0+$0x9C70]  }
0xdf: {  	v2 =	vadd.f32 v2, v27;
	v3 =	vadd.f32 v3, v28;
	v27 =	vld [tilespmem:s0+$0x9C50]  }
0xe0: {  	v4 =	vadd.f32 v4, v29;
	v5 =	vadd.f32 v5, v30;
	v28 =	vld [tilespmem:s0+$0x9C80]  }
0xe1: {  	v0 =	vadd.f32 v0, v2;
	v1 =	vadd.f32 v1, v3;
	v2 =	vld [tilespmem:s0+$0x9C90]  }
0xe2: {  	v3 =	vadd.f32 v6, v4;
	v4 =	vadd.f32 v7, v5;
	v5 =	vld [tilespmem:s0+$0x9CC0]  }
0xe3: {  	v6 =	vld [tilespmem:s0+$0x9CD0];
	v0 =	vadd.f32 v62, v0;
	v1 =	vadd.f32 v63, v1  }
0xe4: {  	v3 =	vadd.f32 v8, v3;
	v62 =	vld [tilespmem:s0+$0x9D00];
	v4 =	vadd.f32 v27, v4  }
0xe5: {  	v8 =	vld [tilespmem:s0+$0x9D10];
	v0 =	vadd.f32 v60, v0;
	v1 =	vadd.f32 v61, v1  }
0xe6: {  	v63 =	vld [tilespmem:s0+$0x9D40];
	v3 =	vadd.f32 v28, v3;
	v2 =	vadd.f32 v2, v4  }
0xe7: {  	v27 =	vld [tilespmem:s0+$0x9D50];
	v0 =	vadd.f32 v26, v0;
	v1 =	vadd.f32 v39, v1  }
0xe8: {  	v3 =	vadd.f32 v5, v3;
	v26 =	vld [tilespmem:s0+$0xAC60];
	v2 =	vadd.f32 v6, v2  }
0xe9: {  	v39 =	vld [tilespmem:s0+$0xABF0];
	v0 =	vadd.f32 v31, v0;
	v1 =	vadd.f32 v32, v1  }
0xea: {  	v31 =	vld [tilespmem:s0+$0xAC70];
	v3 =	vadd.f32 v62, v3;
	v2 =	vadd.f32 v8, v2  }
0xeb: {  	v32 =	vld [tilespmem:s0+$0xAC20];
	v0 =	vadd.f32 v33, v0;
	v1 =	vadd.f32 v38, v1  }
0xec: {  	v33 =	vld [tilespmem:s0+$0xAC30];
	v3 =	vadd.f32 v63, v3;
	v2 =	vadd.f32 v27, v2  }
0xed: {  	v38 =	vld [tilespmem:s0+$0xABE0];
	v0 =	vadd.f32 v44, v0;
	v1 =	vadd.f32 v49, v1  }
0xee: {  	v44 =	vld [tilespmem:s0+$0xABA0];
	v3 =	vadd.f32 v58, v3;
	v2 =	vadd.f32 v59, v2  }
0xef: {  	v49 =	vld [tilespmem:s0+$0xABB0];
	v0 =	vadd.f32 v54, v0;
	v1 =	vadd.f32 v55, v1  }
0xf0: {  	v54 =	vld [tilespmem:s0+$0xAB60];
	v3 =	vadd.f32 v56, v3;
	v2 =	vadd.f32 v57, v2  }
0xf1: {  	v55 =	vld [tilespmem:s0+$0xAB70];
	v0 =	vadd.f32 v50, v0;
	v1 =	vadd.f32 v52, v1  }
0xf2: {  	v50 =	vld [tilespmem:s0+$0xAB20];
	v3 =	vadd.f32 v51, v3;
	v2 =	vadd.f32 v53, v2  }
0xf3: {  	p0 =	sne.s32 s1, $0x3480;
	v51 =	vld [tilespmem:s0+$0xAB30];
	v0 =	vadd.f32 v45, v0;
	v1 =	vadd.f32 v47, v1  }
.Ltmp0:
0xf4: {  	v45 =	vld [tilespmem:s0+$0xAAE0];
	v3 =	vadd.f32 v46, v3;
	v2 =	vadd.f32 v48, v2;
	(pc) =	sbr.rel @p0 .LBB2_3-.Ltmp0, $4  }
0xf5: {  	v46 =	vld [tilespmem:s0+$0xAAF0];
	v0 =	vadd.f32 v40, v0;
	v1 =	vadd.f32 v42, v1  }
0xf6: {  	v40 =	vld [tilespmem:s0+$0xAAA0];
	v3 =	vadd.f32 v41, v3;
	v2 =	vadd.f32 v43, v2  }
0xf7: {  	v41 =	vld [tilespmem:s0+$0xAAB0];
	v27 =	vadd.f32 v34, v0;
	v28 =	vadd.f32 v36, v1  }
0xf8: {  	s1 =	sadd.s32 $0xF00, s1;
	v34 =	vld [tilespmem:s0+$0xAAC0];
	v29 =	vadd.f32 v35, v3;
	v30 =	vadd.f32 v37, v2  }
0xf9: {  	v0 =	vld [tilespmem:s0+$0xAAD0]  }
0xfa: {  	v3 =	vld [tilespmem:s0+$0xAB00]  }
0xfb: {  	v6 =	vld [tilespmem:s0+$0xAB10]  }
0xfc: {  	v56 =	vld [tilespmem:s0+$0xAB40]  }
0xfd: {  	v59 =	vld [tilespmem:s0+$0xAB50]  }
0xfe: {  	v1 =	vadd.f32 v19, v27;
	v2 =	vadd.f32 v21, v28;
	v8 =	vld [tilespmem:s0+$0xAB80]  }
0xff: {  	v60 =	vld [tilespmem:s0+$0xABC0];
	v4 =	vadd.f32 v18, v29;
	v5 =	vadd.f32 v20, v30  }
0x100: {  	v61 =	vld [tilespmem:s0+$0xABD0];
	v57 =	vadd.f32 v40, v22;
	v7 =	vadd.f32 v34, v23  }
0x101: {  	v62 =	vld [tilespmem:s0+$0xAC00];
	v18 =	vadd.f32 v12, v1;
	v13 =	vadd.f32 v13, v2  }
0x102: {  	v63 =	vld [tilespmem:s0+$0xAC10];
	v2 =	vadd.f32 v45, v57;
	v3 =	vadd.f32 v3, v7  }
0x103: {  	v35 =	vld [tilespmem:s0+$0xAC90];
	v14 =	vadd.f32 v14, v4;
	v12 =	vadd.f32 v15, v5  }
0x104: {  	v36 =	vld [tilespmem:s0+$0xACC0];
	v2 =	vadd.f32 v50, v2;
	v1 =	vadd.f32 v56, v3  }
0x105: {  	v37 =	vld [tilespmem:s0+$0xACD0];
	v58 =	vadd.f32 v41, v25;
	v0 =	vadd.f32 v0, v24  }
0x106: {  	v15 =	vld [tilespmem:s0+$0xAB90];
	v2 =	vadd.f32 v54, v2;
	v1 =	vadd.f32 v8, v1  }
0x107: {  	v4 =	vadd.f32 v46, v58;
	v0 =	vadd.f32 v6, v0;
	v8 =	vld [tilespmem:s0+$0xAC40]  }
0x108: {  	v42 =	vld [tilespmem:s0+$0xAE00];
	v2 =	vadd.f32 v44, v2;
	v1 =	vadd.f32 v60, v1  }
0x109: {  	v34 =	vld [tilespmem:s0+$0xAC80];
	v4 =	vadd.f32 v51, v4;
	v0 =	vadd.f32 v59, v0  }
0x10a: {  	v43 =	vld [tilespmem:$0x1FFD0];
	v2 =	vadd.f32 v38, v2;
	v1 =	vadd.f32 v62, v1  }
0x10b: {  	v47 =	vld [tilespmem:$0x1FFB0];
	v4 =	vadd.f32 v55, v4;
	v0 =	vadd.f32 v15, v0  }
0x10c: {  	v15 =	vld [tilespmem:s0+$0xAC50];
	v2 =	vadd.f32 v32, v2;
	v1 =	vadd.f32 v8, v1  }
0x10d: {  	v4 =	vadd.f32 v49, v4;
	v0 =	vadd.f32 v61, v0;
	v8 =	vld [tilespmem:s0+$0xAD00]  }
0x10e: {  	v48 =	vld [tilespmem:$0x1FFC0];
	v2 =	vadd.f32 v26, v2;
	v1 =	vadd.f32 v34, v1  }
0x10f: {  	v38 =	vld [tilespmem:s0+$0xAD40];
	v4 =	vadd.f32 v39, v4;
	v0 =	vadd.f32 v63, v0  }
0x110: {  	v40 =	vld [tilespmem:s0+$0xAD80];
	v2 =	vadd.f32 v16, v2;
	v1 =	vadd.f32 v36, v1  }
0x111: {  	v4 =	vadd.f32 v33, v4;
	v0 =	vadd.f32 v15, v0;
	v15 =	vld [tilespmem:s0+$0xAD10]  }
0x112: {  	v2 =	vadd.f32 v10, v2;
	v10 =	vld [tilespmem:$0x1FFF0];
	v1 =	vadd.f32 v8, v1  }
0x113: {  	v4 =	vadd.f32 v31, v4;
	v8 =	vld [tilespmem:s0+$0xADC0]  }
0x114: {  	v41 =	vld [tilespmem:s0+$0xAD90];
	v0 =	vadd.f32 v35, v0;
	v1 =	vadd.f32 v38, v1  }
0x115: {  	v39 =	vld [tilespmem:s0+$0xAD50];
	v4 =	vadd.f32 v17, v4  }
0x116: {  	v45 =	vld [tilespmem:s0+$0xAE10];
	v0 =	vadd.f32 v37, v0;
	v1 =	vadd.f32 v40, v1  }
0x117: {  	v44 =	vld [tilespmem:$0x1FFE0];
	v4 =	vadd.f32 v11, v4;
	v2 =	vadd.f32 v10, v2  }
0x118: {  	p0 =	seq.s32 s31, $0x53;
	v0 =	vadd.f32 v15, v0;
	v1 =	vadd.f32 v8, v1;
	v8 =	vld [tilespmem:$0x1FF90]  }
0x119: {  	s1 =	smul.u32 @!p0 $0x780, s31;
	v4 =	vadd.f32 v9, v4;
	v9 =	vld [tilespmem:s0+$0xADD0];
	v2 =	vadd.f32 v43, v2  }
0x11a: {  	v46 =	vld [tilespmem:s0+$0xAE40];
	v0 =	vadd.f32 v39, v0  }
0x11b: {  	s11 =	simm.s32 @!p0 $0x78;
	p1 =	seq.s32 @!p0 s31, $0x0;
	s1 =	sshra.s32 @!p0 s1, $0x2;
	v50 =	vld [tilespmem:$0x1FF70];
	v2 =	vadd.f32 v47, v2  }
0x11c: {  	s12 =	simm.s32 @!p0 $0x9D80;
	p1 =	por p0, !p1;
	v49 =	vld [tilespmem:s0+$0xAE50];
	s0 =	sadd.s32 @!p0 $0x1E0, s1;
	v0 =	vadd.f32 v41, v0  }
0x11d: {  	[tilespmem:s12], [sflag:$0x1] =	stream.indirect.gather @!p0 [hbm4b:s5+s11], $0x40, s0, s11, $0xb8;
	v2 =	vadd.f32 v8, v2;
	v8 =	vld [tilespmem:$0x1FFA0]  }
0x11e: {  	v51 =	vld [tilespmem:$0x1FF80];
	v4 =	vadd.f32 v44, v4;
	v0 =	vadd.f32 v9, v0;
	_ =	swait.ge @p1 [sflag:s25], $0x80  }
0x11f: {  	v52 =	vmul.f32 $5.000000070e-02, v18;
	v1 =	vadd.f32 v42, v1;
	[sflag:s25] =	ssyncset.done @p1 $0x0  }
0x120: {  	v53 =	vmul.f32 $5.000000070e-02, v13;
	v3 =	vadd.f32 v48, v4;
	v0 =	vadd.f32 v45, v0;
	[sflag:s25] =	ssyncadd.s32 @p1 $0xFFFFFF80  }
0x121: {  	v54 =	vmul.f32 $5.000000070e-02, v14;
	s0 =	sshll.u32 s31, $0x3;
	v1 =	vadd.f32 v46, v1;
	[tilespmem:$0x11580] =	vst v52  }
0x122: {  	v55 =	vmul.f32 $5.000000070e-02, v12;
	s11 =	sadd.s32 s6, s0;
	v0 =	vadd.f32 v49, v0;
	[tilespmem:$0x11590] =	vst v53;
	v8 =	vadd.f32 v8, v3  }
0x123: {  	p2 =	sgt.u32 s11, $0x3FF;
	v1 =	vmul.f32 $5.000000070e-02, v1;
	[tilespmem:$0x115A0] =	vst v54;
	v3 =	vadd.f32 v50, v2  }
0x124: {  	s12 =	sshll.u32 @p2 s11, $0x6;
	v0 =	vmul.f32 $5.000000070e-02, v0;
	[tilespmem:$0x115B0] =	vst v55;
	v2 =	vadd.f32 v51, v8  }
0x125: {  	s12 =	sadd.s32 @p2 $0xFFFF0000, s12;
	[tilespmem:$0x115E0] =	vst v1;
	v3 =	vmul.f32 $5.000000070e-02, v3  }
0x126: {  	s11 =	sshll.u32 @!p2 s11, $0x3;
	s12 =	sshrl.u32 @p2 s12, $0x3;
	[tilespmem:$0x115F0] =	vst v0;
	v2 =	vmul.f32 $5.000000070e-02, v2  }
0x127: {  	s11 =	sadd.s32 @!p2 s2, s11;
	s12 =	sadd.s32 @p2 s3, s12;
	[tilespmem:$0x115C0] =	vst v3  }
0x128: {  	s11 =	smov.u32 @p2 s12;
	[tilespmem:$0x115D0] =	vst v2  }
0x129: {  	[hbm4b:s11+s4] =	stream.linear.scatter [tilespmem:s18], [sflag:$0x5], $0x80, $0x38;
	[tilespmem:$0x11780] =	vst v63  }
0x12a: {  	_ =	swait.ge [sflag:s19], $0x1E00  }
0x12b: {  	[sflag:s19] =	ssyncset.done $0x0  }
0x12c: {  	s11 =	simm.s32 $0x1E0;
	[sflag:s19] =	ssyncadd.s32 $0xFFFFE200  }
0x12d: {  	v12 =	vld [tilespmem:s11+$0xBD20]  }
0x12e: {  	v13 =	vld [tilespmem:s11+$0xBD30]  }
0x12f: {  	v14 =	vld [tilespmem:s11+$0xBD40]  }
0x130: {  	v15 =	vld [tilespmem:s11+$0xBD50]  }
0x131: {  	v56 =	vld [tilespmem:s11+$0xCC20]  }
0x132: {  	v57 =	vld [tilespmem:s11+$0xCC30]  }
0x133: {  	v19 =	vld [tilespmem:s11+$0xBCE0]  }
0x134: {  	v21 =	vld [tilespmem:s11+$0xBCF0]  }
0x135: {  	v18 =	vld [tilespmem:s11+$0xBD00]  }
0x136: {  	v20 =	vld [tilespmem:s11+$0xBD10]  }
0x137: {  	v58 =	vld [tilespmem:s11+$0xCBE0]  }
0x138: {  	v59 =	vld [tilespmem:s11+$0xCBF0]  }
0x139: {  	v3 =	vld [tilespmem:s11+$0xBCA0]  }
0x13a: {  	v30 =	vld [tilespmem:s11+$0xBCB0]  }
0x13b: {  	v1 =	vld [tilespmem:s11+$0xBCC0]  }
0x13c: {  	v2 =	vld [tilespmem:s11+$0xBCD0]  }
0x13d: {  	v60 =	vld [tilespmem:s11+$0xCBA0]  }
0x13e: {  	v61 =	vld [tilespmem:s11+$0xCBB0]  }
0x13f: {  	v27 =	vld [tilespmem:s11+$0xBC60]  }
0x140: {  	v28 =	vld [tilespmem:s11+$0xBC70]  }
0x141: {  	v29 =	vld [tilespmem:s11+$0xBC80]  }
0x142: {  	v34 =	vld [tilespmem:s11+$0xBC90]  }
0x143: {  	v62 =	vld [tilespmem:s11+$0xCB60]  }
0x144: {  	v63 =	vld [tilespmem:s11+$0xCB70]  }
0x145: {  	v35 =	vld [tilespmem:s11+$0xBC20]  }
0x146: {  	v36 =	vld [tilespmem:s11+$0xBC30]  }
0x147: {  	v37 =	vld [tilespmem:s11+$0xBC40]  }
0x148: {  	v40 =	vld [tilespmem:s11+$0xBC50]  }
0x149: {  	v4 =	vld [tilespmem:s11+$0xCB20]  }
0x14a: {  	v9 =	vld [tilespmem:s11+$0xCB30]  }
0x14b: {  	v41 =	vld [tilespmem:s11+$0xBBE0]  }
0x14c: {  	v42 =	vld [tilespmem:s11+$0xBBF0]  }
0x14d: {  	v43 =	vld [tilespmem:s11+$0xBC00]  }
0x14e: {  	v45 =	vld [tilespmem:s11+$0xBC10]  }
0x14f: {  	v10 =	vld [tilespmem:s11+$0xCAE0]  }
0x150: {  	v11 =	vld [tilespmem:s11+$0xCAF0]  }
0x151: {  	v44 =	vld [tilespmem:s11+$0xBBA0]  }
0x152: {  	v46 =	vld [tilespmem:s11+$0xBBB0]  }
0x153: {  	v47 =	vld [tilespmem:s11+$0xBBC0]  }
0x154: {  	v48 =	vld [tilespmem:s11+$0xBBD0]  }
0x155: {  	v16 =	vld [tilespmem:s11+$0xCAA0]  }
0x156: {  	v17 =	vld [tilespmem:s11+$0xCAB0]  }
0x157: {  	v38 =	vld [tilespmem:s11+$0xBB60]  }
0x158: {  	v39 =	vld [tilespmem:s11+$0xBB70]  }
0x159: {  	v49 =	vld [tilespmem:s11+$0xBB80]  }
0x15a: {  	v32 =	vld [tilespmem:s11+$0xBB20]  }
0x15b: {  	v33 =	vld [tilespmem:s11+$0xBB30]  }
0x15c: {  	v26 =	vld [tilespmem:s11+$0xBAE0]  }
0x15d: {  	v31 =	vld [tilespmem:s11+$0xBAF0]  }
0x15e: {  	v50 =	vld [tilespmem:s11+$0xBAA0]  }
0x15f: {  	v51 =	vld [tilespmem:s11+$0xBAB0]  }
0x160: {  	v52 =	vld [tilespmem:s11+$0xBA60]  }
0x161: {  	v53 =	vld [tilespmem:s11+$0xBA70]  }
0x162: {  	v5 =	vld [tilespmem:s11+$0xBA20]  }
0x163: {  	v6 =	vld [tilespmem:s11+$0xBA30]  }
0x164: {  	v24 =	vld [tilespmem:s11+$0xBA40]  }
0x165: {  	[tilespmem:$0x1FEE0] =	vst v56;
	v56 =	vld [tilespmem:s11+$0xB9E0]  }
0x166: {  	[tilespmem:$0x1FEF0] =	vst v57;
	v57 =	vld [tilespmem:s11+$0xB9F0]  }
0x167: {  	[tilespmem:$0x1FF00] =	vst v58;
	v58 =	vld [tilespmem:s11+$0xB9A0]  }
0x168: {  	[tilespmem:$0x1FF10] =	vst v59;
	v59 =	vld [tilespmem:s11+$0xB9B0]  }
0x169: {  	[tilespmem:$0x1FF20] =	vst v60;
	v60 =	vld [tilespmem:s11+$0xB9C0]  }
0x16a: {  	[tilespmem:$0x1FF30] =	vst v61;
	v61 =	vld [tilespmem:s11+$0xB9D0]  }
0x16b: {  	[tilespmem:$0x1FF40] =	vst v62;
	v62 =	vld [tilespmem:s11+$0xBA00]  }
0x16c: {  	v22 =	vimm.f32 $0.0e+00;
	[tilespmem:$0x1FF50] =	vst v63;
	v63 =	vld [tilespmem:s11+$0xBA10]  }
0x16d: {  	v23 =	vld [tilespmem:s11+$0xBA50];
	v58 =	vadd.f32 v58, v22  }
0x16e: {  	v25 =	vld [tilespmem:s11+$0xBA80];
	v59 =	vadd.f32 v59, v22;
	v60 =	vadd.f32 v60, v22  }
0x16f: {  	[tilespmem:$0x1FF60] =	vst v4;
	v4 =	vld [tilespmem:s11+$0xBAC0];
	v61 =	vadd.f32 v61, v22;
	v56 =	vadd.f32 v56, v58  }
0x170: {  	v57 =	vadd.f32 v57, v59;
	v58 =	vld [tilespmem:s11+$0xBA90];
	v7 =	vadd.f32 v62, v60  }
0x171: {  	v0 =	vadd.f32 v63, v61;
	v59 =	vld [tilespmem:s11+$0xBB50];
	v54 =	vadd.f32 v5, v56  }
0x172: {  	v55 =	vadd.f32 v6, v57;
	v5 =	vld [tilespmem:s11+$0xBAD0];
	v24 =	vadd.f32 v24, v7  }
0x173: {  	v23 =	vadd.f32 v23, v0;
	v6 =	vld [tilespmem:s11+$0xBB00];
	v52 =	vadd.f32 v52, v54  }
0x174: {  	v7 =	vld [tilespmem:s11+$0xBB10];
	v53 =	vadd.f32 v53, v55;
	v24 =	vadd.f32 v25, v24  }
0x175: {  	v25 =	vld [tilespmem:s11+$0xBB40];
	v23 =	vadd.f32 v58, v23;
	v50 =	vadd.f32 v50, v52  }
0x176: {  	v60 =	vld [tilespmem:s11+$0xBB90];
	v51 =	vadd.f32 v51, v53;
	v24 =	vadd.f32 v4, v24  }
0x177: {  	v54 =	vld [tilespmem:s11+$0xC960];
	v23 =	vadd.f32 v5, v23;
	v50 =	vadd.f32 v26, v50  }
0x178: {  	v55 =	vld [tilespmem:s11+$0xC970];
	v51 =	vadd.f32 v31, v51;
	v24 =	vadd.f32 v6, v24  }
0x179: {  	v26 =	vld [tilespmem:s11+$0xCA60];
	v23 =	vadd.f32 v7, v23;
	v50 =	vadd.f32 v32, v50  }
0x17a: {  	v31 =	vld [tilespmem:s11+$0xCA70];
	v51 =	vadd.f32 v33, v51;
	v24 =	vadd.f32 v25, v24  }
0x17b: {  	v32 =	vld [tilespmem:s11+$0xCA20];
	v23 =	vadd.f32 v59, v23;
	v25 =	vadd.f32 v38, v50  }
0x17c: {  	v33 =	vld [tilespmem:s11+$0xCA30];
	v61 =	vadd.f32 v39, v51;
	v24 =	vadd.f32 v49, v24  }
0x17d: {  	v38 =	vld [tilespmem:s11+$0xC9E0];
	v23 =	vadd.f32 v60, v23;
	v25 =	vadd.f32 v44, v25  }
0x17e: {  	v39 =	vld [tilespmem:s11+$0xC9F0];
	v46 =	vadd.f32 v46, v61;
	v24 =	vadd.f32 v47, v24  }
0x17f: {  	v49 =	vld [tilespmem:s11+$0xC9B0];
	v23 =	vadd.f32 v48, v23;
	v25 =	vadd.f32 v41, v25  }
0x180: {  	v50 =	vld [tilespmem:s11+$0xC920];
	v62 =	vadd.f32 v42, v46;
	v24 =	vadd.f32 v43, v24  }
0x181: {  	v51 =	vld [tilespmem:s11+$0xC930];
	v23 =	vadd.f32 v45, v23;
	v25 =	vadd.f32 v35, v25  }
0x182: {  	v44 =	vld [tilespmem:s11+$0xC9A0];
	v63 =	vadd.f32 v36, v62;
	v24 =	vadd.f32 v37, v24  }
0x183: {  	v46 =	vld [tilespmem:s11+$0xC8F0];
	v23 =	vadd.f32 v40, v23;
	v25 =	vadd.f32 v27, v25  }
0x184: {  	v41 =	vld [tilespmem:s11+$0xC8B0];
	v28 =	vadd.f32 v28, v63;
	v24 =	vadd.f32 v29, v24  }
0x185: {  	v45 =	vld [tilespmem:s11+$0xC8E0];
	v23 =	vadd.f32 v34, v23;
	v27 =	vadd.f32 v3, v25  }
0x186: {  	v40 =	vld [tilespmem:s11+$0xC8A0];
	v28 =	vadd.f32 v30, v28;
	v29 =	vadd.f32 v1, v24;
	v25 =	vimm.f32 $0.0e+00  }
0x187: {  	s12 =	simm.s32 $0x1680;
	v34 =	vld [tilespmem:s11+$0xC8C0];
	v24 =	vimm.f32 $0.0e+00;
	v30 =	vadd.f32 v2, v23;
	v23 =	vimm.f32 $0.0e+00  }
.LBB2_5:
0x188: {  	v35 =	vld [tilespmem:s11+$0xC8D0]  }
0x189: {  	v36 =	vld [tilespmem:s11+$0xC900]  }
0x18a: {  	v37 =	vld [tilespmem:s11+$0xC910]  }
0x18b: {  	v0 =	vld [tilespmem:$0x1FF60]  }
0x18c: {  	v42 =	vld [tilespmem:$0x1FF50]  }
0x18d: {  	v43 =	vld [tilespmem:$0x1FF20]  }
0x18e: {  	v47 =	vld [tilespmem:$0x1FF00]  }
0x18f: {  	v48 =	vld [tilespmem:$0x1FF10];
	v19 =	vadd.f32 v19, v27  }
0x190: {  	v52 =	vld [tilespmem:$0x1FEF0];
	v20 =	vadd.f32 v20, v30  }
0x191: {  	v21 =	vadd.f32 v21, v28;
	v27 =	vadd.f32 v12, v19;
	v12 =	vld [tilespmem:s11+$0xC940]  }
0x192: {  	v18 =	vadd.f32 v18, v29;
	v30 =	vadd.f32 v15, v20;
	v15 =	vld [tilespmem:s11+$0xC950]  }
0x193: {  	v20 =	vld [tilespmem:s11+$0xC980]  }
0x194: {  	v28 =	vadd.f32 v13, v21;
	v29 =	vadd.f32 v14, v18;
	v21 =	vld [tilespmem:s11+$0xC990]  }
0x195: {  	v13 =	vadd.f32 v40, v22;
	v14 =	vadd.f32 v41, v25;
	v22 =	vld [tilespmem:s11+$0xC9C0]  }
0x196: {  	v18 =	vadd.f32 v34, v23;
	v19 =	vadd.f32 v35, v24;
	v23 =	vld [tilespmem:s11+$0xC9D0]  }
0x197: {  	v41 =	vld [tilespmem:$0x1FF40];
	v13 =	vadd.f32 v45, v13;
	v14 =	vadd.f32 v46, v14  }
0x198: {  	v18 =	vadd.f32 v36, v18;
	v19 =	vadd.f32 v37, v19;
	v45 =	vld [tilespmem:s11+$0xCC50]  }
0x199: {  	v13 =	vadd.f32 v50, v13;
	v14 =	vadd.f32 v51, v14;
	v51 =	vld [tilespmem:$0x1FEE0]  }
0x19a: {  	v12 =	vadd.f32 v12, v18;
	v18 =	vld [tilespmem:s11+$0xCA00]  }
0x19b: {  	v15 =	vadd.f32 v15, v19;
	v19 =	vld [tilespmem:s11+$0xCA10];
	v13 =	vadd.f32 v54, v13  }
0x19c: {  	v14 =	vadd.f32 v55, v14;
	v12 =	vadd.f32 v20, v12;
	v20 =	vld [tilespmem:s11+$0xCA40]  }
0x19d: {  	v15 =	vadd.f32 v21, v15;
	v21 =	vld [tilespmem:s11+$0xCA50]  }
0x19e: {  	v13 =	vadd.f32 v44, v13;
	v14 =	vadd.f32 v49, v14;
	v44 =	vld [tilespmem:$0x1FF30]  }
0x19f: {  	v12 =	vadd.f32 v22, v12;
	v15 =	vadd.f32 v23, v15;
	v22 =	vld [tilespmem:s11+$0xCA80]  }
0x1a0: {  	v23 =	vld [tilespmem:s11+$0xCA90];
	v13 =	vadd.f32 v38, v13;
	v14 =	vadd.f32 v39, v14  }
0x1a1: {  	v12 =	vadd.f32 v18, v12;
	v15 =	vadd.f32 v19, v15;
	v18 =	vld [tilespmem:s11+$0xCAC0]  }
0x1a2: {  	v19 =	vld [tilespmem:s11+$0xCAD0];
	v13 =	vadd.f32 v32, v13;
	v14 =	vadd.f32 v33, v14  }
0x1a3: {  	v12 =	vadd.f32 v20, v12;
	v15 =	vadd.f32 v21, v15;
	v20 =	vld [tilespmem:s11+$0xCB00]  }
0x1a4: {  	v21 =	vld [tilespmem:s11+$0xCB10];
	v13 =	vadd.f32 v26, v13;
	v14 =	vadd.f32 v31, v14  }
0x1a5: {  	v12 =	vadd.f32 v22, v12;
	v15 =	vadd.f32 v23, v15;
	v22 =	vld [tilespmem:s11+$0xCB40]  }
0x1a6: {  	v13 =	vadd.f32 v16, v13;
	v14 =	vadd.f32 v17, v14;
	v16 =	vld [tilespmem:s11+$0xCB50]  }
0x1a7: {  	v17 =	vld [tilespmem:s11+$0xCB80];
	v12 =	vadd.f32 v18, v12;
	v15 =	vadd.f32 v19, v15  }
0x1a8: {  	v10 =	vadd.f32 v10, v13;
	v11 =	vadd.f32 v11, v14;
	v13 =	vld [tilespmem:s11+$0xCB90]  }
0x1a9: {  	v12 =	vadd.f32 v20, v12;
	v14 =	vadd.f32 v21, v15;
	v15 =	vld [tilespmem:s11+$0xCBC0]  }
0x1aa: {  	v8 =	vadd.f32 v0, v10;
	v9 =	vadd.f32 v9, v11;
	v10 =	vld [tilespmem:s11+$0xCBD0]  }
0x1ab: {  	v11 =	vadd.f32 v22, v12;
	v12 =	vadd.f32 v16, v14;
	v16 =	vld [tilespmem:s11+$0xCC00]  }
0x1ac: {  	v6 =	vadd.f32 v41, v8;
	v8 =	vld [tilespmem:s11+$0xCC10]  }
0x1ad: {  	v7 =	vadd.f32 v42, v9;
	v9 =	vadd.f32 v17, v11;
	v17 =	vld [tilespmem:s11+$0xCC40];
	s11 =	sshra.s32 s12, $0x2  }
0x1ae: {  	v11 =	vadd.f32 v13, v12;
	v12 =	vld [tilespmem:s11+$0xBD20]  }
0x1af: {  	v13 =	vld [tilespmem:s11+$0xBD30]  }
0x1b0: {  	v14 =	vld [tilespmem:s11+$0xBD40]  }
0x1b1: {  	v53 =	vld [tilespmem:s11+$0xCC20]  }
0x1b2: {  	v54 =	vld [tilespmem:s11+$0xCC30]  }
0x1b3: {  	v19 =	vld [tilespmem:s11+$0xBCE0]  }
0x1b4: {  	v21 =	vld [tilespmem:s11+$0xBCF0]  }
0x1b5: {  	v18 =	vld [tilespmem:s11+$0xBD00]  }
0x1b6: {  	v20 =	vld [tilespmem:s11+$0xBD10]  }
0x1b7: {  	v55 =	vld [tilespmem:s11+$0xCBE0]  }
0x1b8: {  	v56 =	vld [tilespmem:s11+$0xCBF0]  }
0x1b9: {  	v34 =	vld [tilespmem:s11+$0xBCA0]  }
0x1ba: {  	v36 =	vld [tilespmem:s11+$0xBCB0]  }
0x1bb: {  	v35 =	vld [tilespmem:s11+$0xBCC0]  }
0x1bc: {  	v37 =	vld [tilespmem:s11+$0xBCD0]  }
0x1bd: {  	v57 =	vld [tilespmem:s11+$0xCBA0]  }
0x1be: {  	v58 =	vld [tilespmem:s11+$0xCBB0]  }
0x1bf: {  	v40 =	vld [tilespmem:s11+$0xBC60]  }
0x1c0: {  	v42 =	vld [tilespmem:s11+$0xBC70]  }
0x1c1: {  	v41 =	vld [tilespmem:s11+$0xBC80]  }
0x1c2: {  	v4 =	vadd.f32 v43, v6;
	v43 =	vld [tilespmem:s11+$0xBC90]  }
0x1c3: {  	v59 =	vld [tilespmem:s11+$0xCB60]  }
0x1c4: {  	v60 =	vld [tilespmem:s11+$0xCB70]  }
0x1c5: {  	v61 =	vld [tilespmem:s11+$0xCB20]  }
0x1c6: {  	v5 =	vadd.f32 v44, v7;
	v44 =	vld [tilespmem:s11+$0xBB60]  }
0x1c7: {  	v33 =	vld [tilespmem:s11+$0xBB20]  }
0x1c8: {  	v38 =	vld [tilespmem:s11+$0xBB30]  }
0x1c9: {  	v31 =	vld [tilespmem:s11+$0xBAE0]  }
0x1ca: {  	v32 =	vld [tilespmem:s11+$0xBAF0]  }
0x1cb: {  	v26 =	vld [tilespmem:s11+$0xBAA0]  }
0x1cc: {  	v39 =	vld [tilespmem:s11+$0xBAB0]  }
0x1cd: {  	v62 =	vld [tilespmem:s11+$0xBA20]  }
0x1ce: {  	v63 =	vld [tilespmem:s11+$0xBA30]  }
0x1cf: {  	v0 =	vld [tilespmem:s11+$0xB9E0]  }
0x1d0: {  	v1 =	vld [tilespmem:s11+$0xB9F0]  }
0x1d1: {  	v6 =	vld [tilespmem:s11+$0xBA00]  }
0x1d2: {  	v7 =	vld [tilespmem:s11+$0xBA10]  }
0x1d3: {  	v46 =	vadd.f32 v15, v9;
	v15 =	vld [tilespmem:s11+$0xBD50]  }
0x1d4: {  	v9 =	vadd.f32 v10, v11;
	v10 =	vld [tilespmem:s11+$0xCAE0]  }
0x1d5: {  	v11 =	vld [tilespmem:s11+$0xCAF0]  }
0x1d6: {  	v2 =	vadd.f32 v47, v4;
	v47 =	vld [tilespmem:s11+$0xBC30]  }
0x1d7: {  	v3 =	vadd.f32 v48, v5;
	v48 =	vld [tilespmem:s11+$0xBC50]  }
0x1d8: {  	v4 =	vld [tilespmem:s11+$0xB9C0]  }
0x1d9: {  	v5 =	vld [tilespmem:s11+$0xB9D0]  }
0x1da: {  	v49 =	vadd.f32 v16, v46;
	v46 =	vld [tilespmem:s11+$0xBC40]  }
0x1db: {  	v50 =	vadd.f32 v8, v9;
	v9 =	vld [tilespmem:s11+$0xCB30]  }
0x1dc: {  	v16 =	vld [tilespmem:s11+$0xCAA0]  }
0x1dd: {  	v8 =	vld [tilespmem:s11+$0xBA40]  }
0x1de: {  	v25 =	vadd.f32 v52, v3;
	v52 =	vld [tilespmem:s11+$0xBBF0]  }
0x1df: {  	v22 =	vadd.f32 v51, v2;
	v51 =	vld [tilespmem:s11+$0xBC00]  }
0x1e0: {  	v2 =	vld [tilespmem:s11+$0xB9A0]  }
0x1e1: {  	v3 =	vld [tilespmem:s11+$0xB9B0]  }
0x1e2: {  	v24 =	vadd.f32 v45, v50;
	v45 =	vld [tilespmem:s11+$0xBC20]  }
0x1e3: {  	v50 =	vld [tilespmem:s11+$0xBBE0]  }
0x1e4: {  	[tilespmem:$0x1FEE0] =	vst v53;
	v53 =	vld [tilespmem:s11+$0xBC10]  }
0x1e5: {  	[tilespmem:$0x1FEF0] =	vst v54;
	v54 =	vld [tilespmem:s11+$0xBBA0]  }
0x1e6: {  	[tilespmem:$0x1FF00] =	vst v55;
	v55 =	vld [tilespmem:s11+$0xBBB0]  }
0x1e7: {  	[tilespmem:$0x1FF10] =	vst v56;
	v56 =	vld [tilespmem:s11+$0xBBC0]  }
0x1e8: {  	[tilespmem:$0x1FF20] =	vst v57;
	v57 =	vld [tilespmem:s11+$0xBBD0]  }
0x1e9: {  	v23 =	vadd.f32 v17, v49;
	v17 =	vld [tilespmem:s11+$0xCAB0]  }
0x1ea: {  	v49 =	vld [tilespmem:s11+$0xBB70]  }
0x1eb: {  	[tilespmem:$0x1FF30] =	vst v58;
	v58 =	vld [tilespmem:s11+$0xBB80]  }
0x1ec: {  	[tilespmem:$0x1FF40] =	vst v59;
	v59 =	vld [tilespmem:s11+$0xBB90]  }
0x1ed: {  	[tilespmem:$0x1FF50] =	vst v60;
	v60 =	vld [tilespmem:s11+$0xBA60]  }
0x1ee: {  	[tilespmem:$0x1FF60] =	vst v61;
	v61 =	vld [tilespmem:s11+$0xBA70]  }
0x1ef: {  	v2 =	vadd.f32 v2, v27;
	v3 =	vadd.f32 v3, v28;
	v27 =	vld [tilespmem:s11+$0xBA50]  }
0x1f0: {  	v4 =	vadd.f32 v4, v29;
	v5 =	vadd.f32 v5, v30;
	v28 =	vld [tilespmem:s11+$0xBA80]  }
0x1f1: {  	v0 =	vadd.f32 v0, v2;
	v1 =	vadd.f32 v1, v3;
	v2 =	vld [tilespmem:s11+$0xBA90]  }
0x1f2: {  	v3 =	vadd.f32 v6, v4;
	v4 =	vadd.f32 v7, v5;
	v5 =	vld [tilespmem:s11+$0xBAC0]  }
0x1f3: {  	v6 =	vld [tilespmem:s11+$0xBAD0];
	v0 =	vadd.f32 v62, v0;
	v1 =	vadd.f32 v63, v1  }
0x1f4: {  	v3 =	vadd.f32 v8, v3;
	v62 =	vld [tilespmem:s11+$0xBB00];
	v4 =	vadd.f32 v27, v4  }
0x1f5: {  	v8 =	vld [tilespmem:s11+$0xBB10];
	v0 =	vadd.f32 v60, v0;
	v1 =	vadd.f32 v61, v1  }
0x1f6: {  	v63 =	vld [tilespmem:s11+$0xBB40];
	v3 =	vadd.f32 v28, v3;
	v2 =	vadd.f32 v2, v4  }
0x1f7: {  	v27 =	vld [tilespmem:s11+$0xBB50];
	v0 =	vadd.f32 v26, v0;
	v1 =	vadd.f32 v39, v1  }
0x1f8: {  	v3 =	vadd.f32 v5, v3;
	v26 =	vld [tilespmem:s11+$0xCA60];
	v2 =	vadd.f32 v6, v2  }
0x1f9: {  	v39 =	vld [tilespmem:s11+$0xC9F0];
	v0 =	vadd.f32 v31, v0;
	v1 =	vadd.f32 v32, v1  }
0x1fa: {  	v31 =	vld [tilespmem:s11+$0xCA70];
	v3 =	vadd.f32 v62, v3;
	v2 =	vadd.f32 v8, v2  }
0x1fb: {  	v32 =	vld [tilespmem:s11+$0xCA20];
	v0 =	vadd.f32 v33, v0;
	v1 =	vadd.f32 v38, v1  }
0x1fc: {  	v33 =	vld [tilespmem:s11+$0xCA30];
	v3 =	vadd.f32 v63, v3;
	v2 =	vadd.f32 v27, v2  }
0x1fd: {  	v38 =	vld [tilespmem:s11+$0xC9E0];
	v0 =	vadd.f32 v44, v0;
	v1 =	vadd.f32 v49, v1  }
0x1fe: {  	v44 =	vld [tilespmem:s11+$0xC9A0];
	v3 =	vadd.f32 v58, v3;
	v2 =	vadd.f32 v59, v2  }
0x1ff: {  	v49 =	vld [tilespmem:s11+$0xC9B0];
	v0 =	vadd.f32 v54, v0;
	v1 =	vadd.f32 v55, v1  }
0x200: {  	v54 =	vld [tilespmem:s11+$0xC960];
	v3 =	vadd.f32 v56, v3;
	v2 =	vadd.f32 v57, v2  }
0x201: {  	v55 =	vld [tilespmem:s11+$0xC970];
	v0 =	vadd.f32 v50, v0;
	v1 =	vadd.f32 v52, v1  }
0x202: {  	v50 =	vld [tilespmem:s11+$0xC920];
	v3 =	vadd.f32 v51, v3;
	v2 =	vadd.f32 v53, v2  }
0x203: {  	p2 =	sne.s32 s12, $0x3480;
	v51 =	vld [tilespmem:s11+$0xC930];
	v0 =	vadd.f32 v45, v0;
	v1 =	vadd.f32 v47, v1  }
.Ltmp1:
0x204: {  	v45 =	vld [tilespmem:s11+$0xC8E0];
	v3 =	vadd.f32 v46, v3;
	v2 =	vadd.f32 v48, v2;
	(pc) =	sbr.rel @p2 .LBB2_5-.Ltmp1, $4  }
0x205: {  	v46 =	vld [tilespmem:s11+$0xC8F0];
	v0 =	vadd.f32 v40, v0;
	v1 =	vadd.f32 v42, v1  }
0x206: {  	v40 =	vld [tilespmem:s11+$0xC8A0];
	v3 =	vadd.f32 v41, v3;
	v2 =	vadd.f32 v43, v2  }
0x207: {  	v41 =	vld [tilespmem:s11+$0xC8B0];
	v27 =	vadd.f32 v34, v0;
	v28 =	vadd.f32 v36, v1  }
0x208: {  	s12 =	sadd.s32 $0xF00, s12;
	v34 =	vld [tilespmem:s11+$0xC8C0];
	v29 =	vadd.f32 v35, v3;
	v30 =	vadd.f32 v37, v2  }
0x209: {  	v0 =	vld [tilespmem:s11+$0xC8D0]  }
0x20a: {  	v3 =	vld [tilespmem:s11+$0xC900]  }
0x20b: {  	v6 =	vld [tilespmem:s11+$0xC910]  }
0x20c: {  	v56 =	vld [tilespmem:s11+$0xC940]  }
0x20d: {  	v59 =	vld [tilespmem:s11+$0xC950]  }
0x20e: {  	v1 =	vadd.f32 v19, v27;
	v2 =	vadd.f32 v21, v28;
	v8 =	vld [tilespmem:s11+$0xC980]  }
0x20f: {  	v60 =	vld [tilespmem:s11+$0xC9C0];
	v4 =	vadd.f32 v18, v29;
	v5 =	vadd.f32 v20, v30  }
0x210: {  	v61 =	vld [tilespmem:s11+$0xC9D0];
	v57 =	vadd.f32 v40, v22;
	v7 =	vadd.f32 v34, v23  }
0x211: {  	v62 =	vld [tilespmem:s11+$0xCA00];
	v18 =	vadd.f32 v12, v1;
	v13 =	vadd.f32 v13, v2  }
0x212: {  	v63 =	vld [tilespmem:s11+$0xCA10];
	v2 =	vadd.f32 v45, v57;
	v3 =	vadd.f32 v3, v7  }
0x213: {  	v35 =	vld [tilespmem:s11+$0xCA90];
	v14 =	vadd.f32 v14, v4;
	v12 =	vadd.f32 v15, v5  }
0x214: {  	v36 =	vld [tilespmem:s11+$0xCAC0];
	v2 =	vadd.f32 v50, v2;
	v1 =	vadd.f32 v56, v3  }
0x215: {  	v37 =	vld [tilespmem:s11+$0xCAD0];
	v58 =	vadd.f32 v41, v25;
	v0 =	vadd.f32 v0, v24  }
0x216: {  	v15 =	vld [tilespmem:s11+$0xC990];
	v2 =	vadd.f32 v54, v2;
	v1 =	vadd.f32 v8, v1  }
0x217: {  	v4 =	vadd.f32 v46, v58;
	v0 =	vadd.f32 v6, v0;
	v8 =	vld [tilespmem:s11+$0xCA40]  }
0x218: {  	v42 =	vld [tilespmem:s11+$0xCC00];
	v2 =	vadd.f32 v44, v2;
	v1 =	vadd.f32 v60, v1  }
0x219: {  	v34 =	vld [tilespmem:s11+$0xCA80];
	v4 =	vadd.f32 v51, v4;
	v0 =	vadd.f32 v59, v0  }
0x21a: {  	v43 =	vld [tilespmem:$0x1FF40];
	v2 =	vadd.f32 v38, v2;
	v1 =	vadd.f32 v62, v1  }
0x21b: {  	v47 =	vld [tilespmem:$0x1FF20];
	v4 =	vadd.f32 v55, v4;
	v0 =	vadd.f32 v15, v0  }
0x21c: {  	v15 =	vld [tilespmem:s11+$0xCA50];
	v2 =	vadd.f32 v32, v2;
	v1 =	vadd.f32 v8, v1  }
0x21d: {  	v4 =	vadd.f32 v49, v4;
	v0 =	vadd.f32 v61, v0;
	v8 =	vld [tilespmem:s11+$0xCB00]  }
0x21e: {  	v48 =	vld [tilespmem:$0x1FF30];
	v2 =	vadd.f32 v26, v2;
	v1 =	vadd.f32 v34, v1  }
0x21f: {  	v38 =	vld [tilespmem:s11+$0xCB40];
	v4 =	vadd.f32 v39, v4;
	v0 =	vadd.f32 v63, v0  }
0x220: {  	v40 =	vld [tilespmem:s11+$0xCB80];
	v2 =	vadd.f32 v16, v2;
	v1 =	vadd.f32 v36, v1  }
0x221: {  	v4 =	vadd.f32 v33, v4;
	v0 =	vadd.f32 v15, v0;
	v15 =	vld [tilespmem:s11+$0xCB10]  }
0x222: {  	v2 =	vadd.f32 v10, v2;
	v10 =	vld [tilespmem:$0x1FF60];
	v1 =	vadd.f32 v8, v1  }
0x223: {  	v4 =	vadd.f32 v31, v4;
	v8 =	vld [tilespmem:s11+$0xCBC0]  }
0x224: {  	v41 =	vld [tilespmem:s11+$0xCB90];
	v0 =	vadd.f32 v35, v0;
	v1 =	vadd.f32 v38, v1  }
0x225: {  	v39 =	vld [tilespmem:s11+$0xCB50];
	v4 =	vadd.f32 v17, v4  }
0x226: {  	v45 =	vld [tilespmem:s11+$0xCC10];
	v0 =	vadd.f32 v37, v0;
	v1 =	vadd.f32 v40, v1  }
0x227: {  	v44 =	vld [tilespmem:$0x1FF50];
	v4 =	vadd.f32 v11, v4;
	v2 =	vadd.f32 v10, v2  }
0x228: {  	v0 =	vadd.f32 v15, v0;
	v1 =	vadd.f32 v8, v1;
	v8 =	vld [tilespmem:$0x1FF00]  }
0x229: {  	v4 =	vadd.f32 v9, v4;
	v9 =	vld [tilespmem:s11+$0xCBD0];
	v2 =	vadd.f32 v43, v2  }
0x22a: {  	v46 =	vld [tilespmem:s11+$0xCC40];
	v0 =	vadd.f32 v39, v0  }
0x22b: {  	v50 =	vld [tilespmem:$0x1FEE0];
	v2 =	vadd.f32 v47, v2  }
0x22c: {  	s12 =	simm.s32 @!p0 $0x78;
	s13 =	simm.s32 @!p0 $0xBB80;
	v49 =	vld [tilespmem:s11+$0xCC50];
	s11 =	sadd.s32 @!p0 $0x258, s1;
	v0 =	vadd.f32 v41, v0  }
0x22d: {  	[tilespmem:s13], [sflag:$0x2] =	stream.indirect.gather @!p0 [hbm4b:s5+s12], $0x40, s11, s12, $0xb8;
	v2 =	vadd.f32 v8, v2;
	v8 =	vld [tilespmem:$0x1FF10]  }
0x22e: {  	v51 =	vld [tilespmem:$0x1FEF0];
	v4 =	vadd.f32 v44, v4;
	v0 =	vadd.f32 v9, v0;
	_ =	swait.ge @p1 [sflag:s26], $0x80  }
0x22f: {  	v52 =	vmul.f32 $5.000000070e-02, v18;
	v1 =	vadd.f32 v42, v1;
	[sflag:s26] =	ssyncset.done @p1 $0x0  }
0x230: {  	v53 =	vmul.f32 $5.000000070e-02, v13;
	v3 =	vadd.f32 v48, v4;
	v0 =	vadd.f32 v45, v0;
	[sflag:s26] =	ssyncadd.s32 @p1 $0xFFFFFF80  }
0x231: {  	s0 =	sadd.s32 s0, s6;
	v54 =	vmul.f32 $5.000000070e-02, v14;
	v1 =	vadd.f32 v46, v1;
	[tilespmem:$0x11600] =	vst v52  }
0x232: {  	v55 =	vmul.f32 $5.000000070e-02, v12;
	s11 =	sadd.s32 $0x2, s0;
	v0 =	vadd.f32 v49, v0;
	[tilespmem:$0x11610] =	vst v53;
	v8 =	vadd.f32 v8, v3  }
0x233: {  	p2 =	sgt.u32 s11, $0x3FF;
	v1 =	vmul.f32 $5.000000070e-02, v1;
	[tilespmem:$0x11620] =	vst v54;
	v3 =	vadd.f32 v50, v2  }
0x234: {  	s12 =	sshll.u32 @p2 s11, $0x6;
	v0 =	vmul.f32 $5.000000070e-02, v0;
	[tilespmem:$0x11630] =	vst v55;
	v2 =	vadd.f32 v51, v8  }
0x235: {  	s12 =	sadd.s32 @p2 $0xFFFF0000, s12;
	[tilespmem:$0x11660] =	vst v1;
	v3 =	vmul.f32 $5.000000070e-02, v3  }
0x236: {  	s11 =	sshll.u32 @!p2 s11, $0x3;
	s12 =	sshrl.u32 @p2 s12, $0x3;
	[tilespmem:$0x11670] =	vst v0;
	v2 =	vmul.f32 $5.000000070e-02, v2  }
0x237: {  	s11 =	sadd.s32 @!p2 s2, s11;
	s12 =	sadd.s32 @p2 s3, s12;
	[tilespmem:$0x11640] =	vst v3  }
0x238: {  	s11 =	smov.u32 @p2 s12;
	[tilespmem:$0x11650] =	vst v2  }
0x239: {  	[hbm4b:s11+s4] =	stream.linear.scatter [tilespmem:s20], [sflag:$0x6], $0x80, $0x38;
	[tilespmem:$0x11780] =	vst v63  }
0x23a: {  	_ =	swait.ge [sflag:s21], $0x1E00  }
0x23b: {  	[sflag:s21] =	ssyncset.done $0x0  }
0x23c: {  	s11 =	simm.s32 $0x1E0;
	[sflag:s21] =	ssyncadd.s32 $0xFFFFE200  }
0x23d: {  	v12 =	vld [tilespmem:s11+$0xDB20]  }
0x23e: {  	v13 =	vld [tilespmem:s11+$0xDB30]  }
0x23f: {  	v14 =	vld [tilespmem:s11+$0xDB40]  }
0x240: {  	v15 =	vld [tilespmem:s11+$0xDB50]  }
0x241: {  	v56 =	vld [tilespmem:s11+$0xEA20]  }
0x242: {  	v57 =	vld [tilespmem:s11+$0xEA30]  }
0x243: {  	v19 =	vld [tilespmem:s11+$0xDAE0]  }
0x244: {  	v21 =	vld [tilespmem:s11+$0xDAF0]  }
0x245: {  	v18 =	vld [tilespmem:s11+$0xDB00]  }
0x246: {  	v20 =	vld [tilespmem:s11+$0xDB10]  }
0x247: {  	v58 =	vld [tilespmem:s11+$0xE9E0]  }
0x248: {  	v59 =	vld [tilespmem:s11+$0xE9F0]  }
0x249: {  	v3 =	vld [tilespmem:s11+$0xDAA0]  }
0x24a: {  	v30 =	vld [tilespmem:s11+$0xDAB0]  }
0x24b: {  	v1 =	vld [tilespmem:s11+$0xDAC0]  }
0x24c: {  	v2 =	vld [tilespmem:s11+$0xDAD0]  }
0x24d: {  	v60 =	vld [tilespmem:s11+$0xE9A0]  }
0x24e: {  	v61 =	vld [tilespmem:s11+$0xE9B0]  }
0x24f: {  	v27 =	vld [tilespmem:s11+$0xDA60]  }
0x250: {  	v28 =	vld [tilespmem:s11+$0xDA70]  }
0x251: {  	v29 =	vld [tilespmem:s11+$0xDA80]  }
0x252: {  	v34 =	vld [tilespmem:s11+$0xDA90]  }
0x253: {  	v62 =	vld [tilespmem:s11+$0xE960]  }
0x254: {  	v63 =	vld [tilespmem:s11+$0xE970]  }
0x255: {  	v35 =	vld [tilespmem:s11+$0xDA20]  }
0x256: {  	v36 =	vld [tilespmem:s11+$0xDA30]  }
0x257: {  	v37 =	vld [tilespmem:s11+$0xDA40]  }
0x258: {  	v40 =	vld [tilespmem:s11+$0xDA50]  }
0x259: {  	v4 =	vld [tilespmem:s11+$0xE920]  }
0x25a: {  	v9 =	vld [tilespmem:s11+$0xE930]  }
0x25b: {  	v41 =	vld [tilespmem:s11+$0xD9E0]  }
0x25c: {  	v42 =	vld [tilespmem:s11+$0xD9F0]  }
0x25d: {  	v43 =	vld [tilespmem:s11+$0xDA00]  }
0x25e: {  	v45 =	vld [tilespmem:s11+$0xDA10]  }
0x25f: {  	v10 =	vld [tilespmem:s11+$0xE8E0]  }
0x260: {  	v11 =	vld [tilespmem:s11+$0xE8F0]  }
0x261: {  	v44 =	vld [tilespmem:s11+$0xD9A0]  }
0x262: {  	v46 =	vld [tilespmem:s11+$0xD9B0]  }
0x263: {  	v47 =	vld [tilespmem:s11+$0xD9C0]  }
0x264: {  	v48 =	vld [tilespmem:s11+$0xD9D0]  }
0x265: {  	v16 =	vld [tilespmem:s11+$0xE8A0]  }
0x266: {  	v17 =	vld [tilespmem:s11+$0xE8B0]  }
0x267: {  	v38 =	vld [tilespmem:s11+$0xD960]  }
0x268: {  	v39 =	vld [tilespmem:s11+$0xD970]  }
0x269: {  	v49 =	vld [tilespmem:s11+$0xD980]  }
0x26a: {  	v32 =	vld [tilespmem:s11+$0xD920]  }
0x26b: {  	v33 =	vld [tilespmem:s11+$0xD930]  }
0x26c: {  	v26 =	vld [tilespmem:s11+$0xD8E0]  }
0x26d: {  	v31 =	vld [tilespmem:s11+$0xD8F0]  }
0x26e: {  	v50 =	vld [tilespmem:s11+$0xD8A0]  }
0x26f: {  	v51 =	vld [tilespmem:s11+$0xD8B0]  }
0x270: {  	v52 =	vld [tilespmem:s11+$0xD860]  }
0x271: {  	v53 =	vld [tilespmem:s11+$0xD870]  }
0x272: {  	v5 =	vld [tilespmem:s11+$0xD820]  }
0x273: {  	v6 =	vld [tilespmem:s11+$0xD830]  }
0x274: {  	v24 =	vld [tilespmem:s11+$0xD840]  }
0x275: {  	[tilespmem:$0x1FE50] =	vst v56;
	v56 =	vld [tilespmem:s11+$0xD7E0]  }
0x276: {  	[tilespmem:$0x1FE60] =	vst v57;
	v57 =	vld [tilespmem:s11+$0xD7F0]  }
0x277: {  	[tilespmem:$0x1FE70] =	vst v58;
	v58 =	vld [tilespmem:s11+$0xD7A0]  }
0x278: {  	[tilespmem:$0x1FE80] =	vst v59;
	v59 =	vld [tilespmem:s11+$0xD7B0]  }
0x279: {  	[tilespmem:$0x1FE90] =	vst v60;
	v60 =	vld [tilespmem:s11+$0xD7C0]  }
0x27a: {  	[tilespmem:$0x1FEA0] =	vst v61;
	v61 =	vld [tilespmem:s11+$0xD7D0]  }
0x27b: {  	[tilespmem:$0x1FEB0] =	vst v62;
	v62 =	vld [tilespmem:s11+$0xD800]  }
0x27c: {  	v22 =	vimm.f32 $0.0e+00;
	[tilespmem:$0x1FEC0] =	vst v63;
	v63 =	vld [tilespmem:s11+$0xD810]  }
0x27d: {  	v23 =	vld [tilespmem:s11+$0xD850];
	v58 =	vadd.f32 v58, v22  }
0x27e: {  	v25 =	vld [tilespmem:s11+$0xD880];
	v59 =	vadd.f32 v59, v22;
	v60 =	vadd.f32 v60, v22  }
0x27f: {  	[tilespmem:$0x1FED0] =	vst v4;
	v4 =	vld [tilespmem:s11+$0xD8C0];
	v61 =	vadd.f32 v61, v22;
	v56 =	vadd.f32 v56, v58  }
0x280: {  	v57 =	vadd.f32 v57, v59;
	v58 =	vld [tilespmem:s11+$0xD890];
	v7 =	vadd.f32 v62, v60  }
0x281: {  	v0 =	vadd.f32 v63, v61;
	v59 =	vld [tilespmem:s11+$0xD950];
	v54 =	vadd.f32 v5, v56  }
0x282: {  	v55 =	vadd.f32 v6, v57;
	v5 =	vld [tilespmem:s11+$0xD8D0];
	v24 =	vadd.f32 v24, v7  }
0x283: {  	v23 =	vadd.f32 v23, v0;
	v6 =	vld [tilespmem:s11+$0xD900];
	v52 =	vadd.f32 v52, v54  }
0x284: {  	v7 =	vld [tilespmem:s11+$0xD910];
	v53 =	vadd.f32 v53, v55;
	v24 =	vadd.f32 v25, v24  }
0x285: {  	v25 =	vld [tilespmem:s11+$0xD940];
	v23 =	vadd.f32 v58, v23;
	v50 =	vadd.f32 v50, v52  }
0x286: {  	v60 =	vld [tilespmem:s11+$0xD990];
	v51 =	vadd.f32 v51, v53;
	v24 =	vadd.f32 v4, v24  }
0x287: {  	v54 =	vld [tilespmem:s11+$0xE760];
	v23 =	vadd.f32 v5, v23;
	v50 =	vadd.f32 v26, v50  }
0x288: {  	v55 =	vld [tilespmem:s11+$0xE770];
	v51 =	vadd.f32 v31, v51;
	v24 =	vadd.f32 v6, v24  }
0x289: {  	v26 =	vld [tilespmem:s11+$0xE860];
	v23 =	vadd.f32 v7, v23;
	v50 =	vadd.f32 v32, v50  }
0x28a: {  	v31 =	vld [tilespmem:s11+$0xE870];
	v51 =	vadd.f32 v33, v51;
	v24 =	vadd.f32 v25, v24  }
0x28b: {  	v32 =	vld [tilespmem:s11+$0xE820];
	v23 =	vadd.f32 v59, v23;
	v25 =	vadd.f32 v38, v50  }
0x28c: {  	v33 =	vld [tilespmem:s11+$0xE830];
	v61 =	vadd.f32 v39, v51;
	v24 =	vadd.f32 v49, v24  }
0x28d: {  	v38 =	vld [tilespmem:s11+$0xE7E0];
	v23 =	vadd.f32 v60, v23;
	v25 =	vadd.f32 v44, v25  }
0x28e: {  	v39 =	vld [tilespmem:s11+$0xE7F0];
	v46 =	vadd.f32 v46, v61;
	v24 =	vadd.f32 v47, v24  }
0x28f: {  	v49 =	vld [tilespmem:s11+$0xE7B0];
	v23 =	vadd.f32 v48, v23;
	v25 =	vadd.f32 v41, v25  }
0x290: {  	v50 =	vld [tilespmem:s11+$0xE720];
	v62 =	vadd.f32 v42, v46;
	v24 =	vadd.f32 v43, v24  }
0x291: {  	v51 =	vld [tilespmem:s11+$0xE730];
	v23 =	vadd.f32 v45, v23;
	v25 =	vadd.f32 v35, v25  }
0x292: {  	v44 =	vld [tilespmem:s11+$0xE7A0];
	v63 =	vadd.f32 v36, v62;
	v24 =	vadd.f32 v37, v24  }
0x293: {  	v46 =	vld [tilespmem:s11+$0xE6F0];
	v23 =	vadd.f32 v40, v23;
	v25 =	vadd.f32 v27, v25  }
0x294: {  	v41 =	vld [tilespmem:s11+$0xE6B0];
	v28 =	vadd.f32 v28, v63;
	v24 =	vadd.f32 v29, v24  }
0x295: {  	v45 =	vld [tilespmem:s11+$0xE6E0];
	v23 =	vadd.f32 v34, v23;
	v27 =	vadd.f32 v3, v25  }
0x296: {  	v40 =	vld [tilespmem:s11+$0xE6A0];
	v28 =	vadd.f32 v30, v28;
	v29 =	vadd.f32 v1, v24;
	v25 =	vimm.f32 $0.0e+00  }
0x297: {  	s12 =	simm.s32 $0x1680;
	v34 =	vld [tilespmem:s11+$0xE6C0];
	v24 =	vimm.f32 $0.0e+00;
	v30 =	vadd.f32 v2, v23;
	v23 =	vimm.f32 $0.0e+00  }
.LBB2_7:
0x298: {  	v35 =	vld [tilespmem:s11+$0xE6D0]  }
0x299: {  	v36 =	vld [tilespmem:s11+$0xE700]  }
0x29a: {  	v37 =	vld [tilespmem:s11+$0xE710]  }
0x29b: {  	v0 =	vld [tilespmem:$0x1FED0]  }
0x29c: {  	v42 =	vld [tilespmem:$0x1FEC0]  }
0x29d: {  	v43 =	vld [tilespmem:$0x1FE90]  }
0x29e: {  	v47 =	vld [tilespmem:$0x1FE70]  }
0x29f: {  	v48 =	vld [tilespmem:$0x1FE80];
	v19 =	vadd.f32 v19, v27  }
0x2a0: {  	v52 =	vld [tilespmem:$0x1FE60];
	v20 =	vadd.f32 v20, v30  }
0x2a1: {  	v21 =	vadd.f32 v21, v28;
	v27 =	vadd.f32 v12, v19;
	v12 =	vld [tilespmem:s11+$0xE740]  }
0x2a2: {  	v18 =	vadd.f32 v18, v29;
	v30 =	vadd.f32 v15, v20;
	v15 =	vld [tilespmem:s11+$0xE750]  }
0x2a3: {  	v20 =	vld [tilespmem:s11+$0xE780]  }
0x2a4: {  	v28 =	vadd.f32 v13, v21;
	v29 =	vadd.f32 v14, v18;
	v21 =	vld [tilespmem:s11+$0xE790]  }
0x2a5: {  	v13 =	vadd.f32 v40, v22;
	v14 =	vadd.f32 v41, v25;
	v22 =	vld [tilespmem:s11+$0xE7C0]  }
0x2a6: {  	v18 =	vadd.f32 v34, v23;
	v19 =	vadd.f32 v35, v24;
	v23 =	vld [tilespmem:s11+$0xE7D0]  }
0x2a7: {  	v41 =	vld [tilespmem:$0x1FEB0];
	v13 =	vadd.f32 v45, v13;
	v14 =	vadd.f32 v46, v14  }
0x2a8: {  	v18 =	vadd.f32 v36, v18;
	v19 =	vadd.f32 v37, v19;
	v45 =	vld [tilespmem:s11+$0xEA50]  }
0x2a9: {  	v13 =	vadd.f32 v50, v13;
	v14 =	vadd.f32 v51, v14;
	v51 =	vld [tilespmem:$0x1FE50]  }
0x2aa: {  	v12 =	vadd.f32 v12, v18;
	v18 =	vld [tilespmem:s11+$0xE800]  }
0x2ab: {  	v15 =	vadd.f32 v15, v19;
	v19 =	vld [tilespmem:s11+$0xE810];
	v13 =	vadd.f32 v54, v13  }
0x2ac: {  	v14 =	vadd.f32 v55, v14;
	v12 =	vadd.f32 v20, v12;
	v20 =	vld [tilespmem:s11+$0xE840]  }
0x2ad: {  	v15 =	vadd.f32 v21, v15;
	v21 =	vld [tilespmem:s11+$0xE850]  }
0x2ae: {  	v13 =	vadd.f32 v44, v13;
	v14 =	vadd.f32 v49, v14;
	v44 =	vld [tilespmem:$0x1FEA0]  }
0x2af: {  	v12 =	vadd.f32 v22, v12;
	v15 =	vadd.f32 v23, v15;
	v22 =	vld [tilespmem:s11+$0xE880]  }
0x2b0: {  	v23 =	vld [tilespmem:s11+$0xE890];
	v13 =	vadd.f32 v38, v13;
	v14 =	vadd.f32 v39, v14  }
0x2b1: {  	v12 =	vadd.f32 v18, v12;
	v15 =	vadd.f32 v19, v15;
	v18 =	vld [tilespmem:s11+$0xE8C0]  }
0x2b2: {  	v19 =	vld [tilespmem:s11+$0xE8D0];
	v13 =	vadd.f32 v32, v13;
	v14 =	vadd.f32 v33, v14  }
0x2b3: {  	v12 =	vadd.f32 v20, v12;
	v15 =	vadd.f32 v21, v15;
	v20 =	vld [tilespmem:s11+$0xE900]  }
0x2b4: {  	v21 =	vld [tilespmem:s11+$0xE910];
	v13 =	vadd.f32 v26, v13;
	v14 =	vadd.f32 v31, v14  }
0x2b5: {  	v12 =	vadd.f32 v22, v12;
	v15 =	vadd.f32 v23, v15;
	v22 =	vld [tilespmem:s11+$0xE940]  }
0x2b6: {  	v13 =	vadd.f32 v16, v13;
	v14 =	vadd.f32 v17, v14;
	v16 =	vld [tilespmem:s11+$0xE950]  }
0x2b7: {  	v17 =	vld [tilespmem:s11+$0xE980];
	v12 =	vadd.f32 v18, v12;
	v15 =	vadd.f32 v19, v15  }
0x2b8: {  	v10 =	vadd.f32 v10, v13;
	v11 =	vadd.f32 v11, v14;
	v13 =	vld [tilespmem:s11+$0xE990]  }
0x2b9: {  	v12 =	vadd.f32 v20, v12;
	v14 =	vadd.f32 v21, v15;
	v15 =	vld [tilespmem:s11+$0xE9C0]  }
0x2ba: {  	v8 =	vadd.f32 v0, v10;
	v9 =	vadd.f32 v9, v11;
	v10 =	vld [tilespmem:s11+$0xE9D0]  }
0x2bb: {  	v11 =	vadd.f32 v22, v12;
	v12 =	vadd.f32 v16, v14;
	v16 =	vld [tilespmem:s11+$0xEA00]  }
0x2bc: {  	v6 =	vadd.f32 v41, v8;
	v8 =	vld [tilespmem:s11+$0xEA10]  }
0x2bd: {  	v7 =	vadd.f32 v42, v9;
	v9 =	vadd.f32 v17, v11;
	v17 =	vld [tilespmem:s11+$0xEA40];
	s11 =	sshra.s32 s12, $0x2  }
0x2be: {  	v11 =	vadd.f32 v13, v12;
	v12 =	vld [tilespmem:s11+$0xDB20]  }
0x2bf: {  	v13 =	vld [tilespmem:s11+$0xDB30]  }
0x2c0: {  	v14 =	vld [tilespmem:s11+$0xDB40]  }
0x2c1: {  	v53 =	vld [tilespmem:s11+$0xEA20]  }
0x2c2: {  	v54 =	vld [tilespmem:s11+$0xEA30]  }
0x2c3: {  	v19 =	vld [tilespmem:s11+$0xDAE0]  }
0x2c4: {  	v21 =	vld [tilespmem:s11+$0xDAF0]  }
0x2c5: {  	v18 =	vld [tilespmem:s11+$0xDB00]  }
0x2c6: {  	v20 =	vld [tilespmem:s11+$0xDB10]  }
0x2c7: {  	v55 =	vld [tilespmem:s11+$0xE9E0]  }
0x2c8: {  	v56 =	vld [tilespmem:s11+$0xE9F0]  }
0x2c9: {  	v34 =	vld [tilespmem:s11+$0xDAA0]  }
0x2ca: {  	v36 =	vld [tilespmem:s11+$0xDAB0]  }
0x2cb: {  	v35 =	vld [tilespmem:s11+$0xDAC0]  }
0x2cc: {  	v37 =	vld [tilespmem:s11+$0xDAD0]  }
0x2cd: {  	v57 =	vld [tilespmem:s11+$0xE9A0]  }
0x2ce: {  	v58 =	vld [tilespmem:s11+$0xE9B0]  }
0x2cf: {  	v40 =	vld [tilespmem:s11+$0xDA60]  }
0x2d0: {  	v42 =	vld [tilespmem:s11+$0xDA70]  }
0x2d1: {  	v41 =	vld [tilespmem:s11+$0xDA80]  }
0x2d2: {  	v4 =	vadd.f32 v43, v6;
	v43 =	vld [tilespmem:s11+$0xDA90]  }
0x2d3: {  	v59 =	vld [tilespmem:s11+$0xE960]  }
0x2d4: {  	v60 =	vld [tilespmem:s11+$0xE970]  }
0x2d5: {  	v61 =	vld [tilespmem:s11+$0xE920]  }
0x2d6: {  	v5 =	vadd.f32 v44, v7;
	v44 =	vld [tilespmem:s11+$0xD960]  }
0x2d7: {  	v33 =	vld [tilespmem:s11+$0xD920]  }
0x2d8: {  	v38 =	vld [tilespmem:s11+$0xD930]  }
0x2d9: {  	v31 =	vld [tilespmem:s11+$0xD8E0]  }
0x2da: {  	v32 =	vld [tilespmem:s11+$0xD8F0]  }
0x2db: {  	v26 =	vld [tilespmem:s11+$0xD8A0]  }
0x2dc: {  	v39 =	vld [tilespmem:s11+$0xD8B0]  }
0x2dd: {  	v62 =	vld [tilespmem:s11+$0xD820]  }
0x2de: {  	v63 =	vld [tilespmem:s11+$0xD830]  }
0x2df: {  	v0 =	vld [tilespmem:s11+$0xD7E0]  }
0x2e0: {  	v1 =	vld [tilespmem:s11+$0xD7F0]  }
0x2e1: {  	v6 =	vld [tilespmem:s11+$0xD800]  }
0x2e2: {  	v7 =	vld [tilespmem:s11+$0xD810]  }
0x2e3: {  	v46 =	vadd.f32 v15, v9;
	v15 =	vld [tilespmem:s11+$0xDB50]  }
0x2e4: {  	v9 =	vadd.f32 v10, v11;
	v10 =	vld [tilespmem:s11+$0xE8E0]  }
0x2e5: {  	v11 =	vld [tilespmem:s11+$0xE8F0]  }
0x2e6: {  	v2 =	vadd.f32 v47, v4;
	v47 =	vld [tilespmem:s11+$0xDA30]  }
0x2e7: {  	v3 =	vadd.f32 v48, v5;
	v48 =	vld [tilespmem:s11+$0xDA50]  }
0x2e8: {  	v4 =	vld [tilespmem:s11+$0xD7C0]  }
0x2e9: {  	v5 =	vld [tilespmem:s11+$0xD7D0]  }
0x2ea: {  	v49 =	vadd.f32 v16, v46;
	v46 =	vld [tilespmem:s11+$0xDA40]  }
0x2eb: {  	v50 =	vadd.f32 v8, v9;
	v9 =	vld [tilespmem:s11+$0xE930]  }
0x2ec: {  	v16 =	vld [tilespmem:s11+$0xE8A0]  }
0x2ed: {  	v8 =	vld [tilespmem:s11+$0xD840]  }
0x2ee: {  	v25 =	vadd.f32 v52, v3;
	v52 =	vld [tilespmem:s11+$0xD9F0]  }
0x2ef: {  	v22 =	vadd.f32 v51, v2;
	v51 =	vld [tilespmem:s11+$0xDA00]  }
0x2f0: {  	v2 =	vld [tilespmem:s11+$0xD7A0]  }
0x2f1: {  	v3 =	vld [tilespmem:s11+$0xD7B0]  }
0x2f2: {  	v24 =	vadd.f32 v45, v50;
	v45 =	vld [tilespmem:s11+$0xDA20]  }
0x2f3: {  	v50 =	vld [tilespmem:s11+$0xD9E0]  }
0x2f4: {  	[tilespmem:$0x1FE50] =	vst v53;
	v53 =	vld [tilespmem:s11+$0xDA10]  }
0x2f5: {  	[tilespmem:$0x1FE60] =	vst v54;
	v54 =	vld [tilespmem:s11+$0xD9A0]  }
0x2f6: {  	[tilespmem:$0x1FE70] =	vst v55;
	v55 =	vld [tilespmem:s11+$0xD9B0]  }
0x2f7: {  	[tilespmem:$0x1FE80] =	vst v56;
	v56 =	vld [tilespmem:s11+$0xD9C0]  }
0x2f8: {  	[tilespmem:$0x1FE90] =	vst v57;
	v57 =	vld [tilespmem:s11+$0xD9D0]  }
0x2f9: {  	v23 =	vadd.f32 v17, v49;
	v17 =	vld [tilespmem:s11+$0xE8B0]  }
0x2fa: {  	v49 =	vld [tilespmem:s11+$0xD970]  }
0x2fb: {  	[tilespmem:$0x1FEA0] =	vst v58;
	v58 =	vld [tilespmem:s11+$0xD980]  }
0x2fc: {  	[tilespmem:$0x1FEB0] =	vst v59;
	v59 =	vld [tilespmem:s11+$0xD990]  }
0x2fd: {  	[tilespmem:$0x1FEC0] =	vst v60;
	v60 =	vld [tilespmem:s11+$0xD860]  }
0x2fe: {  	[tilespmem:$0x1FED0] =	vst v61;
	v61 =	vld [tilespmem:s11+$0xD870]  }
0x2ff: {  	v2 =	vadd.f32 v2, v27;
	v3 =	vadd.f32 v3, v28;
	v27 =	vld [tilespmem:s11+$0xD850]  }
0x300: {  	v4 =	vadd.f32 v4, v29;
	v5 =	vadd.f32 v5, v30;
	v28 =	vld [tilespmem:s11+$0xD880]  }
0x301: {  	v0 =	vadd.f32 v0, v2;
	v1 =	vadd.f32 v1, v3;
	v2 =	vld [tilespmem:s11+$0xD890]  }
0x302: {  	v3 =	vadd.f32 v6, v4;
	v4 =	vadd.f32 v7, v5;
	v5 =	vld [tilespmem:s11+$0xD8C0]  }
0x303: {  	v6 =	vld [tilespmem:s11+$0xD8D0];
	v0 =	vadd.f32 v62, v0;
	v1 =	vadd.f32 v63, v1  }
0x304: {  	v3 =	vadd.f32 v8, v3;
	v62 =	vld [tilespmem:s11+$0xD900];
	v4 =	vadd.f32 v27, v4  }
0x305: {  	v8 =	vld [tilespmem:s11+$0xD910];
	v0 =	vadd.f32 v60, v0;
	v1 =	vadd.f32 v61, v1  }
0x306: {  	v63 =	vld [tilespmem:s11+$0xD940];
	v3 =	vadd.f32 v28, v3;
	v2 =	vadd.f32 v2, v4  }
0x307: {  	v27 =	vld [tilespmem:s11+$0xD950];
	v0 =	vadd.f32 v26, v0;
	v1 =	vadd.f32 v39, v1  }
0x308: {  	v3 =	vadd.f32 v5, v3;
	v26 =	vld [tilespmem:s11+$0xE860];
	v2 =	vadd.f32 v6, v2  }
0x309: {  	v39 =	vld [tilespmem:s11+$0xE7F0];
	v0 =	vadd.f32 v31, v0;
	v1 =	vadd.f32 v32, v1  }
0x30a: {  	v31 =	vld [tilespmem:s11+$0xE870];
	v3 =	vadd.f32 v62, v3;
	v2 =	vadd.f32 v8, v2  }
0x30b: {  	v32 =	vld [tilespmem:s11+$0xE820];
	v0 =	vadd.f32 v33, v0;
	v1 =	vadd.f32 v38, v1  }
0x30c: {  	v33 =	vld [tilespmem:s11+$0xE830];
	v3 =	vadd.f32 v63, v3;
	v2 =	vadd.f32 v27, v2  }
0x30d: {  	v38 =	vld [tilespmem:s11+$0xE7E0];
	v0 =	vadd.f32 v44, v0;
	v1 =	vadd.f32 v49, v1  }
0x30e: {  	v44 =	vld [tilespmem:s11+$0xE7A0];
	v3 =	vadd.f32 v58, v3;
	v2 =	vadd.f32 v59, v2  }
0x30f: {  	v49 =	vld [tilespmem:s11+$0xE7B0];
	v0 =	vadd.f32 v54, v0;
	v1 =	vadd.f32 v55, v1  }
0x310: {  	v54 =	vld [tilespmem:s11+$0xE760];
	v3 =	vadd.f32 v56, v3;
	v2 =	vadd.f32 v57, v2  }
0x311: {  	v55 =	vld [tilespmem:s11+$0xE770];
	v0 =	vadd.f32 v50, v0;
	v1 =	vadd.f32 v52, v1  }
0x312: {  	v50 =	vld [tilespmem:s11+$0xE720];
	v3 =	vadd.f32 v51, v3;
	v2 =	vadd.f32 v53, v2  }
0x313: {  	p2 =	sne.s32 s12, $0x3480;
	v51 =	vld [tilespmem:s11+$0xE730];
	v0 =	vadd.f32 v45, v0;
	v1 =	vadd.f32 v47, v1  }
.Ltmp2:
0x314: {  	v45 =	vld [tilespmem:s11+$0xE6E0];
	v3 =	vadd.f32 v46, v3;
	v2 =	vadd.f32 v48, v2;
	(pc) =	sbr.rel @p2 .LBB2_7-.Ltmp2, $4  }
0x315: {  	v46 =	vld [tilespmem:s11+$0xE6F0];
	v0 =	vadd.f32 v40, v0;
	v1 =	vadd.f32 v42, v1  }
0x316: {  	v40 =	vld [tilespmem:s11+$0xE6A0];
	v3 =	vadd.f32 v41, v3;
	v2 =	vadd.f32 v43, v2  }
0x317: {  	v41 =	vld [tilespmem:s11+$0xE6B0];
	v27 =	vadd.f32 v34, v0;
	v28 =	vadd.f32 v36, v1  }
0x318: {  	s12 =	sadd.s32 $0xF00, s12;
	v34 =	vld [tilespmem:s11+$0xE6C0];
	v29 =	vadd.f32 v35, v3;
	v30 =	vadd.f32 v37, v2  }
0x319: {  	v0 =	vld [tilespmem:s11+$0xE6D0]  }
0x31a: {  	v3 =	vld [tilespmem:s11+$0xE700]  }
0x31b: {  	v6 =	vld [tilespmem:s11+$0xE710]  }
0x31c: {  	v56 =	vld [tilespmem:s11+$0xE740]  }
0x31d: {  	v59 =	vld [tilespmem:s11+$0xE750]  }
0x31e: {  	v1 =	vadd.f32 v19, v27;
	v2 =	vadd.f32 v21, v28;
	v8 =	vld [tilespmem:s11+$0xE780]  }
0x31f: {  	v60 =	vld [tilespmem:s11+$0xE7C0];
	v4 =	vadd.f32 v18, v29;
	v5 =	vadd.f32 v20, v30  }
0x320: {  	v61 =	vld [tilespmem:s11+$0xE7D0];
	v57 =	vadd.f32 v40, v22;
	v7 =	vadd.f32 v34, v23  }
0x321: {  	v62 =	vld [tilespmem:s11+$0xE800];
	v18 =	vadd.f32 v12, v1;
	v13 =	vadd.f32 v13, v2  }
0x322: {  	v63 =	vld [tilespmem:s11+$0xE810];
	v2 =	vadd.f32 v45, v57;
	v3 =	vadd.f32 v3, v7  }
0x323: {  	v35 =	vld [tilespmem:s11+$0xE890];
	v14 =	vadd.f32 v14, v4;
	v12 =	vadd.f32 v15, v5  }
0x324: {  	v36 =	vld [tilespmem:s11+$0xE8C0];
	v2 =	vadd.f32 v50, v2;
	v1 =	vadd.f32 v56, v3  }
0x325: {  	v37 =	vld [tilespmem:s11+$0xE8D0];
	v58 =	vadd.f32 v41, v25;
	v0 =	vadd.f32 v0, v24  }
0x326: {  	v15 =	vld [tilespmem:s11+$0xE790];
	v2 =	vadd.f32 v54, v2;
	v1 =	vadd.f32 v8, v1  }
0x327: {  	v4 =	vadd.f32 v46, v58;
	v0 =	vadd.f32 v6, v0;
	v8 =	vld [tilespmem:s11+$0xE840]  }
0x328: {  	v42 =	vld [tilespmem:s11+$0xEA00];
	v2 =	vadd.f32 v44, v2;
	v1 =	vadd.f32 v60, v1  }
0x329: {  	v34 =	vld [tilespmem:s11+$0xE880];
	v4 =	vadd.f32 v51, v4;
	v0 =	vadd.f32 v59, v0  }
0x32a: {  	v43 =	vld [tilespmem:$0x1FEB0];
	v2 =	vadd.f32 v38, v2;
	v1 =	vadd.f32 v62, v1  }
0x32b: {  	v47 =	vld [tilespmem:$0x1FE90];
	v4 =	vadd.f32 v55, v4;
	v0 =	vadd.f32 v15, v0  }
0x32c: {  	v15 =	vld [tilespmem:s11+$0xE850];
	v2 =	vadd.f32 v32, v2;
	v1 =	vadd.f32 v8, v1  }
0x32d: {  	v4 =	vadd.f32 v49, v4;
	v0 =	vadd.f32 v61, v0;
	v8 =	vld [tilespmem:s11+$0xE900]  }
0x32e: {  	v48 =	vld [tilespmem:$0x1FEA0];
	v2 =	vadd.f32 v26, v2;
	v1 =	vadd.f32 v34, v1  }
0x32f: {  	v38 =	vld [tilespmem:s11+$0xE940];
	v4 =	vadd.f32 v39, v4;
	v0 =	vadd.f32 v63, v0  }
0x330: {  	v40 =	vld [tilespmem:s11+$0xE980];
	v2 =	vadd.f32 v16, v2;
	v1 =	vadd.f32 v36, v1  }
0x331: {  	v4 =	vadd.f32 v33, v4;
	v0 =	vadd.f32 v15, v0;
	v15 =	vld [tilespmem:s11+$0xE910]  }
0x332: {  	v2 =	vadd.f32 v10, v2;
	v10 =	vld [tilespmem:$0x1FED0];
	v1 =	vadd.f32 v8, v1  }
0x333: {  	v4 =	vadd.f32 v31, v4;
	v8 =	vld [tilespmem:s11+$0xE9C0]  }
0x334: {  	v41 =	vld [tilespmem:s11+$0xE990];
	v0 =	vadd.f32 v35, v0;
	v1 =	vadd.f32 v38, v1  }
0x335: {  	v39 =	vld [tilespmem:s11+$0xE950];
	v4 =	vadd.f32 v17, v4  }
0x336: {  	v45 =	vld [tilespmem:s11+$0xEA10];
	v0 =	vadd.f32 v37, v0;
	v1 =	vadd.f32 v40, v1  }
0x337: {  	v44 =	vld [tilespmem:$0x1FEC0];
	v4 =	vadd.f32 v11, v4;
	v2 =	vadd.f32 v10, v2  }
0x338: {  	v0 =	vadd.f32 v15, v0;
	v1 =	vadd.f32 v8, v1;
	v8 =	vld [tilespmem:$0x1FE70]  }
0x339: {  	v4 =	vadd.f32 v9, v4;
	v9 =	vld [tilespmem:s11+$0xE9D0];
	v2 =	vadd.f32 v43, v2  }
0x33a: {  	v46 =	vld [tilespmem:s11+$0xEA40];
	v0 =	vadd.f32 v39, v0  }
0x33b: {  	v50 =	vld [tilespmem:$0x1FE50];
	v2 =	vadd.f32 v47, v2  }
0x33c: {  	s12 =	simm.s32 @!p0 $0x78;
	s13 =	simm.s32 @!p0 $0xD980;
	v49 =	vld [tilespmem:s11+$0xEA50];
	s11 =	sadd.s32 @!p0 $0x2D0, s1;
	v0 =	vadd.f32 v41, v0  }
0x33d: {  	[tilespmem:s13], [sflag:$0x3] =	stream.indirect.gather @!p0 [hbm4b:s5+s12], $0x40, s11, s12, $0xb8;
	v2 =	vadd.f32 v8, v2;
	v8 =	vld [tilespmem:$0x1FE80]  }
0x33e: {  	v51 =	vld [tilespmem:$0x1FE60];
	v4 =	vadd.f32 v44, v4;
	v0 =	vadd.f32 v9, v0;
	_ =	swait.ge @p1 [sflag:s28], $0x80  }
0x33f: {  	v52 =	vmul.f32 $5.000000070e-02, v18;
	v1 =	vadd.f32 v42, v1;
	[sflag:s28] =	ssyncset.done @p1 $0x0  }
0x340: {  	v53 =	vmul.f32 $5.000000070e-02, v13;
	v3 =	vadd.f32 v48, v4;
	v0 =	vadd.f32 v45, v0;
	[sflag:s28] =	ssyncadd.s32 @p1 $0xFFFFFF80  }
0x341: {  	v54 =	vmul.f32 $5.000000070e-02, v14;
	v1 =	vadd.f32 v46, v1;
	[tilespmem:$0x11680] =	vst v52  }
0x342: {  	v55 =	vmul.f32 $5.000000070e-02, v12;
	s11 =	sadd.s32 $0x4, s0;
	v0 =	vadd.f32 v49, v0;
	[tilespmem:$0x11690] =	vst v53;
	v8 =	vadd.f32 v8, v3  }
0x343: {  	p2 =	sgt.u32 s11, $0x3FF;
	v1 =	vmul.f32 $5.000000070e-02, v1;
	[tilespmem:$0x116A0] =	vst v54;
	v3 =	vadd.f32 v50, v2  }
0x344: {  	s12 =	sshll.u32 @p2 s11, $0x6;
	v0 =	vmul.f32 $5.000000070e-02, v0;
	[tilespmem:$0x116B0] =	vst v55;
	v2 =	vadd.f32 v51, v8  }
0x345: {  	s12 =	sadd.s32 @p2 $0xFFFF0000, s12;
	[tilespmem:$0x116E0] =	vst v1;
	v3 =	vmul.f32 $5.000000070e-02, v3  }
0x346: {  	s11 =	sshll.u32 @!p2 s11, $0x3;
	s12 =	sshrl.u32 @p2 s12, $0x3;
	[tilespmem:$0x116F0] =	vst v0;
	v2 =	vmul.f32 $5.000000070e-02, v2  }
0x347: {  	s11 =	sadd.s32 @!p2 s2, s11;
	s12 =	sadd.s32 @p2 s3, s12;
	[tilespmem:$0x116C0] =	vst v3  }
0x348: {  	s11 =	smov.u32 @p2 s12;
	[tilespmem:$0x116D0] =	vst v2  }
0x349: {  	[hbm4b:s11+s4] =	stream.linear.scatter [tilespmem:s22], [sflag:$0x7], $0x80, $0x38;
	[tilespmem:$0x11780] =	vst v63  }
0x34a: {  	_ =	swait.ge [sflag:s23], $0x1E00  }
0x34b: {  	[sflag:s23] =	ssyncset.done $0x0  }
0x34c: {  	s11 =	simm.s32 $0x1E0;
	[sflag:s23] =	ssyncadd.s32 $0xFFFFE200  }
0x34d: {  	v12 =	vld [tilespmem:s11+$0xF920]  }
0x34e: {  	v13 =	vld [tilespmem:s11+$0xF930]  }
0x34f: {  	v14 =	vld [tilespmem:s11+$0xF940]  }
0x350: {  	v15 =	vld [tilespmem:s11+$0xF950]  }
0x351: {  	v56 =	vld [tilespmem:s11+$0x10820]  }
0x352: {  	v57 =	vld [tilespmem:s11+$0x10830]  }
0x353: {  	v19 =	vld [tilespmem:s11+$0xF8E0]  }
0x354: {  	v21 =	vld [tilespmem:s11+$0xF8F0]  }
0x355: {  	v18 =	vld [tilespmem:s11+$0xF900]  }
0x356: {  	v20 =	vld [tilespmem:s11+$0xF910]  }
0x357: {  	v58 =	vld [tilespmem:s11+$0x107E0]  }
0x358: {  	v59 =	vld [tilespmem:s11+$0x107F0]  }
0x359: {  	v3 =	vld [tilespmem:s11+$0xF8A0]  }
0x35a: {  	v30 =	vld [tilespmem:s11+$0xF8B0]  }
0x35b: {  	v1 =	vld [tilespmem:s11+$0xF8C0]  }
0x35c: {  	v2 =	vld [tilespmem:s11+$0xF8D0]  }
0x35d: {  	v60 =	vld [tilespmem:s11+$0x107A0]  }
0x35e: {  	v61 =	vld [tilespmem:s11+$0x107B0]  }
0x35f: {  	v27 =	vld [tilespmem:s11+$0xF860]  }
0x360: {  	v28 =	vld [tilespmem:s11+$0xF870]  }
0x361: {  	v29 =	vld [tilespmem:s11+$0xF880]  }
0x362: {  	v34 =	vld [tilespmem:s11+$0xF890]  }
0x363: {  	v62 =	vld [tilespmem:s11+$0x10760]  }
0x364: {  	v63 =	vld [tilespmem:s11+$0x10770]  }
0x365: {  	v35 =	vld [tilespmem:s11+$0xF820]  }
0x366: {  	v36 =	vld [tilespmem:s11+$0xF830]  }
0x367: {  	v37 =	vld [tilespmem:s11+$0xF840]  }
0x368: {  	v40 =	vld [tilespmem:s11+$0xF850]  }
0x369: {  	v4 =	vld [tilespmem:s11+$0x10720]  }
0x36a: {  	v9 =	vld [tilespmem:s11+$0x10730]  }
0x36b: {  	v41 =	vld [tilespmem:s11+$0xF7E0]  }
0x36c: {  	v42 =	vld [tilespmem:s11+$0xF7F0]  }
0x36d: {  	v43 =	vld [tilespmem:s11+$0xF800]  }
0x36e: {  	v45 =	vld [tilespmem:s11+$0xF810]  }
0x36f: {  	v10 =	vld [tilespmem:s11+$0x106E0]  }
0x370: {  	v11 =	vld [tilespmem:s11+$0x106F0]  }
0x371: {  	v44 =	vld [tilespmem:s11+$0xF7A0]  }
0x372: {  	v46 =	vld [tilespmem:s11+$0xF7B0]  }
0x373: {  	v47 =	vld [tilespmem:s11+$0xF7C0]  }
0x374: {  	v48 =	vld [tilespmem:s11+$0xF7D0]  }
0x375: {  	v16 =	vld [tilespmem:s11+$0x106A0]  }
0x376: {  	v17 =	vld [tilespmem:s11+$0x106B0]  }
0x377: {  	v38 =	vld [tilespmem:s11+$0xF760]  }
0x378: {  	v39 =	vld [tilespmem:s11+$0xF770]  }
0x379: {  	v49 =	vld [tilespmem:s11+$0xF780]  }
0x37a: {  	v32 =	vld [tilespmem:s11+$0xF720]  }
0x37b: {  	v33 =	vld [tilespmem:s11+$0xF730]  }
0x37c: {  	v26 =	vld [tilespmem:s11+$0xF6E0]  }
0x37d: {  	v31 =	vld [tilespmem:s11+$0xF6F0]  }
0x37e: {  	v50 =	vld [tilespmem:s11+$0xF6A0]  }
0x37f: {  	v51 =	vld [tilespmem:s11+$0xF6B0]  }
0x380: {  	v52 =	vld [tilespmem:s11+$0xF660]  }
0x381: {  	v53 =	vld [tilespmem:s11+$0xF670]  }
0x382: {  	v5 =	vld [tilespmem:s11+$0xF620]  }
0x383: {  	v6 =	vld [tilespmem:s11+$0xF630]  }
0x384: {  	v24 =	vld [tilespmem:s11+$0xF640]  }
0x385: {  	[tilespmem:$0x1FDC0] =	vst v56;
	v56 =	vld [tilespmem:s11+$0xF5E0]  }
0x386: {  	[tilespmem:$0x1FDD0] =	vst v57;
	v57 =	vld [tilespmem:s11+$0xF5F0]  }
0x387: {  	[tilespmem:$0x1FDE0] =	vst v58;
	v58 =	vld [tilespmem:s11+$0xF5A0]  }
0x388: {  	[tilespmem:$0x1FDF0] =	vst v59;
	v59 =	vld [tilespmem:s11+$0xF5B0]  }
0x389: {  	[tilespmem:$0x1FE00] =	vst v60;
	v60 =	vld [tilespmem:s11+$0xF5C0]  }
0x38a: {  	[tilespmem:$0x1FE10] =	vst v61;
	v61 =	vld [tilespmem:s11+$0xF5D0]  }
0x38b: {  	[tilespmem:$0x1FE20] =	vst v62;
	v62 =	vld [tilespmem:s11+$0xF600]  }
0x38c: {  	v22 =	vimm.f32 $0.0e+00;
	[tilespmem:$0x1FE30] =	vst v63;
	v63 =	vld [tilespmem:s11+$0xF610]  }
0x38d: {  	v23 =	vld [tilespmem:s11+$0xF650];
	v58 =	vadd.f32 v58, v22  }
0x38e: {  	v25 =	vld [tilespmem:s11+$0xF680];
	v59 =	vadd.f32 v59, v22;
	v60 =	vadd.f32 v60, v22  }
0x38f: {  	[tilespmem:$0x1FE40] =	vst v4;
	v4 =	vld [tilespmem:s11+$0xF6C0];
	v61 =	vadd.f32 v61, v22;
	v56 =	vadd.f32 v56, v58  }
0x390: {  	v57 =	vadd.f32 v57, v59;
	v58 =	vld [tilespmem:s11+$0xF690];
	v7 =	vadd.f32 v62, v60  }
0x391: {  	v0 =	vadd.f32 v63, v61;
	v59 =	vld [tilespmem:s11+$0xF750];
	v54 =	vadd.f32 v5, v56  }
0x392: {  	v55 =	vadd.f32 v6, v57;
	v5 =	vld [tilespmem:s11+$0xF6D0];
	v24 =	vadd.f32 v24, v7  }
0x393: {  	v23 =	vadd.f32 v23, v0;
	v6 =	vld [tilespmem:s11+$0xF700];
	v52 =	vadd.f32 v52, v54  }
0x394: {  	v7 =	vld [tilespmem:s11+$0xF710];
	v53 =	vadd.f32 v53, v55;
	v24 =	vadd.f32 v25, v24  }
0x395: {  	v25 =	vld [tilespmem:s11+$0xF740];
	v23 =	vadd.f32 v58, v23;
	v50 =	vadd.f32 v50, v52  }
0x396: {  	v60 =	vld [tilespmem:s11+$0xF790];
	v51 =	vadd.f32 v51, v53;
	v24 =	vadd.f32 v4, v24  }
0x397: {  	v54 =	vld [tilespmem:s11+$0x10560];
	v23 =	vadd.f32 v5, v23;
	v50 =	vadd.f32 v26, v50  }
0x398: {  	v55 =	vld [tilespmem:s11+$0x10570];
	v51 =	vadd.f32 v31, v51;
	v24 =	vadd.f32 v6, v24  }
0x399: {  	v26 =	vld [tilespmem:s11+$0x10660];
	v23 =	vadd.f32 v7, v23;
	v50 =	vadd.f32 v32, v50  }
0x39a: {  	v31 =	vld [tilespmem:s11+$0x10670];
	v51 =	vadd.f32 v33, v51;
	v24 =	vadd.f32 v25, v24  }
0x39b: {  	v32 =	vld [tilespmem:s11+$0x10620];
	v23 =	vadd.f32 v59, v23;
	v25 =	vadd.f32 v38, v50  }
0x39c: {  	v33 =	vld [tilespmem:s11+$0x10630];
	v61 =	vadd.f32 v39, v51;
	v24 =	vadd.f32 v49, v24  }
0x39d: {  	v38 =	vld [tilespmem:s11+$0x105E0];
	v23 =	vadd.f32 v60, v23;
	v25 =	vadd.f32 v44, v25  }
0x39e: {  	v39 =	vld [tilespmem:s11+$0x105F0];
	v46 =	vadd.f32 v46, v61;
	v24 =	vadd.f32 v47, v24  }
0x39f: {  	v49 =	vld [tilespmem:s11+$0x105B0];
	v23 =	vadd.f32 v48, v23;
	v25 =	vadd.f32 v41, v25  }
0x3a0: {  	v50 =	vld [tilespmem:s11+$0x10520];
	v62 =	vadd.f32 v42, v46;
	v24 =	vadd.f32 v43, v24  }
0x3a1: {  	v51 =	vld [tilespmem:s11+$0x10530];
	v23 =	vadd.f32 v45, v23;
	v25 =	vadd.f32 v35, v25  }
0x3a2: {  	v44 =	vld [tilespmem:s11+$0x105A0];
	v63 =	vadd.f32 v36, v62;
	v24 =	vadd.f32 v37, v24  }
0x3a3: {  	v46 =	vld [tilespmem:s11+$0x104F0];
	v23 =	vadd.f32 v40, v23;
	v25 =	vadd.f32 v27, v25  }
0x3a4: {  	v41 =	vld [tilespmem:s11+$0x104B0];
	v28 =	vadd.f32 v28, v63;
	v24 =	vadd.f32 v29, v24  }
0x3a5: {  	v45 =	vld [tilespmem:s11+$0x104E0];
	v23 =	vadd.f32 v34, v23;
	v27 =	vadd.f32 v3, v25  }
0x3a6: {  	v40 =	vld [tilespmem:s11+$0x104A0];
	v28 =	vadd.f32 v30, v28;
	v29 =	vadd.f32 v1, v24;
	v25 =	vimm.f32 $0.0e+00  }
0x3a7: {  	s12 =	simm.s32 $0x1680;
	v34 =	vld [tilespmem:s11+$0x104C0];
	v24 =	vimm.f32 $0.0e+00;
	v30 =	vadd.f32 v2, v23;
	v23 =	vimm.f32 $0.0e+00  }
.LBB2_9:
0x3a8: {  	v35 =	vld [tilespmem:s11+$0x104D0]  }
0x3a9: {  	v36 =	vld [tilespmem:s11+$0x10500]  }
0x3aa: {  	v37 =	vld [tilespmem:s11+$0x10510]  }
0x3ab: {  	v0 =	vld [tilespmem:$0x1FE40]  }
0x3ac: {  	v42 =	vld [tilespmem:$0x1FE30]  }
0x3ad: {  	v43 =	vld [tilespmem:$0x1FE00]  }
0x3ae: {  	v47 =	vld [tilespmem:$0x1FDE0]  }
0x3af: {  	v48 =	vld [tilespmem:$0x1FDF0];
	v19 =	vadd.f32 v19, v27  }
0x3b0: {  	v52 =	vld [tilespmem:$0x1FDD0];
	v20 =	vadd.f32 v20, v30  }
0x3b1: {  	v21 =	vadd.f32 v21, v28;
	v27 =	vadd.f32 v12, v19;
	v12 =	vld [tilespmem:s11+$0x10540]  }
0x3b2: {  	v18 =	vadd.f32 v18, v29;
	v30 =	vadd.f32 v15, v20;
	v15 =	vld [tilespmem:s11+$0x10550]  }
0x3b3: {  	v20 =	vld [tilespmem:s11+$0x10580]  }
0x3b4: {  	v28 =	vadd.f32 v13, v21;
	v29 =	vadd.f32 v14, v18;
	v21 =	vld [tilespmem:s11+$0x10590]  }
0x3b5: {  	v13 =	vadd.f32 v40, v22;
	v14 =	vadd.f32 v41, v25;
	v22 =	vld [tilespmem:s11+$0x105C0]  }
0x3b6: {  	v18 =	vadd.f32 v34, v23;
	v19 =	vadd.f32 v35, v24;
	v23 =	vld [tilespmem:s11+$0x105D0]  }
0x3b7: {  	v41 =	vld [tilespmem:$0x1FE20];
	v13 =	vadd.f32 v45, v13;
	v14 =	vadd.f32 v46, v14  }
0x3b8: {  	v18 =	vadd.f32 v36, v18;
	v19 =	vadd.f32 v37, v19;
	v45 =	vld [tilespmem:s11+$0x10850]  }
0x3b9: {  	v13 =	vadd.f32 v50, v13;
	v14 =	vadd.f32 v51, v14;
	v51 =	vld [tilespmem:$0x1FDC0]  }
0x3ba: {  	v12 =	vadd.f32 v12, v18;
	v18 =	vld [tilespmem:s11+$0x10600]  }
0x3bb: {  	v15 =	vadd.f32 v15, v19;
	v19 =	vld [tilespmem:s11+$0x10610];
	v13 =	vadd.f32 v54, v13  }
0x3bc: {  	v14 =	vadd.f32 v55, v14;
	v12 =	vadd.f32 v20, v12;
	v20 =	vld [tilespmem:s11+$0x10640]  }
0x3bd: {  	v15 =	vadd.f32 v21, v15;
	v21 =	vld [tilespmem:s11+$0x10650]  }
0x3be: {  	v13 =	vadd.f32 v44, v13;
	v14 =	vadd.f32 v49, v14;
	v44 =	vld [tilespmem:$0x1FE10]  }
0x3bf: {  	v12 =	vadd.f32 v22, v12;
	v15 =	vadd.f32 v23, v15;
	v22 =	vld [tilespmem:s11+$0x10680]  }
0x3c0: {  	v23 =	vld [tilespmem:s11+$0x10690];
	v13 =	vadd.f32 v38, v13;
	v14 =	vadd.f32 v39, v14  }
0x3c1: {  	v12 =	vadd.f32 v18, v12;
	v15 =	vadd.f32 v19, v15;
	v18 =	vld [tilespmem:s11+$0x106C0]  }
0x3c2: {  	v19 =	vld [tilespmem:s11+$0x106D0];
	v13 =	vadd.f32 v32, v13;
	v14 =	vadd.f32 v33, v14  }
0x3c3: {  	v12 =	vadd.f32 v20, v12;
	v15 =	vadd.f32 v21, v15;
	v20 =	vld [tilespmem:s11+$0x10700]  }
0x3c4: {  	v21 =	vld [tilespmem:s11+$0x10710];
	v13 =	vadd.f32 v26, v13;
	v14 =	vadd.f32 v31, v14  }
0x3c5: {  	v12 =	vadd.f32 v22, v12;
	v15 =	vadd.f32 v23, v15;
	v22 =	vld [tilespmem:s11+$0x10740]  }
0x3c6: {  	v13 =	vadd.f32 v16, v13;
	v14 =	vadd.f32 v17, v14;
	v16 =	vld [tilespmem:s11+$0x10750]  }
0x3c7: {  	v17 =	vld [tilespmem:s11+$0x10780];
	v12 =	vadd.f32 v18, v12;
	v15 =	vadd.f32 v19, v15  }
0x3c8: {  	v10 =	vadd.f32 v10, v13;
	v11 =	vadd.f32 v11, v14;
	v13 =	vld [tilespmem:s11+$0x10790]  }
0x3c9: {  	v12 =	vadd.f32 v20, v12;
	v14 =	vadd.f32 v21, v15;
	v15 =	vld [tilespmem:s11+$0x107C0]  }
0x3ca: {  	v8 =	vadd.f32 v0, v10;
	v9 =	vadd.f32 v9, v11;
	v10 =	vld [tilespmem:s11+$0x107D0]  }
0x3cb: {  	v11 =	vadd.f32 v22, v12;
	v12 =	vadd.f32 v16, v14;
	v16 =	vld [tilespmem:s11+$0x10800]  }
0x3cc: {  	v6 =	vadd.f32 v41, v8;
	v8 =	vld [tilespmem:s11+$0x10810]  }
0x3cd: {  	v7 =	vadd.f32 v42, v9;
	v9 =	vadd.f32 v17, v11;
	v17 =	vld [tilespmem:s11+$0x10840];
	s11 =	sshra.s32 s12, $0x2  }
0x3ce: {  	v11 =	vadd.f32 v13, v12;
	v12 =	vld [tilespmem:s11+$0xF920]  }
0x3cf: {  	v13 =	vld [tilespmem:s11+$0xF930]  }
0x3d0: {  	v14 =	vld [tilespmem:s11+$0xF940]  }
0x3d1: {  	v53 =	vld [tilespmem:s11+$0x10820]  }
0x3d2: {  	v54 =	vld [tilespmem:s11+$0x10830]  }
0x3d3: {  	v19 =	vld [tilespmem:s11+$0xF8E0]  }
0x3d4: {  	v21 =	vld [tilespmem:s11+$0xF8F0]  }
0x3d5: {  	v18 =	vld [tilespmem:s11+$0xF900]  }
0x3d6: {  	v20 =	vld [tilespmem:s11+$0xF910]  }
0x3d7: {  	v55 =	vld [tilespmem:s11+$0x107E0]  }
0x3d8: {  	v56 =	vld [tilespmem:s11+$0x107F0]  }
0x3d9: {  	v34 =	vld [tilespmem:s11+$0xF8A0]  }
0x3da: {  	v36 =	vld [tilespmem:s11+$0xF8B0]  }
0x3db: {  	v35 =	vld [tilespmem:s11+$0xF8C0]  }
0x3dc: {  	v37 =	vld [tilespmem:s11+$0xF8D0]  }
0x3dd: {  	v57 =	vld [tilespmem:s11+$0x107A0]  }
0x3de: {  	v58 =	vld [tilespmem:s11+$0x107B0]  }
0x3df: {  	v40 =	vld [tilespmem:s11+$0xF860]  }
0x3e0: {  	v42 =	vld [tilespmem:s11+$0xF870]  }
0x3e1: {  	v41 =	vld [tilespmem:s11+$0xF880]  }
0x3e2: {  	v4 =	vadd.f32 v43, v6;
	v43 =	vld [tilespmem:s11+$0xF890]  }
0x3e3: {  	v59 =	vld [tilespmem:s11+$0x10760]  }
0x3e4: {  	v60 =	vld [tilespmem:s11+$0x10770]  }
0x3e5: {  	v61 =	vld [tilespmem:s11+$0x10720]  }
0x3e6: {  	v5 =	vadd.f32 v44, v7;
	v44 =	vld [tilespmem:s11+$0xF760]  }
0x3e7: {  	v33 =	vld [tilespmem:s11+$0xF720]  }
0x3e8: {  	v38 =	vld [tilespmem:s11+$0xF730]  }
0x3e9: {  	v31 =	vld [tilespmem:s11+$0xF6E0]  }
0x3ea: {  	v32 =	vld [tilespmem:s11+$0xF6F0]  }
0x3eb: {  	v26 =	vld [tilespmem:s11+$0xF6A0]  }
0x3ec: {  	v39 =	vld [tilespmem:s11+$0xF6B0]  }
0x3ed: {  	v62 =	vld [tilespmem:s11+$0xF620]  }
0x3ee: {  	v63 =	vld [tilespmem:s11+$0xF630]  }
0x3ef: {  	v0 =	vld [tilespmem:s11+$0xF5E0]  }
0x3f0: {  	v1 =	vld [tilespmem:s11+$0xF5F0]  }
0x3f1: {  	v6 =	vld [tilespmem:s11+$0xF600]  }
0x3f2: {  	v7 =	vld [tilespmem:s11+$0xF610]  }
0x3f3: {  	v46 =	vadd.f32 v15, v9;
	v15 =	vld [tilespmem:s11+$0xF950]  }
0x3f4: {  	v9 =	vadd.f32 v10, v11;
	v10 =	vld [tilespmem:s11+$0x106E0]  }
0x3f5: {  	v11 =	vld [tilespmem:s11+$0x106F0]  }
0x3f6: {  	v2 =	vadd.f32 v47, v4;
	v47 =	vld [tilespmem:s11+$0xF830]  }
0x3f7: {  	v3 =	vadd.f32 v48, v5;
	v48 =	vld [tilespmem:s11+$0xF850]  }
0x3f8: {  	v4 =	vld [tilespmem:s11+$0xF5C0]  }
0x3f9: {  	v5 =	vld [tilespmem:s11+$0xF5D0]  }
0x3fa: {  	v49 =	vadd.f32 v16, v46;
	v46 =	vld [tilespmem:s11+$0xF840]  }
0x3fb: {  	v50 =	vadd.f32 v8, v9;
	v9 =	vld [tilespmem:s11+$0x10730]  }
0x3fc: {  	v16 =	vld [tilespmem:s11+$0x106A0]  }
0x3fd: {  	v8 =	vld [tilespmem:s11+$0xF640]  }
0x3fe: {  	v25 =	vadd.f32 v52, v3;
	v52 =	vld [tilespmem:s11+$0xF7F0]  }
0x3ff: {  	v22 =	vadd.f32 v51, v2;
	v51 =	vld [tilespmem:s11+$0xF800]  }
0x400: {  	v2 =	vld [tilespmem:s11+$0xF5A0]  }
0x401: {  	v3 =	vld [tilespmem:s11+$0xF5B0]  }
0x402: {  	v24 =	vadd.f32 v45, v50;
	v45 =	vld [tilespmem:s11+$0xF820]  }
0x403: {  	v50 =	vld [tilespmem:s11+$0xF7E0]  }
0x404: {  	[tilespmem:$0x1FDC0] =	vst v53;
	v53 =	vld [tilespmem:s11+$0xF810]  }
0x405: {  	[tilespmem:$0x1FDD0] =	vst v54;
	v54 =	vld [tilespmem:s11+$0xF7A0]  }
0x406: {  	[tilespmem:$0x1FDE0] =	vst v55;
	v55 =	vld [tilespmem:s11+$0xF7B0]  }
0x407: {  	[tilespmem:$0x1FDF0] =	vst v56;
	v56 =	vld [tilespmem:s11+$0xF7C0]  }
0x408: {  	[tilespmem:$0x1FE00] =	vst v57;
	v57 =	vld [tilespmem:s11+$0xF7D0]  }
0x409: {  	v23 =	vadd.f32 v17, v49;
	v17 =	vld [tilespmem:s11+$0x106B0]  }
0x40a: {  	v49 =	vld [tilespmem:s11+$0xF770]  }
0x40b: {  	[tilespmem:$0x1FE10] =	vst v58;
	v58 =	vld [tilespmem:s11+$0xF780]  }
0x40c: {  	[tilespmem:$0x1FE20] =	vst v59;
	v59 =	vld [tilespmem:s11+$0xF790]  }
0x40d: {  	[tilespmem:$0x1FE30] =	vst v60;
	v60 =	vld [tilespmem:s11+$0xF660]  }
0x40e: {  	[tilespmem:$0x1FE40] =	vst v61;
	v61 =	vld [tilespmem:s11+$0xF670]  }
0x40f: {  	v2 =	vadd.f32 v2, v27;
	v3 =	vadd.f32 v3, v28;
	v27 =	vld [tilespmem:s11+$0xF650]  }
0x410: {  	v4 =	vadd.f32 v4, v29;
	v5 =	vadd.f32 v5, v30;
	v28 =	vld [tilespmem:s11+$0xF680]  }
0x411: {  	v0 =	vadd.f32 v0, v2;
	v1 =	vadd.f32 v1, v3;
	v2 =	vld [tilespmem:s11+$0xF690]  }
0x412: {  	v3 =	vadd.f32 v6, v4;
	v4 =	vadd.f32 v7, v5;
	v5 =	vld [tilespmem:s11+$0xF6C0]  }
0x413: {  	v6 =	vld [tilespmem:s11+$0xF6D0];
	v0 =	vadd.f32 v62, v0;
	v1 =	vadd.f32 v63, v1  }
0x414: {  	v3 =	vadd.f32 v8, v3;
	v62 =	vld [tilespmem:s11+$0xF700];
	v4 =	vadd.f32 v27, v4  }
0x415: {  	v8 =	vld [tilespmem:s11+$0xF710];
	v0 =	vadd.f32 v60, v0;
	v1 =	vadd.f32 v61, v1  }
0x416: {  	v63 =	vld [tilespmem:s11+$0xF740];
	v3 =	vadd.f32 v28, v3;
	v2 =	vadd.f32 v2, v4  }
0x417: {  	v27 =	vld [tilespmem:s11+$0xF750];
	v0 =	vadd.f32 v26, v0;
	v1 =	vadd.f32 v39, v1  }
0x418: {  	v3 =	vadd.f32 v5, v3;
	v26 =	vld [tilespmem:s11+$0x10660];
	v2 =	vadd.f32 v6, v2  }
0x419: {  	v39 =	vld [tilespmem:s11+$0x105F0];
	v0 =	vadd.f32 v31, v0;
	v1 =	vadd.f32 v32, v1  }
0x41a: {  	v31 =	vld [tilespmem:s11+$0x10670];
	v3 =	vadd.f32 v62, v3;
	v2 =	vadd.f32 v8, v2  }
0x41b: {  	v32 =	vld [tilespmem:s11+$0x10620];
	v0 =	vadd.f32 v33, v0;
	v1 =	vadd.f32 v38, v1  }
0x41c: {  	v33 =	vld [tilespmem:s11+$0x10630];
	v3 =	vadd.f32 v63, v3;
	v2 =	vadd.f32 v27, v2  }
0x41d: {  	v38 =	vld [tilespmem:s11+$0x105E0];
	v0 =	vadd.f32 v44, v0;
	v1 =	vadd.f32 v49, v1  }
0x41e: {  	v44 =	vld [tilespmem:s11+$0x105A0];
	v3 =	vadd.f32 v58, v3;
	v2 =	vadd.f32 v59, v2  }
0x41f: {  	v49 =	vld [tilespmem:s11+$0x105B0];
	v0 =	vadd.f32 v54, v0;
	v1 =	vadd.f32 v55, v1  }
0x420: {  	v54 =	vld [tilespmem:s11+$0x10560];
	v3 =	vadd.f32 v56, v3;
	v2 =	vadd.f32 v57, v2  }
0x421: {  	v55 =	vld [tilespmem:s11+$0x10570];
	v0 =	vadd.f32 v50, v0;
	v1 =	vadd.f32 v52, v1  }
0x422: {  	v50 =	vld [tilespmem:s11+$0x10520];
	v3 =	vadd.f32 v51, v3;
	v2 =	vadd.f32 v53, v2  }
0x423: {  	p2 =	sne.s32 s12, $0x3480;
	v51 =	vld [tilespmem:s11+$0x10530];
	v0 =	vadd.f32 v45, v0;
	v1 =	vadd.f32 v47, v1  }
.Ltmp3:
0x424: {  	v45 =	vld [tilespmem:s11+$0x104E0];
	v3 =	vadd.f32 v46, v3;
	v2 =	vadd.f32 v48, v2;
	(pc) =	sbr.rel @p2 .LBB2_9-.Ltmp3, $4  }
0x425: {  	v46 =	vld [tilespmem:s11+$0x104F0];
	v0 =	vadd.f32 v40, v0;
	v1 =	vadd.f32 v42, v1  }
0x426: {  	v40 =	vld [tilespmem:s11+$0x104A0];
	v3 =	vadd.f32 v41, v3;
	v2 =	vadd.f32 v43, v2  }
0x427: {  	v41 =	vld [tilespmem:s11+$0x104B0];
	v27 =	vadd.f32 v34, v0;
	v28 =	vadd.f32 v36, v1  }
0x428: {  	s12 =	sadd.s32 $0xF00, s12;
	v34 =	vld [tilespmem:s11+$0x104C0];
	v29 =	vadd.f32 v35, v3;
	v30 =	vadd.f32 v37, v2  }
0x429: {  	v0 =	vld [tilespmem:s11+$0x104D0]  }
0x42a: {  	v3 =	vld [tilespmem:s11+$0x10500]  }
0x42b: {  	v6 =	vld [tilespmem:s11+$0x10510]  }
0x42c: {  	v63 =	vld [tilespmem:s11+$0x10540]  }
0x42d: {  	v8 =	vld [tilespmem:s11+$0x10580]  }
0x42e: {  	v1 =	vadd.f32 v19, v27;
	v27 =	vld [tilespmem:s11+$0x105D0]  }
0x42f: {  	v2 =	vadd.f32 v21, v28;
	v28 =	vld [tilespmem:s11+$0x10600]  }
0x430: {  	v35 =	vld [tilespmem:s11+$0x10680]  }
0x431: {  	v36 =	vld [tilespmem:s11+$0x10690]  }
0x432: {  	v37 =	vld [tilespmem:s11+$0x106C0]  }
0x433: {  	v42 =	vld [tilespmem:s11+$0x10750]  }
0x434: {  	v43 =	vld [tilespmem:s11+$0x10780];
	v4 =	vadd.f32 v18, v29;
	v5 =	vadd.f32 v20, v30  }
0x435: {  	v47 =	vld [tilespmem:s11+$0x107D0];
	v62 =	vadd.f32 v12, v1;
	v13 =	vadd.f32 v13, v2  }
0x436: {  	v48 =	vld [tilespmem:s11+$0x10800];
	v20 =	vadd.f32 v40, v22;
	v14 =	vadd.f32 v14, v4  }
0x437: {  	v52 =	vld [tilespmem:s11+$0x10840];
	v19 =	vadd.f32 v15, v5;
	v21 =	vadd.f32 v41, v25  }
0x438: {  	v22 =	vld [tilespmem:s11+$0x10550];
	v7 =	vadd.f32 v34, v23;
	v2 =	vadd.f32 v45, v20  }
0x439: {  	v53 =	vld [tilespmem:$0x1FE00];
	v0 =	vadd.f32 v0, v24;
	v4 =	vadd.f32 v46, v21  }
0x43a: {  	v24 =	vld [tilespmem:s11+$0x10590];
	v3 =	vadd.f32 v3, v7;
	v2 =	vadd.f32 v50, v2  }
0x43b: {  	v25 =	vld [tilespmem:s11+$0x105C0];
	v0 =	vadd.f32 v6, v0;
	v4 =	vadd.f32 v51, v4  }
0x43c: {  	v56 =	vld [tilespmem:$0x1FDE0];
	v1 =	vadd.f32 v63, v3;
	v2 =	vadd.f32 v54, v2  }
0x43d: {  	v57 =	vld [tilespmem:$0x1FDF0];
	v0 =	vadd.f32 v22, v0;
	v4 =	vadd.f32 v55, v4  }
0x43e: {  	v29 =	vld [tilespmem:s11+$0x10610];
	v1 =	vadd.f32 v8, v1;
	v2 =	vadd.f32 v44, v2  }
0x43f: {  	v30 =	vld [tilespmem:s11+$0x10640];
	v0 =	vadd.f32 v24, v0;
	v4 =	vadd.f32 v49, v4  }
0x440: {  	v34 =	vld [tilespmem:s11+$0x10650];
	v1 =	vadd.f32 v25, v1;
	v2 =	vadd.f32 v38, v2  }
0x441: {  	v58 =	vld [tilespmem:$0x1FDC0];
	v0 =	vadd.f32 v27, v0;
	v4 =	vadd.f32 v39, v4  }
0x442: {  	v40 =	vld [tilespmem:s11+$0x10710];
	v1 =	vadd.f32 v28, v1;
	v2 =	vadd.f32 v32, v2  }
0x443: {  	v46 =	vld [tilespmem:$0x1FE40];
	v0 =	vadd.f32 v29, v0;
	v4 =	vadd.f32 v33, v4  }
0x444: {  	v38 =	vld [tilespmem:s11+$0x106D0];
	v1 =	vadd.f32 v30, v1;
	v2 =	vadd.f32 v26, v2  }
0x445: {  	v39 =	vld [tilespmem:s11+$0x10700];
	v0 =	vadd.f32 v34, v0;
	v4 =	vadd.f32 v31, v4  }
0x446: {  	v41 =	vld [tilespmem:s11+$0x10740];
	v1 =	vadd.f32 v35, v1;
	v2 =	vadd.f32 v16, v2  }
0x447: {  	v49 =	vld [tilespmem:$0x1FE20];
	v0 =	vadd.f32 v36, v0;
	v4 =	vadd.f32 v17, v4  }
0x448: {  	v50 =	vld [tilespmem:$0x1FE30];
	v1 =	vadd.f32 v37, v1;
	v2 =	vadd.f32 v10, v2  }
0x449: {  	v54 =	vld [tilespmem:$0x1FE10];
	v0 =	vadd.f32 v38, v0;
	v4 =	vadd.f32 v11, v4  }
0x44a: {  	v44 =	vld [tilespmem:s11+$0x10790];
	v1 =	vadd.f32 v39, v1;
	v2 =	vadd.f32 v46, v2  }
0x44b: {  	v45 =	vld [tilespmem:s11+$0x107C0];
	v0 =	vadd.f32 v40, v0;
	v4 =	vadd.f32 v9, v4  }
0x44c: {  	v51 =	vld [tilespmem:s11+$0x10810];
	v1 =	vadd.f32 v41, v1;
	v2 =	vadd.f32 v49, v2  }
0x44d: {  	s1 =	sadd.s32 @!p0 $0x348, s1;
	s12 =	simm.s32 @!p0 $0xF780;
	v55 =	vld [tilespmem:s11+$0x10850];
	s11 =	simm.s32 @!p0 $0x78;
	v0 =	vadd.f32 v42, v0;
	v4 =	vadd.f32 v50, v4  }
0x44e: {  	v59 =	vld [tilespmem:$0x1FDD0];
	[tilespmem:s12], [sflag:$0x4] =	stream.indirect.gather @!p0 [hbm4b:s5+s11], $0x40, s1, s11, $0xb8;
	v1 =	vadd.f32 v43, v1;
	v2 =	vadd.f32 v53, v2  }
0x44f: {  	s0 =	sadd.s32 $0x6, s0;
	_ =	swait.ge @p1 [sflag:s29], $0x80;
	v0 =	vadd.f32 v44, v0;
	v3 =	vadd.f32 v54, v4  }
0x450: {  	v60 =	vmul.f32 $5.000000070e-02, v62;
	p0 =	sgt.u32 s0, $0x3FF;
	[sflag:s29] =	ssyncset.done @p1 $0x0;
	v1 =	vadd.f32 v45, v1;
	v2 =	vadd.f32 v56, v2  }
0x451: {  	v61 =	vmul.f32 $5.000000070e-02, v13;
	s1 =	sshll.u32 @p0 s0, $0x6;
	[sflag:s29] =	ssyncadd.s32 @p1 $0xFFFFFF80;
	v0 =	vadd.f32 v47, v0;
	v8 =	vadd.f32 v57, v3  }
0x452: {  	v62 =	vmul.f32 $5.000000070e-02, v14;
	s1 =	sadd.s32 @p0 $0xFFFF0000, s1;
	[tilespmem:$0x11700] =	vst v60;
	v1 =	vadd.f32 v48, v1;
	v3 =	vadd.f32 v58, v2  }
0x453: {  	v63 =	vmul.f32 $5.000000070e-02, v19;
	s0 =	sshll.u32 @!p0 s0, $0x3;
	s1 =	sshrl.u32 @p0 s1, $0x3;
	[tilespmem:$0x11710] =	vst v61;
	v0 =	vadd.f32 v51, v0;
	v2 =	vadd.f32 v59, v8  }
0x454: {  	s31 =	sadd.s32 $0x1, s31;
	s0 =	sadd.s32 @!p0 s2, s0;
	[tilespmem:$0x11720] =	vst v62;
	s1 =	sadd.s32 @p0 s3, s1;
	v1 =	vadd.f32 v52, v1;
	v3 =	vmul.f32 $5.000000070e-02, v3  }
0x455: {  	[tilespmem:$0x11730] =	vst v63;
	s0 =	smov.u32 @p0 s1;
	p0 =	sne.s32 s31, $0x54;
	v0 =	vadd.f32 v55, v0;
	v2 =	vmul.f32 $5.000000070e-02, v2  }
.Ltmp4:
0x456: {  	[tilespmem:$0x11740] =	vst v3;
	v1 =	vmul.f32 $5.000000070e-02, v1;
	(pc) =	sbr.rel @p0 .LBB2_2-.Ltmp4, $4  }
0x457: {  	[tilespmem:$0x11750] =	vst v2;
	v0 =	vmul.f32 $5.000000070e-02, v0  }
0x458: {  	[tilespmem:$0x11760] =	vst v1  }
0x459: {  	[tilespmem:$0x11770] =	vst v0  }
0x45a: {  	[hbm4b:s0+s4] =	stream.linear.scatter [tilespmem:s24], [sflag:$0x8], $0x80, $0x38;
	[tilespmem:$0x11780] =	vst v63  }
0x45b: {  	_ =	swait.ge [sflag:s25], $0x80  }
0x45c: {  	[sflag:s25] =	ssyncset.done $0x0  }
0x45d: {  	[sflag:s25] =	ssyncadd.s32 $0xFFFFFF80  }
0x45e: {  	_ =	swait.ge [sflag:s26], $0x80  }
0x45f: {  	[sflag:s26] =	ssyncset.done $0x0  }
0x460: {  	s30 =	sadd.s32 $0x1, s30;
	[sflag:s26] =	ssyncadd.s32 $0xFFFFFF80  }
0x461: {  	p0 =	sne.s32 s30, s8;
	_ =	swait.ge [sflag:s28], $0x80  }
.Ltmp5:
0x462: {  	[sflag:s28] =	ssyncset.done $0x0;
	(pc) =	sbr.rel @p0 .LBB2_1-.Ltmp5, $4  }
0x463: {  	[sflag:s28] =	ssyncadd.s32 $0xFFFFFF80  }
0x464: {  	_ =	swait.ge [sflag:s29], $0x80  }
0x465: {  	[sflag:s29] =	ssyncset.done $0x0  }
0x466: {  	[sflag:s29] =	ssyncadd.s32 $0xFFFFFF80  }
0x467: {  	_ =	sfence.sel $0x180000  }
0x468: {  	[bflag:$0x0] =	sbarrier.arrive $0xFFFF  }
0x469: {  	_ =	strace $0x90000047  }
0x46a: {  	s0 =	stileid.u32;
	[bflag:$0x2] =	sbarrier.arrive $0xFFFF  }
0x46b: {  	p0 =	sne.s32 s0, $0x0;
	s0 =	rddreg [dreg:$0x3]  }
0x46c: {  	s0 =	sadd.s32 @!p0 $0x100000, s0  }
0x46d: {  	[sflag:s0] =	ssyncadd.tile.s32 @!p0 $0x1;
	_ =	shalt  }
.Lfunc_end2:
_tile_overlayer_lowered:
.L_overlay_start_2:
0x46e: {  	(tag) =	ssettag $0x2  }
0x46f: {  	s0 =	rddreg [dreg:$0x0];
	s2 =	stileid.u32  }
0x470: {  	s1 =	rddreg [dreg:$0x1];
	p0 =	sne.s32 s2, $0x0  }
0x471: {  	s3 =	rddreg [dreg:$0x2];
	[bflag:$0x3] =	sbarrier.arrive $0xFFFF;
	s2 =	simm.s32 @!p0 $0x1C09  }
0x472: {  	[timem:s3], [sflag:s2] =	dma.local @!p0 [hbm:s0], s1  }
0x473: {  	s0 =	simm.s32 @!p0 $0x9  }
0x474: {  	_ =	swait.ge @!p0 [sflag:s0], s1  }
0x475: {  	s1 =	ssub.s32 @!p0 $0x0, s1;
	[sflag:s0] =	ssyncset.done @!p0 $0x0  }
0x476: {  	[sflag:s0] =	ssyncadd.s32 @!p0 s1  }
0x477: {  	[bflag:$0x3] =	sbarrier.arrive $0xFFFF  }
0x478: {  	_ =	shalt  }

</sc_bundles>
